<compile_context>
chip_gen: v7x
topology: tpu7x:2x2x1
jax: 0.10.2.dev20260603
libtpu: 0.0.44.dev20260713+nightly
codegen_flags: <defaults>
</compile_context>

<pallas_src>
import functools

import jax
import jax.numpy as jnp
from jax import lax
from jax.experimental import pallas as pl
from jax.experimental.pallas import tpu as pltpu
from jax.experimental.pallas import tpu_sc as plsc

N0 = 10000
N1 = 5000
N2 = 2000
E0 = 320000
E1 = 160000
D = 128
H = 256
O = 64

NC = 2
NS = 16
NW = NC * NS
L = 16

N1P = 5120
N2P = 2048
DEGW = 8
ZR = 8

CHUNK = 112
GS = 3
SPLIT0 = (108, 72)
SPLIT1 = (54, 36)
DG = 9
ITERS0 = sum(SPLIT0) // 2
ITERS1 = sum(SPLIT1) // 2


def _mesh():
    return plsc.VectorSubcoreMesh(core_axis_name="c", subcore_axis_name="s")


def _fill_rows(ref, n_rows, width, value):
    v16 = jnp.full((L,), value, jnp.float32)
    if width >= L:
        per_row = width // L

        def body(i, _):
            ref[i // per_row, pl.ds((i % per_row) * L, L)] = v16
            return 0
        lax.fori_loop(0, n_rows * per_row, body, 0)
    else:
        rows_per_store = L // width

        def body(i, _):
            ref[i // rows_per_store,
                pl.ds((i % rows_per_store) * width, width)] = v16[:width]
            return 0
        lax.fori_loop(0, n_rows * rows_per_store, body, 0)


@functools.lru_cache(maxsize=None)
def _make_segsum(n_tgt_pad: int, split: tuple):
    ca, cb = split
    assert ca % GS == 0 and cb % GS == 0
    rows_per_sub = n_tgt_pad // NS
    assert rows_per_sub % ZR == 0

    @functools.partial(
        pl.kernel,
        mesh=_mesh(),
        out_type=jax.ShapeDtypeStruct((NC, n_tgt_pad, D), jnp.float32),
        scratch_types=[
            [pltpu.VMEM((CHUNK,), jnp.int32)] * (2 * GS),
            [pltpu.VMEM((CHUNK,), jnp.int32)] * (2 * GS),
            [pltpu.VMEM((CHUNK, D), jnp.float32)] * (2 * GS),
            pltpu.VMEM((ZR, D), jnp.float32),
            pltpu.VMEM_SHARED((n_tgt_pad, D), jnp.float32),
            pltpu.SemaphoreType.DMA,
            pltpu.SemaphoreType.DMA,
            pltpu.SemaphoreType.DMA,
            pltpu.SemaphoreType.DMA,
        ],
    )
    def k(table, eidx, acc_out,
          src_v, dst_v, rows_v, zrow_v, acc_sh, sem_i, sem_ga, sem_gb,
          sem_s):
        cid = lax.axis_index("c")
        sid = lax.axis_index("s")

        _fill_rows(zrow_v, ZR, D, 0.0)

        base_r = sid * rows_per_sub

        def zero_acc(i, _):
            pltpu.async_copy(zrow_v, acc_sh.at[pl.ds(base_r + i * ZR, ZR)],
                             sem_s)
            return 0
        lax.fori_loop(0, rows_per_sub // ZR, zero_acc, 0)

        def zero_drain(i, _):
            pltpu.make_async_copy(
                zrow_v, acc_sh.at[pl.ds(base_r, ZR)], sem_s).wait()
            return 0
        lax.fori_loop(0, rows_per_sub // ZR, zero_drain, 0)

        plsc.subcore_barrier()

        n_pairs = jnp.where(cid == 0, ca // (2 * GS), cb // (2 * GS))
        wbase = (cid * (NS * ca) + sid * jnp.where(cid == 0, ca, cb)) \
            * 2 * CHUNK

        def stage(g, par):
            cps = []
            for j in range(GS):
                cb = wbase + (g * GS + j) * 2 * CHUNK
                cps.append(pltpu.async_copy(
                    eidx.at[pl.ds(cb, CHUNK)], src_v[par * GS + j], sem_i))
                cps.append(pltpu.async_copy(
                    eidx.at[pl.ds(cb + CHUNK, CHUNK)], dst_v[par * GS + j],
                    sem_i))
            return cps

        def body(u, _):
            g = 2 * u
            for cp in stage(g, 0):
                cp.wait()
            ga = [pltpu.async_copy(table.at[src_v[j]], rows_v[j], sem_ga)
                  for j in range(GS)]
            sb = stage(g + 1, 1)
            for cp in sb:
                cp.wait()
            gb = [pltpu.async_copy(table.at[src_v[GS + j]], rows_v[GS + j],
                                   sem_gb)
                  for j in range(GS)]
            for cp in ga:
                cp.wait()
            sca = [pltpu.async_copy(rows_v[j], acc_sh.at[dst_v[j]], sem_s,
                                    add=True)
                   for j in range(GS)]
            for cp in gb:
                cp.wait()
            for cp in sca:
                cp.wait()
            scb = [pltpu.async_copy(rows_v[GS + j],
                                    acc_sh.at[dst_v[GS + j]], sem_s,
                                    add=True)
                   for j in range(GS)]
            for cp in scb:
                cp.wait()
            return 0
        lax.fori_loop(0, n_pairs, body, 0)

        plsc.subcore_barrier()

        pltpu.sync_copy(acc_sh.at[pl.ds(base_r, rows_per_sub)],
                        acc_out.at[cid, pl.ds(base_r, rows_per_sub)])

    return k


@functools.lru_cache(maxsize=None)
def _make_degrees():
    r0 = N1P // NS
    r1 = N2P // NS

    @functools.partial(
        pl.kernel,
        mesh=_mesh(),
        out_type=[
            jax.ShapeDtypeStruct((NC, N1P, DEGW), jnp.float32),
            jax.ShapeDtypeStruct((NC, N2P, DEGW), jnp.float32),
        ],
        scratch_types=[
            [pltpu.VMEM((CHUNK,), jnp.int32)] * DG,
            pltpu.VMEM((CHUNK, DEGW), jnp.float32),
            pltpu.VMEM((ZR, DEGW), jnp.float32),
            pltpu.VMEM_SHARED((N1P, DEGW), jnp.float32),
            pltpu.VMEM_SHARED((N2P, DEGW), jnp.float32),
            pltpu.SemaphoreType.DMA,
            pltpu.SemaphoreType.DMA,
        ],
    )
    def k(edst0, edst1, deg0_out, deg1_out,
          dst_v, ones_v, zdeg_v, deg0_sh, deg1_sh, sem_i, sem_s):
        cid = lax.axis_index("c")
        sid = lax.axis_index("s")
        wid = sid * NC + cid

        _fill_rows(ones_v, CHUNK, DEGW, 1.0)
        _fill_rows(zdeg_v, ZR, DEGW, 0.0)

        def zero0(i, _):
            pltpu.async_copy(zdeg_v, deg0_sh.at[pl.ds(sid * r0 + i * ZR, ZR)],
                             sem_s)
            return 0
        lax.fori_loop(0, r0 // ZR, zero0, 0)

        def zero1(i, _):
            pltpu.async_copy(zdeg_v, deg1_sh.at[pl.ds(sid * r1 + i * ZR, ZR)],
                             sem_s)
            return 0
        lax.fori_loop(0, r1 // ZR, zero1, 0)

        def zero_drain(i, _):
            pltpu.make_async_copy(
                zdeg_v, deg0_sh.at[pl.ds(sid * r0, ZR)], sem_s).wait()
            return 0
        lax.fori_loop(0, r0 // ZR + r1 // ZR, zero_drain, 0)

        plsc.subcore_barrier()

        def layer(edst, deg_sh, iters):
            wbase = wid * iters * CHUNK
            n_groups = iters // DG

            def body(g, _):
                t0 = g * DG
                ics = [pltpu.async_copy(
                    edst.at[pl.ds(wbase + (t0 + j) * CHUNK, CHUNK)],
                    dst_v[j], sem_i)
                    for j in range(DG)]
                for cp in ics:
                    cp.wait()
                scs = [pltpu.async_copy(ones_v, deg_sh.at[dst_v[j]], sem_s,
                                        add=True)
                       for j in range(DG)]
                for cp in scs:
                    cp.wait()
                return 0
            lax.fori_loop(0, n_groups, body, 0)

        layer(edst0, deg0_sh, ITERS0)
        layer(edst1, deg1_sh, ITERS1)

        plsc.subcore_barrier()

        pltpu.sync_copy(deg0_sh.at[pl.ds(sid * r0, r0)],
                        deg0_out.at[cid, pl.ds(sid * r0, r0)])
        pltpu.sync_copy(deg1_sh.at[pl.ds(sid * r1, r1)],
                        deg1_out.at[cid, pl.ds(sid * r1, r1)])

    return k


def _prep_edges(edge_index, split, pad_dst):
    e = edge_index.shape[1]
    iters = sum(split) // 2
    e_pad = NW * iters * CHUNK
    src = edge_index[0].astype(jnp.int32)
    dst = edge_index[1].astype(jnp.int32)
    src = jnp.concatenate([src, jnp.zeros((e_pad - e,), jnp.int32)])
    dst = jnp.concatenate([dst, jnp.full((e_pad - e,), pad_dst, jnp.int32)])
    both = (jnp.stack([src, dst], 0)
            .reshape(2, NW * iters, CHUNK)
            .transpose(1, 0, 2)
            .reshape(-1))
    dst_only = (dst.reshape(NW, iters, CHUNK)
                .reshape(-1))
    return both, dst_only


def _mlp1_body(a0, a1, d0, d1, w, b, out):
    deg = d0[:, 0:1] + d1[:, 0:1]
    a = (a0[...] + a1[...]) / jnp.maximum(deg, 1.0)
    y = jnp.dot(a, w[...], preferred_element_type=jnp.float32) + b[...]
    n = jnp.sqrt(jnp.sum(y * y, axis=-1, keepdims=True))
    out[...] = y / jnp.maximum(n, 1e-12)


def _mlp1(acc, deg, W1, b1):
    BR = 640
    grid = N1P // BR
    return pl.pallas_call(
        _mlp1_body,
        grid=(grid,),
        in_specs=[
            pl.BlockSpec((BR, D), lambda i: (i, 0)),
            pl.BlockSpec((BR, D), lambda i: (i, 0)),
            pl.BlockSpec((BR, DEGW), lambda i: (i, 0)),
            pl.BlockSpec((BR, DEGW), lambda i: (i, 0)),
            pl.BlockSpec((D, D), lambda i: (0, 0)),
            pl.BlockSpec((1, D), lambda i: (0, 0)),
        ],
        out_specs=pl.BlockSpec((BR, D), lambda i: (i, 0)),
        out_shape=jax.ShapeDtypeStruct((N1P, D), jnp.float32),
    )(acc[0], acc[1], deg[0], deg[1], W1, b1)


def _mlp2_body(a0, a1, d0, d1, wa, ba, wb, bb, out):
    deg = d0[:, 0:1] + d1[:, 0:1]
    a = (a0[...] + a1[...]) / jnp.maximum(deg, 1.0)
    y = jnp.dot(a, wa[...], preferred_element_type=jnp.float32) + ba[...]
    y = jnp.maximum(y, 0.0)
    z = jnp.dot(y, wb[...], preferred_element_type=jnp.float32) + bb[...]
    n = jnp.sqrt(jnp.sum(z * z, axis=-1, keepdims=True))
    out[...] = z / jnp.maximum(n, 1e-12)


def _mlp2(acc, deg, W2a, b2a, W2b, b2b):
    BR = 512
    grid = N2P // BR
    return pl.pallas_call(
        _mlp2_body,
        grid=(grid,),
        in_specs=[
            pl.BlockSpec((BR, D), lambda i: (i, 0)),
            pl.BlockSpec((BR, D), lambda i: (i, 0)),
            pl.BlockSpec((BR, DEGW), lambda i: (i, 0)),
            pl.BlockSpec((BR, DEGW), lambda i: (i, 0)),
            pl.BlockSpec((D, H), lambda i: (0, 0)),
            pl.BlockSpec((1, H), lambda i: (0, 0)),
            pl.BlockSpec((H, O), lambda i: (0, 0)),
            pl.BlockSpec((1, O), lambda i: (0, 0)),
        ],
        out_specs=pl.BlockSpec((BR, O), lambda i: (i, 0)),
        out_shape=jax.ShapeDtypeStruct((N2P, O), jnp.float32),
    )(acc[0], acc[1], deg[0], deg[1], W2a, b2a, W2b, b2b)


def kernel(x, edge_index0, edge_index1, W1, b1, W2a, b2a, W2b, b2b):
    eidx0, edst0 = _prep_edges(edge_index0, SPLIT0, N1P - 1)
    eidx1, edst1 = _prep_edges(edge_index1, SPLIT1, N2P - 1)

    deg0, deg1 = _make_degrees()(edst0, edst1)
    acc0 = _make_segsum(N1P, SPLIT0)(x, eidx0)
    h = _mlp1(acc0, deg0, W1, b1.reshape(1, D))
    acc1 = _make_segsum(N2P, SPLIT1)(h, eidx1)
    out = _mlp2(acc1, deg1, W2a, b2a.reshape(1, H), W2b, b2b.reshape(1, O))
    return out[:N2]

# --- scband reference (transcript-rebuilt; emitter-appended) ---
"""Pipeline reference for scband-net-69071664054401 (READ-ONLY COPY).

The authoritative reference and input builder live on the scoring server;
editing this copy changes nothing except your own understanding.
"""

import jax, jax.numpy as jnp
import numpy as np

N0 = 10000   # source nodes, layer 0
N1 = 5000    # target nodes, layer 0 (sources for layer 1)
N2 = 2000    # target nodes, layer 1 (final batch)
E0 = 320000
E1 = 160000
D = 128      # d_feat
H = 256      # hidden_channels
O = 64       # out_channels


def setup_inputs(seed: int = 0) -> dict:
    key = jax.random.key(seed)
    ks = jax.random.split(key, 12)
    x = jax.random.normal(ks[0], (N0, D), dtype=jnp.float32)
    # layer-0 bipartite edges: src in [0, N0), dst in [0, N1)
    src0 = jax.random.randint(ks[1], (E0,), 0, N0)
    dst0 = jax.random.randint(ks[2], (E0,), 0, N1)
    edge_index0 = jnp.stack([src0, dst0], axis=0)
    # layer-1 bipartite edges: src in [0, N1), dst in [0, N2)
    src1 = jax.random.randint(ks[3], (E1,), 0, N1)
    dst1 = jax.random.randint(ks[4], (E1,), 0, N2)
    edge_index1 = jnp.stack([src1, dst1], axis=0)
    # MLP after conv layer 0: channel_list=[D, D] -> one Linear(D, D)
    W1 = jax.random.normal(ks[5], (D, D), dtype=jnp.float32) * 0.05
    b1 = jnp.zeros((D,), dtype=jnp.float32)
    # MLP after conv layer 1: Linear(D, H) + ReLU + Linear(H, O)
    W2a = jax.random.normal(ks[6], (D, H), dtype=jnp.float32) * 0.05
    b2a = jnp.zeros((H,), dtype=jnp.float32)
    W2b = jax.random.normal(ks[7], (H, O), dtype=jnp.float32) * 0.05
    b2b = jnp.zeros((O,), dtype=jnp.float32)
    return {
        'x': x,
        'edge_index0': edge_index0,
        'edge_index1': edge_index1,
        'W1': W1, 'b1': b1,
        'W2a': W2a, 'b2a': b2a,
        'W2b': W2b, 'b2b': b2b,
    }


def _aniso_conv(x_source, edge_index, n_target):
    # AnisoConv with K=None and adj_norm=True: mean-normalized neighbor aggregation
    src = edge_index[0]
    dst = edge_index[1]
    msgs = x_source[src]                                   # gather (SparseCore)
    agg = jax.ops.segment_sum(msgs, dst, num_segments=n_target)   # scatter-add
    deg = jax.ops.segment_sum(jnp.ones((edge_index.shape[1],), dtype=jnp.float32),
                              dst, num_segments=n_target)
    return agg / jnp.clip(deg, 1.0)[:, None]


def _l2norm(h):
    return h / jnp.clip(jnp.linalg.norm(h, axis=-1, keepdims=True), 1e-12)


def reference(x, edge_index0, edge_index1, W1, b1, W2a, b2a, W2b, b2b):
    # layer 0: conv -> MLP (single linear) -> vec_norm
    h = _aniso_conv(x, edge_index0, N1)
    h = h @ W1 + b1
    h = _l2norm(h)
    # layer 1: conv -> MLP (2-layer) -> vec_norm
    h = _aniso_conv(h, edge_index1, N2)
    h = jax.nn.relu(h @ W2a + b2a)
    h = h @ W2b + b2b
    h = _l2norm(h)
    return h

if __name__ == "__main__":
    import jax
    _d = setup_inputs()
    print(jax.jit(kernel)(*tuple(_d.values())))

</pallas_src>

<mosaic_0001>
#map = affine_map<(d0, d1) -> (0)>
#map1 = affine_map<(d0, d1) -> (0, 0, 0)>
module attributes {stable_mosaic.version = 14 : i64} {
  func.func @k(%arg0: i32, %arg1: i32, %arg2: memref<322560xi32, #tpu.memory_space<hbm>>, %arg3: memref<161280xi32, #tpu.memory_space<hbm>>, %arg4: memref<2x5120x8xf32, #tpu.memory_space<hbm>>, %arg5: memref<2x2048x8xf32, #tpu.memory_space<hbm>>, %arg6: memref<112xi32, #tpu.memory_space<vmem>>, %arg7: memref<112xi32, #tpu.memory_space<vmem>>, %arg8: memref<112xi32, #tpu.memory_space<vmem>>, %arg9: memref<112xi32, #tpu.memory_space<vmem>>, %arg10: memref<112xi32, #tpu.memory_space<vmem>>, %arg11: memref<112xi32, #tpu.memory_space<vmem>>, %arg12: memref<112xi32, #tpu.memory_space<vmem>>, %arg13: memref<112xi32, #tpu.memory_space<vmem>>, %arg14: memref<112xi32, #tpu.memory_space<vmem>>, %arg15: memref<112x8xf32, #tpu.memory_space<vmem>>, %arg16: memref<8x8xf32, #tpu.memory_space<vmem>>, %arg17: memref<5120x8xf32, #tpu.memory_space<vmem_shared>>, %arg18: memref<2048x8xf32, #tpu.memory_space<vmem_shared>>, %arg19: memref<!tpu.dma_semaphore, #tpu.memory_space<semaphore_mem>>, %arg20: memref<!tpu.dma_semaphore, #tpu.memory_space<semaphore_mem>>) attributes {dimension_semantics = [#tpu.dimension_semantics<core_parallel>, #tpu.dimension_semantics<subcore_parallel>], iteration_bounds = array<i64: 2, 16>, scalar_prefetch = 0 : i64, scratch_operands = 15 : i64, tpu.core_type = #tpu.core_type<sc_vector_subcore>, window_params = [{transform_indices = #map}, {transform_indices = #map}, {transform_indices = #map1}, {transform_indices = #map1}]} {
    %mul3A = arith.constant 2 : i32
    %mul3A_0 = arith.muli %arg1, %mul3A : i32
    %add3A = arith.addi %mul3A_0, %arg0 : i32
    %broadcast_in_dim3A = arith.constant 1.000000e+00 : f32
    %broadcast_in_dim3A_1 = vector.broadcast %broadcast_in_dim3A : f32 to vector<16xf32>
    %scan3A = arith.constant 0 : i32
    %scan3A_2 = arith.constant 0 : i32
    %scan3A_3 = arith.constant 224 : i32
    %scan3A_4 = arith.addi %scan3A_2, %scan3A_3 : i32
    %scan3A_5 = arith.constant 1 : i32
    %scan3A_6 = scf.for %scan3A_69 = %scan3A_2 to %scan3A_4 step %scan3A_5 iter_args(%scan3A_70 = %scan3A) -> (i32)  : i32 {
      %slice3A = vector.extract_strided_slice %broadcast_in_dim3A_1 {offsets = [0], sizes = [8], strides = [1]} : vector<16xf32> to vector<8xf32>
      %jit3A = arith.constant 2 : i32
      %div3A = arith.divsi %scan3A_69, %jit3A : i32
      %sign3A = arith.constant 0 : i32
      %sign3A_71 = arith.cmpi sgt, %scan3A_69, %sign3A : i32
      %sign3A_72 = arith.extui %sign3A_71 : i1 to i32
      %sign3A_73 = arith.constant 0 : i32
      %sign3A_74 = arith.cmpi slt, %scan3A_69, %sign3A_73 : i32
      %sign3A_75 = arith.extui %sign3A_74 : i1 to i32
      %sign3A_76 = arith.subi %sign3A_72, %sign3A_75 : i32
      %sign3A_77 = arith.constant 0 : i32
      %sign3A_78 = arith.cmpi sgt, %jit3A, %sign3A_77 : i32
      %sign3A_79 = arith.extui %sign3A_78 : i1 to i32
      %sign3A_80 = arith.constant 0 : i32
      %sign3A_81 = arith.cmpi slt, %jit3A, %sign3A_80 : i32
      %sign3A_82 = arith.extui %sign3A_81 : i1 to i32
      %sign3A_83 = arith.subi %sign3A_79, %sign3A_82 : i32
      %ne3A = arith.cmpi ne, %sign3A_76, %sign3A_83 : i32
      %rem3A = arith.remsi %scan3A_69, %jit3A : i32
      %ne3A_84 = arith.constant 0 : i32
      %ne3A_85 = arith.cmpi ne, %rem3A, %ne3A_84 : i32
      %and3A = arith.andi %ne3A, %ne3A_85 : i1
      %sub3A = arith.constant 1 : i32
      %sub3A_86 = arith.subi %div3A, %sub3A : i32
      %select_n3A = arith.select %and3A, %sub3A_86, %div3A : i32
      %jit3A_87 = arith.constant 2 : i32
      %eq3A = arith.constant 0 : i32
      %eq3A_88 = arith.cmpi eq, %jit3A_87, %eq3A : i32
      %jit3A_89 = arith.constant 1 : i32
      %select_n3A_90 = arith.select %eq3A_88, %jit3A_89, %jit3A_87 : i32
      %rem3A_91 = arith.remsi %scan3A_69, %select_n3A_90 : i32
      %ne3A_92 = arith.constant 0 : i32
      %ne3A_93 = arith.cmpi ne, %rem3A_91, %ne3A_92 : i32
      %lt3A = arith.constant 0 : i32
      %lt3A_94 = arith.cmpi slt, %rem3A_91, %lt3A : i32
      %lt3A_95 = arith.constant 0 : i32
      %lt3A_96 = arith.cmpi slt, %select_n3A_90, %lt3A_95 : i32
      %ne3A_97 = arith.xori %lt3A_94, %lt3A_96 : i1
      %and3A_98 = arith.andi %ne3A_97, %ne3A_93 : i1
      %add3A_99 = arith.addi %rem3A_91, %select_n3A_90 : i32
      %select_n3A_100 = arith.select %and3A_98, %add3A_99, %rem3A_91 : i32
      %mul3A_101 = arith.constant 8 : i32
      %mul3A_102 = arith.muli %select_n3A_100, %mul3A_101 : i32
      %swap3A = arith.index_cast %select_n3A : i32 to index
      %swap3A_103 = arith.index_cast %mul3A_102 : i32 to index
      %swap3A_104 = tpu.vector_load %arg15[%swap3A, %swap3A_103] {strides = array<i32>} : memref<112x8xf32, #tpu.memory_space<vmem>>, vector<1x8xf32>,
      %swap3A_105 = vector.shape_cast %swap3A_104 : vector<1x8xf32> to vector<8xf32>
      %swap3A_106 = vector.shape_cast %slice3A : vector<8xf32> to vector<1x8xf32>
      tpu.vector_store %arg15[%swap3A, %swap3A_103], %swap3A_106 {strides = array<i32>} : memref<112x8xf32, #tpu.memory_space<vmem>>, vector<1x8xf32>,
      %scan3A_107 = arith.constant 0 : i32
      scf.yield %scan3A_107 : i32
    }
    %scan3A_7 = arith.constant 224 : i32
    %broadcast_in_dim3A_8 = arith.constant 0.000000e+00 : f32
    %broadcast_in_dim3A_9 = vector.broadcast %broadcast_in_dim3A_8 : f32 to vector<16xf32>
    %scan3A_10 = arith.constant 0 : i32
    %scan3A_11 = arith.constant 0 : i32
    %scan3A_12 = arith.constant 16 : i32
    %scan3A_13 = arith.addi %scan3A_11, %scan3A_12 : i32
    %scan3A_14 = arith.constant 1 : i32
    %scan3A_15 = scf.for %scan3A_69 = %scan3A_11 to %scan3A_13 step %scan3A_14 iter_args(%scan3A_70 = %scan3A_10) -> (i32)  : i32 {
      %slice3A = vector.extract_strided_slice %broadcast_in_dim3A_9 {offsets = [0], sizes = [8], strides = [1]} : vector<16xf32> to vector<8xf32>
      %jit3A = arith.constant 2 : i32
      %div3A = arith.divsi %scan3A_69, %jit3A : i32
      %sign3A = arith.constant 0 : i32
      %sign3A_71 = arith.cmpi sgt, %scan3A_69, %sign3A : i32
      %sign3A_72 = arith.extui %sign3A_71 : i1 to i32
      %sign3A_73 = arith.constant 0 : i32
      %sign3A_74 = arith.cmpi slt, %scan3A_69, %sign3A_73 : i32
      %sign3A_75 = arith.extui %sign3A_74 : i1 to i32
      %sign3A_76 = arith.subi %sign3A_72, %sign3A_75 : i32
      %sign3A_77 = arith.constant 0 : i32
      %sign3A_78 = arith.cmpi sgt, %jit3A, %sign3A_77 : i32
      %sign3A_79 = arith.extui %sign3A_78 : i1 to i32
      %sign3A_80 = arith.constant 0 : i32
      %sign3A_81 = arith.cmpi slt, %jit3A, %sign3A_80 : i32
      %sign3A_82 = arith.extui %sign3A_81 : i1 to i32
      %sign3A_83 = arith.subi %sign3A_79, %sign3A_82 : i32
      %ne3A = arith.cmpi ne, %sign3A_76, %sign3A_83 : i32
      %rem3A = arith.remsi %scan3A_69, %jit3A : i32
      %ne3A_84 = arith.constant 0 : i32
      %ne3A_85 = arith.cmpi ne, %rem3A, %ne3A_84 : i32
      %and3A = arith.andi %ne3A, %ne3A_85 : i1
      %sub3A = arith.constant 1 : i32
      %sub3A_86 = arith.subi %div3A, %sub3A : i32
      %select_n3A = arith.select %and3A, %sub3A_86, %div3A : i32
      %jit3A_87 = arith.constant 2 : i32
      %eq3A = arith.constant 0 : i32
      %eq3A_88 = arith.cmpi eq, %jit3A_87, %eq3A : i32
      %jit3A_89 = arith.constant 1 : i32
      %select_n3A_90 = arith.select %eq3A_88, %jit3A_89, %jit3A_87 : i32
      %rem3A_91 = arith.remsi %scan3A_69, %select_n3A_90 : i32
      %ne3A_92 = arith.constant 0 : i32
      %ne3A_93 = arith.cmpi ne, %rem3A_91, %ne3A_92 : i32
      %lt3A = arith.constant 0 : i32
      %lt3A_94 = arith.cmpi slt, %rem3A_91, %lt3A : i32
      %lt3A_95 = arith.constant 0 : i32
      %lt3A_96 = arith.cmpi slt, %select_n3A_90, %lt3A_95 : i32
      %ne3A_97 = arith.xori %lt3A_94, %lt3A_96 : i1
      %and3A_98 = arith.andi %ne3A_97, %ne3A_93 : i1
      %add3A_99 = arith.addi %rem3A_91, %select_n3A_90 : i32
      %select_n3A_100 = arith.select %and3A_98, %add3A_99, %rem3A_91 : i32
      %mul3A_101 = arith.constant 8 : i32
      %mul3A_102 = arith.muli %select_n3A_100, %mul3A_101 : i32
      %swap3A = arith.index_cast %select_n3A : i32 to index
      %swap3A_103 = arith.index_cast %mul3A_102 : i32 to index
      %swap3A_104 = tpu.vector_load %arg16[%swap3A, %swap3A_103] {strides = array<i32>} : memref<8x8xf32, #tpu.memory_space<vmem>>, vector<1x8xf32>,
      %swap3A_105 = vector.shape_cast %swap3A_104 : vector<1x8xf32> to vector<8xf32>
      %swap3A_106 = vector.shape_cast %slice3A : vector<8xf32> to vector<1x8xf32>
      tpu.vector_store %arg16[%swap3A, %swap3A_103], %swap3A_106 {strides = array<i32>} : memref<8x8xf32, #tpu.memory_space<vmem>>, vector<1x8xf32>,
      %scan3A_107 = arith.constant 0 : i32
      scf.yield %scan3A_107 : i32
    }
    %scan3A_16 = arith.constant 16 : i32
    %scan3A_17 = arith.constant 0 : i32
    %scan3A_18 = arith.constant 0 : i32
    %scan3A_19 = arith.constant 40 : i32
    %scan3A_20 = arith.addi %scan3A_18, %scan3A_19 : i32
    %scan3A_21 = arith.constant 1 : i32
    %scan3A_22 = scf.for %scan3A_69 = %scan3A_18 to %scan3A_20 step %scan3A_21 iter_args(%scan3A_70 = %scan3A_17) -> (i32)  : i32 {
      %mul3A_71 = arith.constant 320 : i32
      %mul3A_72 = arith.muli %arg1, %mul3A_71 : i32
      %mul3A_73 = arith.constant 8 : i32
      %mul3A_74 = arith.muli %scan3A_69, %mul3A_73 : i32
      %add3A_75 = arith.addi %mul3A_72, %mul3A_74 : i32
      %dma_start3A = arith.constant 0 : i32
      %dma_start3A_76 = tpu.memref_slice %arg17[%add3A_75, %dma_start3A] : memref<5120x8xf32, #tpu.memory_space<vmem_shared>> -> memref<8x8xf32, #tpu.memory_space<vmem_shared>>
      %dma_start3A_77 = arith.constant 0 : i32
      %dma_start3A_78 = tpu.memref_slice %arg17[%add3A_75, %dma_start3A_77] : memref<5120x8xf32, #tpu.memory_space<vmem_shared>> -> memref<8x8xf32, #tpu.memory_space<vmem_shared>>
      tpu.enqueue_dma source(%arg16 : memref<8x8xf32, #tpu.memory_space<vmem>>) target(%dma_start3A_78 : memref<8x8xf32, #tpu.memory_space<vmem_shared>>) target_semaphore(%arg20 : memref<!tpu.dma_semaphore, #tpu.memory_space<semaphore_mem>>)
      %scan3A_79 = arith.constant 0 : i32
      scf.yield %scan3A_79 : i32
    }
    %scan3A_23 = arith.constant 40 : i32
    %scan3A_24 = arith.constant 0 : i32
    %scan3A_25 = arith.constant 0 : i32
    %scan3A_26 = arith.constant 16 : i32
    %scan3A_27 = arith.addi %scan3A_25, %scan3A_26 : i32
    %scan3A_28 = arith.constant 1 : i32
    %scan3A_29 = scf.for %scan3A_69 = %scan3A_25 to %scan3A_27 step %scan3A_28 iter_args(%scan3A_70 = %scan3A_24) -> (i32)  : i32 {
      %mul3A_71 = arith.constant 128 : i32
      %mul3A_72 = arith.muli %arg1, %mul3A_71 : i32
      %mul3A_73 = arith.constant 8 : i32
      %mul3A_74 = arith.muli %scan3A_69, %mul3A_73 : i32
      %add3A_75 = arith.addi %mul3A_72, %mul3A_74 : i32
      %dma_start3A = arith.constant 0 : i32
      %dma_start3A_76 = tpu.memref_slice %arg18[%add3A_75, %dma_start3A] : memref<2048x8xf32, #tpu.memory_space<vmem_shared>> -> memref<8x8xf32, #tpu.memory_space<vmem_shared>>
      %dma_start3A_77 = arith.constant 0 : i32
      %dma_start3A_78 = tpu.memref_slice %arg18[%add3A_75, %dma_start3A_77] : memref<2048x8xf32, #tpu.memory_space<vmem_shared>> -> memref<8x8xf32, #tpu.memory_space<vmem_shared>>
      tpu.enqueue_dma source(%arg16 : memref<8x8xf32, #tpu.memory_space<vmem>>) target(%dma_start3A_78 : memref<8x8xf32, #tpu.memory_space<vmem_shared>>) target_semaphore(%arg20 : memref<!tpu.dma_semaphore, #tpu.memory_space<semaphore_mem>>)
      %scan3A_79 = arith.constant 0 : i32
      scf.yield %scan3A_79 : i32
    }
    %scan3A_30 = arith.constant 16 : i32
    %scan3A_31 = arith.constant 0 : i32
    %scan3A_32 = arith.constant 0 : i32
    %scan3A_33 = arith.constant 56 : i32
    %scan3A_34 = arith.addi %scan3A_32, %scan3A_33 : i32
    %scan3A_35 = arith.constant 1 : i32
    %scan3A_36 = scf.for %scan3A_69 = %scan3A_32 to %scan3A_34 step %scan3A_35 iter_args(%scan3A_70 = %scan3A_31) -> (i32)  : i32 {
      %mul3A_71 = arith.constant 320 : i32
      %mul3A_72 = arith.muli %arg1, %mul3A_71 : i32
      %dma_wait3A = arith.constant 0 : i32
      %dma_wait3A_73 = tpu.memref_slice %arg17[%mul3A_72, %dma_wait3A] : memref<5120x8xf32, #tpu.memory_space<vmem_shared>> -> memref<8x8xf32, #tpu.memory_space<vmem_shared>>
      %dma_wait3A_74 = arith.constant 0 : i32
      %dma_wait3A_75 = tpu.memref_slice %arg17[%mul3A_72, %dma_wait3A_74] : memref<5120x8xf32, #tpu.memory_space<vmem_shared>> -> memref<8x8xf32, #tpu.memory_space<vmem_shared>>
      tpu.wait_dma2 semaphore(%arg20 : memref<!tpu.dma_semaphore, #tpu.memory_space<semaphore_mem>>) src(%arg16 : memref<8x8xf32, #tpu.memory_space<vmem>>) dst(%dma_wait3A_75 : memref<8x8xf32, #tpu.memory_space<vmem_shared>>)
      %scan3A_76 = arith.constant 0 : i32
      scf.yield %scan3A_76 : i32
    }
    %scan3A_37 = arith.constant 56 : i32
    %barrier3A = arith.constant 0 : index
    tpu.barrier barrier_id(%barrier3A)
    %mul3A_38 = arith.constant 90 : i32
    %mul3A_39 = arith.muli %add3A, %mul3A_38 : i32
    %mul3A_40 = arith.constant 112 : i32
    %mul3A_41 = arith.muli %mul3A_39, %mul3A_40 : i32
    %scan3A_42 = arith.constant 0 : i32
    %scan3A_43 = arith.constant 0 : i32
    %scan3A_44 = arith.constant 10 : i32
    %scan3A_45 = arith.addi %scan3A_43, %scan3A_44 : i32
    %scan3A_46 = arith.constant 1 : i32
    %scan3A_47 = scf.for %scan3A_69 = %scan3A_43 to %scan3A_45 step %scan3A_46 iter_args(%scan3A_70 = %scan3A_42) -> (i32)  : i32 {
      %mul3A_71 = arith.constant 9 : i32
      %mul3A_72 = arith.muli %scan3A_69, %mul3A_71 : i32
      %add3A_73 = arith.constant 0 : i32
      %add3A_74 = arith.addi %mul3A_72, %add3A_73 : i32
      %mul3A_75 = arith.constant 112 : i32
      %mul3A_76 = arith.muli %add3A_74, %mul3A_75 : i32
      %add3A_77 = arith.addi %mul3A_41, %mul3A_76 : i32
      %dma_start3A = tpu.memref_slice %arg2[%add3A_77] : memref<322560xi32, #tpu.memory_space<hbm>> -> memref<112xi32, #tpu.memory_space<hbm>>
      %dma_start3A_78 = tpu.memref_slice %arg2[%add3A_77] : memref<322560xi32, #tpu.memory_space<hbm>> -> memref<112xi32, #tpu.memory_space<hbm>>
      tpu.enqueue_dma source(%dma_start3A_78 : memref<112xi32, #tpu.memory_space<hbm>>) target(%arg6 : memref<112xi32, #tpu.memory_space<vmem>>) target_semaphore(%arg19 : memref<!tpu.dma_semaphore, #tpu.memory_space<semaphore_mem>>)
      %add3A_79 = arith.constant 1 : i32
      %add3A_80 = arith.addi %mul3A_72, %add3A_79 : i32
      %mul3A_81 = arith.constant 112 : i32
      %mul3A_82 = arith.muli %add3A_80, %mul3A_81 : i32
      %add3A_83 = arith.addi %mul3A_41, %mul3A_82 : i32
      %dma_start3A_84 = tpu.memref_slice %arg2[%add3A_83] : memref<322560xi32, #tpu.memory_space<hbm>> -> memref<112xi32, #tpu.memory_space<hbm>>
      %dma_start3A_85 = tpu.memref_slice %arg2[%add3A_83] : memref<322560xi32, #tpu.memory_space<hbm>> -> memref<112xi32, #tpu.memory_space<hbm>>
      tpu.enqueue_dma source(%dma_start3A_85 : memref<112xi32, #tpu.memory_space<hbm>>) target(%arg7 : memref<112xi32, #tpu.memory_space<vmem>>) target_semaphore(%arg19 : memref<!tpu.dma_semaphore, #tpu.memory_space<semaphore_mem>>)
      %add3A_86 = arith.constant 2 : i32
      %add3A_87 = arith.addi %mul3A_72, %add3A_86 : i32
      %mul3A_88 = arith.constant 112 : i32
      %mul3A_89 = arith.muli %add3A_87, %mul3A_88 : i32
      %add3A_90 = arith.addi %mul3A_41, %mul3A_89 : i32
      %dma_start3A_91 = tpu.memref_slice %arg2[%add3A_90] : memref<322560xi32, #tpu.memory_space<hbm>> -> memref<112xi32, #tpu.memory_space<hbm>>
      %dma_start3A_92 = tpu.memref_slice %arg2[%add3A_90] : memref<322560xi32, #tpu.memory_space<hbm>> -> memref<112xi32, #tpu.memory_space<hbm>>
      tpu.enqueue_dma source(%dma_start3A_92 : memref<112xi32, #tpu.memory_space<hbm>>) target(%arg8 : memref<112xi32, #tpu.memory_space<vmem>>) target_semaphore(%arg19 : memref<!tpu.dma_semaphore, #tpu.memory_space<semaphore_mem>>)
      %add3A_93 = arith.constant 3 : i32
      %add3A_94 = arith.addi %mul3A_72, %add3A_93 : i32
      %mul3A_95 = arith.constant 112 : i32
      %mul3A_96 = arith.muli %add3A_94, %mul3A_95 : i32
      %add3A_97 = arith.addi %mul3A_41, %mul3A_96 : i32
      %dma_start3A_98 = tpu.memref_slice %arg2[%add3A_97] : memref<322560xi32, #tpu.memory_space<hbm>> -> memref<112xi32, #tpu.memory_space<hbm>>
      %dma_start3A_99 = tpu.memref_slice %arg2[%add3A_97] : memref<322560xi32, #tpu.memory_space<hbm>> -> memref<112xi32, #tpu.memory_space<hbm>>
      tpu.enqueue_dma source(%dma_start3A_99 : memref<112xi32, #tpu.memory_space<hbm>>) target(%arg9 : memref<112xi32, #tpu.memory_space<vmem>>) target_semaphore(%arg19 : memref<!tpu.dma_semaphore, #tpu.memory_space<semaphore_mem>>)
      %add3A_100 = arith.constant 4 : i32
      %add3A_101 = arith.addi %mul3A_72, %add3A_100 : i32
      %mul3A_102 = arith.constant 112 : i32
      %mul3A_103 = arith.muli %add3A_101, %mul3A_102 : i32
      %add3A_104 = arith.addi %mul3A_41, %mul3A_103 : i32
      %dma_start3A_105 = tpu.memref_slice %arg2[%add3A_104] : memref<322560xi32, #tpu.memory_space<hbm>> -> memref<112xi32, #tpu.memory_space<hbm>>
      %dma_start3A_106 = tpu.memref_slice %arg2[%add3A_104] : memref<322560xi32, #tpu.memory_space<hbm>> -> memref<112xi32, #tpu.memory_space<hbm>>
      tpu.enqueue_dma source(%dma_start3A_106 : memref<112xi32, #tpu.memory_space<hbm>>) target(%arg10 : memref<112xi32, #tpu.memory_space<vmem>>) target_semaphore(%arg19 : memref<!tpu.dma_semaphore, #tpu.memory_space<semaphore_mem>>)
      %add3A_107 = arith.constant 5 : i32
      %add3A_108 = arith.addi %mul3A_72, %add3A_107 : i32
      %mul3A_109 = arith.constant 112 : i32
      %mul3A_110 = arith.muli %add3A_108, %mul3A_109 : i32
      %add3A_111 = arith.addi %mul3A_41, %mul3A_110 : i32
      %dma_start3A_112 = tpu.memref_slice %arg2[%add3A_111] : memref<322560xi32, #tpu.memory_space<hbm>> -> memref<112xi32, #tpu.memory_space<hbm>>
      %dma_start3A_113 = tpu.memref_slice %arg2[%add3A_111] : memref<322560xi32, #tpu.memory_space<hbm>> -> memref<112xi32, #tpu.memory_space<hbm>>
      tpu.enqueue_dma source(%dma_start3A_113 : memref<112xi32, #tpu.memory_space<hbm>>) target(%arg11 : memref<112xi32, #tpu.memory_space<vmem>>) target_semaphore(%arg19 : memref<!tpu.dma_semaphore, #tpu.memory_space<semaphore_mem>>)
      %add3A_114 = arith.constant 6 : i32
      %add3A_115 = arith.addi %mul3A_72, %add3A_114 : i32
      %mul3A_116 = arith.constant 112 : i32
      %mul3A_117 = arith.muli %add3A_115, %mul3A_116 : i32
      %add3A_118 = arith.addi %mul3A_41, %mul3A_117 : i32
      %dma_start3A_119 = tpu.memref_slice %arg2[%add3A_118] : memref<322560xi32, #tpu.memory_space<hbm>> -> memref<112xi32, #tpu.memory_space<hbm>>
      %dma_start3A_120 = tpu.memref_slice %arg2[%add3A_118] : memref<322560xi32, #tpu.memory_space<hbm>> -> memref<112xi32, #tpu.memory_space<hbm>>
      tpu.enqueue_dma source(%dma_start3A_120 : memref<112xi32, #tpu.memory_space<hbm>>) target(%arg12 : memref<112xi32, #tpu.memory_space<vmem>>) target_semaphore(%arg19 : memref<!tpu.dma_semaphore, #tpu.memory_space<semaphore_mem>>)
      %add3A_121 = arith.constant 7 : i32
      %add3A_122 = arith.addi %mul3A_72, %add3A_121 : i32
      %mul3A_123 = arith.constant 112 : i32
      %mul3A_124 = arith.muli %add3A_122, %mul3A_123 : i32
      %add3A_125 = arith.addi %mul3A_41, %mul3A_124 : i32
      %dma_start3A_126 = tpu.memref_slice %arg2[%add3A_125] : memref<322560xi32, #tpu.memory_space<hbm>> -> memref<112xi32, #tpu.memory_space<hbm>>
      %dma_start3A_127 = tpu.memref_slice %arg2[%add3A_125] : memref<322560xi32, #tpu.memory_space<hbm>> -> memref<112xi32, #tpu.memory_space<hbm>>
      tpu.enqueue_dma source(%dma_start3A_127 : memref<112xi32, #tpu.memory_space<hbm>>) target(%arg13 : memref<112xi32, #tpu.memory_space<vmem>>) target_semaphore(%arg19 : memref<!tpu.dma_semaphore, #tpu.memory_space<semaphore_mem>>)
      %add3A_128 = arith.constant 8 : i32
      %add3A_129 = arith.addi %mul3A_72, %add3A_128 : i32
      %mul3A_130 = arith.constant 112 : i32
      %mul3A_131 = arith.muli %add3A_129, %mul3A_130 : i32
      %add3A_132 = arith.addi %mul3A_41, %mul3A_131 : i32
      %dma_start3A_133 = tpu.memref_slice %arg2[%add3A_132] : memref<322560xi32, #tpu.memory_space<hbm>> -> memref<112xi32, #tpu.memory_space<hbm>>
      %dma_start3A_134 = tpu.memref_slice %arg2[%add3A_132] : memref<322560xi32, #tpu.memory_space<hbm>> -> memref<112xi32, #tpu.memory_space<hbm>>
      tpu.enqueue_dma source(%dma_start3A_134 : memref<112xi32, #tpu.memory_space<hbm>>) target(%arg14 : memref<112xi32, #tpu.memory_space<vmem>>) target_semaphore(%arg19 : memref<!tpu.dma_semaphore, #tpu.memory_space<semaphore_mem>>)
      %dma_wait3A = tpu.memref_slice %arg2[%add3A_77] : memref<322560xi32, #tpu.memory_space<hbm>> -> memref<112xi32, #tpu.memory_space<hbm>>
      %dma_wait3A_135 = tpu.memref_slice %arg2[%add3A_77] : memref<322560xi32, #tpu.memory_space<hbm>> -> memref<112xi32, #tpu.memory_space<hbm>>
      tpu.wait_dma2 semaphore(%arg19 : memref<!tpu.dma_semaphore, #tpu.memory_space<semaphore_mem>>) src(%dma_wait3A_135 : memref<112xi32, #tpu.memory_space<hbm>>) dst(%arg6 : memref<112xi32, #tpu.memory_space<vmem>>)
      %dma_wait3A_136 = tpu.memref_slice %arg2[%add3A_83] : memref<322560xi32, #tpu.memory_space<hbm>> -> memref<112xi32, #tpu.memory_space<hbm>>
      %dma_wait3A_137 = tpu.memref_slice %arg2[%add3A_83] : memref<322560xi32, #tpu.memory_space<hbm>> -> memref<112xi32, #tpu.memory_space<hbm>>
      tpu.wait_dma2 semaphore(%arg19 : memref<!tpu.dma_semaphore, #tpu.memory_space<semaphore_mem>>) src(%dma_wait3A_137 : memref<112xi32, #tpu.memory_space<hbm>>) dst(%arg7 : memref<112xi32, #tpu.memory_space<vmem>>)
      %dma_wait3A_138 = tpu.memref_slice %arg2[%add3A_90] : memref<322560xi32, #tpu.memory_space<hbm>> -> memref<112xi32, #tpu.memory_space<hbm>>
      %dma_wait3A_139 = tpu.memref_slice %arg2[%add3A_90] : memref<322560xi32, #tpu.memory_space<hbm>> -> memref<112xi32, #tpu.memory_space<hbm>>
      tpu.wait_dma2 semaphore(%arg19 : memref<!tpu.dma_semaphore, #tpu.memory_space<semaphore_mem>>) src(%dma_wait3A_139 : memref<112xi32, #tpu.memory_space<hbm>>) dst(%arg8 : memref<112xi32, #tpu.memory_space<vmem>>)
      %dma_wait3A_140 = tpu.memref_slice %arg2[%add3A_97] : memref<322560xi32, #tpu.memory_space<hbm>> -> memref<112xi32, #tpu.memory_space<hbm>>
      %dma_wait3A_141 = tpu.memref_slice %arg2[%add3A_97] : memref<322560xi32, #tpu.memory_space<hbm>> -> memref<112xi32, #tpu.memory_space<hbm>>
      tpu.wait_dma2 semaphore(%arg19 : memref<!tpu.dma_semaphore, #tpu.memory_space<semaphore_mem>>) src(%dma_wait3A_141 : memref<112xi32, #tpu.memory_space<hbm>>) dst(%arg9 : memref<112xi32, #tpu.memory_space<vmem>>)
      %dma_wait3A_142 = tpu.memref_slice %arg2[%add3A_104] : memref<322560xi32, #tpu.memory_space<hbm>> -> memref<112xi32, #tpu.memory_space<hbm>>
      %dma_wait3A_143 = tpu.memref_slice %arg2[%add3A_104] : memref<322560xi32, #tpu.memory_space<hbm>> -> memref<112xi32, #tpu.memory_space<hbm>>
      tpu.wait_dma2 semaphore(%arg19 : memref<!tpu.dma_semaphore, #tpu.memory_space<semaphore_mem>>) src(%dma_wait3A_143 : memref<112xi32, #tpu.memory_space<hbm>>) dst(%arg10 : memref<112xi32, #tpu.memory_space<vmem>>)
      %dma_wait3A_144 = tpu.memref_slice %arg2[%add3A_111] : memref<322560xi32, #tpu.memory_space<hbm>> -> memref<112xi32, #tpu.memory_space<hbm>>
      %dma_wait3A_145 = tpu.memref_slice %arg2[%add3A_111] : memref<322560xi32, #tpu.memory_space<hbm>> -> memref<112xi32, #tpu.memory_space<hbm>>
      tpu.wait_dma2 semaphore(%arg19 : memref<!tpu.dma_semaphore, #tpu.memory_space<semaphore_mem>>) src(%dma_wait3A_145 : memref<112xi32, #tpu.memory_space<hbm>>) dst(%arg11 : memref<112xi32, #tpu.memory_space<vmem>>)
      %dma_wait3A_146 = tpu.memref_slice %arg2[%add3A_118] : memref<322560xi32, #tpu.memory_space<hbm>> -> memref<112xi32, #tpu.memory_space<hbm>>
      %dma_wait3A_147 = tpu.memref_slice %arg2[%add3A_118] : memref<322560xi32, #tpu.memory_space<hbm>> -> memref<112xi32, #tpu.memory_space<hbm>>
      tpu.wait_dma2 semaphore(%arg19 : memref<!tpu.dma_semaphore, #tpu.memory_space<semaphore_mem>>) src(%dma_wait3A_147 : memref<112xi32, #tpu.memory_space<hbm>>) dst(%arg12 : memref<112xi32, #tpu.memory_space<vmem>>)
      %dma_wait3A_148 = tpu.memref_slice %arg2[%add3A_125] : memref<322560xi32, #tpu.memory_space<hbm>> -> memref<112xi32, #tpu.memory_space<hbm>>
      %dma_wait3A_149 = tpu.memref_slice %arg2[%add3A_125] : memref<322560xi32, #tpu.memory_space<hbm>> -> memref<112xi32, #tpu.memory_space<hbm>>
      tpu.wait_dma2 semaphore(%arg19 : memref<!tpu.dma_semaphore, #tpu.memory_space<semaphore_mem>>) src(%dma_wait3A_149 : memref<112xi32, #tpu.memory_space<hbm>>) dst(%arg13 : memref<112xi32, #tpu.memory_space<vmem>>)
      %dma_wait3A_150 = tpu.memref_slice %arg2[%add3A_132] : memref<322560xi32, #tpu.memory_space<hbm>> -> memref<112xi32, #tpu.memory_space<hbm>>
      %dma_wait3A_151 = tpu.memref_slice %arg2[%add3A_132] : memref<322560xi32, #tpu.memory_space<hbm>> -> memref<112xi32, #tpu.memory_space<hbm>>
      tpu.wait_dma2 semaphore(%arg19 : memref<!tpu.dma_semaphore, #tpu.memory_space<semaphore_mem>>) src(%dma_wait3A_151 : memref<112xi32, #tpu.memory_space<hbm>>) dst(%arg14 : memref<112xi32, #tpu.memory_space<vmem>>)
      %dma_start3A_152 = arith.constant 0 : i32
      %dma_start3A_153 = arith.constant 0 : i32
      %dma_start3A_154 = tpu.memref_slice %arg17[%dma_start3A_152, %dma_start3A_153] : memref<5120x8xf32, #tpu.memory_space<vmem_shared>> -> memref<5120x8xf32, #tpu.memory_space<vmem_shared>>
      tpu.enqueue_indirect_dma source(%arg15 : memref<112x8xf32, #tpu.memory_space<vmem>>) target(%dma_start3A_154 : memref<5120x8xf32, #tpu.memory_space<vmem_shared>>) offsets(%arg6 : memref<112xi32, #tpu.memory_space<vmem>>) semaphore(%arg20 : memref<!tpu.dma_semaphore, #tpu.memory_space<semaphore_mem>>) {add = true}
      %dma_start3A_155 = arith.constant 0 : i32
      %dma_start3A_156 = arith.constant 0 : i32
      %dma_start3A_157 = tpu.memref_slice %arg17[%dma_start3A_155, %dma_start3A_156] : memref<5120x8xf32, #tpu.memory_space<vmem_shared>> -> memref<5120x8xf32, #tpu.memory_space<vmem_shared>>
      tpu.enqueue_indirect_dma source(%arg15 : memref<112x8xf32, #tpu.memory_space<vmem>>) target(%dma_start3A_157 : memref<5120x8xf32, #tpu.memory_space<vmem_shared>>) offsets(%arg7 : memref<112xi32, #tpu.memory_space<vmem>>) semaphore(%arg20 : memref<!tpu.dma_semaphore, #tpu.memory_space<semaphore_mem>>) {add = true}
      %dma_start3A_158 = arith.constant 0 : i32
      %dma_start3A_159 = arith.constant 0 : i32
      %dma_start3A_160 = tpu.memref_slice %arg17[%dma_start3A_158, %dma_start3A_159] : memref<5120x8xf32, #tpu.memory_space<vmem_shared>> -> memref<5120x8xf32, #tpu.memory_space<vmem_shared>>
      tpu.enqueue_indirect_dma source(%arg15 : memref<112x8xf32, #tpu.memory_space<vmem>>) target(%dma_start3A_160 : memref<5120x8xf32, #tpu.memory_space<vmem_shared>>) offsets(%arg8 : memref<112xi32, #tpu.memory_space<vmem>>) semaphore(%arg20 : memref<!tpu.dma_semaphore, #tpu.memory_space<semaphore_mem>>) {add = true}
      %dma_start3A_161 = arith.constant 0 : i32
      %dma_start3A_162 = arith.constant 0 : i32
      %dma_start3A_163 = tpu.memref_slice %arg17[%dma_start3A_161, %dma_start3A_162] : memref<5120x8xf32, #tpu.memory_space<vmem_shared>> -> memref<5120x8xf32, #tpu.memory_space<vmem_shared>>
      tpu.enqueue_indirect_dma source(%arg15 : memref<112x8xf32, #tpu.memory_space<vmem>>) target(%dma_start3A_163 : memref<5120x8xf32, #tpu.memory_space<vmem_shared>>) offsets(%arg9 : memref<112xi32, #tpu.memory_space<vmem>>) semaphore(%arg20 : memref<!tpu.dma_semaphore, #tpu.memory_space<semaphore_mem>>) {add = true}
      %dma_start3A_164 = arith.constant 0 : i32
      %dma_start3A_165 = arith.constant 0 : i32
      %dma_start3A_166 = tpu.memref_slice %arg17[%dma_start3A_164, %dma_start3A_165] : memref<5120x8xf32, #tpu.memory_space<vmem_shared>> -> memref<5120x8xf32, #tpu.memory_space<vmem_shared>>
      tpu.enqueue_indirect_dma source(%arg15 : memref<112x8xf32, #tpu.memory_space<vmem>>) target(%dma_start3A_166 : memref<5120x8xf32, #tpu.memory_space<vmem_shared>>) offsets(%arg10 : memref<112xi32, #tpu.memory_space<vmem>>) semaphore(%arg20 : memref<!tpu.dma_semaphore, #tpu.memory_space<semaphore_mem>>) {add = true}
      %dma_start3A_167 = arith.constant 0 : i32
      %dma_start3A_168 = arith.constant 0 : i32
      %dma_start3A_169 = tpu.memref_slice %arg17[%dma_start3A_167, %dma_start3A_168] : memref<5120x8xf32, #tpu.memory_space<vmem_shared>> -> memref<5120x8xf32, #tpu.memory_space<vmem_shared>>
      tpu.enqueue_indirect_dma source(%arg15 : memref<112x8xf32, #tpu.memory_space<vmem>>) target(%dma_start3A_169 : memref<5120x8xf32, #tpu.memory_space<vmem_shared>>) offsets(%arg11 : memref<112xi32, #tpu.memory_space<vmem>>) semaphore(%arg20 : memref<!tpu.dma_semaphore, #tpu.memory_space<semaphore_mem>>) {add = true}
      %dma_start3A_170 = arith.constant 0 : i32
      %dma_start3A_171 = arith.constant 0 : i32
      %dma_start3A_172 = tpu.memref_slice %arg17[%dma_start3A_170, %dma_start3A_171] : memref<5120x8xf32, #tpu.memory_space<vmem_shared>> -> memref<5120x8xf32, #tpu.memory_space<vmem_shared>>
      tpu.enqueue_indirect_dma source(%arg15 : memref<112x8xf32, #tpu.memory_space<vmem>>) target(%dma_start3A_172 : memref<5120x8xf32, #tpu.memory_space<vmem_shared>>) offsets(%arg12 : memref<112xi32, #tpu.memory_space<vmem>>) semaphore(%arg20 : memref<!tpu.dma_semaphore, #tpu.memory_space<semaphore_mem>>) {add = true}
      %dma_start3A_173 = arith.constant 0 : i32
      %dma_start3A_174 = arith.constant 0 : i32
      %dma_start3A_175 = tpu.memref_slice %arg17[%dma_start3A_173, %dma_start3A_174] : memref<5120x8xf32, #tpu.memory_space<vmem_shared>> -> memref<5120x8xf32, #tpu.memory_space<vmem_shared>>
      tpu.enqueue_indirect_dma source(%arg15 : memref<112x8xf32, #tpu.memory_space<vmem>>) target(%dma_start3A_175 : memref<5120x8xf32, #tpu.memory_space<vmem_shared>>) offsets(%arg13 : memref<112xi32, #tpu.memory_space<vmem>>) semaphore(%arg20 : memref<!tpu.dma_semaphore, #tpu.memory_space<semaphore_mem>>) {add = true}
      %dma_start3A_176 = arith.constant 0 : i32
      %dma_start3A_177 = arith.constant 0 : i32
      %dma_start3A_178 = tpu.memref_slice %arg17[%dma_start3A_176, %dma_start3A_177] : memref<5120x8xf32, #tpu.memory_space<vmem_shared>> -> memref<5120x8xf32, #tpu.memory_space<vmem_shared>>
      tpu.enqueue_indirect_dma source(%arg15 : memref<112x8xf32, #tpu.memory_space<vmem>>) target(%dma_start3A_178 : memref<5120x8xf32, #tpu.memory_space<vmem_shared>>) offsets(%arg14 : memref<112xi32, #tpu.memory_space<vmem>>) semaphore(%arg20 : memref<!tpu.dma_semaphore, #tpu.memory_space<semaphore_mem>>) {add = true}
      %dma_wait3A_179 = arith.constant 0 : i32
      %dma_wait3A_180 = arith.constant 0 : i32
      %dma_wait3A_181 = tpu.memref_slice %arg17[%dma_wait3A_179, %dma_wait3A_180] : memref<5120x8xf32, #tpu.memory_space<vmem_shared>> -> memref<5120x8xf32, #tpu.memory_space<vmem_shared>>
      tpu.wait_indirect_dma semaphore(%arg20 : memref<!tpu.dma_semaphore, #tpu.memory_space<semaphore_mem>>) src(%arg15 : memref<112x8xf32, #tpu.memory_space<vmem>>) dst(%dma_wait3A_181 : memref<5120x8xf32, #tpu.memory_space<vmem_shared>>)
      %dma_wait3A_182 = arith.constant 0 : i32
      %dma_wait3A_183 = arith.constant 0 : i32
      %dma_wait3A_184 = tpu.memref_slice %arg17[%dma_wait3A_182, %dma_wait3A_183] : memref<5120x8xf32, #tpu.memory_space<vmem_shared>> -> memref<5120x8xf32, #tpu.memory_space<vmem_shared>>
      tpu.wait_indirect_dma semaphore(%arg20 : memref<!tpu.dma_semaphore, #tpu.memory_space<semaphore_mem>>) src(%arg15 : memref<112x8xf32, #tpu.memory_space<vmem>>) dst(%dma_wait3A_184 : memref<5120x8xf32, #tpu.memory_space<vmem_shared>>)
      %dma_wait3A_185 = arith.constant 0 : i32
      %dma_wait3A_186 = arith.constant 0 : i32
      %dma_wait3A_187 = tpu.memref_slice %arg17[%dma_wait3A_185, %dma_wait3A_186] : memref<5120x8xf32, #tpu.memory_space<vmem_shared>> -> memref<5120x8xf32, #tpu.memory_space<vmem_shared>>
      tpu.wait_indirect_dma semaphore(%arg20 : memref<!tpu.dma_semaphore, #tpu.memory_space<semaphore_mem>>) src(%arg15 : memref<112x8xf32, #tpu.memory_space<vmem>>) dst(%dma_wait3A_187 : memref<5120x8xf32, #tpu.memory_space<vmem_shared>>)
      %dma_wait3A_188 = arith.constant 0 : i32
      %dma_wait3A_189 = arith.constant 0 : i32
      %dma_wait3A_190 = tpu.memref_slice %arg17[%dma_wait3A_188, %dma_wait3A_189] : memref<5120x8xf32, #tpu.memory_space<vmem_shared>> -> memref<5120x8xf32, #tpu.memory_space<vmem_shared>>
      tpu.wait_indirect_dma semaphore(%arg20 : memref<!tpu.dma_semaphore, #tpu.memory_space<semaphore_mem>>) src(%arg15 : memref<112x8xf32, #tpu.memory_space<vmem>>) dst(%dma_wait3A_190 : memref<5120x8xf32, #tpu.memory_space<vmem_shared>>)
      %dma_wait3A_191 = arith.constant 0 : i32
      %dma_wait3A_192 = arith.constant 0 : i32
      %dma_wait3A_193 = tpu.memref_slice %arg17[%dma_wait3A_191, %dma_wait3A_192] : memref<5120x8xf32, #tpu.memory_space<vmem_shared>> -> memref<5120x8xf32, #tpu.memory_space<vmem_shared>>
      tpu.wait_indirect_dma semaphore(%arg20 : memref<!tpu.dma_semaphore, #tpu.memory_space<semaphore_mem>>) src(%arg15 : memref<112x8xf32, #tpu.memory_space<vmem>>) dst(%dma_wait3A_193 : memref<5120x8xf32, #tpu.memory_space<vmem_shared>>)
      %dma_wait3A_194 = arith.constant 0 : i32
      %dma_wait3A_195 = arith.constant 0 : i32
      %dma_wait3A_196 = tpu.memref_slice %arg17[%dma_wait3A_194, %dma_wait3A_195] : memref<5120x8xf32, #tpu.memory_space<vmem_shared>> -> memref<5120x8xf32, #tpu.memory_space<vmem_shared>>
      tpu.wait_indirect_dma semaphore(%arg20 : memref<!tpu.dma_semaphore, #tpu.memory_space<semaphore_mem>>) src(%arg15 : memref<112x8xf32, #tpu.memory_space<vmem>>) dst(%dma_wait3A_196 : memref<5120x8xf32, #tpu.memory_space<vmem_shared>>)
      %dma_wait3A_197 = arith.constant 0 : i32
      %dma_wait3A_198 = arith.constant 0 : i32
      %dma_wait3A_199 = tpu.memref_slice %arg17[%dma_wait3A_197, %dma_wait3A_198] : memref<5120x8xf32, #tpu.memory_space<vmem_shared>> -> memref<5120x8xf32, #tpu.memory_space<vmem_shared>>
      tpu.wait_indirect_dma semaphore(%arg20 : memref<!tpu.dma_semaphore, #tpu.memory_space<semaphore_mem>>) src(%arg15 : memref<112x8xf32, #tpu.memory_space<vmem>>) dst(%dma_wait3A_199 : memref<5120x8xf32, #tpu.memory_space<vmem_shared>>)
      %dma_wait3A_200 = arith.constant 0 : i32
      %dma_wait3A_201 = arith.constant 0 : i32
      %dma_wait3A_202 = tpu.memref_slice %arg17[%dma_wait3A_200, %dma_wait3A_201] : memref<5120x8xf32, #tpu.memory_space<vmem_shared>> -> memref<5120x8xf32, #tpu.memory_space<vmem_shared>>
      tpu.wait_indirect_dma semaphore(%arg20 : memref<!tpu.dma_semaphore, #tpu.memory_space<semaphore_mem>>) src(%arg15 : memref<112x8xf32, #tpu.memory_space<vmem>>) dst(%dma_wait3A_202 : memref<5120x8xf32, #tpu.memory_space<vmem_shared>>)
      %dma_wait3A_203 = arith.constant 0 : i32
      %dma_wait3A_204 = arith.constant 0 : i32
      %dma_wait3A_205 = tpu.memref_slice %arg17[%dma_wait3A_203, %dma_wait3A_204] : memref<5120x8xf32, #tpu.memory_space<vmem_shared>> -> memref<5120x8xf32, #tpu.memory_space<vmem_shared>>
      tpu.wait_indirect_dma semaphore(%arg20 : memref<!tpu.dma_semaphore, #tpu.memory_space<semaphore_mem>>) src(%arg15 : memref<112x8xf32, #tpu.memory_space<vmem>>) dst(%dma_wait3A_205 : memref<5120x8xf32, #tpu.memory_space<vmem_shared>>)
      %scan3A_206 = arith.constant 0 : i32
      scf.yield %scan3A_206 : i32
    }
    %scan3A_48 = arith.constant 10 : i32
    %mul3A_49 = arith.constant 45 : i32
    %mul3A_50 = arith.muli %add3A, %mul3A_49 : i32
    %mul3A_51 = arith.constant 112 : i32
    %mul3A_52 = arith.muli %mul3A_50, %mul3A_51 : i32
    %scan3A_53 = arith.constant 0 : i32
    %scan3A_54 = arith.constant 0 : i32
    %scan3A_55 = arith.constant 5 : i32
    %scan3A_56 = arith.addi %scan3A_54, %scan3A_55 : i32
    %scan3A_57 = arith.constant 1 : i32
    %scan3A_58 = scf.for %scan3A_69 = %scan3A_54 to %scan3A_56 step %scan3A_57 iter_args(%scan3A_70 = %scan3A_53) -> (i32)  : i32 {
      %mul3A_71 = arith.constant 9 : i32
      %mul3A_72 = arith.muli %scan3A_69, %mul3A_71 : i32
      %add3A_73 = arith.constant 0 : i32
      %add3A_74 = arith.addi %mul3A_72, %add3A_73 : i32
      %mul3A_75 = arith.constant 112 : i32
      %mul3A_76 = arith.muli %add3A_74, %mul3A_75 : i32
      %add3A_77 = arith.addi %mul3A_52, %mul3A_76 : i32
      %dma_start3A = tpu.memref_slice %arg3[%add3A_77] : memref<161280xi32, #tpu.memory_space<hbm>> -> memref<112xi32, #tpu.memory_space<hbm>>
      %dma_start3A_78 = tpu.memref_slice %arg3[%add3A_77] : memref<161280xi32, #tpu.memory_space<hbm>> -> memref<112xi32, #tpu.memory_space<hbm>>
      tpu.enqueue_dma source(%dma_start3A_78 : memref<112xi32, #tpu.memory_space<hbm>>) target(%arg6 : memref<112xi32, #tpu.memory_space<vmem>>) target_semaphore(%arg19 : memref<!tpu.dma_semaphore, #tpu.memory_space<semaphore_mem>>)
      %add3A_79 = arith.constant 1 : i32
      %add3A_80 = arith.addi %mul3A_72, %add3A_79 : i32
      %mul3A_81 = arith.constant 112 : i32
      %mul3A_82 = arith.muli %add3A_80, %mul3A_81 : i32
      %add3A_83 = arith.addi %mul3A_52, %mul3A_82 : i32
      %dma_start3A_84 = tpu.memref_slice %arg3[%add3A_83] : memref<161280xi32, #tpu.memory_space<hbm>> -> memref<112xi32, #tpu.memory_space<hbm>>
      %dma_start3A_85 = tpu.memref_slice %arg3[%add3A_83] : memref<161280xi32, #tpu.memory_space<hbm>> -> memref<112xi32, #tpu.memory_space<hbm>>
      tpu.enqueue_dma source(%dma_start3A_85 : memref<112xi32, #tpu.memory_space<hbm>>) target(%arg7 : memref<112xi32, #tpu.memory_space<vmem>>) target_semaphore(%arg19 : memref<!tpu.dma_semaphore, #tpu.memory_space<semaphore_mem>>)
      %add3A_86 = arith.constant 2 : i32
      %add3A_87 = arith.addi %mul3A_72, %add3A_86 : i32
      %mul3A_88 = arith.constant 112 : i32
      %mul3A_89 = arith.muli %add3A_87, %mul3A_88 : i32
      %add3A_90 = arith.addi %mul3A_52, %mul3A_89 : i32
      %dma_start3A_91 = tpu.memref_slice %arg3[%add3A_90] : memref<161280xi32, #tpu.memory_space<hbm>> -> memref<112xi32, #tpu.memory_space<hbm>>
      %dma_start3A_92 = tpu.memref_slice %arg3[%add3A_90] : memref<161280xi32, #tpu.memory_space<hbm>> -> memref<112xi32, #tpu.memory_space<hbm>>
      tpu.enqueue_dma source(%dma_start3A_92 : memref<112xi32, #tpu.memory_space<hbm>>) target(%arg8 : memref<112xi32, #tpu.memory_space<vmem>>) target_semaphore(%arg19 : memref<!tpu.dma_semaphore, #tpu.memory_space<semaphore_mem>>)
      %add3A_93 = arith.constant 3 : i32
      %add3A_94 = arith.addi %mul3A_72, %add3A_93 : i32
      %mul3A_95 = arith.constant 112 : i32
      %mul3A_96 = arith.muli %add3A_94, %mul3A_95 : i32
      %add3A_97 = arith.addi %mul3A_52, %mul3A_96 : i32
      %dma_start3A_98 = tpu.memref_slice %arg3[%add3A_97] : memref<161280xi32, #tpu.memory_space<hbm>> -> memref<112xi32, #tpu.memory_space<hbm>>
      %dma_start3A_99 = tpu.memref_slice %arg3[%add3A_97] : memref<161280xi32, #tpu.memory_space<hbm>> -> memref<112xi32, #tpu.memory_space<hbm>>
      tpu.enqueue_dma source(%dma_start3A_99 : memref<112xi32, #tpu.memory_space<hbm>>) target(%arg9 : memref<112xi32, #tpu.memory_space<vmem>>) target_semaphore(%arg19 : memref<!tpu.dma_semaphore, #tpu.memory_space<semaphore_mem>>)
      %add3A_100 = arith.constant 4 : i32
      %add3A_101 = arith.addi %mul3A_72, %add3A_100 : i32
      %mul3A_102 = arith.constant 112 : i32
      %mul3A_103 = arith.muli %add3A_101, %mul3A_102 : i32
      %add3A_104 = arith.addi %mul3A_52, %mul3A_103 : i32
      %dma_start3A_105 = tpu.memref_slice %arg3[%add3A_104] : memref<161280xi32, #tpu.memory_space<hbm>> -> memref<112xi32, #tpu.memory_space<hbm>>
      %dma_start3A_106 = tpu.memref_slice %arg3[%add3A_104] : memref<161280xi32, #tpu.memory_space<hbm>> -> memref<112xi32, #tpu.memory_space<hbm>>
      tpu.enqueue_dma source(%dma_start3A_106 : memref<112xi32, #tpu.memory_space<hbm>>) target(%arg10 : memref<112xi32, #tpu.memory_space<vmem>>) target_semaphore(%arg19 : memref<!tpu.dma_semaphore, #tpu.memory_space<semaphore_mem>>)
      %add3A_107 = arith.constant 5 : i32
      %add3A_108 = arith.addi %mul3A_72, %add3A_107 : i32
      %mul3A_109 = arith.constant 112 : i32
      %mul3A_110 = arith.muli %add3A_108, %mul3A_109 : i32
      %add3A_111 = arith.addi %mul3A_52, %mul3A_110 : i32
      %dma_start3A_112 = tpu.memref_slice %arg3[%add3A_111] : memref<161280xi32, #tpu.memory_space<hbm>> -> memref<112xi32, #tpu.memory_space<hbm>>
      %dma_start3A_113 = tpu.memref_slice %arg3[%add3A_111] : memref<161280xi32, #tpu.memory_space<hbm>> -> memref<112xi32, #tpu.memory_space<hbm>>
      tpu.enqueue_dma source(%dma_start3A_113 : memref<112xi32, #tpu.memory_space<hbm>>) target(%arg11 : memref<112xi32, #tpu.memory_space<vmem>>) target_semaphore(%arg19 : memref<!tpu.dma_semaphore, #tpu.memory_space<semaphore_mem>>)
      %add3A_114 = arith.constant 6 : i32
      %add3A_115 = arith.addi %mul3A_72, %add3A_114 : i32
      %mul3A_116 = arith.constant 112 : i32
      %mul3A_117 = arith.muli %add3A_115, %mul3A_116 : i32
      %add3A_118 = arith.addi %mul3A_52, %mul3A_117 : i32
      %dma_start3A_119 = tpu.memref_slice %arg3[%add3A_118] : memref<161280xi32, #tpu.memory_space<hbm>> -> memref<112xi32, #tpu.memory_space<hbm>>
      %dma_start3A_120 = tpu.memref_slice %arg3[%add3A_118] : memref<161280xi32, #tpu.memory_space<hbm>> -> memref<112xi32, #tpu.memory_space<hbm>>
      tpu.enqueue_dma source(%dma_start3A_120 : memref<112xi32, #tpu.memory_space<hbm>>) target(%arg12 : memref<112xi32, #tpu.memory_space<vmem>>) target_semaphore(%arg19 : memref<!tpu.dma_semaphore, #tpu.memory_space<semaphore_mem>>)
      %add3A_121 = arith.constant 7 : i32
      %add3A_122 = arith.addi %mul3A_72, %add3A_121 : i32
      %mul3A_123 = arith.constant 112 : i32
      %mul3A_124 = arith.muli %add3A_122, %mul3A_123 : i32
      %add3A_125 = arith.addi %mul3A_52, %mul3A_124 : i32
      %dma_start3A_126 = tpu.memref_slice %arg3[%add3A_125] : memref<161280xi32, #tpu.memory_space<hbm>> -> memref<112xi32, #tpu.memory_space<hbm>>
      %dma_start3A_127 = tpu.memref_slice %arg3[%add3A_125] : memref<161280xi32, #tpu.memory_space<hbm>> -> memref<112xi32, #tpu.memory_space<hbm>>
      tpu.enqueue_dma source(%dma_start3A_127 : memref<112xi32, #tpu.memory_space<hbm>>) target(%arg13 : memref<112xi32, #tpu.memory_space<vmem>>) target_semaphore(%arg19 : memref<!tpu.dma_semaphore, #tpu.memory_space<semaphore_mem>>)
      %add3A_128 = arith.constant 8 : i32
      %add3A_129 = arith.addi %mul3A_72, %add3A_128 : i32
      %mul3A_130 = arith.constant 112 : i32
      %mul3A_131 = arith.muli %add3A_129, %mul3A_130 : i32
      %add3A_132 = arith.addi %mul3A_52, %mul3A_131 : i32
      %dma_start3A_133 = tpu.memref_slice %arg3[%add3A_132] : memref<161280xi32, #tpu.memory_space<hbm>> -> memref<112xi32, #tpu.memory_space<hbm>>
      %dma_start3A_134 = tpu.memref_slice %arg3[%add3A_132] : memref<161280xi32, #tpu.memory_space<hbm>> -> memref<112xi32, #tpu.memory_space<hbm>>
      tpu.enqueue_dma source(%dma_start3A_134 : memref<112xi32, #tpu.memory_space<hbm>>) target(%arg14 : memref<112xi32, #tpu.memory_space<vmem>>) target_semaphore(%arg19 : memref<!tpu.dma_semaphore, #tpu.memory_space<semaphore_mem>>)
      %dma_wait3A = tpu.memref_slice %arg3[%add3A_77] : memref<161280xi32, #tpu.memory_space<hbm>> -> memref<112xi32, #tpu.memory_space<hbm>>
      %dma_wait3A_135 = tpu.memref_slice %arg3[%add3A_77] : memref<161280xi32, #tpu.memory_space<hbm>> -> memref<112xi32, #tpu.memory_space<hbm>>
      tpu.wait_dma2 semaphore(%arg19 : memref<!tpu.dma_semaphore, #tpu.memory_space<semaphore_mem>>) src(%dma_wait3A_135 : memref<112xi32, #tpu.memory_space<hbm>>) dst(%arg6 : memref<112xi32, #tpu.memory_space<vmem>>)
      %dma_wait3A_136 = tpu.memref_slice %arg3[%add3A_83] : memref<161280xi32, #tpu.memory_space<hbm>> -> memref<112xi32, #tpu.memory_space<hbm>>
      %dma_wait3A_137 = tpu.memref_slice %arg3[%add3A_83] : memref<161280xi32, #tpu.memory_space<hbm>> -> memref<112xi32, #tpu.memory_space<hbm>>
      tpu.wait_dma2 semaphore(%arg19 : memref<!tpu.dma_semaphore, #tpu.memory_space<semaphore_mem>>) src(%dma_wait3A_137 : memref<112xi32, #tpu.memory_space<hbm>>) dst(%arg7 : memref<112xi32, #tpu.memory_space<vmem>>)
      %dma_wait3A_138 = tpu.memref_slice %arg3[%add3A_90] : memref<161280xi32, #tpu.memory_space<hbm>> -> memref<112xi32, #tpu.memory_space<hbm>>
      %dma_wait3A_139 = tpu.memref_slice %arg3[%add3A_90] : memref<161280xi32, #tpu.memory_space<hbm>> -> memref<112xi32, #tpu.memory_space<hbm>>
      tpu.wait_dma2 semaphore(%arg19 : memref<!tpu.dma_semaphore, #tpu.memory_space<semaphore_mem>>) src(%dma_wait3A_139 : memref<112xi32, #tpu.memory_space<hbm>>) dst(%arg8 : memref<112xi32, #tpu.memory_space<vmem>>)
      %dma_wait3A_140 = tpu.memref_slice %arg3[%add3A_97] : memref<161280xi32, #tpu.memory_space<hbm>> -> memref<112xi32, #tpu.memory_space<hbm>>
      %dma_wait3A_141 = tpu.memref_slice %arg3[%add3A_97] : memref<161280xi32, #tpu.memory_space<hbm>> -> memref<112xi32, #tpu.memory_space<hbm>>
      tpu.wait_dma2 semaphore(%arg19 : memref<!tpu.dma_semaphore, #tpu.memory_space<semaphore_mem>>) src(%dma_wait3A_141 : memref<112xi32, #tpu.memory_space<hbm>>) dst(%arg9 : memref<112xi32, #tpu.memory_space<vmem>>)
      %dma_wait3A_142 = tpu.memref_slice %arg3[%add3A_104] : memref<161280xi32, #tpu.memory_space<hbm>> -> memref<112xi32, #tpu.memory_space<hbm>>
      %dma_wait3A_143 = tpu.memref_slice %arg3[%add3A_104] : memref<161280xi32, #tpu.memory_space<hbm>> -> memref<112xi32, #tpu.memory_space<hbm>>
      tpu.wait_dma2 semaphore(%arg19 : memref<!tpu.dma_semaphore, #tpu.memory_space<semaphore_mem>>) src(%dma_wait3A_143 : memref<112xi32, #tpu.memory_space<hbm>>) dst(%arg10 : memref<112xi32, #tpu.memory_space<vmem>>)
      %dma_wait3A_144 = tpu.memref_slice %arg3[%add3A_111] : memref<161280xi32, #tpu.memory_space<hbm>> -> memref<112xi32, #tpu.memory_space<hbm>>
      %dma_wait3A_145 = tpu.memref_slice %arg3[%add3A_111] : memref<161280xi32, #tpu.memory_space<hbm>> -> memref<112xi32, #tpu.memory_space<hbm>>
      tpu.wait_dma2 semaphore(%arg19 : memref<!tpu.dma_semaphore, #tpu.memory_space<semaphore_mem>>) src(%dma_wait3A_145 : memref<112xi32, #tpu.memory_space<hbm>>) dst(%arg11 : memref<112xi32, #tpu.memory_space<vmem>>)
      %dma_wait3A_146 = tpu.memref_slice %arg3[%add3A_118] : memref<161280xi32, #tpu.memory_space<hbm>> -> memref<112xi32, #tpu.memory_space<hbm>>
      %dma_wait3A_147 = tpu.memref_slice %arg3[%add3A_118] : memref<161280xi32, #tpu.memory_space<hbm>> -> memref<112xi32, #tpu.memory_space<hbm>>
      tpu.wait_dma2 semaphore(%arg19 : memref<!tpu.dma_semaphore, #tpu.memory_space<semaphore_mem>>) src(%dma_wait3A_147 : memref<112xi32, #tpu.memory_space<hbm>>) dst(%arg12 : memref<112xi32, #tpu.memory_space<vmem>>)
      %dma_wait3A_148 = tpu.memref_slice %arg3[%add3A_125] : memref<161280xi32, #tpu.memory_space<hbm>> -> memref<112xi32, #tpu.memory_space<hbm>>
      %dma_wait3A_149 = tpu.memref_slice %arg3[%add3A_125] : memref<161280xi32, #tpu.memory_space<hbm>> -> memref<112xi32, #tpu.memory_space<hbm>>
      tpu.wait_dma2 semaphore(%arg19 : memref<!tpu.dma_semaphore, #tpu.memory_space<semaphore_mem>>) src(%dma_wait3A_149 : memref<112xi32, #tpu.memory_space<hbm>>) dst(%arg13 : memref<112xi32, #tpu.memory_space<vmem>>)
      %dma_wait3A_150 = tpu.memref_slice %arg3[%add3A_132] : memref<161280xi32, #tpu.memory_space<hbm>> -> memref<112xi32, #tpu.memory_space<hbm>>
      %dma_wait3A_151 = tpu.memref_slice %arg3[%add3A_132] : memref<161280xi32, #tpu.memory_space<hbm>> -> memref<112xi32, #tpu.memory_space<hbm>>
      tpu.wait_dma2 semaphore(%arg19 : memref<!tpu.dma_semaphore, #tpu.memory_space<semaphore_mem>>) src(%dma_wait3A_151 : memref<112xi32, #tpu.memory_space<hbm>>) dst(%arg14 : memref<112xi32, #tpu.memory_space<vmem>>)
      %dma_start3A_152 = arith.constant 0 : i32
      %dma_start3A_153 = arith.constant 0 : i32
      %dma_start3A_154 = tpu.memref_slice %arg18[%dma_start3A_152, %dma_start3A_153] : memref<2048x8xf32, #tpu.memory_space<vmem_shared>> -> memref<2048x8xf32, #tpu.memory_space<vmem_shared>>
      tpu.enqueue_indirect_dma source(%arg15 : memref<112x8xf32, #tpu.memory_space<vmem>>) target(%dma_start3A_154 : memref<2048x8xf32, #tpu.memory_space<vmem_shared>>) offsets(%arg6 : memref<112xi32, #tpu.memory_space<vmem>>) semaphore(%arg20 : memref<!tpu.dma_semaphore, #tpu.memory_space<semaphore_mem>>) {add = true}
      %dma_start3A_155 = arith.constant 0 : i32
      %dma_start3A_156 = arith.constant 0 : i32
      %dma_start3A_157 = tpu.memref_slice %arg18[%dma_start3A_155, %dma_start3A_156] : memref<2048x8xf32, #tpu.memory_space<vmem_shared>> -> memref<2048x8xf32, #tpu.memory_space<vmem_shared>>
      tpu.enqueue_indirect_dma source(%arg15 : memref<112x8xf32, #tpu.memory_space<vmem>>) target(%dma_start3A_157 : memref<2048x8xf32, #tpu.memory_space<vmem_shared>>) offsets(%arg7 : memref<112xi32, #tpu.memory_space<vmem>>) semaphore(%arg20 : memref<!tpu.dma_semaphore, #tpu.memory_space<semaphore_mem>>) {add = true}
      %dma_start3A_158 = arith.constant 0 : i32
      %dma_start3A_159 = arith.constant 0 : i32
      %dma_start3A_160 = tpu.memref_slice %arg18[%dma_start3A_158, %dma_start3A_159] : memref<2048x8xf32, #tpu.memory_space<vmem_shared>> -> memref<2048x8xf32, #tpu.memory_space<vmem_shared>>
      tpu.enqueue_indirect_dma source(%arg15 : memref<112x8xf32, #tpu.memory_space<vmem>>) target(%dma_start3A_160 : memref<2048x8xf32, #tpu.memory_space<vmem_shared>>) offsets(%arg8 : memref<112xi32, #tpu.memory_space<vmem>>) semaphore(%arg20 : memref<!tpu.dma_semaphore, #tpu.memory_space<semaphore_mem>>) {add = true}
      %dma_start3A_161 = arith.constant 0 : i32
      %dma_start3A_162 = arith.constant 0 : i32
      %dma_start3A_163 = tpu.memref_slice %arg18[%dma_start3A_161, %dma_start3A_162] : memref<2048x8xf32, #tpu.memory_space<vmem_shared>> -> memref<2048x8xf32, #tpu.memory_space<vmem_shared>>
      tpu.enqueue_indirect_dma source(%arg15 : memref<112x8xf32, #tpu.memory_space<vmem>>) target(%dma_start3A_163 : memref<2048x8xf32, #tpu.memory_space<vmem_shared>>) offsets(%arg9 : memref<112xi32, #tpu.memory_space<vmem>>) semaphore(%arg20 : memref<!tpu.dma_semaphore, #tpu.memory_space<semaphore_mem>>) {add = true}
      %dma_start3A_164 = arith.constant 0 : i32
      %dma_start3A_165 = arith.constant 0 : i32
      %dma_start3A_166 = tpu.memref_slice %arg18[%dma_start3A_164, %dma_start3A_165] : memref<2048x8xf32, #tpu.memory_space<vmem_shared>> -> memref<2048x8xf32, #tpu.memory_space<vmem_shared>>
      tpu.enqueue_indirect_dma source(%arg15 : memref<112x8xf32, #tpu.memory_space<vmem>>) target(%dma_start3A_166 : memref<2048x8xf32, #tpu.memory_space<vmem_shared>>) offsets(%arg10 : memref<112xi32, #tpu.memory_space<vmem>>) semaphore(%arg20 : memref<!tpu.dma_semaphore, #tpu.memory_space<semaphore_mem>>) {add = true}
      %dma_start3A_167 = arith.constant 0 : i32
      %dma_start3A_168 = arith.constant 0 : i32
      %dma_start3A_169 = tpu.memref_slice %arg18[%dma_start3A_167, %dma_start3A_168] : memref<2048x8xf32, #tpu.memory_space<vmem_shared>> -> memref<2048x8xf32, #tpu.memory_space<vmem_shared>>
      tpu.enqueue_indirect_dma source(%arg15 : memref<112x8xf32, #tpu.memory_space<vmem>>) target(%dma_start3A_169 : memref<2048x8xf32, #tpu.memory_space<vmem_shared>>) offsets(%arg11 : memref<112xi32, #tpu.memory_space<vmem>>) semaphore(%arg20 : memref<!tpu.dma_semaphore, #tpu.memory_space<semaphore_mem>>) {add = true}
      %dma_start3A_170 = arith.constant 0 : i32
      %dma_start3A_171 = arith.constant 0 : i32
      %dma_start3A_172 = tpu.memref_slice %arg18[%dma_start3A_170, %dma_start3A_171] : memref<2048x8xf32, #tpu.memory_space<vmem_shared>> -> memref<2048x8xf32, #tpu.memory_space<vmem_shared>>
      tpu.enqueue_indirect_dma source(%arg15 : memref<112x8xf32, #tpu.memory_space<vmem>>) target(%dma_start3A_172 : memref<2048x8xf32, #tpu.memory_space<vmem_shared>>) offsets(%arg12 : memref<112xi32, #tpu.memory_space<vmem>>) semaphore(%arg20 : memref<!tpu.dma_semaphore, #tpu.memory_space<semaphore_mem>>) {add = true}
      %dma_start3A_173 = arith.constant 0 : i32
      %dma_start3A_174 = arith.constant 0 : i32
      %dma_start3A_175 = tpu.memref_slice %arg18[%dma_start3A_173, %dma_start3A_174] : memref<2048x8xf32, #tpu.memory_space<vmem_shared>> -> memref<2048x8xf32, #tpu.memory_space<vmem_shared>>
      tpu.enqueue_indirect_dma source(%arg15 : memref<112x8xf32, #tpu.memory_space<vmem>>) target(%dma_start3A_175 : memref<2048x8xf32, #tpu.memory_space<vmem_shared>>) offsets(%arg13 : memref<112xi32, #tpu.memory_space<vmem>>) semaphore(%arg20 : memref<!tpu.dma_semaphore, #tpu.memory_space<semaphore_mem>>) {add = true}
      %dma_start3A_176 = arith.constant 0 : i32
      %dma_start3A_177 = arith.constant 0 : i32
      %dma_start3A_178 = tpu.memref_slice %arg18[%dma_start3A_176, %dma_start3A_177] : memref<2048x8xf32, #tpu.memory_space<vmem_shared>> -> memref<2048x8xf32, #tpu.memory_space<vmem_shared>>
      tpu.enqueue_indirect_dma source(%arg15 : memref<112x8xf32, #tpu.memory_space<vmem>>) target(%dma_start3A_178 : memref<2048x8xf32, #tpu.memory_space<vmem_shared>>) offsets(%arg14 : memref<112xi32, #tpu.memory_space<vmem>>) semaphore(%arg20 : memref<!tpu.dma_semaphore, #tpu.memory_space<semaphore_mem>>) {add = true}
      %dma_wait3A_179 = arith.constant 0 : i32
      %dma_wait3A_180 = arith.constant 0 : i32
      %dma_wait3A_181 = tpu.memref_slice %arg18[%dma_wait3A_179, %dma_wait3A_180] : memref<2048x8xf32, #tpu.memory_space<vmem_shared>> -> memref<2048x8xf32, #tpu.memory_space<vmem_shared>>
      tpu.wait_indirect_dma semaphore(%arg20 : memref<!tpu.dma_semaphore, #tpu.memory_space<semaphore_mem>>) src(%arg15 : memref<112x8xf32, #tpu.memory_space<vmem>>) dst(%dma_wait3A_181 : memref<2048x8xf32, #tpu.memory_space<vmem_shared>>)
      %dma_wait3A_182 = arith.constant 0 : i32
      %dma_wait3A_183 = arith.constant 0 : i32
      %dma_wait3A_184 = tpu.memref_slice %arg18[%dma_wait3A_182, %dma_wait3A_183] : memref<2048x8xf32, #tpu.memory_space<vmem_shared>> -> memref<2048x8xf32, #tpu.memory_space<vmem_shared>>
      tpu.wait_indirect_dma semaphore(%arg20 : memref<!tpu.dma_semaphore, #tpu.memory_space<semaphore_mem>>) src(%arg15 : memref<112x8xf32, #tpu.memory_space<vmem>>) dst(%dma_wait3A_184 : memref<2048x8xf32, #tpu.memory_space<vmem_shared>>)
      %dma_wait3A_185 = arith.constant 0 : i32
      %dma_wait3A_186 = arith.constant 0 : i32
      %dma_wait3A_187 = tpu.memref_slice %arg18[%dma_wait3A_185, %dma_wait3A_186] : memref<2048x8xf32, #tpu.memory_space<vmem_shared>> -> memref<2048x8xf32, #tpu.memory_space<vmem_shared>>
      tpu.wait_indirect_dma semaphore(%arg20 : memref<!tpu.dma_semaphore, #tpu.memory_space<semaphore_mem>>) src(%arg15 : memref<112x8xf32, #tpu.memory_space<vmem>>) dst(%dma_wait3A_187 : memref<2048x8xf32, #tpu.memory_space<vmem_shared>>)
      %dma_wait3A_188 = arith.constant 0 : i32
      %dma_wait3A_189 = arith.constant 0 : i32
      %dma_wait3A_190 = tpu.memref_slice %arg18[%dma_wait3A_188, %dma_wait3A_189] : memref<2048x8xf32, #tpu.memory_space<vmem_shared>> -> memref<2048x8xf32, #tpu.memory_space<vmem_shared>>
      tpu.wait_indirect_dma semaphore(%arg20 : memref<!tpu.dma_semaphore, #tpu.memory_space<semaphore_mem>>) src(%arg15 : memref<112x8xf32, #tpu.memory_space<vmem>>) dst(%dma_wait3A_190 : memref<2048x8xf32, #tpu.memory_space<vmem_shared>>)
      %dma_wait3A_191 = arith.constant 0 : i32
      %dma_wait3A_192 = arith.constant 0 : i32
      %dma_wait3A_193 = tpu.memref_slice %arg18[%dma_wait3A_191, %dma_wait3A_192] : memref<2048x8xf32, #tpu.memory_space<vmem_shared>> -> memref<2048x8xf32, #tpu.memory_space<vmem_shared>>
      tpu.wait_indirect_dma semaphore(%arg20 : memref<!tpu.dma_semaphore, #tpu.memory_space<semaphore_mem>>) src(%arg15 : memref<112x8xf32, #tpu.memory_space<vmem>>) dst(%dma_wait3A_193 : memref<2048x8xf32, #tpu.memory_space<vmem_shared>>)
      %dma_wait3A_194 = arith.constant 0 : i32
      %dma_wait3A_195 = arith.constant 0 : i32
      %dma_wait3A_196 = tpu.memref_slice %arg18[%dma_wait3A_194, %dma_wait3A_195] : memref<2048x8xf32, #tpu.memory_space<vmem_shared>> -> memref<2048x8xf32, #tpu.memory_space<vmem_shared>>
      tpu.wait_indirect_dma semaphore(%arg20 : memref<!tpu.dma_semaphore, #tpu.memory_space<semaphore_mem>>) src(%arg15 : memref<112x8xf32, #tpu.memory_space<vmem>>) dst(%dma_wait3A_196 : memref<2048x8xf32, #tpu.memory_space<vmem_shared>>)
      %dma_wait3A_197 = arith.constant 0 : i32
      %dma_wait3A_198 = arith.constant 0 : i32
      %dma_wait3A_199 = tpu.memref_slice %arg18[%dma_wait3A_197, %dma_wait3A_198] : memref<2048x8xf32, #tpu.memory_space<vmem_shared>> -> memref<2048x8xf32, #tpu.memory_space<vmem_shared>>
      tpu.wait_indirect_dma semaphore(%arg20 : memref<!tpu.dma_semaphore, #tpu.memory_space<semaphore_mem>>) src(%arg15 : memref<112x8xf32, #tpu.memory_space<vmem>>) dst(%dma_wait3A_199 : memref<2048x8xf32, #tpu.memory_space<vmem_shared>>)
      %dma_wait3A_200 = arith.constant 0 : i32
      %dma_wait3A_201 = arith.constant 0 : i32
      %dma_wait3A_202 = tpu.memref_slice %arg18[%dma_wait3A_200, %dma_wait3A_201] : memref<2048x8xf32, #tpu.memory_space<vmem_shared>> -> memref<2048x8xf32, #tpu.memory_space<vmem_shared>>
      tpu.wait_indirect_dma semaphore(%arg20 : memref<!tpu.dma_semaphore, #tpu.memory_space<semaphore_mem>>) src(%arg15 : memref<112x8xf32, #tpu.memory_space<vmem>>) dst(%dma_wait3A_202 : memref<2048x8xf32, #tpu.memory_space<vmem_shared>>)
      %dma_wait3A_203 = arith.constant 0 : i32
      %dma_wait3A_204 = arith.constant 0 : i32
      %dma_wait3A_205 = tpu.memref_slice %arg18[%dma_wait3A_203, %dma_wait3A_204] : memref<2048x8xf32, #tpu.memory_space<vmem_shared>> -> memref<2048x8xf32, #tpu.memory_space<vmem_shared>>
      tpu.wait_indirect_dma semaphore(%arg20 : memref<!tpu.dma_semaphore, #tpu.memory_space<semaphore_mem>>) src(%arg15 : memref<112x8xf32, #tpu.memory_space<vmem>>) dst(%dma_wait3A_205 : memref<2048x8xf32, #tpu.memory_space<vmem_shared>>)
      %scan3A_206 = arith.constant 0 : i32
      scf.yield %scan3A_206 : i32
    }
    %scan3A_59 = arith.constant 5 : i32
    %barrier3A_60 = arith.constant 0 : index
    tpu.barrier barrier_id(%barrier3A_60)
    %mul3A_61 = arith.constant 320 : i32
    %mul3A_62 = arith.muli %arg1, %mul3A_61 : i32
    %mul3A_63 = arith.constant 320 : i32
    %mul3A_64 = arith.muli %arg1, %mul3A_63 : i32
    "tpu.region"() ({
      %run_scoped3A = tpu.sem_alloc : memref<!tpu.dma_semaphore, #tpu.memory_space<semaphore_mem>>
      %dma_start3A = arith.constant 0 : i32
      %dma_start3A_69 = tpu.memref_slice %arg4[%arg0, %mul3A_64, %dma_start3A] : memref<2x5120x8xf32, #tpu.memory_space<hbm>> -> memref<1x320x8xf32, #tpu.memory_space<hbm>>
      %dma_start3A_70 = tpu.memref_squeeze %dma_start3A_69 : memref<1x320x8xf32, #tpu.memory_space<hbm>> -> memref<320x8xf32, #tpu.memory_space<hbm>>
      %dma_start3A_71 = arith.constant 0 : i32
      %dma_start3A_72 = tpu.memref_slice %arg17[%mul3A_62, %dma_start3A_71] : memref<5120x8xf32, #tpu.memory_space<vmem_shared>> -> memref<320x8xf32, #tpu.memory_space<vmem_shared>>
      tpu.enqueue_dma source(%dma_start3A_72 : memref<320x8xf32, #tpu.memory_space<vmem_shared>>) target(%dma_start3A_70 : memref<320x8xf32, #tpu.memory_space<hbm>>) target_semaphore(%run_scoped3A : memref<!tpu.dma_semaphore, #tpu.memory_space<semaphore_mem>>)
      %dma_wait3A = arith.constant 0 : i32
      %dma_wait3A_73 = tpu.memref_slice %arg4[%arg0, %mul3A_64, %dma_wait3A] : memref<2x5120x8xf32, #tpu.memory_space<hbm>> -> memref<1x320x8xf32, #tpu.memory_space<hbm>>
      %dma_wait3A_74 = tpu.memref_squeeze %dma_wait3A_73 : memref<1x320x8xf32, #tpu.memory_space<hbm>> -> memref<320x8xf32, #tpu.memory_space<hbm>>
      %dma_wait3A_75 = arith.constant 0 : i32
      %dma_wait3A_76 = tpu.memref_slice %arg17[%mul3A_62, %dma_wait3A_75] : memref<5120x8xf32, #tpu.memory_space<vmem_shared>> -> memref<320x8xf32, #tpu.memory_space<vmem_shared>>
      tpu.wait_dma2 semaphore(%run_scoped3A : memref<!tpu.dma_semaphore, #tpu.memory_space<semaphore_mem>>) src(%dma_wait3A_76 : memref<320x8xf32, #tpu.memory_space<vmem_shared>>) dst(%dma_wait3A_74 : memref<320x8xf32, #tpu.memory_space<hbm>>)
      tpu.yield
    }) : () -> ()
    %mul3A_65 = arith.constant 128 : i32
    %mul3A_66 = arith.muli %arg1, %mul3A_65 : i32
    %mul3A_67 = arith.constant 128 : i32
    %mul3A_68 = arith.muli %arg1, %mul3A_67 : i32
    "tpu.region"() ({
      %run_scoped3A = tpu.sem_alloc : memref<!tpu.dma_semaphore, #tpu.memory_space<semaphore_mem>>
      %dma_start3A = arith.constant 0 : i32
      %dma_start3A_69 = tpu.memref_slice %arg5[%arg0, %mul3A_68, %dma_start3A] : memref<2x2048x8xf32, #tpu.memory_space<hbm>> -> memref<1x128x8xf32, #tpu.memory_space<hbm>>
      %dma_start3A_70 = tpu.memref_squeeze %dma_start3A_69 : memref<1x128x8xf32, #tpu.memory_space<hbm>> -> memref<128x8xf32, #tpu.memory_space<hbm>>
      %dma_start3A_71 = arith.constant 0 : i32
      %dma_start3A_72 = tpu.memref_slice %arg18[%mul3A_66, %dma_start3A_71] : memref<2048x8xf32, #tpu.memory_space<vmem_shared>> -> memref<128x8xf32, #tpu.memory_space<vmem_shared>>
      tpu.enqueue_dma source(%dma_start3A_72 : memref<128x8xf32, #tpu.memory_space<vmem_shared>>) target(%dma_start3A_70 : memref<128x8xf32, #tpu.memory_space<hbm>>) target_semaphore(%run_scoped3A : memref<!tpu.dma_semaphore, #tpu.memory_space<semaphore_mem>>)
      %dma_wait3A = arith.constant 0 : i32
      %dma_wait3A_73 = tpu.memref_slice %arg5[%arg0, %mul3A_68, %dma_wait3A] : memref<2x2048x8xf32, #tpu.memory_space<hbm>> -> memref<1x128x8xf32, #tpu.memory_space<hbm>>
      %dma_wait3A_74 = tpu.memref_squeeze %dma_wait3A_73 : memref<1x128x8xf32, #tpu.memory_space<hbm>> -> memref<128x8xf32, #tpu.memory_space<hbm>>
      %dma_wait3A_75 = arith.constant 0 : i32
      %dma_wait3A_76 = tpu.memref_slice %arg18[%mul3A_66, %dma_wait3A_75] : memref<2048x8xf32, #tpu.memory_space<vmem_shared>> -> memref<128x8xf32, #tpu.memory_space<vmem_shared>>
      tpu.wait_dma2 semaphore(%run_scoped3A : memref<!tpu.dma_semaphore, #tpu.memory_space<semaphore_mem>>) src(%dma_wait3A_76 : memref<128x8xf32, #tpu.memory_space<vmem_shared>>) dst(%dma_wait3A_74 : memref<128x8xf32, #tpu.memory_space<hbm>>)
      tpu.yield
    }) : () -> ()
    return
  }
}

#map = affine_map<(d0, d1) -> (0, 0)>
#map1 = affine_map<(d0, d1) -> (0)>
#map2 = affine_map<(d0, d1) -> (0, 0, 0)>
module attributes {stable_mosaic.version = 14 : i64} {
  func.func @k(%arg0: i32, %arg1: i32, %arg2: memref<10000x128xf32, #tpu.memory_space<hbm>>, %arg3: memref<645120xi32, #tpu.memory_space<hbm>>, %arg4: memref<2x5120x128xf32, #tpu.memory_space<hbm>>, %arg5: memref<112xi32, #tpu.memory_space<vmem>>, %arg6: memref<112xi32, #tpu.memory_space<vmem>>, %arg7: memref<112xi32, #tpu.memory_space<vmem>>, %arg8: memref<112xi32, #tpu.memory_space<vmem>>, %arg9: memref<112xi32, #tpu.memory_space<vmem>>, %arg10: memref<112xi32, #tpu.memory_space<vmem>>, %arg11: memref<112xi32, #tpu.memory_space<vmem>>, %arg12: memref<112xi32, #tpu.memory_space<vmem>>, %arg13: memref<112xi32, #tpu.memory_space<vmem>>, %arg14: memref<112xi32, #tpu.memory_space<vmem>>, %arg15: memref<112xi32, #tpu.memory_space<vmem>>, %arg16: memref<112xi32, #tpu.memory_space<vmem>>, %arg17: memref<112x128xf32, #tpu.memory_space<vmem>>, %arg18: memref<112x128xf32, #tpu.memory_space<vmem>>, %arg19: memref<112x128xf32, #tpu.memory_space<vmem>>, %arg20: memref<112x128xf32, #tpu.memory_space<vmem>>, %arg21: memref<112x128xf32, #tpu.memory_space<vmem>>, %arg22: memref<112x128xf32, #tpu.memory_space<vmem>>, %arg23: memref<8x128xf32, #tpu.memory_space<vmem>>, %arg24: memref<5120x128xf32, #tpu.memory_space<vmem_shared>>, %arg25: memref<!tpu.dma_semaphore, #tpu.memory_space<semaphore_mem>>, %arg26: memref<!tpu.dma_semaphore, #tpu.memory_space<semaphore_mem>>, %arg27: memref<!tpu.dma_semaphore, #tpu.memory_space<semaphore_mem>>, %arg28: memref<!tpu.dma_semaphore, #tpu.memory_space<semaphore_mem>>) attributes {dimension_semantics = [#tpu.dimension_semantics<core_parallel>, #tpu.dimension_semantics<subcore_parallel>], iteration_bounds = array<i64: 2, 16>, scalar_prefetch = 0 : i64, scratch_operands = 24 : i64, tpu.core_type = #tpu.core_type<sc_vector_subcore>, window_params = [{transform_indices = #map}, {transform_indices = #map1}, {transform_indices = #map2}]} {
    %broadcast_in_dim3A = arith.constant 0.000000e+00 : f32
    %broadcast_in_dim3A_0 = vector.broadcast %broadcast_in_dim3A : f32 to vector<16xf32>
    %scan3A = arith.constant 0 : i32
    %scan3A_1 = arith.constant 0 : i32
    %scan3A_2 = arith.constant 64 : i32
    %scan3A_3 = arith.addi %scan3A_1, %scan3A_2 : i32
    %scan3A_4 = arith.constant 1 : i32
    %scan3A_5 = scf.for %scan3A_48 = %scan3A_1 to %scan3A_3 step %scan3A_4 iter_args(%scan3A_49 = %scan3A) -> (i32)  : i32 {
      %jit3A_50 = arith.constant 8 : i32
      %div3A = arith.divsi %scan3A_48, %jit3A_50 : i32
      %sign3A = arith.constant 0 : i32
      %sign3A_51 = arith.cmpi sgt, %scan3A_48, %sign3A : i32
      %sign3A_52 = arith.extui %sign3A_51 : i1 to i32
      %sign3A_53 = arith.constant 0 : i32
      %sign3A_54 = arith.cmpi slt, %scan3A_48, %sign3A_53 : i32
      %sign3A_55 = arith.extui %sign3A_54 : i1 to i32
      %sign3A_56 = arith.subi %sign3A_52, %sign3A_55 : i32
      %sign3A_57 = arith.constant 0 : i32
      %sign3A_58 = arith.cmpi sgt, %jit3A_50, %sign3A_57 : i32
      %sign3A_59 = arith.extui %sign3A_58 : i1 to i32
      %sign3A_60 = arith.constant 0 : i32
      %sign3A_61 = arith.cmpi slt, %jit3A_50, %sign3A_60 : i32
      %sign3A_62 = arith.extui %sign3A_61 : i1 to i32
      %sign3A_63 = arith.subi %sign3A_59, %sign3A_62 : i32
      %ne3A = arith.cmpi ne, %sign3A_56, %sign3A_63 : i32
      %rem3A = arith.remsi %scan3A_48, %jit3A_50 : i32
      %ne3A_64 = arith.constant 0 : i32
      %ne3A_65 = arith.cmpi ne, %rem3A, %ne3A_64 : i32
      %and3A = arith.andi %ne3A, %ne3A_65 : i1
      %sub3A = arith.constant 1 : i32
      %sub3A_66 = arith.subi %div3A, %sub3A : i32
      %select_n3A_67 = arith.select %and3A, %sub3A_66, %div3A : i32
      %jit3A_68 = arith.constant 8 : i32
      %eq3A_69 = arith.constant 0 : i32
      %eq3A_70 = arith.cmpi eq, %jit3A_68, %eq3A_69 : i32
      %jit3A_71 = arith.constant 1 : i32
      %select_n3A_72 = arith.select %eq3A_70, %jit3A_71, %jit3A_68 : i32
      %rem3A_73 = arith.remsi %scan3A_48, %select_n3A_72 : i32
      %ne3A_74 = arith.constant 0 : i32
      %ne3A_75 = arith.cmpi ne, %rem3A_73, %ne3A_74 : i32
      %lt3A = arith.constant 0 : i32
      %lt3A_76 = arith.cmpi slt, %rem3A_73, %lt3A : i32
      %lt3A_77 = arith.constant 0 : i32
      %lt3A_78 = arith.cmpi slt, %select_n3A_72, %lt3A_77 : i32
      %ne3A_79 = arith.xori %lt3A_76, %lt3A_78 : i1
      %and3A_80 = arith.andi %ne3A_79, %ne3A_75 : i1
      %add3A_81 = arith.addi %rem3A_73, %select_n3A_72 : i32
      %select_n3A_82 = arith.select %and3A_80, %add3A_81, %rem3A_73 : i32
      %mul3A_83 = arith.constant 16 : i32
      %mul3A_84 = arith.muli %select_n3A_82, %mul3A_83 : i32
      %swap3A = arith.index_cast %select_n3A_67 : i32 to index
      %swap3A_85 = arith.index_cast %mul3A_84 : i32 to index
      %swap3A_86 = tpu.vector_load %arg23[%swap3A, %swap3A_85] {strides = array<i32>} : memref<8x128xf32, #tpu.memory_space<vmem>>, vector<1x16xf32>,
      %swap3A_87 = vector.shape_cast %swap3A_86 : vector<1x16xf32> to vector<16xf32>
      %swap3A_88 = vector.shape_cast %broadcast_in_dim3A_0 : vector<16xf32> to vector<1x16xf32>
      tpu.vector_store %arg23[%swap3A, %swap3A_85], %swap3A_88 {strides = array<i32>} : memref<8x128xf32, #tpu.memory_space<vmem>>, vector<1x16xf32>,
      %scan3A_89 = arith.constant 0 : i32
      scf.yield %scan3A_89 : i32
    }
    %scan3A_6 = arith.constant 64 : i32
    %mul3A = arith.constant 320 : i32
    %mul3A_7 = arith.muli %arg1, %mul3A : i32
    %scan3A_8 = arith.constant 0 : i32
    %scan3A_9 = arith.constant 0 : i32
    %scan3A_10 = arith.constant 40 : i32
    %scan3A_11 = arith.addi %scan3A_9, %scan3A_10 : i32
    %scan3A_12 = arith.constant 1 : i32
    %scan3A_13 = scf.for %scan3A_48 = %scan3A_9 to %scan3A_11 step %scan3A_12 iter_args(%scan3A_49 = %scan3A_8) -> (i32)  : i32 {
      %mul3A_50 = arith.constant 8 : i32
      %mul3A_51 = arith.muli %scan3A_48, %mul3A_50 : i32
      %add3A_52 = arith.addi %mul3A_7, %mul3A_51 : i32
      %dma_start3A = arith.constant 0 : i32
      %dma_start3A_53 = tpu.memref_slice %arg24[%add3A_52, %dma_start3A] : memref<5120x128xf32, #tpu.memory_space<vmem_shared>> -> memref<8x128xf32, #tpu.memory_space<vmem_shared>>
      %dma_start3A_54 = arith.constant 0 : i32
      %dma_start3A_55 = tpu.memref_slice %arg24[%add3A_52, %dma_start3A_54] : memref<5120x128xf32, #tpu.memory_space<vmem_shared>> -> memref<8x128xf32, #tpu.memory_space<vmem_shared>>
      tpu.enqueue_dma source(%arg23 : memref<8x128xf32, #tpu.memory_space<vmem>>) target(%dma_start3A_55 : memref<8x128xf32, #tpu.memory_space<vmem_shared>>) target_semaphore(%arg28 : memref<!tpu.dma_semaphore, #tpu.memory_space<semaphore_mem>>)
      %scan3A_56 = arith.constant 0 : i32
      scf.yield %scan3A_56 : i32
    }
    %scan3A_14 = arith.constant 40 : i32
    %scan3A_15 = arith.constant 0 : i32
    %scan3A_16 = arith.constant 0 : i32
    %scan3A_17 = arith.constant 40 : i32
    %scan3A_18 = arith.addi %scan3A_16, %scan3A_17 : i32
    %scan3A_19 = arith.constant 1 : i32
    %scan3A_20 = scf.for %scan3A_48 = %scan3A_16 to %scan3A_18 step %scan3A_19 iter_args(%scan3A_49 = %scan3A_15) -> (i32)  : i32 {
      %dma_wait3A = arith.constant 0 : i32
      %dma_wait3A_50 = tpu.memref_slice %arg24[%mul3A_7, %dma_wait3A] : memref<5120x128xf32, #tpu.memory_space<vmem_shared>> -> memref<8x128xf32, #tpu.memory_space<vmem_shared>>
      %dma_wait3A_51 = arith.constant 0 : i32
      %dma_wait3A_52 = tpu.memref_slice %arg24[%mul3A_7, %dma_wait3A_51] : memref<5120x128xf32, #tpu.memory_space<vmem_shared>> -> memref<8x128xf32, #tpu.memory_space<vmem_shared>>
      tpu.wait_dma2 semaphore(%arg28 : memref<!tpu.dma_semaphore, #tpu.memory_space<semaphore_mem>>) src(%arg23 : memref<8x128xf32, #tpu.memory_space<vmem>>) dst(%dma_wait3A_52 : memref<8x128xf32, #tpu.memory_space<vmem_shared>>)
      %scan3A_53 = arith.constant 0 : i32
      scf.yield %scan3A_53 : i32
    }
    %scan3A_21 = arith.constant 40 : i32
    %barrier3A = arith.constant 0 : index
    tpu.barrier barrier_id(%barrier3A)
    %eq3A = arith.constant 0 : i32
    %eq3A_22 = arith.cmpi eq, %arg0, %eq3A : i32
    %jit3A = arith.constant 18 : i32
    %jit3A_23 = arith.constant 12 : i32
    %select_n3A = arith.select %eq3A_22, %jit3A, %jit3A_23 : i32
    %mul3A_24 = arith.constant 1728 : i32
    %mul3A_25 = arith.muli %arg0, %mul3A_24 : i32
    %eq3A_26 = arith.constant 0 : i32
    %eq3A_27 = arith.cmpi eq, %arg0, %eq3A_26 : i32
    %jit3A_28 = arith.constant 108 : i32
    %jit3A_29 = arith.constant 72 : i32
    %select_n3A_30 = arith.select %eq3A_27, %jit3A_28, %jit3A_29 : i32
    %mul3A_31 = arith.muli %arg1, %select_n3A_30 : i32
    %add3A = arith.addi %mul3A_25, %mul3A_31 : i32
    %mul3A_32 = arith.constant 2 : i32
    %mul3A_33 = arith.muli %add3A, %mul3A_32 : i32
    %mul3A_34 = arith.constant 112 : i32
    %mul3A_35 = arith.muli %mul3A_33, %mul3A_34 : i32
    %while3A = arith.constant 0 : i32
    %while3A_36 = arith.constant 0 : i32
    %while3A_37 = arith.subi %select_n3A, %while3A : i32
    %while3A_38 = arith.addi %while3A, %while3A_37 : i32
    %while3A_39 = arith.constant 1 : i32
    %while3A_40 = arith.divsi %while3A_37, %while3A_39 : i32
    %while3A_41 = arith.muli %while3A_40, %while3A_39 : i32
    %while3A_42 = arith.addi %while3A, %while3A_41 : i32
    %while3A_43 = arith.constant 1 : i32
    %while3A_44 = scf.for %while3A_48 = %while3A to %while3A_42 step %while3A_43 iter_args(%while3A_49 = %while3A_36) -> (i32)  : i32 {
      %mul3A_50 = arith.constant 2 : i32
      %mul3A_51 = arith.muli %mul3A_50, %while3A_48 : i32
      %mul3A_52 = arith.constant 3 : i32
      %mul3A_53 = arith.muli %mul3A_51, %mul3A_52 : i32
      %add3A_54 = arith.constant 0 : i32
      %add3A_55 = arith.addi %mul3A_53, %add3A_54 : i32
      %mul3A_56 = arith.constant 2 : i32
      %mul3A_57 = arith.muli %add3A_55, %mul3A_56 : i32
      %mul3A_58 = arith.constant 112 : i32
      %mul3A_59 = arith.muli %mul3A_57, %mul3A_58 : i32
      %add3A_60 = arith.addi %mul3A_35, %mul3A_59 : i32
      %dma_start3A = tpu.memref_slice %arg3[%add3A_60] : memref<645120xi32, #tpu.memory_space<hbm>> -> memref<112xi32, #tpu.memory_space<hbm>>
      %dma_start3A_61 = tpu.memref_slice %arg3[%add3A_60] : memref<645120xi32, #tpu.memory_space<hbm>> -> memref<112xi32, #tpu.memory_space<hbm>>
      tpu.enqueue_dma source(%dma_start3A_61 : memref<112xi32, #tpu.memory_space<hbm>>) target(%arg5 : memref<112xi32, #tpu.memory_space<vmem>>) target_semaphore(%arg25 : memref<!tpu.dma_semaphore, #tpu.memory_space<semaphore_mem>>)
      %add3A_62 = arith.constant 112 : i32
      %add3A_63 = arith.addi %add3A_60, %add3A_62 : i32
      %dma_start3A_64 = tpu.memref_slice %arg3[%add3A_63] : memref<645120xi32, #tpu.memory_space<hbm>> -> memref<112xi32, #tpu.memory_space<hbm>>
      %dma_start3A_65 = tpu.memref_slice %arg3[%add3A_63] : memref<645120xi32, #tpu.memory_space<hbm>> -> memref<112xi32, #tpu.memory_space<hbm>>
      tpu.enqueue_dma source(%dma_start3A_65 : memref<112xi32, #tpu.memory_space<hbm>>) target(%arg11 : memref<112xi32, #tpu.memory_space<vmem>>) target_semaphore(%arg25 : memref<!tpu.dma_semaphore, #tpu.memory_space<semaphore_mem>>)
      %mul3A_66 = arith.constant 3 : i32
      %mul3A_67 = arith.muli %mul3A_51, %mul3A_66 : i32
      %add3A_68 = arith.constant 1 : i32
      %add3A_69 = arith.addi %mul3A_67, %add3A_68 : i32
      %mul3A_70 = arith.constant 2 : i32
      %mul3A_71 = arith.muli %add3A_69, %mul3A_70 : i32
      %mul3A_72 = arith.constant 112 : i32
      %mul3A_73 = arith.muli %mul3A_71, %mul3A_72 : i32
      %add3A_74 = arith.addi %mul3A_35, %mul3A_73 : i32
      %dma_start3A_75 = tpu.memref_slice %arg3[%add3A_74] : memref<645120xi32, #tpu.memory_space<hbm>> -> memref<112xi32, #tpu.memory_space<hbm>>
      %dma_start3A_76 = tpu.memref_slice %arg3[%add3A_74] : memref<645120xi32, #tpu.memory_space<hbm>> -> memref<112xi32, #tpu.memory_space<hbm>>
      tpu.enqueue_dma source(%dma_start3A_76 : memref<112xi32, #tpu.memory_space<hbm>>) target(%arg6 : memref<112xi32, #tpu.memory_space<vmem>>) target_semaphore(%arg25 : memref<!tpu.dma_semaphore, #tpu.memory_space<semaphore_mem>>)
      %add3A_77 = arith.constant 112 : i32
      %add3A_78 = arith.addi %add3A_74, %add3A_77 : i32
      %dma_start3A_79 = tpu.memref_slice %arg3[%add3A_78] : memref<645120xi32, #tpu.memory_space<hbm>> -> memref<112xi32, #tpu.memory_space<hbm>>
      %dma_start3A_80 = tpu.memref_slice %arg3[%add3A_78] : memref<645120xi32, #tpu.memory_space<hbm>> -> memref<112xi32, #tpu.memory_space<hbm>>
      tpu.enqueue_dma source(%dma_start3A_80 : memref<112xi32, #tpu.memory_space<hbm>>) target(%arg12 : memref<112xi32, #tpu.memory_space<vmem>>) target_semaphore(%arg25 : memref<!tpu.dma_semaphore, #tpu.memory_space<semaphore_mem>>)
      %mul3A_81 = arith.constant 3 : i32
      %mul3A_82 = arith.muli %mul3A_51, %mul3A_81 : i32
      %add3A_83 = arith.constant 2 : i32
      %add3A_84 = arith.addi %mul3A_82, %add3A_83 : i32
      %mul3A_85 = arith.constant 2 : i32
      %mul3A_86 = arith.muli %add3A_84, %mul3A_85 : i32
      %mul3A_87 = arith.constant 112 : i32
      %mul3A_88 = arith.muli %mul3A_86, %mul3A_87 : i32
      %add3A_89 = arith.addi %mul3A_35, %mul3A_88 : i32
      %dma_start3A_90 = tpu.memref_slice %arg3[%add3A_89] : memref<645120xi32, #tpu.memory_space<hbm>> -> memref<112xi32, #tpu.memory_space<hbm>>
      %dma_start3A_91 = tpu.memref_slice %arg3[%add3A_89] : memref<645120xi32, #tpu.memory_space<hbm>> -> memref<112xi32, #tpu.memory_space<hbm>>
      tpu.enqueue_dma source(%dma_start3A_91 : memref<112xi32, #tpu.memory_space<hbm>>) target(%arg7 : memref<112xi32, #tpu.memory_space<vmem>>) target_semaphore(%arg25 : memref<!tpu.dma_semaphore, #tpu.memory_space<semaphore_mem>>)
      %add3A_92 = arith.constant 112 : i32
      %add3A_93 = arith.addi %add3A_89, %add3A_92 : i32
      %dma_start3A_94 = tpu.memref_slice %arg3[%add3A_93] : memref<645120xi32, #tpu.memory_space<hbm>> -> memref<112xi32, #tpu.memory_space<hbm>>
      %dma_start3A_95 = tpu.memref_slice %arg3[%add3A_93] : memref<645120xi32, #tpu.memory_space<hbm>> -> memref<112xi32, #tpu.memory_space<hbm>>
      tpu.enqueue_dma source(%dma_start3A_95 : memref<112xi32, #tpu.memory_space<hbm>>) target(%arg13 : memref<112xi32, #tpu.memory_space<vmem>>) target_semaphore(%arg25 : memref<!tpu.dma_semaphore, #tpu.memory_space<semaphore_mem>>)
      %dma_wait3A = tpu.memref_slice %arg3[%add3A_60] : memref<645120xi32, #tpu.memory_space<hbm>> -> memref<112xi32, #tpu.memory_space<hbm>>
      %dma_wait3A_96 = tpu.memref_slice %arg3[%add3A_60] : memref<645120xi32, #tpu.memory_space<hbm>> -> memref<112xi32, #tpu.memory_space<hbm>>
      tpu.wait_dma2 semaphore(%arg25 : memref<!tpu.dma_semaphore, #tpu.memory_space<semaphore_mem>>) src(%dma_wait3A_96 : memref<112xi32, #tpu.memory_space<hbm>>) dst(%arg5 : memref<112xi32, #tpu.memory_space<vmem>>)
      %dma_wait3A_97 = tpu.memref_slice %arg3[%add3A_63] : memref<645120xi32, #tpu.memory_space<hbm>> -> memref<112xi32, #tpu.memory_space<hbm>>
      %dma_wait3A_98 = tpu.memref_slice %arg3[%add3A_63] : memref<645120xi32, #tpu.memory_space<hbm>> -> memref<112xi32, #tpu.memory_space<hbm>>
      tpu.wait_dma2 semaphore(%arg25 : memref<!tpu.dma_semaphore, #tpu.memory_space<semaphore_mem>>) src(%dma_wait3A_98 : memref<112xi32, #tpu.memory_space<hbm>>) dst(%arg11 : memref<112xi32, #tpu.memory_space<vmem>>)
      %dma_wait3A_99 = tpu.memref_slice %arg3[%add3A_74] : memref<645120xi32, #tpu.memory_space<hbm>> -> memref<112xi32, #tpu.memory_space<hbm>>
      %dma_wait3A_100 = tpu.memref_slice %arg3[%add3A_74] : memref<645120xi32, #tpu.memory_space<hbm>> -> memref<112xi32, #tpu.memory_space<hbm>>
      tpu.wait_dma2 semaphore(%arg25 : memref<!tpu.dma_semaphore, #tpu.memory_space<semaphore_mem>>) src(%dma_wait3A_100 : memref<112xi32, #tpu.memory_space<hbm>>) dst(%arg6 : memref<112xi32, #tpu.memory_space<vmem>>)
      %dma_wait3A_101 = tpu.memref_slice %arg3[%add3A_78] : memref<645120xi32, #tpu.memory_space<hbm>> -> memref<112xi32, #tpu.memory_space<hbm>>
      %dma_wait3A_102 = tpu.memref_slice %arg3[%add3A_78] : memref<645120xi32, #tpu.memory_space<hbm>> -> memref<112xi32, #tpu.memory_space<hbm>>
      tpu.wait_dma2 semaphore(%arg25 : memref<!tpu.dma_semaphore, #tpu.memory_space<semaphore_mem>>) src(%dma_wait3A_102 : memref<112xi32, #tpu.memory_space<hbm>>) dst(%arg12 : memref<112xi32, #tpu.memory_space<vmem>>)
      %dma_wait3A_103 = tpu.memref_slice %arg3[%add3A_89] : memref<645120xi32, #tpu.memory_space<hbm>> -> memref<112xi32, #tpu.memory_space<hbm>>
      %dma_wait3A_104 = tpu.memref_slice %arg3[%add3A_89] : memref<645120xi32, #tpu.memory_space<hbm>> -> memref<112xi32, #tpu.memory_space<hbm>>
      tpu.wait_dma2 semaphore(%arg25 : memref<!tpu.dma_semaphore, #tpu.memory_space<semaphore_mem>>) src(%dma_wait3A_104 : memref<112xi32, #tpu.memory_space<hbm>>) dst(%arg7 : memref<112xi32, #tpu.memory_space<vmem>>)
      %dma_wait3A_105 = tpu.memref_slice %arg3[%add3A_93] : memref<645120xi32, #tpu.memory_space<hbm>> -> memref<112xi32, #tpu.memory_space<hbm>>
      %dma_wait3A_106 = tpu.memref_slice %arg3[%add3A_93] : memref<645120xi32, #tpu.memory_space<hbm>> -> memref<112xi32, #tpu.memory_space<hbm>>
      tpu.wait_dma2 semaphore(%arg25 : memref<!tpu.dma_semaphore, #tpu.memory_space<semaphore_mem>>) src(%dma_wait3A_106 : memref<112xi32, #tpu.memory_space<hbm>>) dst(%arg13 : memref<112xi32, #tpu.memory_space<vmem>>)
      %dma_start3A_107 = arith.constant 0 : i32
      %dma_start3A_108 = arith.constant 0 : i32
      %dma_start3A_109 = tpu.memref_slice %arg2[%dma_start3A_107, %dma_start3A_108] : memref<10000x128xf32, #tpu.memory_space<hbm>> -> memref<10000x128xf32, #tpu.memory_space<hbm>>
      tpu.enqueue_indirect_dma source(%dma_start3A_109 : memref<10000x128xf32, #tpu.memory_space<hbm>>) target(%arg17 : memref<112x128xf32, #tpu.memory_space<vmem>>) offsets(%arg5 : memref<112xi32, #tpu.memory_space<vmem>>) semaphore(%arg26 : memref<!tpu.dma_semaphore, #tpu.memory_space<semaphore_mem>>)
      %dma_start3A_110 = arith.constant 0 : i32
      %dma_start3A_111 = arith.constant 0 : i32
      %dma_start3A_112 = tpu.memref_slice %arg2[%dma_start3A_110, %dma_start3A_111] : memref<10000x128xf32, #tpu.memory_space<hbm>> -> memref<10000x128xf32, #tpu.memory_space<hbm>>
      tpu.enqueue_indirect_dma source(%dma_start3A_112 : memref<10000x128xf32, #tpu.memory_space<hbm>>) target(%arg18 : memref<112x128xf32, #tpu.memory_space<vmem>>) offsets(%arg6 : memref<112xi32, #tpu.memory_space<vmem>>) semaphore(%arg26 : memref<!tpu.dma_semaphore, #tpu.memory_space<semaphore_mem>>)
      %dma_start3A_113 = arith.constant 0 : i32
      %dma_start3A_114 = arith.constant 0 : i32
      %dma_start3A_115 = tpu.memref_slice %arg2[%dma_start3A_113, %dma_start3A_114] : memref<10000x128xf32, #tpu.memory_space<hbm>> -> memref<10000x128xf32, #tpu.memory_space<hbm>>
      tpu.enqueue_indirect_dma source(%dma_start3A_115 : memref<10000x128xf32, #tpu.memory_space<hbm>>) target(%arg19 : memref<112x128xf32, #tpu.memory_space<vmem>>) offsets(%arg7 : memref<112xi32, #tpu.memory_space<vmem>>) semaphore(%arg26 : memref<!tpu.dma_semaphore, #tpu.memory_space<semaphore_mem>>)
      %add3A_116 = arith.constant 1 : i32
      %add3A_117 = arith.addi %mul3A_51, %add3A_116 : i32
      %mul3A_118 = arith.constant 3 : i32
      %mul3A_119 = arith.muli %add3A_117, %mul3A_118 : i32
      %add3A_120 = arith.constant 0 : i32
      %add3A_121 = arith.addi %mul3A_119, %add3A_120 : i32
      %mul3A_122 = arith.constant 2 : i32
      %mul3A_123 = arith.muli %add3A_121, %mul3A_122 : i32
      %mul3A_124 = arith.constant 112 : i32
      %mul3A_125 = arith.muli %mul3A_123, %mul3A_124 : i32
      %add3A_126 = arith.addi %mul3A_35, %mul3A_125 : i32
      %dma_start3A_127 = tpu.memref_slice %arg3[%add3A_126] : memref<645120xi32, #tpu.memory_space<hbm>> -> memref<112xi32, #tpu.memory_space<hbm>>
      %dma_start3A_128 = tpu.memref_slice %arg3[%add3A_126] : memref<645120xi32, #tpu.memory_space<hbm>> -> memref<112xi32, #tpu.memory_space<hbm>>
      tpu.enqueue_dma source(%dma_start3A_128 : memref<112xi32, #tpu.memory_space<hbm>>) target(%arg8 : memref<112xi32, #tpu.memory_space<vmem>>) target_semaphore(%arg25 : memref<!tpu.dma_semaphore, #tpu.memory_space<semaphore_mem>>)
      %add3A_129 = arith.constant 112 : i32
      %add3A_130 = arith.addi %add3A_126, %add3A_129 : i32
      %dma_start3A_131 = tpu.memref_slice %arg3[%add3A_130] : memref<645120xi32, #tpu.memory_space<hbm>> -> memref<112xi32, #tpu.memory_space<hbm>>
      %dma_start3A_132 = tpu.memref_slice %arg3[%add3A_130] : memref<645120xi32, #tpu.memory_space<hbm>> -> memref<112xi32, #tpu.memory_space<hbm>>
      tpu.enqueue_dma source(%dma_start3A_132 : memref<112xi32, #tpu.memory_space<hbm>>) target(%arg14 : memref<112xi32, #tpu.memory_space<vmem>>) target_semaphore(%arg25 : memref<!tpu.dma_semaphore, #tpu.memory_space<semaphore_mem>>)
      %mul3A_133 = arith.constant 3 : i32
      %mul3A_134 = arith.muli %add3A_117, %mul3A_133 : i32
      %add3A_135 = arith.constant 1 : i32
      %add3A_136 = arith.addi %mul3A_134, %add3A_135 : i32
      %mul3A_137 = arith.constant 2 : i32
      %mul3A_138 = arith.muli %add3A_136, %mul3A_137 : i32
      %mul3A_139 = arith.constant 112 : i32
      %mul3A_140 = arith.muli %mul3A_138, %mul3A_139 : i32
      %add3A_141 = arith.addi %mul3A_35, %mul3A_140 : i32
      %dma_start3A_142 = tpu.memref_slice %arg3[%add3A_141] : memref<645120xi32, #tpu.memory_space<hbm>> -> memref<112xi32, #tpu.memory_space<hbm>>
      %dma_start3A_143 = tpu.memref_slice %arg3[%add3A_141] : memref<645120xi32, #tpu.memory_space<hbm>> -> memref<112xi32, #tpu.memory_space<hbm>>
      tpu.enqueue_dma source(%dma_start3A_143 : memref<112xi32, #tpu.memory_space<hbm>>) target(%arg9 : memref<112xi32, #tpu.memory_space<vmem>>) target_semaphore(%arg25 : memref<!tpu.dma_semaphore, #tpu.memory_space<semaphore_mem>>)
      %add3A_144 = arith.constant 112 : i32
      %add3A_145 = arith.addi %add3A_141, %add3A_144 : i32
      %dma_start3A_146 = tpu.memref_slice %arg3[%add3A_145] : memref<645120xi32, #tpu.memory_space<hbm>> -> memref<112xi32, #tpu.memory_space<hbm>>
      %dma_start3A_147 = tpu.memref_slice %arg3[%add3A_145] : memref<645120xi32, #tpu.memory_space<hbm>> -> memref<112xi32, #tpu.memory_space<hbm>>
      tpu.enqueue_dma source(%dma_start3A_147 : memref<112xi32, #tpu.memory_space<hbm>>) target(%arg15 : memref<112xi32, #tpu.memory_space<vmem>>) target_semaphore(%arg25 : memref<!tpu.dma_semaphore, #tpu.memory_space<semaphore_mem>>)
      %mul3A_148 = arith.constant 3 : i32
      %mul3A_149 = arith.muli %add3A_117, %mul3A_148 : i32
      %add3A_150 = arith.constant 2 : i32
      %add3A_151 = arith.addi %mul3A_149, %add3A_150 : i32
      %mul3A_152 = arith.constant 2 : i32
      %mul3A_153 = arith.muli %add3A_151, %mul3A_152 : i32
      %mul3A_154 = arith.constant 112 : i32
      %mul3A_155 = arith.muli %mul3A_153, %mul3A_154 : i32
      %add3A_156 = arith.addi %mul3A_35, %mul3A_155 : i32
      %dma_start3A_157 = tpu.memref_slice %arg3[%add3A_156] : memref<645120xi32, #tpu.memory_space<hbm>> -> memref<112xi32, #tpu.memory_space<hbm>>
      %dma_start3A_158 = tpu.memref_slice %arg3[%add3A_156] : memref<645120xi32, #tpu.memory_space<hbm>> -> memref<112xi32, #tpu.memory_space<hbm>>
      tpu.enqueue_dma source(%dma_start3A_158 : memref<112xi32, #tpu.memory_space<hbm>>) target(%arg10 : memref<112xi32, #tpu.memory_space<vmem>>) target_semaphore(%arg25 : memref<!tpu.dma_semaphore, #tpu.memory_space<semaphore_mem>>)
      %add3A_159 = arith.constant 112 : i32
      %add3A_160 = arith.addi %add3A_156, %add3A_159 : i32
      %dma_start3A_161 = tpu.memref_slice %arg3[%add3A_160] : memref<645120xi32, #tpu.memory_space<hbm>> -> memref<112xi32, #tpu.memory_space<hbm>>
      %dma_start3A_162 = tpu.memref_slice %arg3[%add3A_160] : memref<645120xi32, #tpu.memory_space<hbm>> -> memref<112xi32, #tpu.memory_space<hbm>>
      tpu.enqueue_dma source(%dma_start3A_162 : memref<112xi32, #tpu.memory_space<hbm>>) target(%arg16 : memref<112xi32, #tpu.memory_space<vmem>>) target_semaphore(%arg25 : memref<!tpu.dma_semaphore, #tpu.memory_space<semaphore_mem>>)
      %dma_wait3A_163 = tpu.memref_slice %arg3[%add3A_126] : memref<645120xi32, #tpu.memory_space<hbm>> -> memref<112xi32, #tpu.memory_space<hbm>>
      %dma_wait3A_164 = tpu.memref_slice %arg3[%add3A_126] : memref<645120xi32, #tpu.memory_space<hbm>> -> memref<112xi32, #tpu.memory_space<hbm>>
      tpu.wait_dma2 semaphore(%arg25 : memref<!tpu.dma_semaphore, #tpu.memory_space<semaphore_mem>>) src(%dma_wait3A_164 : memref<112xi32, #tpu.memory_space<hbm>>) dst(%arg8 : memref<112xi32, #tpu.memory_space<vmem>>)
      %dma_wait3A_165 = tpu.memref_slice %arg3[%add3A_130] : memref<645120xi32, #tpu.memory_space<hbm>> -> memref<112xi32, #tpu.memory_space<hbm>>
      %dma_wait3A_166 = tpu.memref_slice %arg3[%add3A_130] : memref<645120xi32, #tpu.memory_space<hbm>> -> memref<112xi32, #tpu.memory_space<hbm>>
      tpu.wait_dma2 semaphore(%arg25 : memref<!tpu.dma_semaphore, #tpu.memory_space<semaphore_mem>>) src(%dma_wait3A_166 : memref<112xi32, #tpu.memory_space<hbm>>) dst(%arg14 : memref<112xi32, #tpu.memory_space<vmem>>)
      %dma_wait3A_167 = tpu.memref_slice %arg3[%add3A_141] : memref<645120xi32, #tpu.memory_space<hbm>> -> memref<112xi32, #tpu.memory_space<hbm>>
      %dma_wait3A_168 = tpu.memref_slice %arg3[%add3A_141] : memref<645120xi32, #tpu.memory_space<hbm>> -> memref<112xi32, #tpu.memory_space<hbm>>
      tpu.wait_dma2 semaphore(%arg25 : memref<!tpu.dma_semaphore, #tpu.memory_space<semaphore_mem>>) src(%dma_wait3A_168 : memref<112xi32, #tpu.memory_space<hbm>>) dst(%arg9 : memref<112xi32, #tpu.memory_space<vmem>>)
      %dma_wait3A_169 = tpu.memref_slice %arg3[%add3A_145] : memref<645120xi32, #tpu.memory_space<hbm>> -> memref<112xi32, #tpu.memory_space<hbm>>
      %dma_wait3A_170 = tpu.memref_slice %arg3[%add3A_145] : memref<645120xi32, #tpu.memory_space<hbm>> -> memref<112xi32, #tpu.memory_space<hbm>>
      tpu.wait_dma2 semaphore(%arg25 : memref<!tpu.dma_semaphore, #tpu.memory_space<semaphore_mem>>) src(%dma_wait3A_170 : memref<112xi32, #tpu.memory_space<hbm>>) dst(%arg15 : memref<112xi32, #tpu.memory_space<vmem>>)
      %dma_wait3A_171 = tpu.memref_slice %arg3[%add3A_156] : memref<645120xi32, #tpu.memory_space<hbm>> -> memref<112xi32, #tpu.memory_space<hbm>>
      %dma_wait3A_172 = tpu.memref_slice %arg3[%add3A_156] : memref<645120xi32, #tpu.memory_space<hbm>> -> memref<112xi32, #tpu.memory_space<hbm>>
      tpu.wait_dma2 semaphore(%arg25 : memref<!tpu.dma_semaphore, #tpu.memory_space<semaphore_mem>>) src(%dma_wait3A_172 : memref<112xi32, #tpu.memory_space<hbm>>) dst(%arg10 : memref<112xi32, #tpu.memory_space<vmem>>)
      %dma_wait3A_173 = tpu.memref_slice %arg3[%add3A_160] : memref<645120xi32, #tpu.memory_space<hbm>> -> memref<112xi32, #tpu.memory_space<hbm>>
      %dma_wait3A_174 = tpu.memref_slice %arg3[%add3A_160] : memref<645120xi32, #tpu.memory_space<hbm>> -> memref<112xi32, #tpu.memory_space<hbm>>
      tpu.wait_dma2 semaphore(%arg25 : memref<!tpu.dma_semaphore, #tpu.memory_space<semaphore_mem>>) src(%dma_wait3A_174 : memref<112xi32, #tpu.memory_space<hbm>>) dst(%arg16 : memref<112xi32, #tpu.memory_space<vmem>>)
      %dma_start3A_175 = arith.constant 0 : i32
      %dma_start3A_176 = arith.constant 0 : i32
      %dma_start3A_177 = tpu.memref_slice %arg2[%dma_start3A_175, %dma_start3A_176] : memref<10000x128xf32, #tpu.memory_space<hbm>> -> memref<10000x128xf32, #tpu.memory_space<hbm>>
      tpu.enqueue_indirect_dma source(%dma_start3A_177 : memref<10000x128xf32, #tpu.memory_space<hbm>>) target(%arg20 : memref<112x128xf32, #tpu.memory_space<vmem>>) offsets(%arg8 : memref<112xi32, #tpu.memory_space<vmem>>) semaphore(%arg27 : memref<!tpu.dma_semaphore, #tpu.memory_space<semaphore_mem>>)
      %dma_start3A_178 = arith.constant 0 : i32
      %dma_start3A_179 = arith.constant 0 : i32
      %dma_start3A_180 = tpu.memref_slice %arg2[%dma_start3A_178, %dma_start3A_179] : memref<10000x128xf32, #tpu.memory_space<hbm>> -> memref<10000x128xf32, #tpu.memory_space<hbm>>
      tpu.enqueue_indirect_dma source(%dma_start3A_180 : memref<10000x128xf32, #tpu.memory_space<hbm>>) target(%arg21 : memref<112x128xf32, #tpu.memory_space<vmem>>) offsets(%arg9 : memref<112xi32, #tpu.memory_space<vmem>>) semaphore(%arg27 : memref<!tpu.dma_semaphore, #tpu.memory_space<semaphore_mem>>)
      %dma_start3A_181 = arith.constant 0 : i32
      %dma_start3A_182 = arith.constant 0 : i32
      %dma_start3A_183 = tpu.memref_slice %arg2[%dma_start3A_181, %dma_start3A_182] : memref<10000x128xf32, #tpu.memory_space<hbm>> -> memref<10000x128xf32, #tpu.memory_space<hbm>>
      tpu.enqueue_indirect_dma source(%dma_start3A_183 : memref<10000x128xf32, #tpu.memory_space<hbm>>) target(%arg22 : memref<112x128xf32, #tpu.memory_space<vmem>>) offsets(%arg10 : memref<112xi32, #tpu.memory_space<vmem>>) semaphore(%arg27 : memref<!tpu.dma_semaphore, #tpu.memory_space<semaphore_mem>>)
      %dma_wait3A_184 = arith.constant 0 : i32
      %dma_wait3A_185 = arith.constant 0 : i32
      %dma_wait3A_186 = tpu.memref_slice %arg2[%dma_wait3A_184, %dma_wait3A_185] : memref<10000x128xf32, #tpu.memory_space<hbm>> -> memref<10000x128xf32, #tpu.memory_space<hbm>>
      tpu.wait_indirect_dma semaphore(%arg26 : memref<!tpu.dma_semaphore, #tpu.memory_space<semaphore_mem>>) src(%dma_wait3A_186 : memref<10000x128xf32, #tpu.memory_space<hbm>>) dst(%arg17 : memref<112x128xf32, #tpu.memory_space<vmem>>)
      %dma_wait3A_187 = arith.constant 0 : i32
      %dma_wait3A_188 = arith.constant 0 : i32
      %dma_wait3A_189 = tpu.memref_slice %arg2[%dma_wait3A_187, %dma_wait3A_188] : memref<10000x128xf32, #tpu.memory_space<hbm>> -> memref<10000x128xf32, #tpu.memory_space<hbm>>
      tpu.wait_indirect_dma semaphore(%arg26 : memref<!tpu.dma_semaphore, #tpu.memory_space<semaphore_mem>>) src(%dma_wait3A_189 : memref<10000x128xf32, #tpu.memory_space<hbm>>) dst(%arg18 : memref<112x128xf32, #tpu.memory_space<vmem>>)
      %dma_wait3A_190 = arith.constant 0 : i32
      %dma_wait3A_191 = arith.constant 0 : i32
      %dma_wait3A_192 = tpu.memref_slice %arg2[%dma_wait3A_190, %dma_wait3A_191] : memref<10000x128xf32, #tpu.memory_space<hbm>> -> memref<10000x128xf32, #tpu.memory_space<hbm>>
      tpu.wait_indirect_dma semaphore(%arg26 : memref<!tpu.dma_semaphore, #tpu.memory_space<semaphore_mem>>) src(%dma_wait3A_192 : memref<10000x128xf32, #tpu.memory_space<hbm>>) dst(%arg19 : memref<112x128xf32, #tpu.memory_space<vmem>>)
      %dma_start3A_193 = arith.constant 0 : i32
      %dma_start3A_194 = arith.constant 0 : i32
      %dma_start3A_195 = tpu.memref_slice %arg24[%dma_start3A_193, %dma_start3A_194] : memref<5120x128xf32, #tpu.memory_space<vmem_shared>> -> memref<5120x128xf32, #tpu.memory_space<vmem_shared>>
      tpu.enqueue_indirect_dma source(%arg17 : memref<112x128xf32, #tpu.memory_space<vmem>>) target(%dma_start3A_195 : memref<5120x128xf32, #tpu.memory_space<vmem_shared>>) offsets(%arg11 : memref<112xi32, #tpu.memory_space<vmem>>) semaphore(%arg28 : memref<!tpu.dma_semaphore, #tpu.memory_space<semaphore_mem>>) {add = true}
      %dma_start3A_196 = arith.constant 0 : i32
      %dma_start3A_197 = arith.constant 0 : i32
      %dma_start3A_198 = tpu.memref_slice %arg24[%dma_start3A_196, %dma_start3A_197] : memref<5120x128xf32, #tpu.memory_space<vmem_shared>> -> memref<5120x128xf32, #tpu.memory_space<vmem_shared>>
      tpu.enqueue_indirect_dma source(%arg18 : memref<112x128xf32, #tpu.memory_space<vmem>>) target(%dma_start3A_198 : memref<5120x128xf32, #tpu.memory_space<vmem_shared>>) offsets(%arg12 : memref<112xi32, #tpu.memory_space<vmem>>) semaphore(%arg28 : memref<!tpu.dma_semaphore, #tpu.memory_space<semaphore_mem>>) {add = true}
      %dma_start3A_199 = arith.constant 0 : i32
      %dma_start3A_200 = arith.constant 0 : i32
      %dma_start3A_201 = tpu.memref_slice %arg24[%dma_start3A_199, %dma_start3A_200] : memref<5120x128xf32, #tpu.memory_space<vmem_shared>> -> memref<5120x128xf32, #tpu.memory_space<vmem_shared>>
      tpu.enqueue_indirect_dma source(%arg19 : memref<112x128xf32, #tpu.memory_space<vmem>>) target(%dma_start3A_201 : memref<5120x128xf32, #tpu.memory_space<vmem_shared>>) offsets(%arg13 : memref<112xi32, #tpu.memory_space<vmem>>) semaphore(%arg28 : memref<!tpu.dma_semaphore, #tpu.memory_space<semaphore_mem>>) {add = true}
      %dma_wait3A_202 = arith.constant 0 : i32
      %dma_wait3A_203 = arith.constant 0 : i32
      %dma_wait3A_204 = tpu.memref_slice %arg2[%dma_wait3A_202, %dma_wait3A_203] : memref<10000x128xf32, #tpu.memory_space<hbm>> -> memref<10000x128xf32, #tpu.memory_space<hbm>>
      tpu.wait_indirect_dma semaphore(%arg27 : memref<!tpu.dma_semaphore, #tpu.memory_space<semaphore_mem>>) src(%dma_wait3A_204 : memref<10000x128xf32, #tpu.memory_space<hbm>>) dst(%arg20 : memref<112x128xf32, #tpu.memory_space<vmem>>)
      %dma_wait3A_205 = arith.constant 0 : i32
      %dma_wait3A_206 = arith.constant 0 : i32
      %dma_wait3A_207 = tpu.memref_slice %arg2[%dma_wait3A_205, %dma_wait3A_206] : memref<10000x128xf32, #tpu.memory_space<hbm>> -> memref<10000x128xf32, #tpu.memory_space<hbm>>
      tpu.wait_indirect_dma semaphore(%arg27 : memref<!tpu.dma_semaphore, #tpu.memory_space<semaphore_mem>>) src(%dma_wait3A_207 : memref<10000x128xf32, #tpu.memory_space<hbm>>) dst(%arg21 : memref<112x128xf32, #tpu.memory_space<vmem>>)
      %dma_wait3A_208 = arith.constant 0 : i32
      %dma_wait3A_209 = arith.constant 0 : i32
      %dma_wait3A_210 = tpu.memref_slice %arg2[%dma_wait3A_208, %dma_wait3A_209] : memref<10000x128xf32, #tpu.memory_space<hbm>> -> memref<10000x128xf32, #tpu.memory_space<hbm>>
      tpu.wait_indirect_dma semaphore(%arg27 : memref<!tpu.dma_semaphore, #tpu.memory_space<semaphore_mem>>) src(%dma_wait3A_210 : memref<10000x128xf32, #tpu.memory_space<hbm>>) dst(%arg22 : memref<112x128xf32, #tpu.memory_space<vmem>>)
      %dma_wait3A_211 = arith.constant 0 : i32
      %dma_wait3A_212 = arith.constant 0 : i32
      %dma_wait3A_213 = tpu.memref_slice %arg24[%dma_wait3A_211, %dma_wait3A_212] : memref<5120x128xf32, #tpu.memory_space<vmem_shared>> -> memref<5120x128xf32, #tpu.memory_space<vmem_shared>>
      tpu.wait_indirect_dma semaphore(%arg28 : memref<!tpu.dma_semaphore, #tpu.memory_space<semaphore_mem>>) src(%arg17 : memref<112x128xf32, #tpu.memory_space<vmem>>) dst(%dma_wait3A_213 : memref<5120x128xf32, #tpu.memory_space<vmem_shared>>)
      %dma_wait3A_214 = arith.constant 0 : i32
      %dma_wait3A_215 = arith.constant 0 : i32
      %dma_wait3A_216 = tpu.memref_slice %arg24[%dma_wait3A_214, %dma_wait3A_215] : memref<5120x128xf32, #tpu.memory_space<vmem_shared>> -> memref<5120x128xf32, #tpu.memory_space<vmem_shared>>
      tpu.wait_indirect_dma semaphore(%arg28 : memref<!tpu.dma_semaphore, #tpu.memory_space<semaphore_mem>>) src(%arg18 : memref<112x128xf32, #tpu.memory_space<vmem>>) dst(%dma_wait3A_216 : memref<5120x128xf32, #tpu.memory_space<vmem_shared>>)
      %dma_wait3A_217 = arith.constant 0 : i32
      %dma_wait3A_218 = arith.constant 0 : i32
      %dma_wait3A_219 = tpu.memref_slice %arg24[%dma_wait3A_217, %dma_wait3A_218] : memref<5120x128xf32, #tpu.memory_space<vmem_shared>> -> memref<5120x128xf32, #tpu.memory_space<vmem_shared>>
      tpu.wait_indirect_dma semaphore(%arg28 : memref<!tpu.dma_semaphore, #tpu.memory_space<semaphore_mem>>) src(%arg19 : memref<112x128xf32, #tpu.memory_space<vmem>>) dst(%dma_wait3A_219 : memref<5120x128xf32, #tpu.memory_space<vmem_shared>>)
      %dma_start3A_220 = arith.constant 0 : i32
      %dma_start3A_221 = arith.constant 0 : i32
      %dma_start3A_222 = tpu.memref_slice %arg24[%dma_start3A_220, %dma_start3A_221] : memref<5120x128xf32, #tpu.memory_space<vmem_shared>> -> memref<5120x128xf32, #tpu.memory_space<vmem_shared>>
      tpu.enqueue_indirect_dma source(%arg20 : memref<112x128xf32, #tpu.memory_space<vmem>>) target(%dma_start3A_222 : memref<5120x128xf32, #tpu.memory_space<vmem_shared>>) offsets(%arg14 : memref<112xi32, #tpu.memory_space<vmem>>) semaphore(%arg28 : memref<!tpu.dma_semaphore, #tpu.memory_space<semaphore_mem>>) {add = true}
      %dma_start3A_223 = arith.constant 0 : i32
      %dma_start3A_224 = arith.constant 0 : i32
      %dma_start3A_225 = tpu.memref_slice %arg24[%dma_start3A_223, %dma_start3A_224] : memref<5120x128xf32, #tpu.memory_space<vmem_shared>> -> memref<5120x128xf32, #tpu.memory_space<vmem_shared>>
      tpu.enqueue_indirect_dma source(%arg21 : memref<112x128xf32, #tpu.memory_space<vmem>>) target(%dma_start3A_225 : memref<5120x128xf32, #tpu.memory_space<vmem_shared>>) offsets(%arg15 : memref<112xi32, #tpu.memory_space<vmem>>) semaphore(%arg28 : memref<!tpu.dma_semaphore, #tpu.memory_space<semaphore_mem>>) {add = true}
      %dma_start3A_226 = arith.constant 0 : i32
      %dma_start3A_227 = arith.constant 0 : i32
      %dma_start3A_228 = tpu.memref_slice %arg24[%dma_start3A_226, %dma_start3A_227] : memref<5120x128xf32, #tpu.memory_space<vmem_shared>> -> memref<5120x128xf32, #tpu.memory_space<vmem_shared>>
      tpu.enqueue_indirect_dma source(%arg22 : memref<112x128xf32, #tpu.memory_space<vmem>>) target(%dma_start3A_228 : memref<5120x128xf32, #tpu.memory_space<vmem_shared>>) offsets(%arg16 : memref<112xi32, #tpu.memory_space<vmem>>) semaphore(%arg28 : memref<!tpu.dma_semaphore, #tpu.memory_space<semaphore_mem>>) {add = true}
      %dma_wait3A_229 = arith.constant 0 : i32
      %dma_wait3A_230 = arith.constant 0 : i32
      %dma_wait3A_231 = tpu.memref_slice %arg24[%dma_wait3A_229, %dma_wait3A_230] : memref<5120x128xf32, #tpu.memory_space<vmem_shared>> -> memref<5120x128xf32, #tpu.memory_space<vmem_shared>>
      tpu.wait_indirect_dma semaphore(%arg28 : memref<!tpu.dma_semaphore, #tpu.memory_space<semaphore_mem>>) src(%arg20 : memref<112x128xf32, #tpu.memory_space<vmem>>) dst(%dma_wait3A_231 : memref<5120x128xf32, #tpu.memory_space<vmem_shared>>)
      %dma_wait3A_232 = arith.constant 0 : i32
      %dma_wait3A_233 = arith.constant 0 : i32
      %dma_wait3A_234 = tpu.memref_slice %arg24[%dma_wait3A_232, %dma_wait3A_233] : memref<5120x128xf32, #tpu.memory_space<vmem_shared>> -> memref<5120x128xf32, #tpu.memory_space<vmem_shared>>
      tpu.wait_indirect_dma semaphore(%arg28 : memref<!tpu.dma_semaphore, #tpu.memory_space<semaphore_mem>>) src(%arg21 : memref<112x128xf32, #tpu.memory_space<vmem>>) dst(%dma_wait3A_234 : memref<5120x128xf32, #tpu.memory_space<vmem_shared>>)
      %dma_wait3A_235 = arith.constant 0 : i32
      %dma_wait3A_236 = arith.constant 0 : i32
      %dma_wait3A_237 = tpu.memref_slice %arg24[%dma_wait3A_235, %dma_wait3A_236] : memref<5120x128xf32, #tpu.memory_space<vmem_shared>> -> memref<5120x128xf32, #tpu.memory_space<vmem_shared>>
      tpu.wait_indirect_dma semaphore(%arg28 : memref<!tpu.dma_semaphore, #tpu.memory_space<semaphore_mem>>) src(%arg22 : memref<112x128xf32, #tpu.memory_space<vmem>>) dst(%dma_wait3A_237 : memref<5120x128xf32, #tpu.memory_space<vmem_shared>>)
      %while3A_238 = arith.constant 0 : i32
      scf.yield %while3A_238 : i32
    }
    %while3A_45 = arith.constant 1 : i32
    %while3A_46 = scf.for %while3A_48 = %while3A_42 to %while3A_38 step %while3A_45 iter_args(%while3A_49 = %while3A_44) -> (i32)  : i32 {
      %mul3A_50 = arith.constant 2 : i32
      %mul3A_51 = arith.muli %mul3A_50, %while3A_48 : i32
      %mul3A_52 = arith.constant 3 : i32
      %mul3A_53 = arith.muli %mul3A_51, %mul3A_52 : i32
      %add3A_54 = arith.constant 0 : i32
      %add3A_55 = arith.addi %mul3A_53, %add3A_54 : i32
      %mul3A_56 = arith.constant 2 : i32
      %mul3A_57 = arith.muli %add3A_55, %mul3A_56 : i32
      %mul3A_58 = arith.constant 112 : i32
      %mul3A_59 = arith.muli %mul3A_57, %mul3A_58 : i32
      %add3A_60 = arith.addi %mul3A_35, %mul3A_59 : i32
      %dma_start3A = tpu.memref_slice %arg3[%add3A_60] : memref<645120xi32, #tpu.memory_space<hbm>> -> memref<112xi32, #tpu.memory_space<hbm>>
      %dma_start3A_61 = tpu.memref_slice %arg3[%add3A_60] : memref<645120xi32, #tpu.memory_space<hbm>> -> memref<112xi32, #tpu.memory_space<hbm>>
      tpu.enqueue_dma source(%dma_start3A_61 : memref<112xi32, #tpu.memory_space<hbm>>) target(%arg5 : memref<112xi32, #tpu.memory_space<vmem>>) target_semaphore(%arg25 : memref<!tpu.dma_semaphore, #tpu.memory_space<semaphore_mem>>)
      %add3A_62 = arith.constant 112 : i32
      %add3A_63 = arith.addi %add3A_60, %add3A_62 : i32
      %dma_start3A_64 = tpu.memref_slice %arg3[%add3A_63] : memref<645120xi32, #tpu.memory_space<hbm>> -> memref<112xi32, #tpu.memory_space<hbm>>
      %dma_start3A_65 = tpu.memref_slice %arg3[%add3A_63] : memref<645120xi32, #tpu.memory_space<hbm>> -> memref<112xi32, #tpu.memory_space<hbm>>
      tpu.enqueue_dma source(%dma_start3A_65 : memref<112xi32, #tpu.memory_space<hbm>>) target(%arg11 : memref<112xi32, #tpu.memory_space<vmem>>) target_semaphore(%arg25 : memref<!tpu.dma_semaphore, #tpu.memory_space<semaphore_mem>>)
      %mul3A_66 = arith.constant 3 : i32
      %mul3A_67 = arith.muli %mul3A_51, %mul3A_66 : i32
      %add3A_68 = arith.constant 1 : i32
      %add3A_69 = arith.addi %mul3A_67, %add3A_68 : i32
      %mul3A_70 = arith.constant 2 : i32
      %mul3A_71 = arith.muli %add3A_69, %mul3A_70 : i32
      %mul3A_72 = arith.constant 112 : i32
      %mul3A_73 = arith.muli %mul3A_71, %mul3A_72 : i32
      %add3A_74 = arith.addi %mul3A_35, %mul3A_73 : i32
      %dma_start3A_75 = tpu.memref_slice %arg3[%add3A_74] : memref<645120xi32, #tpu.memory_space<hbm>> -> memref<112xi32, #tpu.memory_space<hbm>>
      %dma_start3A_76 = tpu.memref_slice %arg3[%add3A_74] : memref<645120xi32, #tpu.memory_space<hbm>> -> memref<112xi32, #tpu.memory_space<hbm>>
      tpu.enqueue_dma source(%dma_start3A_76 : memref<112xi32, #tpu.memory_space<hbm>>) target(%arg6 : memref<112xi32, #tpu.memory_space<vmem>>) target_semaphore(%arg25 : memref<!tpu.dma_semaphore, #tpu.memory_space<semaphore_mem>>)
      %add3A_77 = arith.constant 112 : i32
      %add3A_78 = arith.addi %add3A_74, %add3A_77 : i32
      %dma_start3A_79 = tpu.memref_slice %arg3[%add3A_78] : memref<645120xi32, #tpu.memory_space<hbm>> -> memref<112xi32, #tpu.memory_space<hbm>>
      %dma_start3A_80 = tpu.memref_slice %arg3[%add3A_78] : memref<645120xi32, #tpu.memory_space<hbm>> -> memref<112xi32, #tpu.memory_space<hbm>>
      tpu.enqueue_dma source(%dma_start3A_80 : memref<112xi32, #tpu.memory_space<hbm>>) target(%arg12 : memref<112xi32, #tpu.memory_space<vmem>>) target_semaphore(%arg25 : memref<!tpu.dma_semaphore, #tpu.memory_space<semaphore_mem>>)
      %mul3A_81 = arith.constant 3 : i32
      %mul3A_82 = arith.muli %mul3A_51, %mul3A_81 : i32
      %add3A_83 = arith.constant 2 : i32
      %add3A_84 = arith.addi %mul3A_82, %add3A_83 : i32
      %mul3A_85 = arith.constant 2 : i32
      %mul3A_86 = arith.muli %add3A_84, %mul3A_85 : i32
      %mul3A_87 = arith.constant 112 : i32
      %mul3A_88 = arith.muli %mul3A_86, %mul3A_87 : i32
      %add3A_89 = arith.addi %mul3A_35, %mul3A_88 : i32
      %dma_start3A_90 = tpu.memref_slice %arg3[%add3A_89] : memref<645120xi32, #tpu.memory_space<hbm>> -> memref<112xi32, #tpu.memory_space<hbm>>
      %dma_start3A_91 = tpu.memref_slice %arg3[%add3A_89] : memref<645120xi32, #tpu.memory_space<hbm>> -> memref<112xi32, #tpu.memory_space<hbm>>
      tpu.enqueue_dma source(%dma_start3A_91 : memref<112xi32, #tpu.memory_space<hbm>>) target(%arg7 : memref<112xi32, #tpu.memory_space<vmem>>) target_semaphore(%arg25 : memref<!tpu.dma_semaphore, #tpu.memory_space<semaphore_mem>>)
      %add3A_92 = arith.constant 112 : i32
      %add3A_93 = arith.addi %add3A_89, %add3A_92 : i32
      %dma_start3A_94 = tpu.memref_slice %arg3[%add3A_93] : memref<645120xi32, #tpu.memory_space<hbm>> -> memref<112xi32, #tpu.memory_space<hbm>>
      %dma_start3A_95 = tpu.memref_slice %arg3[%add3A_93] : memref<645120xi32, #tpu.memory_space<hbm>> -> memref<112xi32, #tpu.memory_space<hbm>>
      tpu.enqueue_dma source(%dma_start3A_95 : memref<112xi32, #tpu.memory_space<hbm>>) target(%arg13 : memref<112xi32, #tpu.memory_space<vmem>>) target_semaphore(%arg25 : memref<!tpu.dma_semaphore, #tpu.memory_space<semaphore_mem>>)
      %dma_wait3A = tpu.memref_slice %arg3[%add3A_60] : memref<645120xi32, #tpu.memory_space<hbm>> -> memref<112xi32, #tpu.memory_space<hbm>>
      %dma_wait3A_96 = tpu.memref_slice %arg3[%add3A_60] : memref<645120xi32, #tpu.memory_space<hbm>> -> memref<112xi32, #tpu.memory_space<hbm>>
      tpu.wait_dma2 semaphore(%arg25 : memref<!tpu.dma_semaphore, #tpu.memory_space<semaphore_mem>>) src(%dma_wait3A_96 : memref<112xi32, #tpu.memory_space<hbm>>) dst(%arg5 : memref<112xi32, #tpu.memory_space<vmem>>)
      %dma_wait3A_97 = tpu.memref_slice %arg3[%add3A_63] : memref<645120xi32, #tpu.memory_space<hbm>> -> memref<112xi32, #tpu.memory_space<hbm>>
      %dma_wait3A_98 = tpu.memref_slice %arg3[%add3A_63] : memref<645120xi32, #tpu.memory_space<hbm>> -> memref<112xi32, #tpu.memory_space<hbm>>
      tpu.wait_dma2 semaphore(%arg25 : memref<!tpu.dma_semaphore, #tpu.memory_space<semaphore_mem>>) src(%dma_wait3A_98 : memref<112xi32, #tpu.memory_space<hbm>>) dst(%arg11 : memref<112xi32, #tpu.memory_space<vmem>>)
      %dma_wait3A_99 = tpu.memref_slice %arg3[%add3A_74] : memref<645120xi32, #tpu.memory_space<hbm>> -> memref<112xi32, #tpu.memory_space<hbm>>
      %dma_wait3A_100 = tpu.memref_slice %arg3[%add3A_74] : memref<645120xi32, #tpu.memory_space<hbm>> -> memref<112xi32, #tpu.memory_space<hbm>>
      tpu.wait_dma2 semaphore(%arg25 : memref<!tpu.dma_semaphore, #tpu.memory_space<semaphore_mem>>) src(%dma_wait3A_100 : memref<112xi32, #tpu.memory_space<hbm>>) dst(%arg6 : memref<112xi32, #tpu.memory_space<vmem>>)
      %dma_wait3A_101 = tpu.memref_slice %arg3[%add3A_78] : memref<645120xi32, #tpu.memory_space<hbm>> -> memref<112xi32, #tpu.memory_space<hbm>>
      %dma_wait3A_102 = tpu.memref_slice %arg3[%add3A_78] : memref<645120xi32, #tpu.memory_space<hbm>> -> memref<112xi32, #tpu.memory_space<hbm>>
      tpu.wait_dma2 semaphore(%arg25 : memref<!tpu.dma_semaphore, #tpu.memory_space<semaphore_mem>>) src(%dma_wait3A_102 : memref<112xi32, #tpu.memory_space<hbm>>) dst(%arg12 : memref<112xi32, #tpu.memory_space<vmem>>)
      %dma_wait3A_103 = tpu.memref_slice %arg3[%add3A_89] : memref<645120xi32, #tpu.memory_space<hbm>> -> memref<112xi32, #tpu.memory_space<hbm>>
      %dma_wait3A_104 = tpu.memref_slice %arg3[%add3A_89] : memref<645120xi32, #tpu.memory_space<hbm>> -> memref<112xi32, #tpu.memory_space<hbm>>
      tpu.wait_dma2 semaphore(%arg25 : memref<!tpu.dma_semaphore, #tpu.memory_space<semaphore_mem>>) src(%dma_wait3A_104 : memref<112xi32, #tpu.memory_space<hbm>>) dst(%arg7 : memref<112xi32, #tpu.memory_space<vmem>>)
      %dma_wait3A_105 = tpu.memref_slice %arg3[%add3A_93] : memref<645120xi32, #tpu.memory_space<hbm>> -> memref<112xi32, #tpu.memory_space<hbm>>
      %dma_wait3A_106 = tpu.memref_slice %arg3[%add3A_93] : memref<645120xi32, #tpu.memory_space<hbm>> -> memref<112xi32, #tpu.memory_space<hbm>>
      tpu.wait_dma2 semaphore(%arg25 : memref<!tpu.dma_semaphore, #tpu.memory_space<semaphore_mem>>) src(%dma_wait3A_106 : memref<112xi32, #tpu.memory_space<hbm>>) dst(%arg13 : memref<112xi32, #tpu.memory_space<vmem>>)
      %dma_start3A_107 = arith.constant 0 : i32
      %dma_start3A_108 = arith.constant 0 : i32
      %dma_start3A_109 = tpu.memref_slice %arg2[%dma_start3A_107, %dma_start3A_108] : memref<10000x128xf32, #tpu.memory_space<hbm>> -> memref<10000x128xf32, #tpu.memory_space<hbm>>
      tpu.enqueue_indirect_dma source(%dma_start3A_109 : memref<10000x128xf32, #tpu.memory_space<hbm>>) target(%arg17 : memref<112x128xf32, #tpu.memory_space<vmem>>) offsets(%arg5 : memref<112xi32, #tpu.memory_space<vmem>>) semaphore(%arg26 : memref<!tpu.dma_semaphore, #tpu.memory_space<semaphore_mem>>)
      %dma_start3A_110 = arith.constant 0 : i32
      %dma_start3A_111 = arith.constant 0 : i32
      %dma_start3A_112 = tpu.memref_slice %arg2[%dma_start3A_110, %dma_start3A_111] : memref<10000x128xf32, #tpu.memory_space<hbm>> -> memref<10000x128xf32, #tpu.memory_space<hbm>>
      tpu.enqueue_indirect_dma source(%dma_start3A_112 : memref<10000x128xf32, #tpu.memory_space<hbm>>) target(%arg18 : memref<112x128xf32, #tpu.memory_space<vmem>>) offsets(%arg6 : memref<112xi32, #tpu.memory_space<vmem>>) semaphore(%arg26 : memref<!tpu.dma_semaphore, #tpu.memory_space<semaphore_mem>>)
      %dma_start3A_113 = arith.constant 0 : i32
      %dma_start3A_114 = arith.constant 0 : i32
      %dma_start3A_115 = tpu.memref_slice %arg2[%dma_start3A_113, %dma_start3A_114] : memref<10000x128xf32, #tpu.memory_space<hbm>> -> memref<10000x128xf32, #tpu.memory_space<hbm>>
      tpu.enqueue_indirect_dma source(%dma_start3A_115 : memref<10000x128xf32, #tpu.memory_space<hbm>>) target(%arg19 : memref<112x128xf32, #tpu.memory_space<vmem>>) offsets(%arg7 : memref<112xi32, #tpu.memory_space<vmem>>) semaphore(%arg26 : memref<!tpu.dma_semaphore, #tpu.memory_space<semaphore_mem>>)
      %add3A_116 = arith.constant 1 : i32
      %add3A_117 = arith.addi %mul3A_51, %add3A_116 : i32
      %mul3A_118 = arith.constant 3 : i32
      %mul3A_119 = arith.muli %add3A_117, %mul3A_118 : i32
      %add3A_120 = arith.constant 0 : i32
      %add3A_121 = arith.addi %mul3A_119, %add3A_120 : i32
      %mul3A_122 = arith.constant 2 : i32
      %mul3A_123 = arith.muli %add3A_121, %mul3A_122 : i32
      %mul3A_124 = arith.constant 112 : i32
      %mul3A_125 = arith.muli %mul3A_123, %mul3A_124 : i32
      %add3A_126 = arith.addi %mul3A_35, %mul3A_125 : i32
      %dma_start3A_127 = tpu.memref_slice %arg3[%add3A_126] : memref<645120xi32, #tpu.memory_space<hbm>> -> memref<112xi32, #tpu.memory_space<hbm>>
      %dma_start3A_128 = tpu.memref_slice %arg3[%add3A_126] : memref<645120xi32, #tpu.memory_space<hbm>> -> memref<112xi32, #tpu.memory_space<hbm>>
      tpu.enqueue_dma source(%dma_start3A_128 : memref<112xi32, #tpu.memory_space<hbm>>) target(%arg8 : memref<112xi32, #tpu.memory_space<vmem>>) target_semaphore(%arg25 : memref<!tpu.dma_semaphore, #tpu.memory_space<semaphore_mem>>)
      %add3A_129 = arith.constant 112 : i32
      %add3A_130 = arith.addi %add3A_126, %add3A_129 : i32
      %dma_start3A_131 = tpu.memref_slice %arg3[%add3A_130] : memref<645120xi32, #tpu.memory_space<hbm>> -> memref<112xi32, #tpu.memory_space<hbm>>
      %dma_start3A_132 = tpu.memref_slice %arg3[%add3A_130] : memref<645120xi32, #tpu.memory_space<hbm>> -> memref<112xi32, #tpu.memory_space<hbm>>
      tpu.enqueue_dma source(%dma_start3A_132 : memref<112xi32, #tpu.memory_space<hbm>>) target(%arg14 : memref<112xi32, #tpu.memory_space<vmem>>) target_semaphore(%arg25 : memref<!tpu.dma_semaphore, #tpu.memory_space<semaphore_mem>>)
      %mul3A_133 = arith.constant 3 : i32
      %mul3A_134 = arith.muli %add3A_117, %mul3A_133 : i32
      %add3A_135 = arith.constant 1 : i32
      %add3A_136 = arith.addi %mul3A_134, %add3A_135 : i32
      %mul3A_137 = arith.constant 2 : i32
      %mul3A_138 = arith.muli %add3A_136, %mul3A_137 : i32
      %mul3A_139 = arith.constant 112 : i32
      %mul3A_140 = arith.muli %mul3A_138, %mul3A_139 : i32
      %add3A_141 = arith.addi %mul3A_35, %mul3A_140 : i32
      %dma_start3A_142 = tpu.memref_slice %arg3[%add3A_141] : memref<645120xi32, #tpu.memory_space<hbm>> -> memref<112xi32, #tpu.memory_space<hbm>>
      %dma_start3A_143 = tpu.memref_slice %arg3[%add3A_141] : memref<645120xi32, #tpu.memory_space<hbm>> -> memref<112xi32, #tpu.memory_space<hbm>>
      tpu.enqueue_dma source(%dma_start3A_143 : memref<112xi32, #tpu.memory_space<hbm>>) target(%arg9 : memref<112xi32, #tpu.memory_space<vmem>>) target_semaphore(%arg25 : memref<!tpu.dma_semaphore, #tpu.memory_space<semaphore_mem>>)
      %add3A_144 = arith.constant 112 : i32
      %add3A_145 = arith.addi %add3A_141, %add3A_144 : i32
      %dma_start3A_146 = tpu.memref_slice %arg3[%add3A_145] : memref<645120xi32, #tpu.memory_space<hbm>> -> memref<112xi32, #tpu.memory_space<hbm>>
      %dma_start3A_147 = tpu.memref_slice %arg3[%add3A_145] : memref<645120xi32, #tpu.memory_space<hbm>> -> memref<112xi32, #tpu.memory_space<hbm>>
      tpu.enqueue_dma source(%dma_start3A_147 : memref<112xi32, #tpu.memory_space<hbm>>) target(%arg15 : memref<112xi32, #tpu.memory_space<vmem>>) target_semaphore(%arg25 : memref<!tpu.dma_semaphore, #tpu.memory_space<semaphore_mem>>)
      %mul3A_148 = arith.constant 3 : i32
      %mul3A_149 = arith.muli %add3A_117, %mul3A_148 : i32
      %add3A_150 = arith.constant 2 : i32
      %add3A_151 = arith.addi %mul3A_149, %add3A_150 : i32
      %mul3A_152 = arith.constant 2 : i32
      %mul3A_153 = arith.muli %add3A_151, %mul3A_152 : i32
      %mul3A_154 = arith.constant 112 : i32
      %mul3A_155 = arith.muli %mul3A_153, %mul3A_154 : i32
      %add3A_156 = arith.addi %mul3A_35, %mul3A_155 : i32
      %dma_start3A_157 = tpu.memref_slice %arg3[%add3A_156] : memref<645120xi32, #tpu.memory_space<hbm>> -> memref<112xi32, #tpu.memory_space<hbm>>
      %dma_start3A_158 = tpu.memref_slice %arg3[%add3A_156] : memref<645120xi32, #tpu.memory_space<hbm>> -> memref<112xi32, #tpu.memory_space<hbm>>
      tpu.enqueue_dma source(%dma_start3A_158 : memref<112xi32, #tpu.memory_space<hbm>>) target(%arg10 : memref<112xi32, #tpu.memory_space<vmem>>) target_semaphore(%arg25 : memref<!tpu.dma_semaphore, #tpu.memory_space<semaphore_mem>>)
      %add3A_159 = arith.constant 112 : i32
      %add3A_160 = arith.addi %add3A_156, %add3A_159 : i32
      %dma_start3A_161 = tpu.memref_slice %arg3[%add3A_160] : memref<645120xi32, #tpu.memory_space<hbm>> -> memref<112xi32, #tpu.memory_space<hbm>>
      %dma_start3A_162 = tpu.memref_slice %arg3[%add3A_160] : memref<645120xi32, #tpu.memory_space<hbm>> -> memref<112xi32, #tpu.memory_space<hbm>>
      tpu.enqueue_dma source(%dma_start3A_162 : memref<112xi32, #tpu.memory_space<hbm>>) target(%arg16 : memref<112xi32, #tpu.memory_space<vmem>>) target_semaphore(%arg25 : memref<!tpu.dma_semaphore, #tpu.memory_space<semaphore_mem>>)
      %dma_wait3A_163 = tpu.memref_slice %arg3[%add3A_126] : memref<645120xi32, #tpu.memory_space<hbm>> -> memref<112xi32, #tpu.memory_space<hbm>>
      %dma_wait3A_164 = tpu.memref_slice %arg3[%add3A_126] : memref<645120xi32, #tpu.memory_space<hbm>> -> memref<112xi32, #tpu.memory_space<hbm>>
      tpu.wait_dma2 semaphore(%arg25 : memref<!tpu.dma_semaphore, #tpu.memory_space<semaphore_mem>>) src(%dma_wait3A_164 : memref<112xi32, #tpu.memory_space<hbm>>) dst(%arg8 : memref<112xi32, #tpu.memory_space<vmem>>)
      %dma_wait3A_165 = tpu.memref_slice %arg3[%add3A_130] : memref<645120xi32, #tpu.memory_space<hbm>> -> memref<112xi32, #tpu.memory_space<hbm>>
      %dma_wait3A_166 = tpu.memref_slice %arg3[%add3A_130] : memref<645120xi32, #tpu.memory_space<hbm>> -> memref<112xi32, #tpu.memory_space<hbm>>
      tpu.wait_dma2 semaphore(%arg25 : memref<!tpu.dma_semaphore, #tpu.memory_space<semaphore_mem>>) src(%dma_wait3A_166 : memref<112xi32, #tpu.memory_space<hbm>>) dst(%arg14 : memref<112xi32, #tpu.memory_space<vmem>>)
      %dma_wait3A_167 = tpu.memref_slice %arg3[%add3A_141] : memref<645120xi32, #tpu.memory_space<hbm>> -> memref<112xi32, #tpu.memory_space<hbm>>
      %dma_wait3A_168 = tpu.memref_slice %arg3[%add3A_141] : memref<645120xi32, #tpu.memory_space<hbm>> -> memref<112xi32, #tpu.memory_space<hbm>>
      tpu.wait_dma2 semaphore(%arg25 : memref<!tpu.dma_semaphore, #tpu.memory_space<semaphore_mem>>) src(%dma_wait3A_168 : memref<112xi32, #tpu.memory_space<hbm>>) dst(%arg9 : memref<112xi32, #tpu.memory_space<vmem>>)
      %dma_wait3A_169 = tpu.memref_slice %arg3[%add3A_145] : memref<645120xi32, #tpu.memory_space<hbm>> -> memref<112xi32, #tpu.memory_space<hbm>>
      %dma_wait3A_170 = tpu.memref_slice %arg3[%add3A_145] : memref<645120xi32, #tpu.memory_space<hbm>> -> memref<112xi32, #tpu.memory_space<hbm>>
      tpu.wait_dma2 semaphore(%arg25 : memref<!tpu.dma_semaphore, #tpu.memory_space<semaphore_mem>>) src(%dma_wait3A_170 : memref<112xi32, #tpu.memory_space<hbm>>) dst(%arg15 : memref<112xi32, #tpu.memory_space<vmem>>)
      %dma_wait3A_171 = tpu.memref_slice %arg3[%add3A_156] : memref<645120xi32, #tpu.memory_space<hbm>> -> memref<112xi32, #tpu.memory_space<hbm>>
      %dma_wait3A_172 = tpu.memref_slice %arg3[%add3A_156] : memref<645120xi32, #tpu.memory_space<hbm>> -> memref<112xi32, #tpu.memory_space<hbm>>
      tpu.wait_dma2 semaphore(%arg25 : memref<!tpu.dma_semaphore, #tpu.memory_space<semaphore_mem>>) src(%dma_wait3A_172 : memref<112xi32, #tpu.memory_space<hbm>>) dst(%arg10 : memref<112xi32, #tpu.memory_space<vmem>>)
      %dma_wait3A_173 = tpu.memref_slice %arg3[%add3A_160] : memref<645120xi32, #tpu.memory_space<hbm>> -> memref<112xi32, #tpu.memory_space<hbm>>
      %dma_wait3A_174 = tpu.memref_slice %arg3[%add3A_160] : memref<645120xi32, #tpu.memory_space<hbm>> -> memref<112xi32, #tpu.memory_space<hbm>>
      tpu.wait_dma2 semaphore(%arg25 : memref<!tpu.dma_semaphore, #tpu.memory_space<semaphore_mem>>) src(%dma_wait3A_174 : memref<112xi32, #tpu.memory_space<hbm>>) dst(%arg16 : memref<112xi32, #tpu.memory_space<vmem>>)
      %dma_start3A_175 = arith.constant 0 : i32
      %dma_start3A_176 = arith.constant 0 : i32
      %dma_start3A_177 = tpu.memref_slice %arg2[%dma_start3A_175, %dma_start3A_176] : memref<10000x128xf32, #tpu.memory_space<hbm>> -> memref<10000x128xf32, #tpu.memory_space<hbm>>
      tpu.enqueue_indirect_dma source(%dma_start3A_177 : memref<10000x128xf32, #tpu.memory_space<hbm>>) target(%arg20 : memref<112x128xf32, #tpu.memory_space<vmem>>) offsets(%arg8 : memref<112xi32, #tpu.memory_space<vmem>>) semaphore(%arg27 : memref<!tpu.dma_semaphore, #tpu.memory_space<semaphore_mem>>)
      %dma_start3A_178 = arith.constant 0 : i32
      %dma_start3A_179 = arith.constant 0 : i32
      %dma_start3A_180 = tpu.memref_slice %arg2[%dma_start3A_178, %dma_start3A_179] : memref<10000x128xf32, #tpu.memory_space<hbm>> -> memref<10000x128xf32, #tpu.memory_space<hbm>>
      tpu.enqueue_indirect_dma source(%dma_start3A_180 : memref<10000x128xf32, #tpu.memory_space<hbm>>) target(%arg21 : memref<112x128xf32, #tpu.memory_space<vmem>>) offsets(%arg9 : memref<112xi32, #tpu.memory_space<vmem>>) semaphore(%arg27 : memref<!tpu.dma_semaphore, #tpu.memory_space<semaphore_mem>>)
      %dma_start3A_181 = arith.constant 0 : i32
      %dma_start3A_182 = arith.constant 0 : i32
      %dma_start3A_183 = tpu.memref_slice %arg2[%dma_start3A_181, %dma_start3A_182] : memref<10000x128xf32, #tpu.memory_space<hbm>> -> memref<10000x128xf32, #tpu.memory_space<hbm>>
      tpu.enqueue_indirect_dma source(%dma_start3A_183 : memref<10000x128xf32, #tpu.memory_space<hbm>>) target(%arg22 : memref<112x128xf32, #tpu.memory_space<vmem>>) offsets(%arg10 : memref<112xi32, #tpu.memory_space<vmem>>) semaphore(%arg27 : memref<!tpu.dma_semaphore, #tpu.memory_space<semaphore_mem>>)
      %dma_wait3A_184 = arith.constant 0 : i32
      %dma_wait3A_185 = arith.constant 0 : i32
      %dma_wait3A_186 = tpu.memref_slice %arg2[%dma_wait3A_184, %dma_wait3A_185] : memref<10000x128xf32, #tpu.memory_space<hbm>> -> memref<10000x128xf32, #tpu.memory_space<hbm>>
      tpu.wait_indirect_dma semaphore(%arg26 : memref<!tpu.dma_semaphore, #tpu.memory_space<semaphore_mem>>) src(%dma_wait3A_186 : memref<10000x128xf32, #tpu.memory_space<hbm>>) dst(%arg17 : memref<112x128xf32, #tpu.memory_space<vmem>>)
      %dma_wait3A_187 = arith.constant 0 : i32
      %dma_wait3A_188 = arith.constant 0 : i32
      %dma_wait3A_189 = tpu.memref_slice %arg2[%dma_wait3A_187, %dma_wait3A_188] : memref<10000x128xf32, #tpu.memory_space<hbm>> -> memref<10000x128xf32, #tpu.memory_space<hbm>>
      tpu.wait_indirect_dma semaphore(%arg26 : memref<!tpu.dma_semaphore, #tpu.memory_space<semaphore_mem>>) src(%dma_wait3A_189 : memref<10000x128xf32, #tpu.memory_space<hbm>>) dst(%arg18 : memref<112x128xf32, #tpu.memory_space<vmem>>)
      %dma_wait3A_190 = arith.constant 0 : i32
      %dma_wait3A_191 = arith.constant 0 : i32
      %dma_wait3A_192 = tpu.memref_slice %arg2[%dma_wait3A_190, %dma_wait3A_191] : memref<10000x128xf32, #tpu.memory_space<hbm>> -> memref<10000x128xf32, #tpu.memory_space<hbm>>
      tpu.wait_indirect_dma semaphore(%arg26 : memref<!tpu.dma_semaphore, #tpu.memory_space<semaphore_mem>>) src(%dma_wait3A_192 : memref<10000x128xf32, #tpu.memory_space<hbm>>) dst(%arg19 : memref<112x128xf32, #tpu.memory_space<vmem>>)
      %dma_start3A_193 = arith.constant 0 : i32
      %dma_start3A_194 = arith.constant 0 : i32
      %dma_start3A_195 = tpu.memref_slice %arg24[%dma_start3A_193, %dma_start3A_194] : memref<5120x128xf32, #tpu.memory_space<vmem_shared>> -> memref<5120x128xf32, #tpu.memory_space<vmem_shared>>
      tpu.enqueue_indirect_dma source(%arg17 : memref<112x128xf32, #tpu.memory_space<vmem>>) target(%dma_start3A_195 : memref<5120x128xf32, #tpu.memory_space<vmem_shared>>) offsets(%arg11 : memref<112xi32, #tpu.memory_space<vmem>>) semaphore(%arg28 : memref<!tpu.dma_semaphore, #tpu.memory_space<semaphore_mem>>) {add = true}
      %dma_start3A_196 = arith.constant 0 : i32
      %dma_start3A_197 = arith.constant 0 : i32
      %dma_start3A_198 = tpu.memref_slice %arg24[%dma_start3A_196, %dma_start3A_197] : memref<5120x128xf32, #tpu.memory_space<vmem_shared>> -> memref<5120x128xf32, #tpu.memory_space<vmem_shared>>
      tpu.enqueue_indirect_dma source(%arg18 : memref<112x128xf32, #tpu.memory_space<vmem>>) target(%dma_start3A_198 : memref<5120x128xf32, #tpu.memory_space<vmem_shared>>) offsets(%arg12 : memref<112xi32, #tpu.memory_space<vmem>>) semaphore(%arg28 : memref<!tpu.dma_semaphore, #tpu.memory_space<semaphore_mem>>) {add = true}
      %dma_start3A_199 = arith.constant 0 : i32
      %dma_start3A_200 = arith.constant 0 : i32
      %dma_start3A_201 = tpu.memref_slice %arg24[%dma_start3A_199, %dma_start3A_200] : memref<5120x128xf32, #tpu.memory_space<vmem_shared>> -> memref<5120x128xf32, #tpu.memory_space<vmem_shared>>
      tpu.enqueue_indirect_dma source(%arg19 : memref<112x128xf32, #tpu.memory_space<vmem>>) target(%dma_start3A_201 : memref<5120x128xf32, #tpu.memory_space<vmem_shared>>) offsets(%arg13 : memref<112xi32, #tpu.memory_space<vmem>>) semaphore(%arg28 : memref<!tpu.dma_semaphore, #tpu.memory_space<semaphore_mem>>) {add = true}
      %dma_wait3A_202 = arith.constant 0 : i32
      %dma_wait3A_203 = arith.constant 0 : i32
      %dma_wait3A_204 = tpu.memref_slice %arg2[%dma_wait3A_202, %dma_wait3A_203] : memref<10000x128xf32, #tpu.memory_space<hbm>> -> memref<10000x128xf32, #tpu.memory_space<hbm>>
      tpu.wait_indirect_dma semaphore(%arg27 : memref<!tpu.dma_semaphore, #tpu.memory_space<semaphore_mem>>) src(%dma_wait3A_204 : memref<10000x128xf32, #tpu.memory_space<hbm>>) dst(%arg20 : memref<112x128xf32, #tpu.memory_space<vmem>>)
      %dma_wait3A_205 = arith.constant 0 : i32
      %dma_wait3A_206 = arith.constant 0 : i32
      %dma_wait3A_207 = tpu.memref_slice %arg2[%dma_wait3A_205, %dma_wait3A_206] : memref<10000x128xf32, #tpu.memory_space<hbm>> -> memref<10000x128xf32, #tpu.memory_space<hbm>>
      tpu.wait_indirect_dma semaphore(%arg27 : memref<!tpu.dma_semaphore, #tpu.memory_space<semaphore_mem>>) src(%dma_wait3A_207 : memref<10000x128xf32, #tpu.memory_space<hbm>>) dst(%arg21 : memref<112x128xf32, #tpu.memory_space<vmem>>)
      %dma_wait3A_208 = arith.constant 0 : i32
      %dma_wait3A_209 = arith.constant 0 : i32
      %dma_wait3A_210 = tpu.memref_slice %arg2[%dma_wait3A_208, %dma_wait3A_209] : memref<10000x128xf32, #tpu.memory_space<hbm>> -> memref<10000x128xf32, #tpu.memory_space<hbm>>
      tpu.wait_indirect_dma semaphore(%arg27 : memref<!tpu.dma_semaphore, #tpu.memory_space<semaphore_mem>>) src(%dma_wait3A_210 : memref<10000x128xf32, #tpu.memory_space<hbm>>) dst(%arg22 : memref<112x128xf32, #tpu.memory_space<vmem>>)
      %dma_wait3A_211 = arith.constant 0 : i32
      %dma_wait3A_212 = arith.constant 0 : i32
      %dma_wait3A_213 = tpu.memref_slice %arg24[%dma_wait3A_211, %dma_wait3A_212] : memref<5120x128xf32, #tpu.memory_space<vmem_shared>> -> memref<5120x128xf32, #tpu.memory_space<vmem_shared>>
      tpu.wait_indirect_dma semaphore(%arg28 : memref<!tpu.dma_semaphore, #tpu.memory_space<semaphore_mem>>) src(%arg17 : memref<112x128xf32, #tpu.memory_space<vmem>>) dst(%dma_wait3A_213 : memref<5120x128xf32, #tpu.memory_space<vmem_shared>>)
      %dma_wait3A_214 = arith.constant 0 : i32
      %dma_wait3A_215 = arith.constant 0 : i32
      %dma_wait3A_216 = tpu.memref_slice %arg24[%dma_wait3A_214, %dma_wait3A_215] : memref<5120x128xf32, #tpu.memory_space<vmem_shared>> -> memref<5120x128xf32, #tpu.memory_space<vmem_shared>>
      tpu.wait_indirect_dma semaphore(%arg28 : memref<!tpu.dma_semaphore, #tpu.memory_space<semaphore_mem>>) src(%arg18 : memref<112x128xf32, #tpu.memory_space<vmem>>) dst(%dma_wait3A_216 : memref<5120x128xf32, #tpu.memory_space<vmem_shared>>)
      %dma_wait3A_217 = arith.constant 0 : i32
      %dma_wait3A_218 = arith.constant 0 : i32
      %dma_wait3A_219 = tpu.memref_slice %arg24[%dma_wait3A_217, %dma_wait3A_218] : memref<5120x128xf32, #tpu.memory_space<vmem_shared>> -> memref<5120x128xf32, #tpu.memory_space<vmem_shared>>
      tpu.wait_indirect_dma semaphore(%arg28 : memref<!tpu.dma_semaphore, #tpu.memory_space<semaphore_mem>>) src(%arg19 : memref<112x128xf32, #tpu.memory_space<vmem>>) dst(%dma_wait3A_219 : memref<5120x128xf32, #tpu.memory_space<vmem_shared>>)
      %dma_start3A_220 = arith.constant 0 : i32
      %dma_start3A_221 = arith.constant 0 : i32
      %dma_start3A_222 = tpu.memref_slice %arg24[%dma_start3A_220, %dma_start3A_221] : memref<5120x128xf32, #tpu.memory_space<vmem_shared>> -> memref<5120x128xf32, #tpu.memory_space<vmem_shared>>
      tpu.enqueue_indirect_dma source(%arg20 : memref<112x128xf32, #tpu.memory_space<vmem>>) target(%dma_start3A_222 : memref<5120x128xf32, #tpu.memory_space<vmem_shared>>) offsets(%arg14 : memref<112xi32, #tpu.memory_space<vmem>>) semaphore(%arg28 : memref<!tpu.dma_semaphore, #tpu.memory_space<semaphore_mem>>) {add = true}
      %dma_start3A_223 = arith.constant 0 : i32
      %dma_start3A_224 = arith.constant 0 : i32
      %dma_start3A_225 = tpu.memref_slice %arg24[%dma_start3A_223, %dma_start3A_224] : memref<5120x128xf32, #tpu.memory_space<vmem_shared>> -> memref<5120x128xf32, #tpu.memory_space<vmem_shared>>
      tpu.enqueue_indirect_dma source(%arg21 : memref<112x128xf32, #tpu.memory_space<vmem>>) target(%dma_start3A_225 : memref<5120x128xf32, #tpu.memory_space<vmem_shared>>) offsets(%arg15 : memref<112xi32, #tpu.memory_space<vmem>>) semaphore(%arg28 : memref<!tpu.dma_semaphore, #tpu.memory_space<semaphore_mem>>) {add = true}
      %dma_start3A_226 = arith.constant 0 : i32
      %dma_start3A_227 = arith.constant 0 : i32
      %dma_start3A_228 = tpu.memref_slice %arg24[%dma_start3A_226, %dma_start3A_227] : memref<5120x128xf32, #tpu.memory_space<vmem_shared>> -> memref<5120x128xf32, #tpu.memory_space<vmem_shared>>
      tpu.enqueue_indirect_dma source(%arg22 : memref<112x128xf32, #tpu.memory_space<vmem>>) target(%dma_start3A_228 : memref<5120x128xf32, #tpu.memory_space<vmem_shared>>) offsets(%arg16 : memref<112xi32, #tpu.memory_space<vmem>>) semaphore(%arg28 : memref<!tpu.dma_semaphore, #tpu.memory_space<semaphore_mem>>) {add = true}
      %dma_wait3A_229 = arith.constant 0 : i32
      %dma_wait3A_230 = arith.constant 0 : i32
      %dma_wait3A_231 = tpu.memref_slice %arg24[%dma_wait3A_229, %dma_wait3A_230] : memref<5120x128xf32, #tpu.memory_space<vmem_shared>> -> memref<5120x128xf32, #tpu.memory_space<vmem_shared>>
      tpu.wait_indirect_dma semaphore(%arg28 : memref<!tpu.dma_semaphore, #tpu.memory_space<semaphore_mem>>) src(%arg20 : memref<112x128xf32, #tpu.memory_space<vmem>>) dst(%dma_wait3A_231 : memref<5120x128xf32, #tpu.memory_space<vmem_shared>>)
      %dma_wait3A_232 = arith.constant 0 : i32
      %dma_wait3A_233 = arith.constant 0 : i32
      %dma_wait3A_234 = tpu.memref_slice %arg24[%dma_wait3A_232, %dma_wait3A_233] : memref<5120x128xf32, #tpu.memory_space<vmem_shared>> -> memref<5120x128xf32, #tpu.memory_space<vmem_shared>>
      tpu.wait_indirect_dma semaphore(%arg28 : memref<!tpu.dma_semaphore, #tpu.memory_space<semaphore_mem>>) src(%arg21 : memref<112x128xf32, #tpu.memory_space<vmem>>) dst(%dma_wait3A_234 : memref<5120x128xf32, #tpu.memory_space<vmem_shared>>)
      %dma_wait3A_235 = arith.constant 0 : i32
      %dma_wait3A_236 = arith.constant 0 : i32
      %dma_wait3A_237 = tpu.memref_slice %arg24[%dma_wait3A_235, %dma_wait3A_236] : memref<5120x128xf32, #tpu.memory_space<vmem_shared>> -> memref<5120x128xf32, #tpu.memory_space<vmem_shared>>
      tpu.wait_indirect_dma semaphore(%arg28 : memref<!tpu.dma_semaphore, #tpu.memory_space<semaphore_mem>>) src(%arg22 : memref<112x128xf32, #tpu.memory_space<vmem>>) dst(%dma_wait3A_237 : memref<5120x128xf32, #tpu.memory_space<vmem_shared>>)
      %while3A_238 = arith.constant 0 : i32
      scf.yield %while3A_238 : i32
    }
    %barrier3A_47 = arith.constant 0 : index
    tpu.barrier barrier_id(%barrier3A_47)
    "tpu.region"() ({
      %run_scoped3A = tpu.sem_alloc : memref<!tpu.dma_semaphore, #tpu.memory_space<semaphore_mem>>
      %dma_start3A = arith.constant 0 : i32
      %dma_start3A_48 = tpu.memref_slice %arg4[%arg0, %mul3A_7, %dma_start3A] : memref<2x5120x128xf32, #tpu.memory_space<hbm>> -> memref<1x320x128xf32, #tpu.memory_space<hbm>>
      %dma_start3A_49 = tpu.memref_squeeze %dma_start3A_48 : memref<1x320x128xf32, #tpu.memory_space<hbm>> -> memref<320x128xf32, #tpu.memory_space<hbm>>
      %dma_start3A_50 = arith.constant 0 : i32
      %dma_start3A_51 = tpu.memref_slice %arg24[%mul3A_7, %dma_start3A_50] : memref<5120x128xf32, #tpu.memory_space<vmem_shared>> -> memref<320x128xf32, #tpu.memory_space<vmem_shared>>
      tpu.enqueue_dma source(%dma_start3A_51 : memref<320x128xf32, #tpu.memory_space<vmem_shared>>) target(%dma_start3A_49 : memref<320x128xf32, #tpu.memory_space<hbm>>) target_semaphore(%run_scoped3A : memref<!tpu.dma_semaphore, #tpu.memory_space<semaphore_mem>>)
      %dma_wait3A = arith.constant 0 : i32
      %dma_wait3A_52 = tpu.memref_slice %arg4[%arg0, %mul3A_7, %dma_wait3A] : memref<2x5120x128xf32, #tpu.memory_space<hbm>> -> memref<1x320x128xf32, #tpu.memory_space<hbm>>
      %dma_wait3A_53 = tpu.memref_squeeze %dma_wait3A_52 : memref<1x320x128xf32, #tpu.memory_space<hbm>> -> memref<320x128xf32, #tpu.memory_space<hbm>>
      %dma_wait3A_54 = arith.constant 0 : i32
      %dma_wait3A_55 = tpu.memref_slice %arg24[%mul3A_7, %dma_wait3A_54] : memref<5120x128xf32, #tpu.memory_space<vmem_shared>> -> memref<320x128xf32, #tpu.memory_space<vmem_shared>>
      tpu.wait_dma2 semaphore(%run_scoped3A : memref<!tpu.dma_semaphore, #tpu.memory_space<semaphore_mem>>) src(%dma_wait3A_55 : memref<320x128xf32, #tpu.memory_space<vmem_shared>>) dst(%dma_wait3A_53 : memref<320x128xf32, #tpu.memory_space<hbm>>)
      tpu.yield
    }) : () -> ()
    return
  }
}

#map = affine_map<(d0, d1) -> (0, 0)>
#map1 = affine_map<(d0, d1) -> (0)>
#map2 = affine_map<(d0, d1) -> (0, 0, 0)>
module attributes {stable_mosaic.version = 14 : i64} {
  func.func @k(%arg0: i32, %arg1: i32, %arg2: memref<5120x128xf32, #tpu.memory_space<hbm>>, %arg3: memref<322560xi32, #tpu.memory_space<hbm>>, %arg4: memref<2x2048x128xf32, #tpu.memory_space<hbm>>, %arg5: memref<112xi32, #tpu.memory_space<vmem>>, %arg6: memref<112xi32, #tpu.memory_space<vmem>>, %arg7: memref<112xi32, #tpu.memory_space<vmem>>, %arg8: memref<112xi32, #tpu.memory_space<vmem>>, %arg9: memref<112xi32, #tpu.memory_space<vmem>>, %arg10: memref<112xi32, #tpu.memory_space<vmem>>, %arg11: memref<112xi32, #tpu.memory_space<vmem>>, %arg12: memref<112xi32, #tpu.memory_space<vmem>>, %arg13: memref<112xi32, #tpu.memory_space<vmem>>, %arg14: memref<112xi32, #tpu.memory_space<vmem>>, %arg15: memref<112xi32, #tpu.memory_space<vmem>>, %arg16: memref<112xi32, #tpu.memory_space<vmem>>, %arg17: memref<112x128xf32, #tpu.memory_space<vmem>>, %arg18: memref<112x128xf32, #tpu.memory_space<vmem>>, %arg19: memref<112x128xf32, #tpu.memory_space<vmem>>, %arg20: memref<112x128xf32, #tpu.memory_space<vmem>>, %arg21: memref<112x128xf32, #tpu.memory_space<vmem>>, %arg22: memref<112x128xf32, #tpu.memory_space<vmem>>, %arg23: memref<8x128xf32, #tpu.memory_space<vmem>>, %arg24: memref<2048x128xf32, #tpu.memory_space<vmem_shared>>, %arg25: memref<!tpu.dma_semaphore, #tpu.memory_space<semaphore_mem>>, %arg26: memref<!tpu.dma_semaphore, #tpu.memory_space<semaphore_mem>>, %arg27: memref<!tpu.dma_semaphore, #tpu.memory_space<semaphore_mem>>, %arg28: memref<!tpu.dma_semaphore, #tpu.memory_space<semaphore_mem>>) attributes {dimension_semantics = [#tpu.dimension_semantics<core_parallel>, #tpu.dimension_semantics<subcore_parallel>], iteration_bounds = array<i64: 2, 16>, scalar_prefetch = 0 : i64, scratch_operands = 24 : i64, tpu.core_type = #tpu.core_type<sc_vector_subcore>, window_params = [{transform_indices = #map}, {transform_indices = #map1}, {transform_indices = #map2}]} {
    %broadcast_in_dim3A = arith.constant 0.000000e+00 : f32
    %broadcast_in_dim3A_0 = vector.broadcast %broadcast_in_dim3A : f32 to vector<16xf32>
    %scan3A = arith.constant 0 : i32
    %scan3A_1 = arith.constant 0 : i32
    %scan3A_2 = arith.constant 64 : i32
    %scan3A_3 = arith.addi %scan3A_1, %scan3A_2 : i32
    %scan3A_4 = arith.constant 1 : i32
    %scan3A_5 = scf.for %scan3A_48 = %scan3A_1 to %scan3A_3 step %scan3A_4 iter_args(%scan3A_49 = %scan3A) -> (i32)  : i32 {
      %jit3A_50 = arith.constant 8 : i32
      %div3A = arith.divsi %scan3A_48, %jit3A_50 : i32
      %sign3A = arith.constant 0 : i32
      %sign3A_51 = arith.cmpi sgt, %scan3A_48, %sign3A : i32
      %sign3A_52 = arith.extui %sign3A_51 : i1 to i32
      %sign3A_53 = arith.constant 0 : i32
      %sign3A_54 = arith.cmpi slt, %scan3A_48, %sign3A_53 : i32
      %sign3A_55 = arith.extui %sign3A_54 : i1 to i32
      %sign3A_56 = arith.subi %sign3A_52, %sign3A_55 : i32
      %sign3A_57 = arith.constant 0 : i32
      %sign3A_58 = arith.cmpi sgt, %jit3A_50, %sign3A_57 : i32
      %sign3A_59 = arith.extui %sign3A_58 : i1 to i32
      %sign3A_60 = arith.constant 0 : i32
      %sign3A_61 = arith.cmpi slt, %jit3A_50, %sign3A_60 : i32
      %sign3A_62 = arith.extui %sign3A_61 : i1 to i32
      %sign3A_63 = arith.subi %sign3A_59, %sign3A_62 : i32
      %ne3A = arith.cmpi ne, %sign3A_56, %sign3A_63 : i32
      %rem3A = arith.remsi %scan3A_48, %jit3A_50 : i32
      %ne3A_64 = arith.constant 0 : i32
      %ne3A_65 = arith.cmpi ne, %rem3A, %ne3A_64 : i32
      %and3A = arith.andi %ne3A, %ne3A_65 : i1
      %sub3A = arith.constant 1 : i32
      %sub3A_66 = arith.subi %div3A, %sub3A : i32
      %select_n3A_67 = arith.select %and3A, %sub3A_66, %div3A : i32
      %jit3A_68 = arith.constant 8 : i32
      %eq3A_69 = arith.constant 0 : i32
      %eq3A_70 = arith.cmpi eq, %jit3A_68, %eq3A_69 : i32
      %jit3A_71 = arith.constant 1 : i32
      %select_n3A_72 = arith.select %eq3A_70, %jit3A_71, %jit3A_68 : i32
      %rem3A_73 = arith.remsi %scan3A_48, %select_n3A_72 : i32
      %ne3A_74 = arith.constant 0 : i32
      %ne3A_75 = arith.cmpi ne, %rem3A_73, %ne3A_74 : i32
      %lt3A = arith.constant 0 : i32
      %lt3A_76 = arith.cmpi slt, %rem3A_73, %lt3A : i32
      %lt3A_77 = arith.constant 0 : i32
      %lt3A_78 = arith.cmpi slt, %select_n3A_72, %lt3A_77 : i32
      %ne3A_79 = arith.xori %lt3A_76, %lt3A_78 : i1
      %and3A_80 = arith.andi %ne3A_79, %ne3A_75 : i1
      %add3A_81 = arith.addi %rem3A_73, %select_n3A_72 : i32
      %select_n3A_82 = arith.select %and3A_80, %add3A_81, %rem3A_73 : i32
      %mul3A_83 = arith.constant 16 : i32
      %mul3A_84 = arith.muli %select_n3A_82, %mul3A_83 : i32
      %swap3A = arith.index_cast %select_n3A_67 : i32 to index
      %swap3A_85 = arith.index_cast %mul3A_84 : i32 to index
      %swap3A_86 = tpu.vector_load %arg23[%swap3A, %swap3A_85] {strides = array<i32>} : memref<8x128xf32, #tpu.memory_space<vmem>>, vector<1x16xf32>,
      %swap3A_87 = vector.shape_cast %swap3A_86 : vector<1x16xf32> to vector<16xf32>
      %swap3A_88 = vector.shape_cast %broadcast_in_dim3A_0 : vector<16xf32> to vector<1x16xf32>
      tpu.vector_store %arg23[%swap3A, %swap3A_85], %swap3A_88 {strides = array<i32>} : memref<8x128xf32, #tpu.memory_space<vmem>>, vector<1x16xf32>,
      %scan3A_89 = arith.constant 0 : i32
      scf.yield %scan3A_89 : i32
    }
    %scan3A_6 = arith.constant 64 : i32
    %mul3A = arith.constant 128 : i32
    %mul3A_7 = arith.muli %arg1, %mul3A : i32
    %scan3A_8 = arith.constant 0 : i32
    %scan3A_9 = arith.constant 0 : i32
    %scan3A_10 = arith.constant 16 : i32
    %scan3A_11 = arith.addi %scan3A_9, %scan3A_10 : i32
    %scan3A_12 = arith.constant 1 : i32
    %scan3A_13 = scf.for %scan3A_48 = %scan3A_9 to %scan3A_11 step %scan3A_12 iter_args(%scan3A_49 = %scan3A_8) -> (i32)  : i32 {
      %mul3A_50 = arith.constant 8 : i32
      %mul3A_51 = arith.muli %scan3A_48, %mul3A_50 : i32
      %add3A_52 = arith.addi %mul3A_7, %mul3A_51 : i32
      %dma_start3A = arith.constant 0 : i32
      %dma_start3A_53 = tpu.memref_slice %arg24[%add3A_52, %dma_start3A] : memref<2048x128xf32, #tpu.memory_space<vmem_shared>> -> memref<8x128xf32, #tpu.memory_space<vmem_shared>>
      %dma_start3A_54 = arith.constant 0 : i32
      %dma_start3A_55 = tpu.memref_slice %arg24[%add3A_52, %dma_start3A_54] : memref<2048x128xf32, #tpu.memory_space<vmem_shared>> -> memref<8x128xf32, #tpu.memory_space<vmem_shared>>
      tpu.enqueue_dma source(%arg23 : memref<8x128xf32, #tpu.memory_space<vmem>>) target(%dma_start3A_55 : memref<8x128xf32, #tpu.memory_space<vmem_shared>>) target_semaphore(%arg28 : memref<!tpu.dma_semaphore, #tpu.memory_space<semaphore_mem>>)
      %scan3A_56 = arith.constant 0 : i32
      scf.yield %scan3A_56 : i32
    }
    %scan3A_14 = arith.constant 16 : i32
    %scan3A_15 = arith.constant 0 : i32
    %scan3A_16 = arith.constant 0 : i32
    %scan3A_17 = arith.constant 16 : i32
    %scan3A_18 = arith.addi %scan3A_16, %scan3A_17 : i32
    %scan3A_19 = arith.constant 1 : i32
    %scan3A_20 = scf.for %scan3A_48 = %scan3A_16 to %scan3A_18 step %scan3A_19 iter_args(%scan3A_49 = %scan3A_15) -> (i32)  : i32 {
      %dma_wait3A = arith.constant 0 : i32
      %dma_wait3A_50 = tpu.memref_slice %arg24[%mul3A_7, %dma_wait3A] : memref<2048x128xf32, #tpu.memory_space<vmem_shared>> -> memref<8x128xf32, #tpu.memory_space<vmem_shared>>
      %dma_wait3A_51 = arith.constant 0 : i32
      %dma_wait3A_52 = tpu.memref_slice %arg24[%mul3A_7, %dma_wait3A_51] : memref<2048x128xf32, #tpu.memory_space<vmem_shared>> -> memref<8x128xf32, #tpu.memory_space<vmem_shared>>
      tpu.wait_dma2 semaphore(%arg28 : memref<!tpu.dma_semaphore, #tpu.memory_space<semaphore_mem>>) src(%arg23 : memref<8x128xf32, #tpu.memory_space<vmem>>) dst(%dma_wait3A_52 : memref<8x128xf32, #tpu.memory_space<vmem_shared>>)
      %scan3A_53 = arith.constant 0 : i32
      scf.yield %scan3A_53 : i32
    }
    %scan3A_21 = arith.constant 16 : i32
    %barrier3A = arith.constant 0 : index
    tpu.barrier barrier_id(%barrier3A)
    %eq3A = arith.constant 0 : i32
    %eq3A_22 = arith.cmpi eq, %arg0, %eq3A : i32
    %jit3A = arith.constant 9 : i32
    %jit3A_23 = arith.constant 6 : i32
    %select_n3A = arith.select %eq3A_22, %jit3A, %jit3A_23 : i32
    %mul3A_24 = arith.constant 864 : i32
    %mul3A_25 = arith.muli %arg0, %mul3A_24 : i32
    %eq3A_26 = arith.constant 0 : i32
    %eq3A_27 = arith.cmpi eq, %arg0, %eq3A_26 : i32
    %jit3A_28 = arith.constant 54 : i32
    %jit3A_29 = arith.constant 36 : i32
    %select_n3A_30 = arith.select %eq3A_27, %jit3A_28, %jit3A_29 : i32
    %mul3A_31 = arith.muli %arg1, %select_n3A_30 : i32
    %add3A = arith.addi %mul3A_25, %mul3A_31 : i32
    %mul3A_32 = arith.constant 2 : i32
    %mul3A_33 = arith.muli %add3A, %mul3A_32 : i32
    %mul3A_34 = arith.constant 112 : i32
    %mul3A_35 = arith.muli %mul3A_33, %mul3A_34 : i32
    %while3A = arith.constant 0 : i32
    %while3A_36 = arith.constant 0 : i32
    %while3A_37 = arith.subi %select_n3A, %while3A : i32
    %while3A_38 = arith.addi %while3A, %while3A_37 : i32
    %while3A_39 = arith.constant 1 : i32
    %while3A_40 = arith.divsi %while3A_37, %while3A_39 : i32
    %while3A_41 = arith.muli %while3A_40, %while3A_39 : i32
    %while3A_42 = arith.addi %while3A, %while3A_41 : i32
    %while3A_43 = arith.constant 1 : i32
    %while3A_44 = scf.for %while3A_48 = %while3A to %while3A_42 step %while3A_43 iter_args(%while3A_49 = %while3A_36) -> (i32)  : i32 {
      %mul3A_50 = arith.constant 2 : i32
      %mul3A_51 = arith.muli %mul3A_50, %while3A_48 : i32
      %mul3A_52 = arith.constant 3 : i32
      %mul3A_53 = arith.muli %mul3A_51, %mul3A_52 : i32
      %add3A_54 = arith.constant 0 : i32
      %add3A_55 = arith.addi %mul3A_53, %add3A_54 : i32
      %mul3A_56 = arith.constant 2 : i32
      %mul3A_57 = arith.muli %add3A_55, %mul3A_56 : i32
      %mul3A_58 = arith.constant 112 : i32
      %mul3A_59 = arith.muli %mul3A_57, %mul3A_58 : i32
      %add3A_60 = arith.addi %mul3A_35, %mul3A_59 : i32
      %dma_start3A = tpu.memref_slice %arg3[%add3A_60] : memref<322560xi32, #tpu.memory_space<hbm>> -> memref<112xi32, #tpu.memory_space<hbm>>
      %dma_start3A_61 = tpu.memref_slice %arg3[%add3A_60] : memref<322560xi32, #tpu.memory_space<hbm>> -> memref<112xi32, #tpu.memory_space<hbm>>
      tpu.enqueue_dma source(%dma_start3A_61 : memref<112xi32, #tpu.memory_space<hbm>>) target(%arg5 : memref<112xi32, #tpu.memory_space<vmem>>) target_semaphore(%arg25 : memref<!tpu.dma_semaphore, #tpu.memory_space<semaphore_mem>>)
      %add3A_62 = arith.constant 112 : i32
      %add3A_63 = arith.addi %add3A_60, %add3A_62 : i32
      %dma_start3A_64 = tpu.memref_slice %arg3[%add3A_63] : memref<322560xi32, #tpu.memory_space<hbm>> -> memref<112xi32, #tpu.memory_space<hbm>>
      %dma_start3A_65 = tpu.memref_slice %arg3[%add3A_63] : memref<322560xi32, #tpu.memory_space<hbm>> -> memref<112xi32, #tpu.memory_space<hbm>>
      tpu.enqueue_dma source(%dma_start3A_65 : memref<112xi32, #tpu.memory_space<hbm>>) target(%arg11 : memref<112xi32, #tpu.memory_space<vmem>>) target_semaphore(%arg25 : memref<!tpu.dma_semaphore, #tpu.memory_space<semaphore_mem>>)
      %mul3A_66 = arith.constant 3 : i32
      %mul3A_67 = arith.muli %mul3A_51, %mul3A_66 : i32
      %add3A_68 = arith.constant 1 : i32
      %add3A_69 = arith.addi %mul3A_67, %add3A_68 : i32
      %mul3A_70 = arith.constant 2 : i32
      %mul3A_71 = arith.muli %add3A_69, %mul3A_70 : i32
      %mul3A_72 = arith.constant 112 : i32
      %mul3A_73 = arith.muli %mul3A_71, %mul3A_72 : i32
      %add3A_74 = arith.addi %mul3A_35, %mul3A_73 : i32
      %dma_start3A_75 = tpu.memref_slice %arg3[%add3A_74] : memref<322560xi32, #tpu.memory_space<hbm>> -> memref<112xi32, #tpu.memory_space<hbm>>
      %dma_start3A_76 = tpu.memref_slice %arg3[%add3A_74] : memref<322560xi32, #tpu.memory_space<hbm>> -> memref<112xi32, #tpu.memory_space<hbm>>
      tpu.enqueue_dma source(%dma_start3A_76 : memref<112xi32, #tpu.memory_space<hbm>>) target(%arg6 : memref<112xi32, #tpu.memory_space<vmem>>) target_semaphore(%arg25 : memref<!tpu.dma_semaphore, #tpu.memory_space<semaphore_mem>>)
      %add3A_77 = arith.constant 112 : i32
      %add3A_78 = arith.addi %add3A_74, %add3A_77 : i32
      %dma_start3A_79 = tpu.memref_slice %arg3[%add3A_78] : memref<322560xi32, #tpu.memory_space<hbm>> -> memref<112xi32, #tpu.memory_space<hbm>>
      %dma_start3A_80 = tpu.memref_slice %arg3[%add3A_78] : memref<322560xi32, #tpu.memory_space<hbm>> -> memref<112xi32, #tpu.memory_space<hbm>>
      tpu.enqueue_dma source(%dma_start3A_80 : memref<112xi32, #tpu.memory_space<hbm>>) target(%arg12 : memref<112xi32, #tpu.memory_space<vmem>>) target_semaphore(%arg25 : memref<!tpu.dma_semaphore, #tpu.memory_space<semaphore_mem>>)
      %mul3A_81 = arith.constant 3 : i32
      %mul3A_82 = arith.muli %mul3A_51, %mul3A_81 : i32
      %add3A_83 = arith.constant 2 : i32
      %add3A_84 = arith.addi %mul3A_82, %add3A_83 : i32
      %mul3A_85 = arith.constant 2 : i32
      %mul3A_86 = arith.muli %add3A_84, %mul3A_85 : i32
      %mul3A_87 = arith.constant 112 : i32
      %mul3A_88 = arith.muli %mul3A_86, %mul3A_87 : i32
      %add3A_89 = arith.addi %mul3A_35, %mul3A_88 : i32
      %dma_start3A_90 = tpu.memref_slice %arg3[%add3A_89] : memref<322560xi32, #tpu.memory_space<hbm>> -> memref<112xi32, #tpu.memory_space<hbm>>
      %dma_start3A_91 = tpu.memref_slice %arg3[%add3A_89] : memref<322560xi32, #tpu.memory_space<hbm>> -> memref<112xi32, #tpu.memory_space<hbm>>
      tpu.enqueue_dma source(%dma_start3A_91 : memref<112xi32, #tpu.memory_space<hbm>>) target(%arg7 : memref<112xi32, #tpu.memory_space<vmem>>) target_semaphore(%arg25 : memref<!tpu.dma_semaphore, #tpu.memory_space<semaphore_mem>>)
      %add3A_92 = arith.constant 112 : i32
      %add3A_93 = arith.addi %add3A_89, %add3A_92 : i32
      %dma_start3A_94 = tpu.memref_slice %arg3[%add3A_93] : memref<322560xi32, #tpu.memory_space<hbm>> -> memref<112xi32, #tpu.memory_space<hbm>>
      %dma_start3A_95 = tpu.memref_slice %arg3[%add3A_93] : memref<322560xi32, #tpu.memory_space<hbm>> -> memref<112xi32, #tpu.memory_space<hbm>>
      tpu.enqueue_dma source(%dma_start3A_95 : memref<112xi32, #tpu.memory_space<hbm>>) target(%arg13 : memref<112xi32, #tpu.memory_space<vmem>>) target_semaphore(%arg25 : memref<!tpu.dma_semaphore, #tpu.memory_space<semaphore_mem>>)
      %dma_wait3A = tpu.memref_slice %arg3[%add3A_60] : memref<322560xi32, #tpu.memory_space<hbm>> -> memref<112xi32, #tpu.memory_space<hbm>>
      %dma_wait3A_96 = tpu.memref_slice %arg3[%add3A_60] : memref<322560xi32, #tpu.memory_space<hbm>> -> memref<112xi32, #tpu.memory_space<hbm>>
      tpu.wait_dma2 semaphore(%arg25 : memref<!tpu.dma_semaphore, #tpu.memory_space<semaphore_mem>>) src(%dma_wait3A_96 : memref<112xi32, #tpu.memory_space<hbm>>) dst(%arg5 : memref<112xi32, #tpu.memory_space<vmem>>)
      %dma_wait3A_97 = tpu.memref_slice %arg3[%add3A_63] : memref<322560xi32, #tpu.memory_space<hbm>> -> memref<112xi32, #tpu.memory_space<hbm>>
      %dma_wait3A_98 = tpu.memref_slice %arg3[%add3A_63] : memref<322560xi32, #tpu.memory_space<hbm>> -> memref<112xi32, #tpu.memory_space<hbm>>
      tpu.wait_dma2 semaphore(%arg25 : memref<!tpu.dma_semaphore, #tpu.memory_space<semaphore_mem>>) src(%dma_wait3A_98 : memref<112xi32, #tpu.memory_space<hbm>>) dst(%arg11 : memref<112xi32, #tpu.memory_space<vmem>>)
      %dma_wait3A_99 = tpu.memref_slice %arg3[%add3A_74] : memref<322560xi32, #tpu.memory_space<hbm>> -> memref<112xi32, #tpu.memory_space<hbm>>
      %dma_wait3A_100 = tpu.memref_slice %arg3[%add3A_74] : memref<322560xi32, #tpu.memory_space<hbm>> -> memref<112xi32, #tpu.memory_space<hbm>>
      tpu.wait_dma2 semaphore(%arg25 : memref<!tpu.dma_semaphore, #tpu.memory_space<semaphore_mem>>) src(%dma_wait3A_100 : memref<112xi32, #tpu.memory_space<hbm>>) dst(%arg6 : memref<112xi32, #tpu.memory_space<vmem>>)
      %dma_wait3A_101 = tpu.memref_slice %arg3[%add3A_78] : memref<322560xi32, #tpu.memory_space<hbm>> -> memref<112xi32, #tpu.memory_space<hbm>>
      %dma_wait3A_102 = tpu.memref_slice %arg3[%add3A_78] : memref<322560xi32, #tpu.memory_space<hbm>> -> memref<112xi32, #tpu.memory_space<hbm>>
      tpu.wait_dma2 semaphore(%arg25 : memref<!tpu.dma_semaphore, #tpu.memory_space<semaphore_mem>>) src(%dma_wait3A_102 : memref<112xi32, #tpu.memory_space<hbm>>) dst(%arg12 : memref<112xi32, #tpu.memory_space<vmem>>)
      %dma_wait3A_103 = tpu.memref_slice %arg3[%add3A_89] : memref<322560xi32, #tpu.memory_space<hbm>> -> memref<112xi32, #tpu.memory_space<hbm>>
      %dma_wait3A_104 = tpu.memref_slice %arg3[%add3A_89] : memref<322560xi32, #tpu.memory_space<hbm>> -> memref<112xi32, #tpu.memory_space<hbm>>
      tpu.wait_dma2 semaphore(%arg25 : memref<!tpu.dma_semaphore, #tpu.memory_space<semaphore_mem>>) src(%dma_wait3A_104 : memref<112xi32, #tpu.memory_space<hbm>>) dst(%arg7 : memref<112xi32, #tpu.memory_space<vmem>>)
      %dma_wait3A_105 = tpu.memref_slice %arg3[%add3A_93] : memref<322560xi32, #tpu.memory_space<hbm>> -> memref<112xi32, #tpu.memory_space<hbm>>
      %dma_wait3A_106 = tpu.memref_slice %arg3[%add3A_93] : memref<322560xi32, #tpu.memory_space<hbm>> -> memref<112xi32, #tpu.memory_space<hbm>>
      tpu.wait_dma2 semaphore(%arg25 : memref<!tpu.dma_semaphore, #tpu.memory_space<semaphore_mem>>) src(%dma_wait3A_106 : memref<112xi32, #tpu.memory_space<hbm>>) dst(%arg13 : memref<112xi32, #tpu.memory_space<vmem>>)
      %dma_start3A_107 = arith.constant 0 : i32
      %dma_start3A_108 = arith.constant 0 : i32
      %dma_start3A_109 = tpu.memref_slice %arg2[%dma_start3A_107, %dma_start3A_108] : memref<5120x128xf32, #tpu.memory_space<hbm>> -> memref<5120x128xf32, #tpu.memory_space<hbm>>
      tpu.enqueue_indirect_dma source(%dma_start3A_109 : memref<5120x128xf32, #tpu.memory_space<hbm>>) target(%arg17 : memref<112x128xf32, #tpu.memory_space<vmem>>) offsets(%arg5 : memref<112xi32, #tpu.memory_space<vmem>>) semaphore(%arg26 : memref<!tpu.dma_semaphore, #tpu.memory_space<semaphore_mem>>)
      %dma_start3A_110 = arith.constant 0 : i32
      %dma_start3A_111 = arith.constant 0 : i32
      %dma_start3A_112 = tpu.memref_slice %arg2[%dma_start3A_110, %dma_start3A_111] : memref<5120x128xf32, #tpu.memory_space<hbm>> -> memref<5120x128xf32, #tpu.memory_space<hbm>>
      tpu.enqueue_indirect_dma source(%dma_start3A_112 : memref<5120x128xf32, #tpu.memory_space<hbm>>) target(%arg18 : memref<112x128xf32, #tpu.memory_space<vmem>>) offsets(%arg6 : memref<112xi32, #tpu.memory_space<vmem>>) semaphore(%arg26 : memref<!tpu.dma_semaphore, #tpu.memory_space<semaphore_mem>>)
      %dma_start3A_113 = arith.constant 0 : i32
      %dma_start3A_114 = arith.constant 0 : i32
      %dma_start3A_115 = tpu.memref_slice %arg2[%dma_start3A_113, %dma_start3A_114] : memref<5120x128xf32, #tpu.memory_space<hbm>> -> memref<5120x128xf32, #tpu.memory_space<hbm>>
      tpu.enqueue_indirect_dma source(%dma_start3A_115 : memref<5120x128xf32, #tpu.memory_space<hbm>>) target(%arg19 : memref<112x128xf32, #tpu.memory_space<vmem>>) offsets(%arg7 : memref<112xi32, #tpu.memory_space<vmem>>) semaphore(%arg26 : memref<!tpu.dma_semaphore, #tpu.memory_space<semaphore_mem>>)
      %add3A_116 = arith.constant 1 : i32
      %add3A_117 = arith.addi %mul3A_51, %add3A_116 : i32
      %mul3A_118 = arith.constant 3 : i32
      %mul3A_119 = arith.muli %add3A_117, %mul3A_118 : i32
      %add3A_120 = arith.constant 0 : i32
      %add3A_121 = arith.addi %mul3A_119, %add3A_120 : i32
      %mul3A_122 = arith.constant 2 : i32
      %mul3A_123 = arith.muli %add3A_121, %mul3A_122 : i32
      %mul3A_124 = arith.constant 112 : i32
      %mul3A_125 = arith.muli %mul3A_123, %mul3A_124 : i32
      %add3A_126 = arith.addi %mul3A_35, %mul3A_125 : i32
      %dma_start3A_127 = tpu.memref_slice %arg3[%add3A_126] : memref<322560xi32, #tpu.memory_space<hbm>> -> memref<112xi32, #tpu.memory_space<hbm>>
      %dma_start3A_128 = tpu.memref_slice %arg3[%add3A_126] : memref<322560xi32, #tpu.memory_space<hbm>> -> memref<112xi32, #tpu.memory_space<hbm>>
      tpu.enqueue_dma source(%dma_start3A_128 : memref<112xi32, #tpu.memory_space<hbm>>) target(%arg8 : memref<112xi32, #tpu.memory_space<vmem>>) target_semaphore(%arg25 : memref<!tpu.dma_semaphore, #tpu.memory_space<semaphore_mem>>)
      %add3A_129 = arith.constant 112 : i32
      %add3A_130 = arith.addi %add3A_126, %add3A_129 : i32
      %dma_start3A_131 = tpu.memref_slice %arg3[%add3A_130] : memref<322560xi32, #tpu.memory_space<hbm>> -> memref<112xi32, #tpu.memory_space<hbm>>
      %dma_start3A_132 = tpu.memref_slice %arg3[%add3A_130] : memref<322560xi32, #tpu.memory_space<hbm>> -> memref<112xi32, #tpu.memory_space<hbm>>
      tpu.enqueue_dma source(%dma_start3A_132 : memref<112xi32, #tpu.memory_space<hbm>>) target(%arg14 : memref<112xi32, #tpu.memory_space<vmem>>) target_semaphore(%arg25 : memref<!tpu.dma_semaphore, #tpu.memory_space<semaphore_mem>>)
      %mul3A_133 = arith.constant 3 : i32
      %mul3A_134 = arith.muli %add3A_117, %mul3A_133 : i32
      %add3A_135 = arith.constant 1 : i32
      %add3A_136 = arith.addi %mul3A_134, %add3A_135 : i32
      %mul3A_137 = arith.constant 2 : i32
      %mul3A_138 = arith.muli %add3A_136, %mul3A_137 : i32
      %mul3A_139 = arith.constant 112 : i32
      %mul3A_140 = arith.muli %mul3A_138, %mul3A_139 : i32
      %add3A_141 = arith.addi %mul3A_35, %mul3A_140 : i32
      %dma_start3A_142 = tpu.memref_slice %arg3[%add3A_141] : memref<322560xi32, #tpu.memory_space<hbm>> -> memref<112xi32, #tpu.memory_space<hbm>>
      %dma_start3A_143 = tpu.memref_slice %arg3[%add3A_141] : memref<322560xi32, #tpu.memory_space<hbm>> -> memref<112xi32, #tpu.memory_space<hbm>>
      tpu.enqueue_dma source(%dma_start3A_143 : memref<112xi32, #tpu.memory_space<hbm>>) target(%arg9 : memref<112xi32, #tpu.memory_space<vmem>>) target_semaphore(%arg25 : memref<!tpu.dma_semaphore, #tpu.memory_space<semaphore_mem>>)
      %add3A_144 = arith.constant 112 : i32
      %add3A_145 = arith.addi %add3A_141, %add3A_144 : i32
      %dma_start3A_146 = tpu.memref_slice %arg3[%add3A_145] : memref<322560xi32, #tpu.memory_space<hbm>> -> memref<112xi32, #tpu.memory_space<hbm>>
      %dma_start3A_147 = tpu.memref_slice %arg3[%add3A_145] : memref<322560xi32, #tpu.memory_space<hbm>> -> memref<112xi32, #tpu.memory_space<hbm>>
      tpu.enqueue_dma source(%dma_start3A_147 : memref<112xi32, #tpu.memory_space<hbm>>) target(%arg15 : memref<112xi32, #tpu.memory_space<vmem>>) target_semaphore(%arg25 : memref<!tpu.dma_semaphore, #tpu.memory_space<semaphore_mem>>)
      %mul3A_148 = arith.constant 3 : i32
      %mul3A_149 = arith.muli %add3A_117, %mul3A_148 : i32
      %add3A_150 = arith.constant 2 : i32
      %add3A_151 = arith.addi %mul3A_149, %add3A_150 : i32
      %mul3A_152 = arith.constant 2 : i32
      %mul3A_153 = arith.muli %add3A_151, %mul3A_152 : i32
      %mul3A_154 = arith.constant 112 : i32
      %mul3A_155 = arith.muli %mul3A_153, %mul3A_154 : i32
      %add3A_156 = arith.addi %mul3A_35, %mul3A_155 : i32
      %dma_start3A_157 = tpu.memref_slice %arg3[%add3A_156] : memref<322560xi32, #tpu.memory_space<hbm>> -> memref<112xi32, #tpu.memory_space<hbm>>
      %dma_start3A_158 = tpu.memref_slice %arg3[%add3A_156] : memref<322560xi32, #tpu.memory_space<hbm>> -> memref<112xi32, #tpu.memory_space<hbm>>
      tpu.enqueue_dma source(%dma_start3A_158 : memref<112xi32, #tpu.memory_space<hbm>>) target(%arg10 : memref<112xi32, #tpu.memory_space<vmem>>) target_semaphore(%arg25 : memref<!tpu.dma_semaphore, #tpu.memory_space<semaphore_mem>>)
      %add3A_159 = arith.constant 112 : i32
      %add3A_160 = arith.addi %add3A_156, %add3A_159 : i32
      %dma_start3A_161 = tpu.memref_slice %arg3[%add3A_160] : memref<322560xi32, #tpu.memory_space<hbm>> -> memref<112xi32, #tpu.memory_space<hbm>>
      %dma_start3A_162 = tpu.memref_slice %arg3[%add3A_160] : memref<322560xi32, #tpu.memory_space<hbm>> -> memref<112xi32, #tpu.memory_space<hbm>>
      tpu.enqueue_dma source(%dma_start3A_162 : memref<112xi32, #tpu.memory_space<hbm>>) target(%arg16 : memref<112xi32, #tpu.memory_space<vmem>>) target_semaphore(%arg25 : memref<!tpu.dma_semaphore, #tpu.memory_space<semaphore_mem>>)
      %dma_wait3A_163 = tpu.memref_slice %arg3[%add3A_126] : memref<322560xi32, #tpu.memory_space<hbm>> -> memref<112xi32, #tpu.memory_space<hbm>>
      %dma_wait3A_164 = tpu.memref_slice %arg3[%add3A_126] : memref<322560xi32, #tpu.memory_space<hbm>> -> memref<112xi32, #tpu.memory_space<hbm>>
      tpu.wait_dma2 semaphore(%arg25 : memref<!tpu.dma_semaphore, #tpu.memory_space<semaphore_mem>>) src(%dma_wait3A_164 : memref<112xi32, #tpu.memory_space<hbm>>) dst(%arg8 : memref<112xi32, #tpu.memory_space<vmem>>)
      %dma_wait3A_165 = tpu.memref_slice %arg3[%add3A_130] : memref<322560xi32, #tpu.memory_space<hbm>> -> memref<112xi32, #tpu.memory_space<hbm>>
      %dma_wait3A_166 = tpu.memref_slice %arg3[%add3A_130] : memref<322560xi32, #tpu.memory_space<hbm>> -> memref<112xi32, #tpu.memory_space<hbm>>
      tpu.wait_dma2 semaphore(%arg25 : memref<!tpu.dma_semaphore, #tpu.memory_space<semaphore_mem>>) src(%dma_wait3A_166 : memref<112xi32, #tpu.memory_space<hbm>>) dst(%arg14 : memref<112xi32, #tpu.memory_space<vmem>>)
      %dma_wait3A_167 = tpu.memref_slice %arg3[%add3A_141] : memref<322560xi32, #tpu.memory_space<hbm>> -> memref<112xi32, #tpu.memory_space<hbm>>
      %dma_wait3A_168 = tpu.memref_slice %arg3[%add3A_141] : memref<322560xi32, #tpu.memory_space<hbm>> -> memref<112xi32, #tpu.memory_space<hbm>>
      tpu.wait_dma2 semaphore(%arg25 : memref<!tpu.dma_semaphore, #tpu.memory_space<semaphore_mem>>) src(%dma_wait3A_168 : memref<112xi32, #tpu.memory_space<hbm>>) dst(%arg9 : memref<112xi32, #tpu.memory_space<vmem>>)
      %dma_wait3A_169 = tpu.memref_slice %arg3[%add3A_145] : memref<322560xi32, #tpu.memory_space<hbm>> -> memref<112xi32, #tpu.memory_space<hbm>>
      %dma_wait3A_170 = tpu.memref_slice %arg3[%add3A_145] : memref<322560xi32, #tpu.memory_space<hbm>> -> memref<112xi32, #tpu.memory_space<hbm>>
      tpu.wait_dma2 semaphore(%arg25 : memref<!tpu.dma_semaphore, #tpu.memory_space<semaphore_mem>>) src(%dma_wait3A_170 : memref<112xi32, #tpu.memory_space<hbm>>) dst(%arg15 : memref<112xi32, #tpu.memory_space<vmem>>)
      %dma_wait3A_171 = tpu.memref_slice %arg3[%add3A_156] : memref<322560xi32, #tpu.memory_space<hbm>> -> memref<112xi32, #tpu.memory_space<hbm>>
      %dma_wait3A_172 = tpu.memref_slice %arg3[%add3A_156] : memref<322560xi32, #tpu.memory_space<hbm>> -> memref<112xi32, #tpu.memory_space<hbm>>
      tpu.wait_dma2 semaphore(%arg25 : memref<!tpu.dma_semaphore, #tpu.memory_space<semaphore_mem>>) src(%dma_wait3A_172 : memref<112xi32, #tpu.memory_space<hbm>>) dst(%arg10 : memref<112xi32, #tpu.memory_space<vmem>>)
      %dma_wait3A_173 = tpu.memref_slice %arg3[%add3A_160] : memref<322560xi32, #tpu.memory_space<hbm>> -> memref<112xi32, #tpu.memory_space<hbm>>
      %dma_wait3A_174 = tpu.memref_slice %arg3[%add3A_160] : memref<322560xi32, #tpu.memory_space<hbm>> -> memref<112xi32, #tpu.memory_space<hbm>>
      tpu.wait_dma2 semaphore(%arg25 : memref<!tpu.dma_semaphore, #tpu.memory_space<semaphore_mem>>) src(%dma_wait3A_174 : memref<112xi32, #tpu.memory_space<hbm>>) dst(%arg16 : memref<112xi32, #tpu.memory_space<vmem>>)
      %dma_start3A_175 = arith.constant 0 : i32
      %dma_start3A_176 = arith.constant 0 : i32
      %dma_start3A_177 = tpu.memref_slice %arg2[%dma_start3A_175, %dma_start3A_176] : memref<5120x128xf32, #tpu.memory_space<hbm>> -> memref<5120x128xf32, #tpu.memory_space<hbm>>
      tpu.enqueue_indirect_dma source(%dma_start3A_177 : memref<5120x128xf32, #tpu.memory_space<hbm>>) target(%arg20 : memref<112x128xf32, #tpu.memory_space<vmem>>) offsets(%arg8 : memref<112xi32, #tpu.memory_space<vmem>>) semaphore(%arg27 : memref<!tpu.dma_semaphore, #tpu.memory_space<semaphore_mem>>)
      %dma_start3A_178 = arith.constant 0 : i32
      %dma_start3A_179 = arith.constant 0 : i32
      %dma_start3A_180 = tpu.memref_slice %arg2[%dma_start3A_178, %dma_start3A_179] : memref<5120x128xf32, #tpu.memory_space<hbm>> -> memref<5120x128xf32, #tpu.memory_space<hbm>>
      tpu.enqueue_indirect_dma source(%dma_start3A_180 : memref<5120x128xf32, #tpu.memory_space<hbm>>) target(%arg21 : memref<112x128xf32, #tpu.memory_space<vmem>>) offsets(%arg9 : memref<112xi32, #tpu.memory_space<vmem>>) semaphore(%arg27 : memref<!tpu.dma_semaphore, #tpu.memory_space<semaphore_mem>>)
      %dma_start3A_181 = arith.constant 0 : i32
      %dma_start3A_182 = arith.constant 0 : i32
      %dma_start3A_183 = tpu.memref_slice %arg2[%dma_start3A_181, %dma_start3A_182] : memref<5120x128xf32, #tpu.memory_space<hbm>> -> memref<5120x128xf32, #tpu.memory_space<hbm>>
      tpu.enqueue_indirect_dma source(%dma_start3A_183 : memref<5120x128xf32, #tpu.memory_space<hbm>>) target(%arg22 : memref<112x128xf32, #tpu.memory_space<vmem>>) offsets(%arg10 : memref<112xi32, #tpu.memory_space<vmem>>) semaphore(%arg27 : memref<!tpu.dma_semaphore, #tpu.memory_space<semaphore_mem>>)
      %dma_wait3A_184 = arith.constant 0 : i32
      %dma_wait3A_185 = arith.constant 0 : i32
      %dma_wait3A_186 = tpu.memref_slice %arg2[%dma_wait3A_184, %dma_wait3A_185] : memref<5120x128xf32, #tpu.memory_space<hbm>> -> memref<5120x128xf32, #tpu.memory_space<hbm>>
      tpu.wait_indirect_dma semaphore(%arg26 : memref<!tpu.dma_semaphore, #tpu.memory_space<semaphore_mem>>) src(%dma_wait3A_186 : memref<5120x128xf32, #tpu.memory_space<hbm>>) dst(%arg17 : memref<112x128xf32, #tpu.memory_space<vmem>>)
      %dma_wait3A_187 = arith.constant 0 : i32
      %dma_wait3A_188 = arith.constant 0 : i32
      %dma_wait3A_189 = tpu.memref_slice %arg2[%dma_wait3A_187, %dma_wait3A_188] : memref<5120x128xf32, #tpu.memory_space<hbm>> -> memref<5120x128xf32, #tpu.memory_space<hbm>>
      tpu.wait_indirect_dma semaphore(%arg26 : memref<!tpu.dma_semaphore, #tpu.memory_space<semaphore_mem>>) src(%dma_wait3A_189 : memref<5120x128xf32, #tpu.memory_space<hbm>>) dst(%arg18 : memref<112x128xf32, #tpu.memory_space<vmem>>)
      %dma_wait3A_190 = arith.constant 0 : i32
      %dma_wait3A_191 = arith.constant 0 : i32
      %dma_wait3A_192 = tpu.memref_slice %arg2[%dma_wait3A_190, %dma_wait3A_191] : memref<5120x128xf32, #tpu.memory_space<hbm>> -> memref<5120x128xf32, #tpu.memory_space<hbm>>
      tpu.wait_indirect_dma semaphore(%arg26 : memref<!tpu.dma_semaphore, #tpu.memory_space<semaphore_mem>>) src(%dma_wait3A_192 : memref<5120x128xf32, #tpu.memory_space<hbm>>) dst(%arg19 : memref<112x128xf32, #tpu.memory_space<vmem>>)
      %dma_start3A_193 = arith.constant 0 : i32
      %dma_start3A_194 = arith.constant 0 : i32
      %dma_start3A_195 = tpu.memref_slice %arg24[%dma_start3A_193, %dma_start3A_194] : memref<2048x128xf32, #tpu.memory_space<vmem_shared>> -> memref<2048x128xf32, #tpu.memory_space<vmem_shared>>
      tpu.enqueue_indirect_dma source(%arg17 : memref<112x128xf32, #tpu.memory_space<vmem>>) target(%dma_start3A_195 : memref<2048x128xf32, #tpu.memory_space<vmem_shared>>) offsets(%arg11 : memref<112xi32, #tpu.memory_space<vmem>>) semaphore(%arg28 : memref<!tpu.dma_semaphore, #tpu.memory_space<semaphore_mem>>) {add = true}
      %dma_start3A_196 = arith.constant 0 : i32
      %dma_start3A_197 = arith.constant 0 : i32
      %dma_start3A_198 = tpu.memref_slice %arg24[%dma_start3A_196, %dma_start3A_197] : memref<2048x128xf32, #tpu.memory_space<vmem_shared>> -> memref<2048x128xf32, #tpu.memory_space<vmem_shared>>
      tpu.enqueue_indirect_dma source(%arg18 : memref<112x128xf32, #tpu.memory_space<vmem>>) target(%dma_start3A_198 : memref<2048x128xf32, #tpu.memory_space<vmem_shared>>) offsets(%arg12 : memref<112xi32, #tpu.memory_space<vmem>>) semaphore(%arg28 : memref<!tpu.dma_semaphore, #tpu.memory_space<semaphore_mem>>) {add = true}
      %dma_start3A_199 = arith.constant 0 : i32
      %dma_start3A_200 = arith.constant 0 : i32
      %dma_start3A_201 = tpu.memref_slice %arg24[%dma_start3A_199, %dma_start3A_200] : memref<2048x128xf32, #tpu.memory_space<vmem_shared>> -> memref<2048x128xf32, #tpu.memory_space<vmem_shared>>
      tpu.enqueue_indirect_dma source(%arg19 : memref<112x128xf32, #tpu.memory_space<vmem>>) target(%dma_start3A_201 : memref<2048x128xf32, #tpu.memory_space<vmem_shared>>) offsets(%arg13 : memref<112xi32, #tpu.memory_space<vmem>>) semaphore(%arg28 : memref<!tpu.dma_semaphore, #tpu.memory_space<semaphore_mem>>) {add = true}
      %dma_wait3A_202 = arith.constant 0 : i32
      %dma_wait3A_203 = arith.constant 0 : i32
      %dma_wait3A_204 = tpu.memref_slice %arg2[%dma_wait3A_202, %dma_wait3A_203] : memref<5120x128xf32, #tpu.memory_space<hbm>> -> memref<5120x128xf32, #tpu.memory_space<hbm>>
      tpu.wait_indirect_dma semaphore(%arg27 : memref<!tpu.dma_semaphore, #tpu.memory_space<semaphore_mem>>) src(%dma_wait3A_204 : memref<5120x128xf32, #tpu.memory_space<hbm>>) dst(%arg20 : memref<112x128xf32, #tpu.memory_space<vmem>>)
      %dma_wait3A_205 = arith.constant 0 : i32
      %dma_wait3A_206 = arith.constant 0 : i32
      %dma_wait3A_207 = tpu.memref_slice %arg2[%dma_wait3A_205, %dma_wait3A_206] : memref<5120x128xf32, #tpu.memory_space<hbm>> -> memref<5120x128xf32, #tpu.memory_space<hbm>>
      tpu.wait_indirect_dma semaphore(%arg27 : memref<!tpu.dma_semaphore, #tpu.memory_space<semaphore_mem>>) src(%dma_wait3A_207 : memref<5120x128xf32, #tpu.memory_space<hbm>>) dst(%arg21 : memref<112x128xf32, #tpu.memory_space<vmem>>)
      %dma_wait3A_208 = arith.constant 0 : i32
      %dma_wait3A_209 = arith.constant 0 : i32
      %dma_wait3A_210 = tpu.memref_slice %arg2[%dma_wait3A_208, %dma_wait3A_209] : memref<5120x128xf32, #tpu.memory_space<hbm>> -> memref<5120x128xf32, #tpu.memory_space<hbm>>
      tpu.wait_indirect_dma semaphore(%arg27 : memref<!tpu.dma_semaphore, #tpu.memory_space<semaphore_mem>>) src(%dma_wait3A_210 : memref<5120x128xf32, #tpu.memory_space<hbm>>) dst(%arg22 : memref<112x128xf32, #tpu.memory_space<vmem>>)
      %dma_wait3A_211 = arith.constant 0 : i32
      %dma_wait3A_212 = arith.constant 0 : i32
      %dma_wait3A_213 = tpu.memref_slice %arg24[%dma_wait3A_211, %dma_wait3A_212] : memref<2048x128xf32, #tpu.memory_space<vmem_shared>> -> memref<2048x128xf32, #tpu.memory_space<vmem_shared>>
      tpu.wait_indirect_dma semaphore(%arg28 : memref<!tpu.dma_semaphore, #tpu.memory_space<semaphore_mem>>) src(%arg17 : memref<112x128xf32, #tpu.memory_space<vmem>>) dst(%dma_wait3A_213 : memref<2048x128xf32, #tpu.memory_space<vmem_shared>>)
      %dma_wait3A_214 = arith.constant 0 : i32
      %dma_wait3A_215 = arith.constant 0 : i32
      %dma_wait3A_216 = tpu.memref_slice %arg24[%dma_wait3A_214, %dma_wait3A_215] : memref<2048x128xf32, #tpu.memory_space<vmem_shared>> -> memref<2048x128xf32, #tpu.memory_space<vmem_shared>>
      tpu.wait_indirect_dma semaphore(%arg28 : memref<!tpu.dma_semaphore, #tpu.memory_space<semaphore_mem>>) src(%arg18 : memref<112x128xf32, #tpu.memory_space<vmem>>) dst(%dma_wait3A_216 : memref<2048x128xf32, #tpu.memory_space<vmem_shared>>)
      %dma_wait3A_217 = arith.constant 0 : i32
      %dma_wait3A_218 = arith.constant 0 : i32
      %dma_wait3A_219 = tpu.memref_slice %arg24[%dma_wait3A_217, %dma_wait3A_218] : memref<2048x128xf32, #tpu.memory_space<vmem_shared>> -> memref<2048x128xf32, #tpu.memory_space<vmem_shared>>
      tpu.wait_indirect_dma semaphore(%arg28 : memref<!tpu.dma_semaphore, #tpu.memory_space<semaphore_mem>>) src(%arg19 : memref<112x128xf32, #tpu.memory_space<vmem>>) dst(%dma_wait3A_219 : memref<2048x128xf32, #tpu.memory_space<vmem_shared>>)
      %dma_start3A_220 = arith.constant 0 : i32
      %dma_start3A_221 = arith.constant 0 : i32
      %dma_start3A_222 = tpu.memref_slice %arg24[%dma_start3A_220, %dma_start3A_221] : memref<2048x128xf32, #tpu.memory_space<vmem_shared>> -> memref<2048x128xf32, #tpu.memory_space<vmem_shared>>
      tpu.enqueue_indirect_dma source(%arg20 : memref<112x128xf32, #tpu.memory_space<vmem>>) target(%dma_start3A_222 : memref<2048x128xf32, #tpu.memory_space<vmem_shared>>) offsets(%arg14 : memref<112xi32, #tpu.memory_space<vmem>>) semaphore(%arg28 : memref<!tpu.dma_semaphore, #tpu.memory_space<semaphore_mem>>) {add = true}
      %dma_start3A_223 = arith.constant 0 : i32
      %dma_start3A_224 = arith.constant 0 : i32
      %dma_start3A_225 = tpu.memref_slice %arg24[%dma_start3A_223, %dma_start3A_224] : memref<2048x128xf32, #tpu.memory_space<vmem_shared>> -> memref<2048x128xf32, #tpu.memory_space<vmem_shared>>
      tpu.enqueue_indirect_dma source(%arg21 : memref<112x128xf32, #tpu.memory_space<vmem>>) target(%dma_start3A_225 : memref<2048x128xf32, #tpu.memory_space<vmem_shared>>) offsets(%arg15 : memref<112xi32, #tpu.memory_space<vmem>>) semaphore(%arg28 : memref<!tpu.dma_semaphore, #tpu.memory_space<semaphore_mem>>) {add = true}
      %dma_start3A_226 = arith.constant 0 : i32
      %dma_start3A_227 = arith.constant 0 : i32
      %dma_start3A_228 = tpu.memref_slice %arg24[%dma_start3A_226, %dma_start3A_227] : memref<2048x128xf32, #tpu.memory_space<vmem_shared>> -> memref<2048x128xf32, #tpu.memory_space<vmem_shared>>
      tpu.enqueue_indirect_dma source(%arg22 : memref<112x128xf32, #tpu.memory_space<vmem>>) target(%dma_start3A_228 : memref<2048x128xf32, #tpu.memory_space<vmem_shared>>) offsets(%arg16 : memref<112xi32, #tpu.memory_space<vmem>>) semaphore(%arg28 : memref<!tpu.dma_semaphore, #tpu.memory_space<semaphore_mem>>) {add = true}
      %dma_wait3A_229 = arith.constant 0 : i32
      %dma_wait3A_230 = arith.constant 0 : i32
      %dma_wait3A_231 = tpu.memref_slice %arg24[%dma_wait3A_229, %dma_wait3A_230] : memref<2048x128xf32, #tpu.memory_space<vmem_shared>> -> memref<2048x128xf32, #tpu.memory_space<vmem_shared>>
      tpu.wait_indirect_dma semaphore(%arg28 : memref<!tpu.dma_semaphore, #tpu.memory_space<semaphore_mem>>) src(%arg20 : memref<112x128xf32, #tpu.memory_space<vmem>>) dst(%dma_wait3A_231 : memref<2048x128xf32, #tpu.memory_space<vmem_shared>>)
      %dma_wait3A_232 = arith.constant 0 : i32
      %dma_wait3A_233 = arith.constant 0 : i32
      %dma_wait3A_234 = tpu.memref_slice %arg24[%dma_wait3A_232, %dma_wait3A_233] : memref<2048x128xf32, #tpu.memory_space<vmem_shared>> -> memref<2048x128xf32, #tpu.memory_space<vmem_shared>>
      tpu.wait_indirect_dma semaphore(%arg28 : memref<!tpu.dma_semaphore, #tpu.memory_space<semaphore_mem>>) src(%arg21 : memref<112x128xf32, #tpu.memory_space<vmem>>) dst(%dma_wait3A_234 : memref<2048x128xf32, #tpu.memory_space<vmem_shared>>)
      %dma_wait3A_235 = arith.constant 0 : i32
      %dma_wait3A_236 = arith.constant 0 : i32
      %dma_wait3A_237 = tpu.memref_slice %arg24[%dma_wait3A_235, %dma_wait3A_236] : memref<2048x128xf32, #tpu.memory_space<vmem_shared>> -> memref<2048x128xf32, #tpu.memory_space<vmem_shared>>
      tpu.wait_indirect_dma semaphore(%arg28 : memref<!tpu.dma_semaphore, #tpu.memory_space<semaphore_mem>>) src(%arg22 : memref<112x128xf32, #tpu.memory_space<vmem>>) dst(%dma_wait3A_237 : memref<2048x128xf32, #tpu.memory_space<vmem_shared>>)
      %while3A_238 = arith.constant 0 : i32
      scf.yield %while3A_238 : i32
    }
    %while3A_45 = arith.constant 1 : i32
    %while3A_46 = scf.for %while3A_48 = %while3A_42 to %while3A_38 step %while3A_45 iter_args(%while3A_49 = %while3A_44) -> (i32)  : i32 {
      %mul3A_50 = arith.constant 2 : i32
      %mul3A_51 = arith.muli %mul3A_50, %while3A_48 : i32
      %mul3A_52 = arith.constant 3 : i32
      %mul3A_53 = arith.muli %mul3A_51, %mul3A_52 : i32
      %add3A_54 = arith.constant 0 : i32
      %add3A_55 = arith.addi %mul3A_53, %add3A_54 : i32
      %mul3A_56 = arith.constant 2 : i32
      %mul3A_57 = arith.muli %add3A_55, %mul3A_56 : i32
      %mul3A_58 = arith.constant 112 : i32
      %mul3A_59 = arith.muli %mul3A_57, %mul3A_58 : i32
      %add3A_60 = arith.addi %mul3A_35, %mul3A_59 : i32
      %dma_start3A = tpu.memref_slice %arg3[%add3A_60] : memref<322560xi32, #tpu.memory_space<hbm>> -> memref<112xi32, #tpu.memory_space<hbm>>
      %dma_start3A_61 = tpu.memref_slice %arg3[%add3A_60] : memref<322560xi32, #tpu.memory_space<hbm>> -> memref<112xi32, #tpu.memory_space<hbm>>
      tpu.enqueue_dma source(%dma_start3A_61 : memref<112xi32, #tpu.memory_space<hbm>>) target(%arg5 : memref<112xi32, #tpu.memory_space<vmem>>) target_semaphore(%arg25 : memref<!tpu.dma_semaphore, #tpu.memory_space<semaphore_mem>>)
      %add3A_62 = arith.constant 112 : i32
      %add3A_63 = arith.addi %add3A_60, %add3A_62 : i32
      %dma_start3A_64 = tpu.memref_slice %arg3[%add3A_63] : memref<322560xi32, #tpu.memory_space<hbm>> -> memref<112xi32, #tpu.memory_space<hbm>>
      %dma_start3A_65 = tpu.memref_slice %arg3[%add3A_63] : memref<322560xi32, #tpu.memory_space<hbm>> -> memref<112xi32, #tpu.memory_space<hbm>>
      tpu.enqueue_dma source(%dma_start3A_65 : memref<112xi32, #tpu.memory_space<hbm>>) target(%arg11 : memref<112xi32, #tpu.memory_space<vmem>>) target_semaphore(%arg25 : memref<!tpu.dma_semaphore, #tpu.memory_space<semaphore_mem>>)
      %mul3A_66 = arith.constant 3 : i32
      %mul3A_67 = arith.muli %mul3A_51, %mul3A_66 : i32
      %add3A_68 = arith.constant 1 : i32
      %add3A_69 = arith.addi %mul3A_67, %add3A_68 : i32
      %mul3A_70 = arith.constant 2 : i32
      %mul3A_71 = arith.muli %add3A_69, %mul3A_70 : i32
      %mul3A_72 = arith.constant 112 : i32
      %mul3A_73 = arith.muli %mul3A_71, %mul3A_72 : i32
      %add3A_74 = arith.addi %mul3A_35, %mul3A_73 : i32
      %dma_start3A_75 = tpu.memref_slice %arg3[%add3A_74] : memref<322560xi32, #tpu.memory_space<hbm>> -> memref<112xi32, #tpu.memory_space<hbm>>
      %dma_start3A_76 = tpu.memref_slice %arg3[%add3A_74] : memref<322560xi32, #tpu.memory_space<hbm>> -> memref<112xi32, #tpu.memory_space<hbm>>
      tpu.enqueue_dma source(%dma_start3A_76 : memref<112xi32, #tpu.memory_space<hbm>>) target(%arg6 : memref<112xi32, #tpu.memory_space<vmem>>) target_semaphore(%arg25 : memref<!tpu.dma_semaphore, #tpu.memory_space<semaphore_mem>>)
      %add3A_77 = arith.constant 112 : i32
      %add3A_78 = arith.addi %add3A_74, %add3A_77 : i32
      %dma_start3A_79 = tpu.memref_slice %arg3[%add3A_78] : memref<322560xi32, #tpu.memory_space<hbm>> -> memref<112xi32, #tpu.memory_space<hbm>>
      %dma_start3A_80 = tpu.memref_slice %arg3[%add3A_78] : memref<322560xi32, #tpu.memory_space<hbm>> -> memref<112xi32, #tpu.memory_space<hbm>>
      tpu.enqueue_dma source(%dma_start3A_80 : memref<112xi32, #tpu.memory_space<hbm>>) target(%arg12 : memref<112xi32, #tpu.memory_space<vmem>>) target_semaphore(%arg25 : memref<!tpu.dma_semaphore, #tpu.memory_space<semaphore_mem>>)
      %mul3A_81 = arith.constant 3 : i32
      %mul3A_82 = arith.muli %mul3A_51, %mul3A_81 : i32
      %add3A_83 = arith.constant 2 : i32
      %add3A_84 = arith.addi %mul3A_82, %add3A_83 : i32
      %mul3A_85 = arith.constant 2 : i32
      %mul3A_86 = arith.muli %add3A_84, %mul3A_85 : i32
      %mul3A_87 = arith.constant 112 : i32
      %mul3A_88 = arith.muli %mul3A_86, %mul3A_87 : i32
      %add3A_89 = arith.addi %mul3A_35, %mul3A_88 : i32
      %dma_start3A_90 = tpu.memref_slice %arg3[%add3A_89] : memref<322560xi32, #tpu.memory_space<hbm>> -> memref<112xi32, #tpu.memory_space<hbm>>
      %dma_start3A_91 = tpu.memref_slice %arg3[%add3A_89] : memref<322560xi32, #tpu.memory_space<hbm>> -> memref<112xi32, #tpu.memory_space<hbm>>
      tpu.enqueue_dma source(%dma_start3A_91 : memref<112xi32, #tpu.memory_space<hbm>>) target(%arg7 : memref<112xi32, #tpu.memory_space<vmem>>) target_semaphore(%arg25 : memref<!tpu.dma_semaphore, #tpu.memory_space<semaphore_mem>>)
      %add3A_92 = arith.constant 112 : i32
      %add3A_93 = arith.addi %add3A_89, %add3A_92 : i32
      %dma_start3A_94 = tpu.memref_slice %arg3[%add3A_93] : memref<322560xi32, #tpu.memory_space<hbm>> -> memref<112xi32, #tpu.memory_space<hbm>>
      %dma_start3A_95 = tpu.memref_slice %arg3[%add3A_93] : memref<322560xi32, #tpu.memory_space<hbm>> -> memref<112xi32, #tpu.memory_space<hbm>>
      tpu.enqueue_dma source(%dma_start3A_95 : memref<112xi32, #tpu.memory_space<hbm>>) target(%arg13 : memref<112xi32, #tpu.memory_space<vmem>>) target_semaphore(%arg25 : memref<!tpu.dma_semaphore, #tpu.memory_space<semaphore_mem>>)
      %dma_wait3A = tpu.memref_slice %arg3[%add3A_60] : memref<322560xi32, #tpu.memory_space<hbm>> -> memref<112xi32, #tpu.memory_space<hbm>>
      %dma_wait3A_96 = tpu.memref_slice %arg3[%add3A_60] : memref<322560xi32, #tpu.memory_space<hbm>> -> memref<112xi32, #tpu.memory_space<hbm>>
      tpu.wait_dma2 semaphore(%arg25 : memref<!tpu.dma_semaphore, #tpu.memory_space<semaphore_mem>>) src(%dma_wait3A_96 : memref<112xi32, #tpu.memory_space<hbm>>) dst(%arg5 : memref<112xi32, #tpu.memory_space<vmem>>)
      %dma_wait3A_97 = tpu.memref_slice %arg3[%add3A_63] : memref<322560xi32, #tpu.memory_space<hbm>> -> memref<112xi32, #tpu.memory_space<hbm>>
      %dma_wait3A_98 = tpu.memref_slice %arg3[%add3A_63] : memref<322560xi32, #tpu.memory_space<hbm>> -> memref<112xi32, #tpu.memory_space<hbm>>
      tpu.wait_dma2 semaphore(%arg25 : memref<!tpu.dma_semaphore, #tpu.memory_space<semaphore_mem>>) src(%dma_wait3A_98 : memref<112xi32, #tpu.memory_space<hbm>>) dst(%arg11 : memref<112xi32, #tpu.memory_space<vmem>>)
      %dma_wait3A_99 = tpu.memref_slice %arg3[%add3A_74] : memref<322560xi32, #tpu.memory_space<hbm>> -> memref<112xi32, #tpu.memory_space<hbm>>
      %dma_wait3A_100 = tpu.memref_slice %arg3[%add3A_74] : memref<322560xi32, #tpu.memory_space<hbm>> -> memref<112xi32, #tpu.memory_space<hbm>>
      tpu.wait_dma2 semaphore(%arg25 : memref<!tpu.dma_semaphore, #tpu.memory_space<semaphore_mem>>) src(%dma_wait3A_100 : memref<112xi32, #tpu.memory_space<hbm>>) dst(%arg6 : memref<112xi32, #tpu.memory_space<vmem>>)
      %dma_wait3A_101 = tpu.memref_slice %arg3[%add3A_78] : memref<322560xi32, #tpu.memory_space<hbm>> -> memref<112xi32, #tpu.memory_space<hbm>>
      %dma_wait3A_102 = tpu.memref_slice %arg3[%add3A_78] : memref<322560xi32, #tpu.memory_space<hbm>> -> memref<112xi32, #tpu.memory_space<hbm>>
      tpu.wait_dma2 semaphore(%arg25 : memref<!tpu.dma_semaphore, #tpu.memory_space<semaphore_mem>>) src(%dma_wait3A_102 : memref<112xi32, #tpu.memory_space<hbm>>) dst(%arg12 : memref<112xi32, #tpu.memory_space<vmem>>)
      %dma_wait3A_103 = tpu.memref_slice %arg3[%add3A_89] : memref<322560xi32, #tpu.memory_space<hbm>> -> memref<112xi32, #tpu.memory_space<hbm>>
      %dma_wait3A_104 = tpu.memref_slice %arg3[%add3A_89] : memref<322560xi32, #tpu.memory_space<hbm>> -> memref<112xi32, #tpu.memory_space<hbm>>
      tpu.wait_dma2 semaphore(%arg25 : memref<!tpu.dma_semaphore, #tpu.memory_space<semaphore_mem>>) src(%dma_wait3A_104 : memref<112xi32, #tpu.memory_space<hbm>>) dst(%arg7 : memref<112xi32, #tpu.memory_space<vmem>>)
      %dma_wait3A_105 = tpu.memref_slice %arg3[%add3A_93] : memref<322560xi32, #tpu.memory_space<hbm>> -> memref<112xi32, #tpu.memory_space<hbm>>
      %dma_wait3A_106 = tpu.memref_slice %arg3[%add3A_93] : memref<322560xi32, #tpu.memory_space<hbm>> -> memref<112xi32, #tpu.memory_space<hbm>>
      tpu.wait_dma2 semaphore(%arg25 : memref<!tpu.dma_semaphore, #tpu.memory_space<semaphore_mem>>) src(%dma_wait3A_106 : memref<112xi32, #tpu.memory_space<hbm>>) dst(%arg13 : memref<112xi32, #tpu.memory_space<vmem>>)
      %dma_start3A_107 = arith.constant 0 : i32
      %dma_start3A_108 = arith.constant 0 : i32
      %dma_start3A_109 = tpu.memref_slice %arg2[%dma_start3A_107, %dma_start3A_108] : memref<5120x128xf32, #tpu.memory_space<hbm>> -> memref<5120x128xf32, #tpu.memory_space<hbm>>
      tpu.enqueue_indirect_dma source(%dma_start3A_109 : memref<5120x128xf32, #tpu.memory_space<hbm>>) target(%arg17 : memref<112x128xf32, #tpu.memory_space<vmem>>) offsets(%arg5 : memref<112xi32, #tpu.memory_space<vmem>>) semaphore(%arg26 : memref<!tpu.dma_semaphore, #tpu.memory_space<semaphore_mem>>)
      %dma_start3A_110 = arith.constant 0 : i32
      %dma_start3A_111 = arith.constant 0 : i32
      %dma_start3A_112 = tpu.memref_slice %arg2[%dma_start3A_110, %dma_start3A_111] : memref<5120x128xf32, #tpu.memory_space<hbm>> -> memref<5120x128xf32, #tpu.memory_space<hbm>>
      tpu.enqueue_indirect_dma source(%dma_start3A_112 : memref<5120x128xf32, #tpu.memory_space<hbm>>) target(%arg18 : memref<112x128xf32, #tpu.memory_space<vmem>>) offsets(%arg6 : memref<112xi32, #tpu.memory_space<vmem>>) semaphore(%arg26 : memref<!tpu.dma_semaphore, #tpu.memory_space<semaphore_mem>>)
      %dma_start3A_113 = arith.constant 0 : i32
      %dma_start3A_114 = arith.constant 0 : i32
      %dma_start3A_115 = tpu.memref_slice %arg2[%dma_start3A_113, %dma_start3A_114] : memref<5120x128xf32, #tpu.memory_space<hbm>> -> memref<5120x128xf32, #tpu.memory_space<hbm>>
      tpu.enqueue_indirect_dma source(%dma_start3A_115 : memref<5120x128xf32, #tpu.memory_space<hbm>>) target(%arg19 : memref<112x128xf32, #tpu.memory_space<vmem>>) offsets(%arg7 : memref<112xi32, #tpu.memory_space<vmem>>) semaphore(%arg26 : memref<!tpu.dma_semaphore, #tpu.memory_space<semaphore_mem>>)
      %add3A_116 = arith.constant 1 : i32
      %add3A_117 = arith.addi %mul3A_51, %add3A_116 : i32
      %mul3A_118 = arith.constant 3 : i32
      %mul3A_119 = arith.muli %add3A_117, %mul3A_118 : i32
      %add3A_120 = arith.constant 0 : i32
      %add3A_121 = arith.addi %mul3A_119, %add3A_120 : i32
      %mul3A_122 = arith.constant 2 : i32
      %mul3A_123 = arith.muli %add3A_121, %mul3A_122 : i32
      %mul3A_124 = arith.constant 112 : i32
      %mul3A_125 = arith.muli %mul3A_123, %mul3A_124 : i32
      %add3A_126 = arith.addi %mul3A_35, %mul3A_125 : i32
      %dma_start3A_127 = tpu.memref_slice %arg3[%add3A_126] : memref<322560xi32, #tpu.memory_space<hbm>> -> memref<112xi32, #tpu.memory_space<hbm>>
      %dma_start3A_128 = tpu.memref_slice %arg3[%add3A_126] : memref<322560xi32, #tpu.memory_space<hbm>> -> memref<112xi32, #tpu.memory_space<hbm>>
      tpu.enqueue_dma source(%dma_start3A_128 : memref<112xi32, #tpu.memory_space<hbm>>) target(%arg8 : memref<112xi32, #tpu.memory_space<vmem>>) target_semaphore(%arg25 : memref<!tpu.dma_semaphore, #tpu.memory_space<semaphore_mem>>)
      %add3A_129 = arith.constant 112 : i32
      %add3A_130 = arith.addi %add3A_126, %add3A_129 : i32
      %dma_start3A_131 = tpu.memref_slice %arg3[%add3A_130] : memref<322560xi32, #tpu.memory_space<hbm>> -> memref<112xi32, #tpu.memory_space<hbm>>
      %dma_start3A_132 = tpu.memref_slice %arg3[%add3A_130] : memref<322560xi32, #tpu.memory_space<hbm>> -> memref<112xi32, #tpu.memory_space<hbm>>
      tpu.enqueue_dma source(%dma_start3A_132 : memref<112xi32, #tpu.memory_space<hbm>>) target(%arg14 : memref<112xi32, #tpu.memory_space<vmem>>) target_semaphore(%arg25 : memref<!tpu.dma_semaphore, #tpu.memory_space<semaphore_mem>>)
      %mul3A_133 = arith.constant 3 : i32
      %mul3A_134 = arith.muli %add3A_117, %mul3A_133 : i32
      %add3A_135 = arith.constant 1 : i32
      %add3A_136 = arith.addi %mul3A_134, %add3A_135 : i32
      %mul3A_137 = arith.constant 2 : i32
      %mul3A_138 = arith.muli %add3A_136, %mul3A_137 : i32
      %mul3A_139 = arith.constant 112 : i32
      %mul3A_140 = arith.muli %mul3A_138, %mul3A_139 : i32
      %add3A_141 = arith.addi %mul3A_35, %mul3A_140 : i32
      %dma_start3A_142 = tpu.memref_slice %arg3[%add3A_141] : memref<322560xi32, #tpu.memory_space<hbm>> -> memref<112xi32, #tpu.memory_space<hbm>>
      %dma_start3A_143 = tpu.memref_slice %arg3[%add3A_141] : memref<322560xi32, #tpu.memory_space<hbm>> -> memref<112xi32, #tpu.memory_space<hbm>>
      tpu.enqueue_dma source(%dma_start3A_143 : memref<112xi32, #tpu.memory_space<hbm>>) target(%arg9 : memref<112xi32, #tpu.memory_space<vmem>>) target_semaphore(%arg25 : memref<!tpu.dma_semaphore, #tpu.memory_space<semaphore_mem>>)
      %add3A_144 = arith.constant 112 : i32
      %add3A_145 = arith.addi %add3A_141, %add3A_144 : i32
      %dma_start3A_146 = tpu.memref_slice %arg3[%add3A_145] : memref<322560xi32, #tpu.memory_space<hbm>> -> memref<112xi32, #tpu.memory_space<hbm>>
      %dma_start3A_147 = tpu.memref_slice %arg3[%add3A_145] : memref<322560xi32, #tpu.memory_space<hbm>> -> memref<112xi32, #tpu.memory_space<hbm>>
      tpu.enqueue_dma source(%dma_start3A_147 : memref<112xi32, #tpu.memory_space<hbm>>) target(%arg15 : memref<112xi32, #tpu.memory_space<vmem>>) target_semaphore(%arg25 : memref<!tpu.dma_semaphore, #tpu.memory_space<semaphore_mem>>)
      %mul3A_148 = arith.constant 3 : i32
      %mul3A_149 = arith.muli %add3A_117, %mul3A_148 : i32
      %add3A_150 = arith.constant 2 : i32
      %add3A_151 = arith.addi %mul3A_149, %add3A_150 : i32
      %mul3A_152 = arith.constant 2 : i32
      %mul3A_153 = arith.muli %add3A_151, %mul3A_152 : i32
      %mul3A_154 = arith.constant 112 : i32
      %mul3A_155 = arith.muli %mul3A_153, %mul3A_154 : i32
      %add3A_156 = arith.addi %mul3A_35, %mul3A_155 : i32
      %dma_start3A_157 = tpu.memref_slice %arg3[%add3A_156] : memref<322560xi32, #tpu.memory_space<hbm>> -> memref<112xi32, #tpu.memory_space<hbm>>
      %dma_start3A_158 = tpu.memref_slice %arg3[%add3A_156] : memref<322560xi32, #tpu.memory_space<hbm>> -> memref<112xi32, #tpu.memory_space<hbm>>
      tpu.enqueue_dma source(%dma_start3A_158 : memref<112xi32, #tpu.memory_space<hbm>>) target(%arg10 : memref<112xi32, #tpu.memory_space<vmem>>) target_semaphore(%arg25 : memref<!tpu.dma_semaphore, #tpu.memory_space<semaphore_mem>>)
      %add3A_159 = arith.constant 112 : i32
      %add3A_160 = arith.addi %add3A_156, %add3A_159 : i32
      %dma_start3A_161 = tpu.memref_slice %arg3[%add3A_160] : memref<322560xi32, #tpu.memory_space<hbm>> -> memref<112xi32, #tpu.memory_space<hbm>>
      %dma_start3A_162 = tpu.memref_slice %arg3[%add3A_160] : memref<322560xi32, #tpu.memory_space<hbm>> -> memref<112xi32, #tpu.memory_space<hbm>>
      tpu.enqueue_dma source(%dma_start3A_162 : memref<112xi32, #tpu.memory_space<hbm>>) target(%arg16 : memref<112xi32, #tpu.memory_space<vmem>>) target_semaphore(%arg25 : memref<!tpu.dma_semaphore, #tpu.memory_space<semaphore_mem>>)
      %dma_wait3A_163 = tpu.memref_slice %arg3[%add3A_126] : memref<322560xi32, #tpu.memory_space<hbm>> -> memref<112xi32, #tpu.memory_space<hbm>>
      %dma_wait3A_164 = tpu.memref_slice %arg3[%add3A_126] : memref<322560xi32, #tpu.memory_space<hbm>> -> memref<112xi32, #tpu.memory_space<hbm>>
      tpu.wait_dma2 semaphore(%arg25 : memref<!tpu.dma_semaphore, #tpu.memory_space<semaphore_mem>>) src(%dma_wait3A_164 : memref<112xi32, #tpu.memory_space<hbm>>) dst(%arg8 : memref<112xi32, #tpu.memory_space<vmem>>)
      %dma_wait3A_165 = tpu.memref_slice %arg3[%add3A_130] : memref<322560xi32, #tpu.memory_space<hbm>> -> memref<112xi32, #tpu.memory_space<hbm>>
      %dma_wait3A_166 = tpu.memref_slice %arg3[%add3A_130] : memref<322560xi32, #tpu.memory_space<hbm>> -> memref<112xi32, #tpu.memory_space<hbm>>
      tpu.wait_dma2 semaphore(%arg25 : memref<!tpu.dma_semaphore, #tpu.memory_space<semaphore_mem>>) src(%dma_wait3A_166 : memref<112xi32, #tpu.memory_space<hbm>>) dst(%arg14 : memref<112xi32, #tpu.memory_space<vmem>>)
      %dma_wait3A_167 = tpu.memref_slice %arg3[%add3A_141] : memref<322560xi32, #tpu.memory_space<hbm>> -> memref<112xi32, #tpu.memory_space<hbm>>
      %dma_wait3A_168 = tpu.memref_slice %arg3[%add3A_141] : memref<322560xi32, #tpu.memory_space<hbm>> -> memref<112xi32, #tpu.memory_space<hbm>>
      tpu.wait_dma2 semaphore(%arg25 : memref<!tpu.dma_semaphore, #tpu.memory_space<semaphore_mem>>) src(%dma_wait3A_168 : memref<112xi32, #tpu.memory_space<hbm>>) dst(%arg9 : memref<112xi32, #tpu.memory_space<vmem>>)
      %dma_wait3A_169 = tpu.memref_slice %arg3[%add3A_145] : memref<322560xi32, #tpu.memory_space<hbm>> -> memref<112xi32, #tpu.memory_space<hbm>>
      %dma_wait3A_170 = tpu.memref_slice %arg3[%add3A_145] : memref<322560xi32, #tpu.memory_space<hbm>> -> memref<112xi32, #tpu.memory_space<hbm>>
      tpu.wait_dma2 semaphore(%arg25 : memref<!tpu.dma_semaphore, #tpu.memory_space<semaphore_mem>>) src(%dma_wait3A_170 : memref<112xi32, #tpu.memory_space<hbm>>) dst(%arg15 : memref<112xi32, #tpu.memory_space<vmem>>)
      %dma_wait3A_171 = tpu.memref_slice %arg3[%add3A_156] : memref<322560xi32, #tpu.memory_space<hbm>> -> memref<112xi32, #tpu.memory_space<hbm>>
      %dma_wait3A_172 = tpu.memref_slice %arg3[%add3A_156] : memref<322560xi32, #tpu.memory_space<hbm>> -> memref<112xi32, #tpu.memory_space<hbm>>
      tpu.wait_dma2 semaphore(%arg25 : memref<!tpu.dma_semaphore, #tpu.memory_space<semaphore_mem>>) src(%dma_wait3A_172 : memref<112xi32, #tpu.memory_space<hbm>>) dst(%arg10 : memref<112xi32, #tpu.memory_space<vmem>>)
      %dma_wait3A_173 = tpu.memref_slice %arg3[%add3A_160] : memref<322560xi32, #tpu.memory_space<hbm>> -> memref<112xi32, #tpu.memory_space<hbm>>
      %dma_wait3A_174 = tpu.memref_slice %arg3[%add3A_160] : memref<322560xi32, #tpu.memory_space<hbm>> -> memref<112xi32, #tpu.memory_space<hbm>>
      tpu.wait_dma2 semaphore(%arg25 : memref<!tpu.dma_semaphore, #tpu.memory_space<semaphore_mem>>) src(%dma_wait3A_174 : memref<112xi32, #tpu.memory_space<hbm>>) dst(%arg16 : memref<112xi32, #tpu.memory_space<vmem>>)
      %dma_start3A_175 = arith.constant 0 : i32
      %dma_start3A_176 = arith.constant 0 : i32
      %dma_start3A_177 = tpu.memref_slice %arg2[%dma_start3A_175, %dma_start3A_176] : memref<5120x128xf32, #tpu.memory_space<hbm>> -> memref<5120x128xf32, #tpu.memory_space<hbm>>
      tpu.enqueue_indirect_dma source(%dma_start3A_177 : memref<5120x128xf32, #tpu.memory_space<hbm>>) target(%arg20 : memref<112x128xf32, #tpu.memory_space<vmem>>) offsets(%arg8 : memref<112xi32, #tpu.memory_space<vmem>>) semaphore(%arg27 : memref<!tpu.dma_semaphore, #tpu.memory_space<semaphore_mem>>)
      %dma_start3A_178 = arith.constant 0 : i32
      %dma_start3A_179 = arith.constant 0 : i32
      %dma_start3A_180 = tpu.memref_slice %arg2[%dma_start3A_178, %dma_start3A_179] : memref<5120x128xf32, #tpu.memory_space<hbm>> -> memref<5120x128xf32, #tpu.memory_space<hbm>>
      tpu.enqueue_indirect_dma source(%dma_start3A_180 : memref<5120x128xf32, #tpu.memory_space<hbm>>) target(%arg21 : memref<112x128xf32, #tpu.memory_space<vmem>>) offsets(%arg9 : memref<112xi32, #tpu.memory_space<vmem>>) semaphore(%arg27 : memref<!tpu.dma_semaphore, #tpu.memory_space<semaphore_mem>>)
      %dma_start3A_181 = arith.constant 0 : i32
      %dma_start3A_182 = arith.constant 0 : i32
      %dma_start3A_183 = tpu.memref_slice %arg2[%dma_start3A_181, %dma_start3A_182] : memref<5120x128xf32, #tpu.memory_space<hbm>> -> memref<5120x128xf32, #tpu.memory_space<hbm>>
      tpu.enqueue_indirect_dma source(%dma_start3A_183 : memref<5120x128xf32, #tpu.memory_space<hbm>>) target(%arg22 : memref<112x128xf32, #tpu.memory_space<vmem>>) offsets(%arg10 : memref<112xi32, #tpu.memory_space<vmem>>) semaphore(%arg27 : memref<!tpu.dma_semaphore, #tpu.memory_space<semaphore_mem>>)
      %dma_wait3A_184 = arith.constant 0 : i32
      %dma_wait3A_185 = arith.constant 0 : i32
      %dma_wait3A_186 = tpu.memref_slice %arg2[%dma_wait3A_184, %dma_wait3A_185] : memref<5120x128xf32, #tpu.memory_space<hbm>> -> memref<5120x128xf32, #tpu.memory_space<hbm>>
      tpu.wait_indirect_dma semaphore(%arg26 : memref<!tpu.dma_semaphore, #tpu.memory_space<semaphore_mem>>) src(%dma_wait3A_186 : memref<5120x128xf32, #tpu.memory_space<hbm>>) dst(%arg17 : memref<112x128xf32, #tpu.memory_space<vmem>>)
      %dma_wait3A_187 = arith.constant 0 : i32
      %dma_wait3A_188 = arith.constant 0 : i32
      %dma_wait3A_189 = tpu.memref_slice %arg2[%dma_wait3A_187, %dma_wait3A_188] : memref<5120x128xf32, #tpu.memory_space<hbm>> -> memref<5120x128xf32, #tpu.memory_space<hbm>>
      tpu.wait_indirect_dma semaphore(%arg26 : memref<!tpu.dma_semaphore, #tpu.memory_space<semaphore_mem>>) src(%dma_wait3A_189 : memref<5120x128xf32, #tpu.memory_space<hbm>>) dst(%arg18 : memref<112x128xf32, #tpu.memory_space<vmem>>)
      %dma_wait3A_190 = arith.constant 0 : i32
      %dma_wait3A_191 = arith.constant 0 : i32
      %dma_wait3A_192 = tpu.memref_slice %arg2[%dma_wait3A_190, %dma_wait3A_191] : memref<5120x128xf32, #tpu.memory_space<hbm>> -> memref<5120x128xf32, #tpu.memory_space<hbm>>
      tpu.wait_indirect_dma semaphore(%arg26 : memref<!tpu.dma_semaphore, #tpu.memory_space<semaphore_mem>>) src(%dma_wait3A_192 : memref<5120x128xf32, #tpu.memory_space<hbm>>) dst(%arg19 : memref<112x128xf32, #tpu.memory_space<vmem>>)
      %dma_start3A_193 = arith.constant 0 : i32
      %dma_start3A_194 = arith.constant 0 : i32
      %dma_start3A_195 = tpu.memref_slice %arg24[%dma_start3A_193, %dma_start3A_194] : memref<2048x128xf32, #tpu.memory_space<vmem_shared>> -> memref<2048x128xf32, #tpu.memory_space<vmem_shared>>
      tpu.enqueue_indirect_dma source(%arg17 : memref<112x128xf32, #tpu.memory_space<vmem>>) target(%dma_start3A_195 : memref<2048x128xf32, #tpu.memory_space<vmem_shared>>) offsets(%arg11 : memref<112xi32, #tpu.memory_space<vmem>>) semaphore(%arg28 : memref<!tpu.dma_semaphore, #tpu.memory_space<semaphore_mem>>) {add = true}
      %dma_start3A_196 = arith.constant 0 : i32
      %dma_start3A_197 = arith.constant 0 : i32
      %dma_start3A_198 = tpu.memref_slice %arg24[%dma_start3A_196, %dma_start3A_197] : memref<2048x128xf32, #tpu.memory_space<vmem_shared>> -> memref<2048x128xf32, #tpu.memory_space<vmem_shared>>
      tpu.enqueue_indirect_dma source(%arg18 : memref<112x128xf32, #tpu.memory_space<vmem>>) target(%dma_start3A_198 : memref<2048x128xf32, #tpu.memory_space<vmem_shared>>) offsets(%arg12 : memref<112xi32, #tpu.memory_space<vmem>>) semaphore(%arg28 : memref<!tpu.dma_semaphore, #tpu.memory_space<semaphore_mem>>) {add = true}
      %dma_start3A_199 = arith.constant 0 : i32
      %dma_start3A_200 = arith.constant 0 : i32
      %dma_start3A_201 = tpu.memref_slice %arg24[%dma_start3A_199, %dma_start3A_200] : memref<2048x128xf32, #tpu.memory_space<vmem_shared>> -> memref<2048x128xf32, #tpu.memory_space<vmem_shared>>
      tpu.enqueue_indirect_dma source(%arg19 : memref<112x128xf32, #tpu.memory_space<vmem>>) target(%dma_start3A_201 : memref<2048x128xf32, #tpu.memory_space<vmem_shared>>) offsets(%arg13 : memref<112xi32, #tpu.memory_space<vmem>>) semaphore(%arg28 : memref<!tpu.dma_semaphore, #tpu.memory_space<semaphore_mem>>) {add = true}
      %dma_wait3A_202 = arith.constant 0 : i32
      %dma_wait3A_203 = arith.constant 0 : i32
      %dma_wait3A_204 = tpu.memref_slice %arg2[%dma_wait3A_202, %dma_wait3A_203] : memref<5120x128xf32, #tpu.memory_space<hbm>> -> memref<5120x128xf32, #tpu.memory_space<hbm>>
      tpu.wait_indirect_dma semaphore(%arg27 : memref<!tpu.dma_semaphore, #tpu.memory_space<semaphore_mem>>) src(%dma_wait3A_204 : memref<5120x128xf32, #tpu.memory_space<hbm>>) dst(%arg20 : memref<112x128xf32, #tpu.memory_space<vmem>>)
      %dma_wait3A_205 = arith.constant 0 : i32
      %dma_wait3A_206 = arith.constant 0 : i32
      %dma_wait3A_207 = tpu.memref_slice %arg2[%dma_wait3A_205, %dma_wait3A_206] : memref<5120x128xf32, #tpu.memory_space<hbm>> -> memref<5120x128xf32, #tpu.memory_space<hbm>>
      tpu.wait_indirect_dma semaphore(%arg27 : memref<!tpu.dma_semaphore, #tpu.memory_space<semaphore_mem>>) src(%dma_wait3A_207 : memref<5120x128xf32, #tpu.memory_space<hbm>>) dst(%arg21 : memref<112x128xf32, #tpu.memory_space<vmem>>)
      %dma_wait3A_208 = arith.constant 0 : i32
      %dma_wait3A_209 = arith.constant 0 : i32
      %dma_wait3A_210 = tpu.memref_slice %arg2[%dma_wait3A_208, %dma_wait3A_209] : memref<5120x128xf32, #tpu.memory_space<hbm>> -> memref<5120x128xf32, #tpu.memory_space<hbm>>
      tpu.wait_indirect_dma semaphore(%arg27 : memref<!tpu.dma_semaphore, #tpu.memory_space<semaphore_mem>>) src(%dma_wait3A_210 : memref<5120x128xf32, #tpu.memory_space<hbm>>) dst(%arg22 : memref<112x128xf32, #tpu.memory_space<vmem>>)
      %dma_wait3A_211 = arith.constant 0 : i32
      %dma_wait3A_212 = arith.constant 0 : i32
      %dma_wait3A_213 = tpu.memref_slice %arg24[%dma_wait3A_211, %dma_wait3A_212] : memref<2048x128xf32, #tpu.memory_space<vmem_shared>> -> memref<2048x128xf32, #tpu.memory_space<vmem_shared>>
      tpu.wait_indirect_dma semaphore(%arg28 : memref<!tpu.dma_semaphore, #tpu.memory_space<semaphore_mem>>) src(%arg17 : memref<112x128xf32, #tpu.memory_space<vmem>>) dst(%dma_wait3A_213 : memref<2048x128xf32, #tpu.memory_space<vmem_shared>>)
      %dma_wait3A_214 = arith.constant 0 : i32
      %dma_wait3A_215 = arith.constant 0 : i32
      %dma_wait3A_216 = tpu.memref_slice %arg24[%dma_wait3A_214, %dma_wait3A_215] : memref<2048x128xf32, #tpu.memory_space<vmem_shared>> -> memref<2048x128xf32, #tpu.memory_space<vmem_shared>>
      tpu.wait_indirect_dma semaphore(%arg28 : memref<!tpu.dma_semaphore, #tpu.memory_space<semaphore_mem>>) src(%arg18 : memref<112x128xf32, #tpu.memory_space<vmem>>) dst(%dma_wait3A_216 : memref<2048x128xf32, #tpu.memory_space<vmem_shared>>)
      %dma_wait3A_217 = arith.constant 0 : i32
      %dma_wait3A_218 = arith.constant 0 : i32
      %dma_wait3A_219 = tpu.memref_slice %arg24[%dma_wait3A_217, %dma_wait3A_218] : memref<2048x128xf32, #tpu.memory_space<vmem_shared>> -> memref<2048x128xf32, #tpu.memory_space<vmem_shared>>
      tpu.wait_indirect_dma semaphore(%arg28 : memref<!tpu.dma_semaphore, #tpu.memory_space<semaphore_mem>>) src(%arg19 : memref<112x128xf32, #tpu.memory_space<vmem>>) dst(%dma_wait3A_219 : memref<2048x128xf32, #tpu.memory_space<vmem_shared>>)
      %dma_start3A_220 = arith.constant 0 : i32
      %dma_start3A_221 = arith.constant 0 : i32
      %dma_start3A_222 = tpu.memref_slice %arg24[%dma_start3A_220, %dma_start3A_221] : memref<2048x128xf32, #tpu.memory_space<vmem_shared>> -> memref<2048x128xf32, #tpu.memory_space<vmem_shared>>
      tpu.enqueue_indirect_dma source(%arg20 : memref<112x128xf32, #tpu.memory_space<vmem>>) target(%dma_start3A_222 : memref<2048x128xf32, #tpu.memory_space<vmem_shared>>) offsets(%arg14 : memref<112xi32, #tpu.memory_space<vmem>>) semaphore(%arg28 : memref<!tpu.dma_semaphore, #tpu.memory_space<semaphore_mem>>) {add = true}
      %dma_start3A_223 = arith.constant 0 : i32
      %dma_start3A_224 = arith.constant 0 : i32
      %dma_start3A_225 = tpu.memref_slice %arg24[%dma_start3A_223, %dma_start3A_224] : memref<2048x128xf32, #tpu.memory_space<vmem_shared>> -> memref<2048x128xf32, #tpu.memory_space<vmem_shared>>
      tpu.enqueue_indirect_dma source(%arg21 : memref<112x128xf32, #tpu.memory_space<vmem>>) target(%dma_start3A_225 : memref<2048x128xf32, #tpu.memory_space<vmem_shared>>) offsets(%arg15 : memref<112xi32, #tpu.memory_space<vmem>>) semaphore(%arg28 : memref<!tpu.dma_semaphore, #tpu.memory_space<semaphore_mem>>) {add = true}
      %dma_start3A_226 = arith.constant 0 : i32
      %dma_start3A_227 = arith.constant 0 : i32
      %dma_start3A_228 = tpu.memref_slice %arg24[%dma_start3A_226, %dma_start3A_227] : memref<2048x128xf32, #tpu.memory_space<vmem_shared>> -> memref<2048x128xf32, #tpu.memory_space<vmem_shared>>
      tpu.enqueue_indirect_dma source(%arg22 : memref<112x128xf32, #tpu.memory_space<vmem>>) target(%dma_start3A_228 : memref<2048x128xf32, #tpu.memory_space<vmem_shared>>) offsets(%arg16 : memref<112xi32, #tpu.memory_space<vmem>>) semaphore(%arg28 : memref<!tpu.dma_semaphore, #tpu.memory_space<semaphore_mem>>) {add = true}
      %dma_wait3A_229 = arith.constant 0 : i32
      %dma_wait3A_230 = arith.constant 0 : i32
      %dma_wait3A_231 = tpu.memref_slice %arg24[%dma_wait3A_229, %dma_wait3A_230] : memref<2048x128xf32, #tpu.memory_space<vmem_shared>> -> memref<2048x128xf32, #tpu.memory_space<vmem_shared>>
      tpu.wait_indirect_dma semaphore(%arg28 : memref<!tpu.dma_semaphore, #tpu.memory_space<semaphore_mem>>) src(%arg20 : memref<112x128xf32, #tpu.memory_space<vmem>>) dst(%dma_wait3A_231 : memref<2048x128xf32, #tpu.memory_space<vmem_shared>>)
      %dma_wait3A_232 = arith.constant 0 : i32
      %dma_wait3A_233 = arith.constant 0 : i32
      %dma_wait3A_234 = tpu.memref_slice %arg24[%dma_wait3A_232, %dma_wait3A_233] : memref<2048x128xf32, #tpu.memory_space<vmem_shared>> -> memref<2048x128xf32, #tpu.memory_space<vmem_shared>>
      tpu.wait_indirect_dma semaphore(%arg28 : memref<!tpu.dma_semaphore, #tpu.memory_space<semaphore_mem>>) src(%arg21 : memref<112x128xf32, #tpu.memory_space<vmem>>) dst(%dma_wait3A_234 : memref<2048x128xf32, #tpu.memory_space<vmem_shared>>)
      %dma_wait3A_235 = arith.constant 0 : i32
      %dma_wait3A_236 = arith.constant 0 : i32
      %dma_wait3A_237 = tpu.memref_slice %arg24[%dma_wait3A_235, %dma_wait3A_236] : memref<2048x128xf32, #tpu.memory_space<vmem_shared>> -> memref<2048x128xf32, #tpu.memory_space<vmem_shared>>
      tpu.wait_indirect_dma semaphore(%arg28 : memref<!tpu.dma_semaphore, #tpu.memory_space<semaphore_mem>>) src(%arg22 : memref<112x128xf32, #tpu.memory_space<vmem>>) dst(%dma_wait3A_237 : memref<2048x128xf32, #tpu.memory_space<vmem_shared>>)
      %while3A_238 = arith.constant 0 : i32
      scf.yield %while3A_238 : i32
    }
    %barrier3A_47 = arith.constant 0 : index
    tpu.barrier barrier_id(%barrier3A_47)
    "tpu.region"() ({
      %run_scoped3A = tpu.sem_alloc : memref<!tpu.dma_semaphore, #tpu.memory_space<semaphore_mem>>
      %dma_start3A = arith.constant 0 : i32
      %dma_start3A_48 = tpu.memref_slice %arg4[%arg0, %mul3A_7, %dma_start3A] : memref<2x2048x128xf32, #tpu.memory_space<hbm>> -> memref<1x128x128xf32, #tpu.memory_space<hbm>>
      %dma_start3A_49 = tpu.memref_squeeze %dma_start3A_48 : memref<1x128x128xf32, #tpu.memory_space<hbm>> -> memref<128x128xf32, #tpu.memory_space<hbm>>
      %dma_start3A_50 = arith.constant 0 : i32
      %dma_start3A_51 = tpu.memref_slice %arg24[%mul3A_7, %dma_start3A_50] : memref<2048x128xf32, #tpu.memory_space<vmem_shared>> -> memref<128x128xf32, #tpu.memory_space<vmem_shared>>
      tpu.enqueue_dma source(%dma_start3A_51 : memref<128x128xf32, #tpu.memory_space<vmem_shared>>) target(%dma_start3A_49 : memref<128x128xf32, #tpu.memory_space<hbm>>) target_semaphore(%run_scoped3A : memref<!tpu.dma_semaphore, #tpu.memory_space<semaphore_mem>>)
      %dma_wait3A = arith.constant 0 : i32
      %dma_wait3A_52 = tpu.memref_slice %arg4[%arg0, %mul3A_7, %dma_wait3A] : memref<2x2048x128xf32, #tpu.memory_space<hbm>> -> memref<1x128x128xf32, #tpu.memory_space<hbm>>
      %dma_wait3A_53 = tpu.memref_squeeze %dma_wait3A_52 : memref<1x128x128xf32, #tpu.memory_space<hbm>> -> memref<128x128xf32, #tpu.memory_space<hbm>>
      %dma_wait3A_54 = arith.constant 0 : i32
      %dma_wait3A_55 = tpu.memref_slice %arg24[%mul3A_7, %dma_wait3A_54] : memref<2048x128xf32, #tpu.memory_space<vmem_shared>> -> memref<128x128xf32, #tpu.memory_space<vmem_shared>>
      tpu.wait_dma2 semaphore(%run_scoped3A : memref<!tpu.dma_semaphore, #tpu.memory_space<semaphore_mem>>) src(%dma_wait3A_55 : memref<128x128xf32, #tpu.memory_space<vmem_shared>>) dst(%dma_wait3A_53 : memref<128x128xf32, #tpu.memory_space<hbm>>)
      tpu.yield
    }) : () -> ()
    return
  }
}

module attributes {stable_mosaic.version = 14 : i64} {
  func.func @_mlp1_body(%arg0: i32, %arg1: memref<640x128xf32, #tpu.memory_space<vmem>>, %arg2: memref<640x128xf32, #tpu.memory_space<vmem>>, %arg3: memref<640x8xf32, #tpu.memory_space<vmem>>, %arg4: memref<640x8xf32, #tpu.memory_space<vmem>>, %arg5: memref<128x128xf32, #tpu.memory_space<vmem>>, %arg6: memref<1x128xf32, #tpu.memory_space<vmem>>, %arg7: memref<640x128xf32, #tpu.memory_space<vmem>>) attributes {dimension_semantics = [#tpu.dimension_semantics<arbitrary>], iteration_bounds = array<i64: 8>, scalar_prefetch = 0 : i64, scratch_operands = 0 : i64, tpu.core_type = #tpu.core_type<tc>, window_params = [{transform_indices = @transform_0, window_bounds = array<i64: 640, 128>}, {transform_indices = @transform_1, window_bounds = array<i64: 640, 128>}, {transform_indices = @transform_2, window_bounds = array<i64: 640, 8>}, {transform_indices = @transform_3, window_bounds = array<i64: 640, 8>}, {pipeline_mode = #tpu.pipeline_mode<synchronous>, transform_indices = @transform_4, window_bounds = array<i64: 128, 128>}, {pipeline_mode = #tpu.pipeline_mode<synchronous>, transform_indices = @transform_5, window_bounds = array<i64: 1, 128>}, {transform_indices = @transform_6, window_bounds = array<i64: 640, 128>}]} {
    %get3A = arith.constant 0 : index
    %get3A_0 = arith.constant 0 : index
    %get3A_1 = vector.load %arg3[%get3A, %get3A_0] : memref<640x8xf32, #tpu.memory_space<vmem>>, vector<640x1xf32>
    %get3A_2 = arith.constant 0 : index
    %get3A_3 = arith.constant 0 : index
    %get3A_4 = vector.load %arg4[%get3A_2, %get3A_3] : memref<640x8xf32, #tpu.memory_space<vmem>>, vector<640x1xf32>
    %add3A = arith.addf %get3A_1, %get3A_4 : vector<640x1xf32>
    %get3A_5 = arith.constant 0 : index
    %get3A_6 = arith.constant 0 : index
    %get3A_7 = vector.load %arg1[%get3A_5, %get3A_6] : memref<640x128xf32, #tpu.memory_space<vmem>>, vector<640x128xf32>
    %get3A_8 = arith.constant 0 : index
    %get3A_9 = arith.constant 0 : index
    %get3A_10 = vector.load %arg2[%get3A_8, %get3A_9] : memref<640x128xf32, #tpu.memory_space<vmem>>, vector<640x128xf32>
    %add3A_11 = arith.addf %get3A_7, %get3A_10 : vector<640x128xf32>
    %max3A = arith.constant 1.000000e+00 : f32
    %max3A_12 = vector.broadcast %max3A : f32 to vector<640x1xf32>
    %max3A_13 = arith.maximumf %add3A, %max3A_12 : vector<640x1xf32>
    %div3A = vector.broadcast %max3A_13 : vector<640x1xf32> to vector<640x128xf32>
    %div3A_14 = arith.divf %add3A_11, %div3A : vector<640x128xf32>
    %get3A_15 = arith.constant 0 : index
    %get3A_16 = arith.constant 0 : index
    %get3A_17 = vector.load %arg5[%get3A_15, %get3A_16] : memref<128x128xf32, #tpu.memory_space<vmem>>, vector<128x128xf32>
    %dot_general3A = arith.constant dense<0.000000e+00> : vector<640x128xf32>
    %dot_general3A_18 = tpu.matmul %div3A_14, %get3A_17, %dot_general3A {dimension_numbers = #tpu.dot_dimension_numbers<[1], [0], [0], [1], [0, 0, 1, 1], [], []>, transpose_lhs_hint = false} : vector<640x128xf32>, vector<128x128xf32>, vector<640x128xf32> -> vector<640x128xf32>
    %get3A_19 = arith.constant 0 : index
    %get3A_20 = arith.constant 0 : index
    %get3A_21 = vector.load %arg6[%get3A_19, %get3A_20] : memref<1x128xf32, #tpu.memory_space<vmem>>, vector<1x128xf32>
    %add3A_22 = vector.broadcast %get3A_21 : vector<1x128xf32> to vector<640x128xf32>
    %add3A_23 = arith.addf %dot_general3A_18, %add3A_22 : vector<640x128xf32>
    %mul3A = arith.mulf %add3A_23, %add3A_23 : vector<640x128xf32>
    %reduce_sum3A = arith.constant dense<0.000000e+00> : vector<640xf32>
    %reduce_sum3A_24 = vector.multi_reduction <add>, %mul3A, %reduce_sum3A [1] : vector<640x128xf32> to vector<640xf32>
    %broadcast_in_dim3A = vector.shape_cast %reduce_sum3A_24 : vector<640xf32> to vector<640x1xf32>
    %sqrt3A = math.sqrt %broadcast_in_dim3A : vector<640x1xf32>
    %max3A_25 = arith.constant 9.99999996E-13 : f32
    %max3A_26 = vector.broadcast %max3A_25 : f32 to vector<640x1xf32>
    %max3A_27 = arith.maximumf %sqrt3A, %max3A_26 : vector<640x1xf32>
    %div3A_28 = vector.broadcast %max3A_27 : vector<640x1xf32> to vector<640x128xf32>
    %div3A_29 = arith.divf %add3A_23, %div3A_28 : vector<640x128xf32>
    %swap3A = arith.constant 0 : index
    %swap3A_30 = arith.constant 0 : index
    %swap3A_31 = vector.load %arg7[%swap3A, %swap3A_30] : memref<640x128xf32, #tpu.memory_space<vmem>>, vector<640x128xf32>
    tpu.vector_store %arg7[%swap3A, %swap3A_30], %div3A_29 {strides = array<i32>} : memref<640x128xf32, #tpu.memory_space<vmem>>, vector<640x128xf32>,
    return
  }
  func.func @transform_0(%arg0: i32) -> (i32, i32) {
    %c0_i32 = arith.constant 0 : i32
    %c0_i32_0 = arith.constant 0 : i32
    return %arg0, %c0_i32 : i32, i32
  }
  func.func @transform_1(%arg0: i32) -> (i32, i32) {
    %c0_i32 = arith.constant 0 : i32
    %c0_i32_0 = arith.constant 0 : i32
    return %arg0, %c0_i32 : i32, i32
  }
  func.func @transform_2(%arg0: i32) -> (i32, i32) {
    %c0_i32 = arith.constant 0 : i32
    %c0_i32_0 = arith.constant 0 : i32
    return %arg0, %c0_i32 : i32, i32
  }
  func.func @transform_3(%arg0: i32) -> (i32, i32) {
    %c0_i32 = arith.constant 0 : i32
    %c0_i32_0 = arith.constant 0 : i32
    return %arg0, %c0_i32 : i32, i32
  }
  func.func @transform_4(%arg0: i32) -> (i32, i32) {
    %c0_i32 = arith.constant 0 : i32
    %c0_i32_0 = arith.constant 0 : i32
    %c0_i32_1 = arith.constant 0 : i32
    return %c0_i32, %c0_i32_0 : i32, i32
  }
  func.func @transform_5(%arg0: i32) -> (i32, i32) {
    %c0_i32 = arith.constant 0 : i32
    %c0_i32_0 = arith.constant 0 : i32
    %c0_i32_1 = arith.constant 0 : i32
    return %c0_i32, %c0_i32_0 : i32, i32
  }
  func.func @transform_6(%arg0: i32) -> (i32, i32) {
    %c0_i32 = arith.constant 0 : i32
    %c0_i32_0 = arith.constant 0 : i32
    return %arg0, %c0_i32 : i32, i32
  }
}

module attributes {stable_mosaic.version = 14 : i64} {
  func.func @_mlp2_body(%arg0: i32, %arg1: memref<512x128xf32, #tpu.memory_space<vmem>>, %arg2: memref<512x128xf32, #tpu.memory_space<vmem>>, %arg3: memref<512x8xf32, #tpu.memory_space<vmem>>, %arg4: memref<512x8xf32, #tpu.memory_space<vmem>>, %arg5: memref<128x256xf32, #tpu.memory_space<vmem>>, %arg6: memref<1x256xf32, #tpu.memory_space<vmem>>, %arg7: memref<256x64xf32, #tpu.memory_space<vmem>>, %arg8: memref<1x64xf32, #tpu.memory_space<vmem>>, %arg9: memref<512x64xf32, #tpu.memory_space<vmem>>) attributes {dimension_semantics = [#tpu.dimension_semantics<arbitrary>], iteration_bounds = array<i64: 4>, scalar_prefetch = 0 : i64, scratch_operands = 0 : i64, tpu.core_type = #tpu.core_type<tc>, window_params = [{transform_indices = @transform_0, window_bounds = array<i64: 512, 128>}, {transform_indices = @transform_1, window_bounds = array<i64: 512, 128>}, {transform_indices = @transform_2, window_bounds = array<i64: 512, 8>}, {transform_indices = @transform_3, window_bounds = array<i64: 512, 8>}, {pipeline_mode = #tpu.pipeline_mode<synchronous>, transform_indices = @transform_4, window_bounds = array<i64: 128, 256>}, {pipeline_mode = #tpu.pipeline_mode<synchronous>, transform_indices = @transform_5, window_bounds = array<i64: 1, 256>}, {pipeline_mode = #tpu.pipeline_mode<synchronous>, transform_indices = @transform_6, window_bounds = array<i64: 256, 64>}, {pipeline_mode = #tpu.pipeline_mode<synchronous>, transform_indices = @transform_7, window_bounds = array<i64: 1, 64>}, {transform_indices = @transform_8, window_bounds = array<i64: 512, 64>}]} {
    %get3A = arith.constant 0 : index
    %get3A_0 = arith.constant 0 : index
    %get3A_1 = vector.load %arg3[%get3A, %get3A_0] : memref<512x8xf32, #tpu.memory_space<vmem>>, vector<512x1xf32>
    %get3A_2 = arith.constant 0 : index
    %get3A_3 = arith.constant 0 : index
    %get3A_4 = vector.load %arg4[%get3A_2, %get3A_3] : memref<512x8xf32, #tpu.memory_space<vmem>>, vector<512x1xf32>
    %add3A = arith.addf %get3A_1, %get3A_4 : vector<512x1xf32>
    %get3A_5 = arith.constant 0 : index
    %get3A_6 = arith.constant 0 : index
    %get3A_7 = vector.load %arg1[%get3A_5, %get3A_6] : memref<512x128xf32, #tpu.memory_space<vmem>>, vector<512x128xf32>
    %get3A_8 = arith.constant 0 : index
    %get3A_9 = arith.constant 0 : index
    %get3A_10 = vector.load %arg2[%get3A_8, %get3A_9] : memref<512x128xf32, #tpu.memory_space<vmem>>, vector<512x128xf32>
    %add3A_11 = arith.addf %get3A_7, %get3A_10 : vector<512x128xf32>
    %max3A = arith.constant 1.000000e+00 : f32
    %max3A_12 = vector.broadcast %max3A : f32 to vector<512x1xf32>
    %max3A_13 = arith.maximumf %add3A, %max3A_12 : vector<512x1xf32>
    %div3A = vector.broadcast %max3A_13 : vector<512x1xf32> to vector<512x128xf32>
    %div3A_14 = arith.divf %add3A_11, %div3A : vector<512x128xf32>
    %get3A_15 = arith.constant 0 : index
    %get3A_16 = arith.constant 0 : index
    %get3A_17 = vector.load %arg5[%get3A_15, %get3A_16] : memref<128x256xf32, #tpu.memory_space<vmem>>, vector<128x256xf32>
    %dot_general3A = arith.constant dense<0.000000e+00> : vector<512x256xf32>
    %dot_general3A_18 = tpu.matmul %div3A_14, %get3A_17, %dot_general3A {dimension_numbers = #tpu.dot_dimension_numbers<[1], [0], [0], [1], [0, 0, 1, 1], [], []>, transpose_lhs_hint = false} : vector<512x128xf32>, vector<128x256xf32>, vector<512x256xf32> -> vector<512x256xf32>
    %get3A_19 = arith.constant 0 : index
    %get3A_20 = arith.constant 0 : index
    %get3A_21 = vector.load %arg6[%get3A_19, %get3A_20] : memref<1x256xf32, #tpu.memory_space<vmem>>, vector<1x256xf32>
    %add3A_22 = vector.broadcast %get3A_21 : vector<1x256xf32> to vector<512x256xf32>
    %add3A_23 = arith.addf %dot_general3A_18, %add3A_22 : vector<512x256xf32>
    %max3A_24 = arith.constant 0.000000e+00 : f32
    %max3A_25 = vector.broadcast %max3A_24 : f32 to vector<512x256xf32>
    %max3A_26 = arith.maximumf %add3A_23, %max3A_25 : vector<512x256xf32>
    %get3A_27 = arith.constant 0 : index
    %get3A_28 = arith.constant 0 : index
    %get3A_29 = vector.load %arg7[%get3A_27, %get3A_28] : memref<256x64xf32, #tpu.memory_space<vmem>>, vector<256x64xf32>
    %dot_general3A_30 = arith.constant dense<0.000000e+00> : vector<512x64xf32>
    %dot_general3A_31 = tpu.matmul %max3A_26, %get3A_29, %dot_general3A_30 {dimension_numbers = #tpu.dot_dimension_numbers<[1], [0], [0], [1], [0, 0, 1, 1], [], []>, transpose_lhs_hint = false} : vector<512x256xf32>, vector<256x64xf32>, vector<512x64xf32> -> vector<512x64xf32>
    %get3A_32 = arith.constant 0 : index
    %get3A_33 = arith.constant 0 : index
    %get3A_34 = vector.load %arg8[%get3A_32, %get3A_33] : memref<1x64xf32, #tpu.memory_space<vmem>>, vector<1x64xf32>
    %add3A_35 = vector.broadcast %get3A_34 : vector<1x64xf32> to vector<512x64xf32>
    %add3A_36 = arith.addf %dot_general3A_31, %add3A_35 : vector<512x64xf32>
    %mul3A = arith.mulf %add3A_36, %add3A_36 : vector<512x64xf32>
    %reduce_sum3A = arith.constant dense<0.000000e+00> : vector<512xf32>
    %reduce_sum3A_37 = vector.multi_reduction <add>, %mul3A, %reduce_sum3A [1] : vector<512x64xf32> to vector<512xf32>
    %broadcast_in_dim3A = vector.shape_cast %reduce_sum3A_37 : vector<512xf32> to vector<512x1xf32>
    %sqrt3A = math.sqrt %broadcast_in_dim3A : vector<512x1xf32>
    %max3A_38 = arith.constant 9.99999996E-13 : f32
    %max3A_39 = vector.broadcast %max3A_38 : f32 to vector<512x1xf32>
    %max3A_40 = arith.maximumf %sqrt3A, %max3A_39 : vector<512x1xf32>
    %div3A_41 = vector.broadcast %max3A_40 : vector<512x1xf32> to vector<512x64xf32>
    %div3A_42 = arith.divf %add3A_36, %div3A_41 : vector<512x64xf32>
    %swap3A = arith.constant 0 : index
    %swap3A_43 = arith.constant 0 : index
    %swap3A_44 = vector.load %arg9[%swap3A, %swap3A_43] : memref<512x64xf32, #tpu.memory_space<vmem>>, vector<512x64xf32>
    tpu.vector_store %arg9[%swap3A, %swap3A_43], %div3A_42 {strides = array<i32>} : memref<512x64xf32, #tpu.memory_space<vmem>>, vector<512x64xf32>,
    return
  }
  func.func @transform_0(%arg0: i32) -> (i32, i32) {
    %c0_i32 = arith.constant 0 : i32
    %c0_i32_0 = arith.constant 0 : i32
    return %arg0, %c0_i32 : i32, i32
  }
  func.func @transform_1(%arg0: i32) -> (i32, i32) {
    %c0_i32 = arith.constant 0 : i32
    %c0_i32_0 = arith.constant 0 : i32
    return %arg0, %c0_i32 : i32, i32
  }
  func.func @transform_2(%arg0: i32) -> (i32, i32) {
    %c0_i32 = arith.constant 0 : i32
    %c0_i32_0 = arith.constant 0 : i32
    return %arg0, %c0_i32 : i32, i32
  }
  func.func @transform_3(%arg0: i32) -> (i32, i32) {
    %c0_i32 = arith.constant 0 : i32
    %c0_i32_0 = arith.constant 0 : i32
    return %arg0, %c0_i32 : i32, i32
  }
  func.func @transform_4(%arg0: i32) -> (i32, i32) {
    %c0_i32 = arith.constant 0 : i32
    %c0_i32_0 = arith.constant 0 : i32
    %c0_i32_1 = arith.constant 0 : i32
    return %c0_i32, %c0_i32_0 : i32, i32
  }
  func.func @transform_5(%arg0: i32) -> (i32, i32) {
    %c0_i32 = arith.constant 0 : i32
    %c0_i32_0 = arith.constant 0 : i32
    %c0_i32_1 = arith.constant 0 : i32
    return %c0_i32, %c0_i32_0 : i32, i32
  }
  func.func @transform_6(%arg0: i32) -> (i32, i32) {
    %c0_i32 = arith.constant 0 : i32
    %c0_i32_0 = arith.constant 0 : i32
    %c0_i32_1 = arith.constant 0 : i32
    return %c0_i32, %c0_i32_0 : i32, i32
  }
  func.func @transform_7(%arg0: i32) -> (i32, i32) {
    %c0_i32 = arith.constant 0 : i32
    %c0_i32_0 = arith.constant 0 : i32
    %c0_i32_1 = arith.constant 0 : i32
    return %c0_i32, %c0_i32_0 : i32, i32
  }
  func.func @transform_8(%arg0: i32) -> (i32, i32) {
    %c0_i32 = arith.constant 0 : i32
    %c0_i32_0 = arith.constant 0 : i32
    return %arg0, %c0_i32 : i32, i32
  }
}

</mosaic_0001>

<sc_bundles>
// kernel: kernel.10.cloned.1.call-start
scs
__scs_entry_jumppad:
0x0: {  	(pc) =	sbr.rel $0x88, $3  }
0x1: {  	(tag) =	ssettag $0x0;
	lr =	simm.s32 $0x1  }
0x2: {  	[smem:$0x3F98] =	sst lr;
	_ =	strace $0xD0000000  }
0x3: {  	_ = 	snop  }
0x4: {  	_ = 	snop  }
0x5: {  	_ = 	snop  }
0x6: {  	_ = 	snop  }
0x7: {  	_ = 	snop  }
__scs_overlays_trampoline_lowered:
0x8: {  	[smem:$0x3FA7] =	sst s0  }
0x9: {  	[smem:$0x3FA8] =	sst s1  }
0xa: {  	[smem:$0x3FA9] =	sst s2  }
0xb: {  	[smem:$0x3FAA] =	sst s3  }
0xc: {  	[smem:$0x3FAB] =	sst s4  }
0xd: {  	[smem:$0x3FAC] =	sst s5  }
0xe: {  	[smem:$0x3FAD] =	sst s6  }
0xf: {  	[smem:$0x3FAE] =	sst s7  }
0x10: {  	[smem:$0x3FAF] =	sst s8  }
0x11: {  	[smem:$0x3FB0] =	sst s9;
	s0 =	simm.s32 @!p0 $0x0  }
0x12: {  	s1 =	sld [smem:$0x3F96];
	s0 =	simm.s32 @p0 $0x1  }
0x13: {  	[smem:$0x3FB1] =	sst s0;
	s0 =	simm.s32 @!p1 $0x0  }
0x14: {  	s2 =	sld [smem:$0x3F95];
	s0 =	simm.s32 @p1 $0x1  }
0x15: {  	[smem:$0x3FB2] =	sst s0;
	s0 =	simm.s32 @!p2 $0x0  }
0x16: {  	s3 =	sld [smem:$0x3FDB];
	s0 =	simm.s32 @p2 $0x1  }
0x17: {  	s4 =	simm.s32 $0x1BF5;
	[smem:$0x3FB4] =	sst s0  }
0x18: {  	s0 =	sld [smem:$0x3F97];
	_ =	swait.ge [sflag:s4], $0x0  }
0x19: {  	s7 =	sld [smem:$0x3F98]  }
0x1a: {  	s8 =	sadd.s32 $0xFFFFE003, lr  }
0x1b: {  	s9 =	sadd.s32 $0xFFFFFEF7, lr;
	s5 =	simm.s32 $0xFFFFFFFF;
	p2 =	slt.u32 s8, $0xFFFFF086  }
0x1c: {  	p1 =	slt.u32 s9, $0xF7A;
	s5 =	simm.s32 @!p2 $0x0  }
0x1d: {  	s5 =	simm.s32 @p1 $0x1;
	p0 =	seq.s32 s7, s2  }
0x1e: {  	s7 =	smul.u32 @!p0 $0xF7A, s2;
	p2 =	seq.s32 @!p0 s5, $0x0  }
0x1f: {  	s9 =	smul.u32 $0xF7A, s1;
	s8 =	simm.s32 @!p0 $0x1BF5;
	p2 =	por !p2, p0  }
0x20: {  	[sflag:s8] =	ssyncset.s32 @!p0 $0xFFFFF086;
	s6 =	sadd.s32 @!p0 s3, s7;
	s7 =	simm.s32 @!p0 $0x108  }
0x21: {  	s3 =	sadd.s32 s3, s9;
	s6 =	sadd.s32 @!p0 $0x88, s6;
	s7 =	simm.s32 @p2 $0x1082  }
0x22: {  	[simem:s7], [sflag:s8] =	dma.local @!p0 [hbm:s6], $0xF7A  }
0x23: {  	s9 =	sor.u32 $0xD0000000, s2;
	s6 =	simm.s32 $0x108;
	_ =	swait.ge @!p0 [sflag:s8], $0x0  }
0x24: {  	s3 =	sadd.s32 $0x88, s3;
	s6 =	simm.s32 @!p1 $0x1082;
	[sflag:s4] =	ssyncset.s32 $0xFFFFF086  }
0x25: {  	[simem:s6], [sflag:s4] =	dma.local [hbm:s3], $0xF7A  }
0x26: {  	[smem:$0x3F98] =	sst s1;
	(tag) =	ssettag s2;
	_ =	strace s9  }
0x27: {  	s1 =	sld [smem:$0x3FA8]  }
0x28: {  	s2 =	sld [smem:$0x3FA9]  }
0x29: {  	s4 =	sld [smem:$0x3FAB]  }
0x2a: {  	p0 =	seq.s32 s5, $0x0;
	s5 =	sld [smem:$0x3FAC]  }
0x2b: {  	s6 =	sld [smem:$0x3FAD]  }
0x2c: {  	s7 =	sld [smem:$0x3FAE]  }
0x2d: {  	s3 =	simm.s32 $0x108;
	s8 =	sld [smem:$0x3FAF]  }
0x2e: {  	s3 =	simm.s32 @!p0 $0x1082;
	s9 =	sld [smem:$0x3FB0]  }
0x2f: {  	lr =	sadd.s32 s0, s3;
	s0 =	sld [smem:$0x3FA7]  }
0x30: {  	s3 =	sld [smem:$0x3FAA]  }
0x31: {  	[smem:$0x3FB3] =	sst s10  }
0x32: {  	s10 =	sld [smem:$0x3FB1];
	_ =	sdelay $0x3  }
0x33: {  	p0 =	seq.s32 s10, $0x1;
	s10 =	sld [smem:$0x3FB3];
	_ =	sdelay $0x3  }
0x34: {  	[smem:$0x3FB3] =	sst s10  }
0x35: {  	s10 =	sld [smem:$0x3FB2];
	_ =	sdelay $0x3  }
0x36: {  	p1 =	seq.s32 s10, $0x1;
	s10 =	sld [smem:$0x3FB3];
	_ =	sdelay $0x3  }
0x37: {  	[smem:$0x3FB3] =	sst s10  }
0x38: {  	s10 =	sld [smem:$0x3FB4]  }
0x39: {  	_ = 	snop;
	(pc) =	sbr.ind lr, $3  }
0x3a: {  	_ = 	snop  }
0x3b: {  	_ = 	snop  }
0x3c: {  	p2 =	seq.s32 s10, $0x1;
	s10 =	sld [smem:$0x3FB3]  }
0x3d: {  	_ =	shalt  }
0x3e: {  	_ =	shalt  }
0x3f: {  	_ =	shalt  }
0x40: {  	_ =	shalt  }
0x41: {  	_ =	shalt  }
0x42: {  	_ =	shalt  }
0x43: {  	_ =	shalt  }
0x44: {  	_ =	shalt  }
0x45: {  	_ =	shalt  }
0x46: {  	_ =	shalt  }
0x47: {  	_ =	shalt  }
0x48: {  	_ =	shalt  }
0x49: {  	_ =	shalt  }
0x4a: {  	_ =	shalt  }
0x4b: {  	_ =	shalt  }
0x4c: {  	_ =	shalt  }
0x4d: {  	_ =	shalt  }
0x4e: {  	_ =	shalt  }
0x4f: {  	_ =	shalt  }
0x50: {  	_ =	shalt  }
0x51: {  	_ =	shalt  }
0x52: {  	_ =	shalt  }
0x53: {  	_ =	shalt  }
0x54: {  	_ =	shalt  }
0x55: {  	_ =	shalt  }
0x56: {  	_ =	shalt  }
0x57: {  	_ =	shalt  }
0x58: {  	_ =	shalt  }
0x59: {  	_ =	shalt  }
0x5a: {  	_ =	shalt  }
0x5b: {  	_ =	shalt  }
0x5c: {  	_ =	shalt  }
0x5d: {  	_ =	shalt  }
0x5e: {  	_ =	shalt  }
0x5f: {  	_ =	shalt  }
0x60: {  	_ =	shalt  }
0x61: {  	_ =	shalt  }
0x62: {  	_ =	shalt  }
0x63: {  	_ =	shalt  }
0x64: {  	_ =	shalt  }
0x65: {  	_ =	shalt  }
0x66: {  	_ =	shalt  }
0x67: {  	_ =	shalt  }
0x68: {  	_ =	shalt  }
0x69: {  	_ =	shalt  }
0x6a: {  	_ =	shalt  }
0x6b: {  	_ =	shalt  }
0x6c: {  	_ =	shalt  }
0x6d: {  	_ =	shalt  }
0x6e: {  	_ =	shalt  }
0x6f: {  	_ =	shalt  }
0x70: {  	_ =	shalt  }
0x71: {  	_ =	shalt  }
0x72: {  	_ =	shalt  }
0x73: {  	_ =	shalt  }
0x74: {  	_ =	shalt  }
0x75: {  	_ =	shalt  }
0x76: {  	_ =	shalt  }
0x77: {  	_ =	shalt  }
0x78: {  	_ =	shalt  }
0x79: {  	_ =	shalt  }
0x7a: {  	_ =	shalt  }
0x7b: {  	_ =	shalt  }
0x7c: {  	_ =	shalt  }
0x7d: {  	_ =	shalt  }
0x7e: {  	_ =	shalt  }
0x7f: {  	_ =	shalt  }
0x80: {  	_ =	shalt  }
0x81: {  	_ =	shalt  }
0x82: {  	_ =	shalt  }
0x83: {  	_ =	shalt  }
0x84: {  	_ =	shalt  }
0x85: {  	_ =	shalt  }
0x86: {  	_ =	shalt  }
0x87: {  	_ =	shalt  }
.Lfunc_end0:
.L_simem_size_0:
called_computation.1_lowered:
.L_overlay_start_0:
0x88: {  	s2 =	sld [smem:$0x3FD9]  }
0x89: {  	s3 =	sld [smem:$0x3FFE];
	_ =	sdelay $0x1  }
0x8a: {  	s1 =	srdreg.scid  }
0x8b: {  	s0 =	sand.u32 $0x1, s1  }
0x8c: {  	s17 =	sshll.u32 s0, $0xA;
	s2 =	sadd.s32 s3, s2  }
0x8d: {  	s2 =	sadd.s32 s2, s17  }
0x8e: {  	[smem:$0x3FBF] =	sst s2  }
0x8f: {  	_ = 	snop  }
0x90: {  	s18 =	sld [smem:$0x3FC9];
	(tm) =	ssettm $0x1  }
0x91: {  	s19 =	sld [smem:$0x3FFB];
	_ =	sdelay $0x3  }
0x92: {  	_ =	strace s19  }
0x93: {  	s2 =	sld [smem:$0x3FFC];
	_ =	sdelay $0x3  }
0x94: {  	_ =	strace s2  }
0x95: {  	s2 =	sld [smem:$0x3FFD];
	_ =	sdelay $0x3  }
0x96: {  	_ =	strace s2  }
0x97: {  	_ =	strace $0x8FFFFFFF  }
0x98: {  	s20 =	sld [smem:$0x3FDB];
	_ =	sdelay $0x1  }
0x99: {  	s4 =	simm.s32 $_scs_section_size  }
0x9a: {  	s5 =	simm.s32 $_size__tile_overlayer_lowered;
	s6 =	simm.s32 $_tile_overlayer_lowered  }
0x9b: {  	s7 =	simm.s32 $0x1BFF;
	s21 =	sshll.u32 s6, $0x1;
	s4 =	sadd.s32 s4, s20  }
0x9c: {  	s22 =	simm.s32 $0x0;
	s5 =	sshll.u32 s5, $0x1;
	s6 =	sadd.s32 s21, s4  }
0x9d: {  	[timem:s22], [sflag:s7] =	dma.local [hbm:s6], s5  }
0x9e: {  	_ =	swait.ge [sflag:s7], s5  }
0x9f: {  	s5 =	ssub.s32 $0x0, s5;
	[sflag:s7] =	ssyncset.done $0x0  }
0xa0: {  	[sflag:s7] =	ssyncadd.s32 s5;
	_ =	sdelay $0x1  }
0xa1: {  	s23 =	simm.s32 $0x1B8B  }
0xa2: {  	_ =	swait.ge [sflag:s23], $0x1  }
0xa3: {  	[sflag:s23] =	ssyncset.done $0x0  }
0xa4: {  	[sflag:s23] =	ssyncadd.s32 $0xFFFFFFFF  }
0xa5: {  	s5 =	sld [smem:$0x0]  }
0xa6: {  	s6 =	sand.u32 $0xFFFFFFFE, s1  }
0xa7: {  	p0 =	sne.s32 s1, s6  }
0xa8: {  	s6 =	sshll.u32 @p0 s6, $0xE  }
0xa9: {  	s6 =	sadd.s32 @p0 $0x11B8D, s6;
	s7 =	sshll.u32 @p0 s5, $0x11  }
0xaa: {  	s6 =	sor.u32 @p0 s7, s6  }
0xab: {  	[sflag:s6] =	ssyncadd.remote.s32 @p0 $0x1;
	_ =	sdelay $0x1  }
0xac: {  	s6 =	simm.s32 @p0 $0x1B8D  }
0xad: {  	_ =	swait.eq @p0 [sflag:s6], $0x1  }
0xae: {  	[sflag:s6] =	ssyncadd.s32 @p0 $0xFFFFFFFF  }
0xaf: {  	s7 =	sshll.u32 @!p0 s1, $0xE  }
0xb0: {  	s7 =	sor.u32 @!p0 $0x4000, s7;
	s6 =	simm.s32 @!p0 $0x1B8D  }
0xb1: {  	s5 =	sshll.u32 @!p0 s5, $0x11;
	s7 =	sadd.s32 @!p0 $0x11B8D, s7;
	_ =	swait.eq @!p0 [sflag:s6], $0x1  }
0xb2: {  	s5 =	sor.u32 @!p0 s5, s7;
	[sflag:s6] =	ssyncadd.s32 @!p0 $0xFFFFFFFF  }
0xb3: {  	s25 =	simm.s32 $0x1B8E;
	s24 =	sld [smem:$0x3FFE];
	[sflag:s5] =	ssyncadd.remote.s32 @!p0 $0x1  }
0xb4: {  	s26 =	simm.s32 $execute0_lowered;
	[smem:$0x3FD2] =	sst s25  }
0xb5: {  	s6 =	sshll.u32 s26, $0x1;
	_ =	strace $0x80000049;
	[dreg:$0x1] =	wrdreg $0xFFFFFFFF  }
0xb6: {  	s28 =	simm.s32 $_size_execute0_lowered;
	s4 =	sadd.s32 s4, s6;
	[dreg:$0x0] =	wrdreg $0x0  }
0xb7: {  	s6 =	sshll.u32 s28, $0x1;
	[dreg:$0x2] =	wrdreg s4  }
0xb8: {  	[dreg:$0x3] =	wrdreg s6  }
0xb9: {  	[dreg:$0x4] =	wrdreg $0xC0  }
0xba: {  	_ =	task [dreg:s22], $0x5FFFF  }
0xbb: {  	[dreg:$0x1] =	wrdreg $0xFFFFFFFF  }
0xbc: {  	[dreg:$0x0] =	wrdreg $0x60  }
0xbd: {  	[dreg:$0x2] =	wrdreg s18  }
0xbe: {  	[dreg:$0x3] =	wrdreg s24  }
0xbf: {  	[dreg:$0x4] =	wrdreg $0x15A000  }
0xc0: {  	[dreg:$0x5] =	wrdreg $0xA  }
0xc1: {  	_ =	task.clear_ibuf [dreg:s22], $0x6FFFF;
	_ =	strace $0x90000049  }
0xc2: {  	s29 =	simm.s32 $0xA;
	_ =	strace $0x8000004B  }
0xc3: {  	_ =	swait.ge [sflag:s29], $0x1  }
0xc4: {  	[sflag:s29] =	ssyncadd.s32 $0xFFFFFFFF  }
0xc5: {  	_ =	strace $0x9000004B  }
0xc6: {  	_ =	sfence  }
0xc7: {  	s30 =	sld [smem:$0x0];
	_ =	sdelay $0x2  }
0xc8: {  	s31 =	sshll.u32 s1, $0xD;
	s1 =	sshrl.u32 s1, $0x2  }
0xc9: {  	s4 =	sand.u32 $0x4000, s31;
	s1 =	sadd.s32 s1, s30  }
0xca: {  	s0 =	sor.u32 s4, s0;
	s1 =	sshll.u32 s1, $0x11  }
0xcb: {  	s0 =	sor.u32 s1, s0  }
0xcc: {  	s0 =	sadd.s32 $0x8F2B, s0  }
0xcd: {  	[sflag:s0] =	ssyncadd.remote.s32 $0x1  }
0xce: {  	_ =	sfence.sel $0xFFFF  }
0xcf: {  	[dreg:$0x0] =	wrdreg $0xFFFFFFFF;
	(pc) =	sbr.abs _section_cstart, $3  }
0xd0: {  	[dreg:$0x1] =	wrdreg $0xFFFFFFFF  }
0xd1: {  	_ =	task.clear_ibuf [dreg:s22], $0x2FFFF;
	_ =	strace $0x9FFFFFFF  }
0xd2: {  	(tm) =	ssettm $0x7FFFFFFF  }
0xd3: {  	_ =	shalt  }
tec
execute0_lowered:
.L_overlay_start_1:
0x0: {  	(tag) =	ssettag $0x1  }
0x1: {  	s0 =	rddreg [dreg:$0x0]  }
0x2: {  	s1 =	rddreg [dreg:$0x1];
	s2 =	srdreg.scid  }
0x3: {  	s3 =	rddreg [dreg:$0x2];
	s9 =	stileid.u32;
	s4 =	simm.s32 $0x0  }
0x4: {  	s2 =	sand.u32 $0x1, s2;
	[smem:$0x7FF] =	sst s4;
	s8 =	smul.u32 $0x28000, s9  }
0x5: {  	s10 =	simm.s32 $0x12;
	_ =	strace $0x8000004A;
	p0 =	seq.s32 s2, $0x0  }
0x6: {  	s24 =	sshrl.u32 s8, $0x2;
	s10 =	simm.s32 @!p0 $0xC;
	s8 =	simm.s32 $0x5E80  }
0x7: {  	[dreg:$0x4] =	wrdreg s10;
	s10 =	sadd.s32 s24, s3;
	s8 =	simm.s32 @!p0 $0x3F00  }
0x8: {  	s25 =	smul.u32 s8, s9;
	s8 =	sadd.s32 $0x800, s10;
	[dreg:$0x5] =	wrdreg s10  }
0x9: {  	s6 =	smul.u32 $0xA000, s9;
	s9 =	sadd.s32 $0xC00, s10;
	[dreg:$0x9] =	wrdreg s8  }
0xa: {  	s11 =	sadd.s32 $0x1000, s10;
	[dreg:$0xa] =	wrdreg s9  }
0xb: {  	s12 =	sadd.s32 $0x1400, s10;
	[dreg:$0xb] =	wrdreg s11  }
0xc: {  	s13 =	sadd.s32 $0x1800, s10;
	[dreg:$0xc] =	wrdreg s12  }
0xd: {  	s14 =	sadd.s32 $0x1C00, s10;
	[dreg:$0xd] =	wrdreg s13  }
0xe: {  	s15 =	sadd.s32 $0x2000, s10;
	[dreg:$0xe] =	wrdreg s14  }
0xf: {  	s5 =	smul.u32 $0xA0000, s2;
	s16 =	sadd.s32 $0x2400, s10;
	[dreg:$0xf] =	wrdreg s15  }
0x10: {  	s7 =	ssub.s32 $0x2, s2;
	s17 =	sadd.s32 $0x2800, s10;
	[dreg:$0x10] =	wrdreg s16  }
0x11: {  	s23 =	sshrl.u32 s7, $0x1;
	s18 =	sadd.s32 $0x2C00, s10;
	[dreg:$0x11] =	wrdreg s17  }
0x12: {  	s6 =	sadd.s32 s6, s5;
	s19 =	sadd.s32 $0x3000, s10;
	[dreg:$0x12] =	wrdreg s18  }
0x13: {  	s5 =	sadd.s32 $0x48A00, s1;
	s20 =	sadd.s32 $0x3400, s10;
	[dreg:$0x13] =	wrdreg s19  }
0x14: {  	s6 =	sshrl.u32 s6, $0x3;
	s21 =	sadd.s32 $0x3800, s10;
	[dreg:$0x14] =	wrdreg s20  }
0x15: {  	s24 =	sadd.s32 $0x4000, s10;
	s1 =	sadd.s32 s6, s1;
	[dreg:$0x15] =	wrdreg s21  }
0x16: {  	s6 =	ssub.s32 s7, s23;
	s23 =	sadd.s32 $0x3C00, s10;
	[dreg:$0x18] =	wrdreg s24  }
0x17: {  	s7 =	sadd.s32 $0x5400, s10;
	[dreg:$0x16] =	wrdreg s23  }
0x18: {  	s8 =	sadd.s32 $0x5800, s10;
	[dreg:$0x1d] =	wrdreg s7  }
0x19: {  	s9 =	sadd.s32 $0x5C00, s10;
	[dreg:$0x1e] =	wrdreg s8  }
0x1a: {  	s11 =	sadd.s32 $0x6000, s10;
	[dreg:$0x1f] =	wrdreg s9  }
0x1b: {  	s12 =	sadd.s32 $0x6400, s10;
	[smem:$0x7EE] =	sst s11  }
0x1c: {  	s13 =	sadd.s32 $0x6800, s10;
	[smem:$0x7EF] =	sst s12  }
0x1d: {  	s14 =	sadd.s32 $0x6C00, s10;
	[smem:$0x7F0] =	sst s13  }
0x1e: {  	s28 =	simm.s32 $0x4;
	s15 =	sadd.s32 $0x7000, s10;
	[smem:$0x7F1] =	sst s14  }
0x1f: {  	s29 =	simm.s32 $0x300;
	s16 =	sadd.s32 $0x7400, s10;
	[smem:$0x7F2] =	sst s15  }
0x20: {  	s30 =	simm.s32 $0x80;
	s17 =	sadd.s32 $0x7800, s10;
	[smem:$0x7F3] =	sst s16  }
0x21: {  	s31 =	simm.s32 $0x380;
	s18 =	sadd.s32 $0x7C00, s10;
	[smem:$0x7F4] =	sst s17  }
0x22: {  	s2 =	smul.u32 $0x5E800, s2;
	s19 =	sadd.s32 $0x8000, s10;
	[smem:$0x7F5] =	sst s18  }
0x23: {  	s20 =	sadd.s32 $0x8400, s10;
	s21 =	sadd.s32 $0x8800, s10;
	[smem:$0x7F6] =	sst s19  }
0x24: {  	s24 =	sadd.s32 $0x9400, s10;
	s1 =	sadd.s32 $0x5C600, s1;
	[smem:$0x7F7] =	sst s20  }
0x25: {  	s26 =	smax.u32 s6, $0x1;
	s6 =	sadd.s32 $0x400, s10;
	[smem:$0x7F8] =	sst s21  }
0x26: {  	s22 =	sadd.s32 s2, s25;
	s25 =	sadd.s32 $0x4400, s10;
	[smem:$0x7FB] =	sst s24  }
0x27: {  	s2 =	sadd.s32 $0x4C00, s10;
	s23 =	sadd.s32 $0x9000, s10;
	[dreg:$0x6] =	wrdreg s1  }
0x28: {  	s8 =	simm.s32 $0x1;
	s9 =	simm.s32 $0x70;
	[dreg:$0x7] =	wrdreg s26  }
0x29: {  	s11 =	simm.s32 $0x3E00;
	s12 =	simm.s32 $0x7600;
	[dreg:$0x8] =	wrdreg s6  }
0x2a: {  	s13 =	simm.s32 $0x180;
	s14 =	simm.s32 $0x480;
	[dreg:$0x19] =	wrdreg s25  }
0x2b: {  	s15 =	simm.s32 $0x200;
	s16 =	simm.s32 $0x500;
	[dreg:$0x1b] =	wrdreg s2  }
0x2c: {  	s17 =	simm.s32 $0x280;
	s1 =	sadd.s32 $0x2A0, s22;
	[smem:$0x7FA] =	sst s23  }
0x2d: {  	s18 =	simm.s32 $0x580;
	s26 =	sadd.s32 $0x4800, s10;
	[dreg:$0x17] =	wrdreg s1  }
0x2e: {  	s19 =	simm.s32 $0xAE00;
	s6 =	sadd.s32 $0x5000, s10;
	[dreg:$0x1a] =	wrdreg s26  }
0x2f: {  	s20 =	simm.s32 $0xE600;
	s22 =	sadd.s32 $0x8C00, s10;
	[dreg:$0x1c] =	wrdreg s6  }
0x30: {  	s21 =	simm.s32 $0x11E00;
	s25 =	sadd.s32 $0x9800, s10;
	[smem:$0x7F9] =	sst s22  }
0x31: {  	s2 =	simm.s32 $0x400;
	s23 =	simm.s32 $0x3;
	[smem:$0x7FC] =	sst s25  }
0x32: {  	s26 =	sadd.s32 $0x9C00, s10;
	s1 =	simm.s32 $0x100;
	s10 =	simm.s32 $0x600  }
0x33: {  	v0 =	vimm.f32 $0.0e+00;
	s22 =	simm.s32 $0x2;
	[smem:$0x7FD] =	sst s26;
	s26 =	simm.s32 $0x0  }
.LBB2_1:
0x34: {  	s7 =	sand.u32 $0xE00, s4  }
0x35: {  	[smem:$0x7ED] =	sst s26;
	s24 =	sand.u32 $0x70, s4;
	s25 =	sshrl.u32 s7, $0x2  }
0x36: {  	s7 =	simm.s32 $0x40;
	s25 =	sor.u32 s24, s25;
	s24 =	simm.s32 $0x0  }
.LBB2_2:
0x37: {  	p0 =	sne.s32 s7, $0xFC0  }
0x38: {  	[tilespmem:s25+$0x15600] =	vst v0;
	s24 =	sadd.s32 $0x10, s24;
	s25 =	smov.u32 s7;
	s7 =	sadd.s32 $0x40, s7  }
.Ltmp0:
0x39: {  	(pc) =	sbr.rel @p0 .LBB2_2-.Ltmp0, $4  }
0x3a: {  	_ = 	snop  }
0x3b: {  	s25 =	sand.u32 $0xE00, s25  }
0x3c: {  	s6 =	sand.u32 $0x70, s24;
	s25 =	sshrl.u32 s25, $0x2  }
0x3d: {  	s25 =	sor.u32 s6, s25  }
0x3e: {  	s26 =	rddreg [dreg:$0x5]  }
0x3f: {  	[tilespmem:s25+$0x15600] =	vst v0;
	s7 =	simm.s32 $0x15600;
	s6 =	rddreg [dreg:$0x8]  }
0x40: {  	[spmem:s26] =	stream.linear.scatter [tilespmem:s7], [sflag:$0x4], $0x400, $0x38;
	[tilespmem:$0x1FA00] =	vst v63  }
0x41: {  	s25 =	rddreg [dreg:$0x9]  }
0x42: {  	[spmem:s6] =	stream.linear.scatter [tilespmem:s7], [sflag:$0x4], $0x400, $0x38;
	[tilespmem:$0x1FA00] =	vst v63  }
0x43: {  	s24 =	rddreg [dreg:$0xb]  }
0x44: {  	[spmem:s25] =	stream.linear.scatter [tilespmem:s7], [sflag:$0x4], $0x400, $0x38;
	[tilespmem:$0x1FA00] =	vst v63  }
0x45: {  	s26 =	rddreg [dreg:$0xa]  }
0x46: {  	[spmem:s26] =	stream.linear.scatter [tilespmem:s7], [sflag:$0x4], $0x400, $0x38;
	[tilespmem:$0x1FA00] =	vst v63  }
0x47: {  	s25 =	rddreg [dreg:$0xc]  }
0x48: {  	[spmem:s24] =	stream.linear.scatter [tilespmem:s7], [sflag:$0x4], $0x400, $0x38;
	[tilespmem:$0x1FA00] =	vst v63  }
0x49: {  	s26 =	rddreg [dreg:$0xd]  }
0x4a: {  	[spmem:s25] =	stream.linear.scatter [tilespmem:s7], [sflag:$0x4], $0x400, $0x38;
	[tilespmem:$0x1FA00] =	vst v63  }
0x4b: {  	s24 =	rddreg [dreg:$0xe]  }
0x4c: {  	[spmem:s26] =	stream.linear.scatter [tilespmem:s7], [sflag:$0x4], $0x400, $0x38;
	[tilespmem:$0x1FA00] =	vst v63  }
0x4d: {  	s25 =	rddreg [dreg:$0xf]  }
0x4e: {  	[spmem:s24] =	stream.linear.scatter [tilespmem:s7], [sflag:$0x4], $0x400, $0x38;
	[tilespmem:$0x1FA00] =	vst v63  }
0x4f: {  	s26 =	rddreg [dreg:$0x10]  }
0x50: {  	[spmem:s25] =	stream.linear.scatter [tilespmem:s7], [sflag:$0x4], $0x400, $0x38;
	[tilespmem:$0x1FA00] =	vst v63  }
0x51: {  	s24 =	rddreg [dreg:$0x11]  }
0x52: {  	[spmem:s26] =	stream.linear.scatter [tilespmem:s7], [sflag:$0x4], $0x400, $0x38;
	[tilespmem:$0x1FA00] =	vst v63  }
0x53: {  	s25 =	rddreg [dreg:$0x12]  }
0x54: {  	[spmem:s24] =	stream.linear.scatter [tilespmem:s7], [sflag:$0x4], $0x400, $0x38;
	[tilespmem:$0x1FA00] =	vst v63  }
0x55: {  	s26 =	rddreg [dreg:$0x13]  }
0x56: {  	[spmem:s25] =	stream.linear.scatter [tilespmem:s7], [sflag:$0x4], $0x400, $0x38;
	[tilespmem:$0x1FA00] =	vst v63  }
0x57: {  	s24 =	rddreg [dreg:$0x14]  }
0x58: {  	[spmem:s26] =	stream.linear.scatter [tilespmem:s7], [sflag:$0x4], $0x400, $0x38;
	[tilespmem:$0x1FA00] =	vst v63  }
0x59: {  	s25 =	rddreg [dreg:$0x15]  }
0x5a: {  	[spmem:s24] =	stream.linear.scatter [tilespmem:s7], [sflag:$0x4], $0x400, $0x38;
	[tilespmem:$0x1FA00] =	vst v63  }
0x5b: {  	s26 =	rddreg [dreg:$0x16]  }
0x5c: {  	[spmem:s25] =	stream.linear.scatter [tilespmem:s7], [sflag:$0x4], $0x400, $0x38;
	[tilespmem:$0x1FA00] =	vst v63  }
0x5d: {  	s24 =	rddreg [dreg:$0x18]  }
0x5e: {  	[spmem:s26] =	stream.linear.scatter [tilespmem:s7], [sflag:$0x4], $0x400, $0x38;
	[tilespmem:$0x1FA00] =	vst v63  }
0x5f: {  	s25 =	rddreg [dreg:$0x19]  }
0x60: {  	[spmem:s24] =	stream.linear.scatter [tilespmem:s7], [sflag:$0x4], $0x400, $0x38;
	[tilespmem:$0x1FA00] =	vst v63  }
0x61: {  	s26 =	rddreg [dreg:$0x1a]  }
0x62: {  	[spmem:s25] =	stream.linear.scatter [tilespmem:s7], [sflag:$0x4], $0x400, $0x38;
	[tilespmem:$0x1FA00] =	vst v63  }
0x63: {  	s24 =	rddreg [dreg:$0x1b]  }
0x64: {  	[spmem:s26] =	stream.linear.scatter [tilespmem:s7], [sflag:$0x4], $0x400, $0x38;
	[tilespmem:$0x1FA00] =	vst v63  }
0x65: {  	s25 =	rddreg [dreg:$0x1c]  }
0x66: {  	[spmem:s24] =	stream.linear.scatter [tilespmem:s7], [sflag:$0x4], $0x400, $0x38;
	[tilespmem:$0x1FA00] =	vst v63  }
0x67: {  	s26 =	rddreg [dreg:$0x1d]  }
0x68: {  	[spmem:s25] =	stream.linear.scatter [tilespmem:s7], [sflag:$0x4], $0x400, $0x38;
	[tilespmem:$0x1FA00] =	vst v63  }
0x69: {  	s24 =	rddreg [dreg:$0x1e]  }
0x6a: {  	[spmem:s26] =	stream.linear.scatter [tilespmem:s7], [sflag:$0x4], $0x400, $0x38;
	[tilespmem:$0x1FA00] =	vst v63  }
0x6b: {  	s25 =	rddreg [dreg:$0x1f]  }
0x6c: {  	[spmem:s24] =	stream.linear.scatter [tilespmem:s7], [sflag:$0x4], $0x400, $0x38;
	[tilespmem:$0x1FA00] =	vst v63  }
0x6d: {  	s26 =	sld [smem:$0x7EE]  }
0x6e: {  	[spmem:s25] =	stream.linear.scatter [tilespmem:s7], [sflag:$0x4], $0x400, $0x38;
	[tilespmem:$0x1FA00] =	vst v63  }
0x6f: {  	s24 =	sld [smem:$0x7EF]  }
0x70: {  	[spmem:s26] =	stream.linear.scatter [tilespmem:s7], [sflag:$0x4], $0x400, $0x38;
	[tilespmem:$0x1FA00] =	vst v63  }
0x71: {  	s25 =	sld [smem:$0x7F0]  }
0x72: {  	[spmem:s24] =	stream.linear.scatter [tilespmem:s7], [sflag:$0x4], $0x400, $0x38;
	[tilespmem:$0x1FA00] =	vst v63  }
0x73: {  	s26 =	sld [smem:$0x7F1]  }
0x74: {  	[spmem:s25] =	stream.linear.scatter [tilespmem:s7], [sflag:$0x4], $0x400, $0x38;
	[tilespmem:$0x1FA00] =	vst v63  }
0x75: {  	s24 =	sld [smem:$0x7F2]  }
0x76: {  	[spmem:s26] =	stream.linear.scatter [tilespmem:s7], [sflag:$0x4], $0x400, $0x38;
	[tilespmem:$0x1FA00] =	vst v63  }
0x77: {  	s25 =	sld [smem:$0x7F3]  }
0x78: {  	[spmem:s24] =	stream.linear.scatter [tilespmem:s7], [sflag:$0x4], $0x400, $0x38;
	[tilespmem:$0x1FA00] =	vst v63  }
0x79: {  	s26 =	sld [smem:$0x7F4]  }
0x7a: {  	[spmem:s25] =	stream.linear.scatter [tilespmem:s7], [sflag:$0x4], $0x400, $0x38;
	[tilespmem:$0x1FA00] =	vst v63  }
0x7b: {  	s24 =	sld [smem:$0x7F5]  }
0x7c: {  	[spmem:s26] =	stream.linear.scatter [tilespmem:s7], [sflag:$0x4], $0x400, $0x38;
	[tilespmem:$0x1FA00] =	vst v63  }
0x7d: {  	s25 =	sld [smem:$0x7F6]  }
0x7e: {  	[spmem:s24] =	stream.linear.scatter [tilespmem:s7], [sflag:$0x4], $0x400, $0x38;
	[tilespmem:$0x1FA00] =	vst v63  }
0x7f: {  	s26 =	sld [smem:$0x7F7]  }
0x80: {  	[spmem:s25] =	stream.linear.scatter [tilespmem:s7], [sflag:$0x4], $0x400, $0x38;
	[tilespmem:$0x1FA00] =	vst v63  }
0x81: {  	s24 =	sld [smem:$0x7F8]  }
0x82: {  	[spmem:s26] =	stream.linear.scatter [tilespmem:s7], [sflag:$0x4], $0x400, $0x38;
	[tilespmem:$0x1FA00] =	vst v63  }
0x83: {  	s25 =	sld [smem:$0x7F9]  }
0x84: {  	[spmem:s24] =	stream.linear.scatter [tilespmem:s7], [sflag:$0x4], $0x400, $0x38;
	[tilespmem:$0x1FA00] =	vst v63  }
0x85: {  	s26 =	sld [smem:$0x7FA]  }
0x86: {  	[spmem:s25] =	stream.linear.scatter [tilespmem:s7], [sflag:$0x4], $0x400, $0x38;
	[tilespmem:$0x1FA00] =	vst v63  }
0x87: {  	s24 =	sld [smem:$0x7FB]  }
0x88: {  	[spmem:s26] =	stream.linear.scatter [tilespmem:s7], [sflag:$0x4], $0x400, $0x38;
	[tilespmem:$0x1FA00] =	vst v63  }
0x89: {  	s25 =	sld [smem:$0x7FC]  }
0x8a: {  	[spmem:s24] =	stream.linear.scatter [tilespmem:s7], [sflag:$0x4], $0x400, $0x38;
	[tilespmem:$0x1FA00] =	vst v63  }
0x8b: {  	s26 =	sld [smem:$0x7FD]  }
0x8c: {  	[spmem:s25] =	stream.linear.scatter [tilespmem:s7], [sflag:$0x4], $0x400, $0x38;
	[tilespmem:$0x1FA00] =	vst v63  }
0x8d: {  	_ = 	snop  }
0x8e: {  	[spmem:s26] =	stream.linear.scatter [tilespmem:s7], [sflag:$0x4], $0x400, $0x38;
	[tilespmem:$0x1FA00] =	vst v63  }
0x8f: {  	_ =	swait.ge [sflag:s28], $0x400  }
0x90: {  	s7 =	simm.s32 $0x27;
	[sflag:s28] =	ssyncset.done $0x0  }
.LBB2_4:
0x91: {  	p0 =	sne.s32 s7, $0x1;
	s7 =	sadd.s32 $0xFFFFFFFF, s7;
	[sflag:s28] =	ssyncadd.s32 $0xFFFFFC00  }
.Ltmp1:
0x92: {  	(pc) =	sbr.rel @p0 .LBB2_4-.Ltmp1, $3  }
0x93: {  	_ =	sdelay $0x1  }
0x94: {  	_ =	swait.ge [sflag:s28], $0x400  }
0x95: {  	[sflag:s28] =	ssyncset.done $0x0  }
0x96: {  	[sflag:s28] =	ssyncadd.s32 $0xFFFFFC00  }
0x97: {  	[bflag:$0x0] =	sbarrier.arrive $0xFFFF  }
0x98: {  	s7 =	rddreg [dreg:$0x4]  }
0x99: {  	p1 =	sne.s32 s7, $0x1  }
.Ltmp2:
0x9a: {  	_ = 	snop;
	(pc) =	sbr.rel @!p1 .LBB2_6-.Ltmp2, $4  }
0x9b: {  	_ = 	snop  }
0x9c: {  	s25 =	rddreg [dreg:$0x17]  }
0x9d: {  	s6 =	sadd.s32 $0xFFFFFD60, s25  }
0x9e: {  	p0 =	por $0x0, $0x0;
	s7 =	sadd.s32 $0xFFFFFFFF, s7;
	s24 =	sshrl.u32 s6, $0x3  }
0x9f: {  	s6 =	sadd.s32 $0xFFFFFDD0, s25  }
0xa0: {  	s24 =	sadd.s32 s5, s24;
	s26 =	sadd.s32 $0xFFFFFE40, s25;
	s6 =	sshrl.u32 s6, $0x3  }
0xa1: {  	[tilespmem:s4], [sflag:$0x1] =	stream.linear.gather [hbm4b:s24+s4], $0x70, $0x38;
	[tilespmem:$0x1FA00] =	vst v63  }
0xa2: {  	s24 =	sshrl.u32 s26, $0x3;
	s26 =	sadd.s32 $0xFFFFFEB0, s25;
	s6 =	sadd.s32 s5, s6  }
0xa3: {  	[tilespmem:s29], [sflag:$0x1] =	stream.linear.gather [hbm4b:s6+s4], $0x70, $0x38;
	[tilespmem:$0x1FA00] =	vst v63  }
0xa4: {  	s6 =	sadd.s32 s5, s24;
	s24 =	sshrl.u32 s26, $0x3;
	s26 =	sadd.s32 $0xFFFFFF20, s25  }
0xa5: {  	[tilespmem:s30], [sflag:$0x1] =	stream.linear.gather [hbm4b:s6+s4], $0x70, $0x38;
	[tilespmem:$0x1FA00] =	vst v63  }
0xa6: {  	s24 =	sadd.s32 s5, s24;
	s6 =	sshrl.u32 s26, $0x3;
	s26 =	sadd.s32 $0xFFFFFF90, s25  }
0xa7: {  	[tilespmem:s31], [sflag:$0x1] =	stream.linear.gather [hbm4b:s24+s4], $0x70, $0x38;
	[tilespmem:$0x1FA00] =	vst v63  }
0xa8: {  	s6 =	sadd.s32 s5, s6;
	s24 =	sshrl.u32 s26, $0x3  }
0xa9: {  	[tilespmem:s1], [sflag:$0x1] =	stream.linear.gather [hbm4b:s6+s4], $0x70, $0x38;
	[tilespmem:$0x1FA00] =	vst v63  }
0xaa: {  	s26 =	sadd.s32 s5, s24  }
0xab: {  	[tilespmem:s2], [sflag:$0x1] =	stream.linear.gather [hbm4b:s26+s4], $0x70, $0x38;
	[tilespmem:$0x1FA00] =	vst v63  }
0xac: {  	_ =	swait.ge [sflag:s8], $0x70  }
0xad: {  	[sflag:s8] =	ssyncset.done $0x0  }
0xae: {  	[sflag:s8] =	ssyncadd.s32 $0xFFFFFF90  }
0xaf: {  	_ =	swait.ge [sflag:s8], $0x70  }
0xb0: {  	[sflag:s8] =	ssyncset.done $0x0  }
0xb1: {  	[sflag:s8] =	ssyncadd.s32 $0xFFFFFF90  }
0xb2: {  	_ =	swait.ge [sflag:s8], $0x70  }
0xb3: {  	[sflag:s8] =	ssyncset.done $0x0  }
0xb4: {  	[sflag:s8] =	ssyncadd.s32 $0xFFFFFF90  }
0xb5: {  	_ =	swait.ge [sflag:s8], $0x70  }
0xb6: {  	[sflag:s8] =	ssyncset.done $0x0  }
0xb7: {  	[sflag:s8] =	ssyncadd.s32 $0xFFFFFF90  }
0xb8: {  	_ =	swait.ge [sflag:s8], $0x70  }
0xb9: {  	[sflag:s8] =	ssyncset.done $0x0  }
0xba: {  	[sflag:s8] =	ssyncadd.s32 $0xFFFFFF90  }
0xbb: {  	_ =	swait.ge [sflag:s8], $0x70  }
0xbc: {  	[sflag:s8] =	ssyncset.done $0x0  }
0xbd: {  	[sflag:s8] =	ssyncadd.s32 $0xFFFFFF90  }
0xbe: {  	[tilespmem:s10], [sflag:$0x2] =	stream.indirect.gather [hbm4b:s0+s9], $0x80, s4, s9, $0xb8;
	[tilespmem:$0x1FA00] =	vst v63  }
0xbf: {  	_ = 	snop  }
0xc0: {  	[tilespmem:s11], [sflag:$0x2] =	stream.indirect.gather [hbm4b:s0+s9], $0x80, s30, s9, $0xb8;
	[tilespmem:$0x1FA00] =	vst v63  }
0xc1: {  	s24 =	sshrl.u32 s25, $0x3;
	s26 =	sadd.s32 $0x70, s25  }
0xc2: {  	[tilespmem:s12], [sflag:$0x2] =	stream.indirect.gather [hbm4b:s0+s9], $0x80, s1, s9, $0xb8;
	[tilespmem:$0x1FA00] =	vst v63  }
0xc3: {  	s6 =	sadd.s32 s5, s24;
	s24 =	sshrl.u32 s26, $0x3;
	s26 =	sadd.s32 $0xE0, s25  }
0xc4: {  	[tilespmem:s13], [sflag:$0x1] =	stream.linear.gather [hbm4b:s6+s4], $0x70, $0x38;
	[tilespmem:$0x1FA00] =	vst v63  }
0xc5: {  	s24 =	sadd.s32 s5, s24;
	s6 =	sshrl.u32 s26, $0x3;
	s26 =	sadd.s32 $0x150, s25  }
0xc6: {  	[tilespmem:s14], [sflag:$0x1] =	stream.linear.gather [hbm4b:s24+s4], $0x70, $0x38;
	[tilespmem:$0x1FA00] =	vst v63  }
0xc7: {  	s6 =	sadd.s32 s5, s6;
	s24 =	sshrl.u32 s26, $0x3;
	s26 =	sadd.s32 $0x1C0, s25  }
0xc8: {  	[tilespmem:s15], [sflag:$0x1] =	stream.linear.gather [hbm4b:s6+s4], $0x70, $0x38;
	[tilespmem:$0x1FA00] =	vst v63  }
0xc9: {  	s24 =	sadd.s32 s5, s24;
	s6 =	sshrl.u32 s26, $0x3;
	s26 =	sadd.s32 $0x230, s25  }
0xca: {  	[tilespmem:s16], [sflag:$0x1] =	stream.linear.gather [hbm4b:s24+s4], $0x70, $0x38;
	[tilespmem:$0x1FA00] =	vst v63  }
0xcb: {  	s6 =	sadd.s32 s5, s6;
	s24 =	sshrl.u32 s26, $0x3  }
0xcc: {  	[tilespmem:s17], [sflag:$0x1] =	stream.linear.gather [hbm4b:s6+s4], $0x70, $0x38;
	[tilespmem:$0x1FA00] =	vst v63  }
0xcd: {  	s24 =	sadd.s32 s5, s24  }
0xce: {  	[tilespmem:s18], [sflag:$0x1] =	stream.linear.gather [hbm4b:s24+s4], $0x70, $0x38;
	[tilespmem:$0x1FA00] =	vst v63  }
0xcf: {  	_ =	swait.ge [sflag:s8], $0x70  }
0xd0: {  	[sflag:s8] =	ssyncset.done $0x0  }
0xd1: {  	[sflag:s8] =	ssyncadd.s32 $0xFFFFFF90  }
0xd2: {  	_ =	swait.ge [sflag:s8], $0x70  }
0xd3: {  	[sflag:s8] =	ssyncset.done $0x0  }
0xd4: {  	[sflag:s8] =	ssyncadd.s32 $0xFFFFFF90  }
0xd5: {  	_ =	swait.ge [sflag:s8], $0x70  }
0xd6: {  	[sflag:s8] =	ssyncset.done $0x0  }
0xd7: {  	[sflag:s8] =	ssyncadd.s32 $0xFFFFFF90  }
0xd8: {  	_ =	swait.ge [sflag:s8], $0x70  }
0xd9: {  	[sflag:s8] =	ssyncset.done $0x0  }
0xda: {  	[sflag:s8] =	ssyncadd.s32 $0xFFFFFF90  }
0xdb: {  	_ =	swait.ge [sflag:s8], $0x70  }
0xdc: {  	[sflag:s8] =	ssyncset.done $0x0  }
0xdd: {  	[sflag:s8] =	ssyncadd.s32 $0xFFFFFF90  }
0xde: {  	_ =	swait.ge [sflag:s8], $0x70  }
0xdf: {  	[sflag:s8] =	ssyncset.done $0x0  }
0xe0: {  	[sflag:s8] =	ssyncadd.s32 $0xFFFFFF90  }
0xe1: {  	[tilespmem:s19], [sflag:$0x3] =	stream.indirect.gather [hbm4b:s0+s9], $0x80, s13, s9, $0xb8;
	[tilespmem:$0x1FA00] =	vst v63  }
0xe2: {  	_ = 	snop  }
0xe3: {  	[tilespmem:s20], [sflag:$0x3] =	stream.indirect.gather [hbm4b:s0+s9], $0x80, s15, s9, $0xb8;
	[tilespmem:$0x1FA00] =	vst v63  }
0xe4: {  	_ = 	snop  }
0xe5: {  	[tilespmem:s21], [sflag:$0x3] =	stream.indirect.gather [hbm4b:s0+s9], $0x80, s17, s9, $0xb8;
	[tilespmem:$0x1FA00] =	vst v63  }
0xe6: {  	_ =	swait.ge [sflag:s22], $0x3800  }
0xe7: {  	[sflag:s22] =	ssyncset.done $0x0  }
0xe8: {  	[sflag:s22] =	ssyncadd.s32 $0xFFFFC800  }
0xe9: {  	_ =	swait.ge [sflag:s22], $0x3800  }
0xea: {  	[sflag:s22] =	ssyncset.done $0x0  }
0xeb: {  	[sflag:s22] =	ssyncadd.s32 $0xFFFFC800  }
0xec: {  	_ =	swait.ge [sflag:s22], $0x3800  }
0xed: {  	[sflag:s22] =	ssyncset.done $0x0  }
0xee: {  	[sflag:s22] =	ssyncadd.s32 $0xFFFFC800  }
0xef: {  	[spmem:s3] =	stream.indirect.scatter.add.f32 [tilespmem:s10], [sflag:$0x4], $0x80, s29, s9, $0xb8;
	[tilespmem:$0x1FA00] =	vst v63  }
0xf0: {  	_ = 	snop  }
0xf1: {  	[spmem:s3] =	stream.indirect.scatter.add.f32 [tilespmem:s11], [sflag:$0x4], $0x80, s31, s9, $0xb8;
	[tilespmem:$0x1FA00] =	vst v63  }
0xf2: {  	_ = 	snop  }
0xf3: {  	[spmem:s3] =	stream.indirect.scatter.add.f32 [tilespmem:s12], [sflag:$0x4], $0x80, s2, s9, $0xb8;
	[tilespmem:$0x1FA00] =	vst v63  }
0xf4: {  	_ =	swait.ge [sflag:s23], $0x3800  }
0xf5: {  	[sflag:s23] =	ssyncset.done $0x0  }
0xf6: {  	[sflag:s23] =	ssyncadd.s32 $0xFFFFC800  }
0xf7: {  	_ =	swait.ge [sflag:s23], $0x3800  }
0xf8: {  	[sflag:s23] =	ssyncset.done $0x0  }
0xf9: {  	[sflag:s23] =	ssyncadd.s32 $0xFFFFC800  }
0xfa: {  	_ =	swait.ge [sflag:s23], $0x3800  }
0xfb: {  	[sflag:s23] =	ssyncset.done $0x0  }
0xfc: {  	[sflag:s23] =	ssyncadd.s32 $0xFFFFC800  }
0xfd: {  	_ =	swait.ge [sflag:s28], $0x3800  }
0xfe: {  	[sflag:s28] =	ssyncset.done $0x0  }
0xff: {  	[sflag:s28] =	ssyncadd.s32 $0xFFFFC800  }
0x100: {  	_ =	swait.ge [sflag:s28], $0x3800  }
0x101: {  	[sflag:s28] =	ssyncset.done $0x0  }
0x102: {  	[sflag:s28] =	ssyncadd.s32 $0xFFFFC800  }
0x103: {  	_ =	swait.ge [sflag:s28], $0x3800  }
0x104: {  	[sflag:s28] =	ssyncset.done $0x0  }
0x105: {  	[sflag:s28] =	ssyncadd.s32 $0xFFFFC800  }
0x106: {  	[spmem:s3] =	stream.indirect.scatter.add.f32 [tilespmem:s19], [sflag:$0x4], $0x80, s14, s9, $0xb8;
	[tilespmem:$0x1FA00] =	vst v63  }
0x107: {  	_ = 	snop  }
0x108: {  	[spmem:s3] =	stream.indirect.scatter.add.f32 [tilespmem:s20], [sflag:$0x4], $0x80, s16, s9, $0xb8;
	[tilespmem:$0x1FA00] =	vst v63  }
0x109: {  	_ = 	snop  }
0x10a: {  	[spmem:s3] =	stream.indirect.scatter.add.f32 [tilespmem:s21], [sflag:$0x4], $0x80, s18, s9, $0xb8;
	[tilespmem:$0x1FA00] =	vst v63  }
0x10b: {  	_ =	swait.ge [sflag:s28], $0x3800  }
0x10c: {  	p1 =	sne.s32 s7, $0x1;
	[sflag:s28] =	ssyncset.done $0x0  }
.Ltmp3:
0x10d: {  	[sflag:s28] =	ssyncadd.s32 $0xFFFFC800;
	(pc) =	sbr.rel @!p1 .LBB2_8-.Ltmp3, $4  }
0x10e: {  	_ =	swait.ge [sflag:s28], $0x3800  }
0x10f: {  	s25 =	sadd.s32 $0x540, s25;
	[sflag:s28] =	ssyncset.done $0x0  }
0x110: {  	s7 =	sadd.s32 $0xFFFFFFFF, s7;
	s26 =	sadd.s32 $0xFFFFFD60, s25;
	[sflag:s28] =	ssyncadd.s32 $0xFFFFC800  }
0x111: {  	p0 =	por $0x1, $0x1;
	s24 =	sshrl.u32 s26, $0x3;
	_ =	swait.ge [sflag:s28], $0x3800  }
.LBB2_9:
0x112: {  	s6 =	sadd.s32 s5, s24;
	s24 =	sadd.s32 $0xFFFFFDD0, s25;
	[sflag:s28] =	ssyncset.done $0x0  }
0x113: {  	s26 =	sadd.s32 $0xFFFFFE40, s25;
	s24 =	sshrl.u32 s24, $0x3;
	[sflag:s28] =	ssyncadd.s32 $0xFFFFC800  }
0x114: {  	[tilespmem:s4], [sflag:$0x1] =	stream.linear.gather [hbm4b:s6+s4], $0x70, $0x38;
	[tilespmem:$0x1FA00] =	vst v63  }
0x115: {  	s6 =	sadd.s32 s5, s24;
	s24 =	sshrl.u32 s26, $0x3;
	s26 =	sadd.s32 $0xFFFFFEB0, s25  }
0x116: {  	[tilespmem:s29], [sflag:$0x1] =	stream.linear.gather [hbm4b:s6+s4], $0x70, $0x38;
	[tilespmem:$0x1FA00] =	vst v63  }
0x117: {  	s6 =	sadd.s32 s5, s24;
	s24 =	sshrl.u32 s26, $0x3;
	s26 =	sadd.s32 $0xFFFFFF20, s25  }
0x118: {  	[tilespmem:s30], [sflag:$0x1] =	stream.linear.gather [hbm4b:s6+s4], $0x70, $0x38;
	[tilespmem:$0x1FA00] =	vst v63  }
0x119: {  	s6 =	sadd.s32 s5, s24;
	s24 =	sshrl.u32 s26, $0x3;
	s26 =	sadd.s32 $0xFFFFFF90, s25  }
0x11a: {  	[tilespmem:s31], [sflag:$0x1] =	stream.linear.gather [hbm4b:s6+s4], $0x70, $0x38;
	[tilespmem:$0x1FA00] =	vst v63  }
0x11b: {  	p1 =	sne.s32 s7, $0x1;
	s6 =	sadd.s32 s5, s24;
	s24 =	sshrl.u32 s26, $0x3  }
0x11c: {  	[tilespmem:s1], [sflag:$0x1] =	stream.linear.gather [hbm4b:s6+s4], $0x70, $0x38;
	[tilespmem:$0x1FA00] =	vst v63  }
0x11d: {  	s7 =	sadd.s32 $0xFFFFFFFF, s7;
	s6 =	sadd.s32 s5, s24  }
0x11e: {  	[tilespmem:s2], [sflag:$0x1] =	stream.linear.gather [hbm4b:s6+s4], $0x70, $0x38;
	[tilespmem:$0x1FA00] =	vst v63  }
0x11f: {  	_ =	swait.ge [sflag:s8], $0x70  }
0x120: {  	[sflag:s8] =	ssyncset.done $0x0  }
0x121: {  	[sflag:s8] =	ssyncadd.s32 $0xFFFFFF90  }
0x122: {  	_ =	swait.ge [sflag:s8], $0x70  }
0x123: {  	[sflag:s8] =	ssyncset.done $0x0  }
0x124: {  	[sflag:s8] =	ssyncadd.s32 $0xFFFFFF90  }
0x125: {  	_ =	swait.ge [sflag:s8], $0x70  }
0x126: {  	[sflag:s8] =	ssyncset.done $0x0  }
0x127: {  	[sflag:s8] =	ssyncadd.s32 $0xFFFFFF90  }
0x128: {  	_ =	swait.ge [sflag:s8], $0x70  }
0x129: {  	[sflag:s8] =	ssyncset.done $0x0  }
0x12a: {  	[sflag:s8] =	ssyncadd.s32 $0xFFFFFF90  }
0x12b: {  	_ =	swait.ge [sflag:s8], $0x70  }
0x12c: {  	[sflag:s8] =	ssyncset.done $0x0  }
0x12d: {  	[sflag:s8] =	ssyncadd.s32 $0xFFFFFF90  }
0x12e: {  	_ =	swait.ge [sflag:s8], $0x70  }
0x12f: {  	[sflag:s8] =	ssyncset.done $0x0  }
0x130: {  	[sflag:s8] =	ssyncadd.s32 $0xFFFFFF90  }
0x131: {  	[tilespmem:s10], [sflag:$0x2] =	stream.indirect.gather [hbm4b:s0+s9], $0x80, s4, s9, $0xb8;
	[tilespmem:$0x1FA00] =	vst v63  }
0x132: {  	_ = 	snop  }
0x133: {  	[tilespmem:s11], [sflag:$0x2] =	stream.indirect.gather [hbm4b:s0+s9], $0x80, s30, s9, $0xb8;
	[tilespmem:$0x1FA00] =	vst v63  }
0x134: {  	s24 =	sadd.s32 $0x70, s25;
	s6 =	sshrl.u32 s25, $0x3  }
0x135: {  	[tilespmem:s12], [sflag:$0x2] =	stream.indirect.gather [hbm4b:s0+s9], $0x80, s1, s9, $0xb8;
	[tilespmem:$0x1FA00] =	vst v63  }
0x136: {  	s26 =	sadd.s32 $0xE0, s25;
	s24 =	sshrl.u32 s24, $0x3;
	s6 =	sadd.s32 s5, s6  }
0x137: {  	[tilespmem:s13], [sflag:$0x1] =	stream.linear.gather [hbm4b:s6+s4], $0x70, $0x38;
	[tilespmem:$0x1FA00] =	vst v63  }
0x138: {  	s6 =	sadd.s32 s5, s24;
	s24 =	sshrl.u32 s26, $0x3;
	s26 =	sadd.s32 $0x150, s25  }
0x139: {  	[tilespmem:s14], [sflag:$0x1] =	stream.linear.gather [hbm4b:s6+s4], $0x70, $0x38;
	[tilespmem:$0x1FA00] =	vst v63  }
0x13a: {  	s6 =	sadd.s32 s5, s24;
	s24 =	sshrl.u32 s26, $0x3;
	s26 =	sadd.s32 $0x1C0, s25  }
0x13b: {  	[tilespmem:s15], [sflag:$0x1] =	stream.linear.gather [hbm4b:s6+s4], $0x70, $0x38;
	[tilespmem:$0x1FA00] =	vst v63  }
0x13c: {  	s6 =	sadd.s32 s5, s24;
	s24 =	sshrl.u32 s26, $0x3;
	s26 =	sadd.s32 $0x230, s25  }
0x13d: {  	[tilespmem:s16], [sflag:$0x1] =	stream.linear.gather [hbm4b:s6+s4], $0x70, $0x38;
	[tilespmem:$0x1FA00] =	vst v63  }
0x13e: {  	s6 =	sadd.s32 s5, s24;
	s24 =	sshrl.u32 s26, $0x3  }
0x13f: {  	[tilespmem:s17], [sflag:$0x1] =	stream.linear.gather [hbm4b:s6+s4], $0x70, $0x38;
	[tilespmem:$0x1FA00] =	vst v63  }
0x140: {  	s6 =	sadd.s32 s5, s24  }
0x141: {  	[tilespmem:s18], [sflag:$0x1] =	stream.linear.gather [hbm4b:s6+s4], $0x70, $0x38;
	[tilespmem:$0x1FA00] =	vst v63  }
0x142: {  	_ =	swait.ge [sflag:s8], $0x70  }
0x143: {  	[sflag:s8] =	ssyncset.done $0x0  }
0x144: {  	[sflag:s8] =	ssyncadd.s32 $0xFFFFFF90  }
0x145: {  	_ =	swait.ge [sflag:s8], $0x70  }
0x146: {  	[sflag:s8] =	ssyncset.done $0x0  }
0x147: {  	[sflag:s8] =	ssyncadd.s32 $0xFFFFFF90  }
0x148: {  	_ =	swait.ge [sflag:s8], $0x70  }
0x149: {  	[sflag:s8] =	ssyncset.done $0x0  }
0x14a: {  	[sflag:s8] =	ssyncadd.s32 $0xFFFFFF90  }
0x14b: {  	_ =	swait.ge [sflag:s8], $0x70  }
0x14c: {  	[sflag:s8] =	ssyncset.done $0x0  }
0x14d: {  	[sflag:s8] =	ssyncadd.s32 $0xFFFFFF90  }
0x14e: {  	_ =	swait.ge [sflag:s8], $0x70  }
0x14f: {  	[sflag:s8] =	ssyncset.done $0x0  }
0x150: {  	[sflag:s8] =	ssyncadd.s32 $0xFFFFFF90  }
0x151: {  	_ =	swait.ge [sflag:s8], $0x70  }
0x152: {  	[sflag:s8] =	ssyncset.done $0x0  }
0x153: {  	[sflag:s8] =	ssyncadd.s32 $0xFFFFFF90  }
0x154: {  	[tilespmem:s19], [sflag:$0x3] =	stream.indirect.gather [hbm4b:s0+s9], $0x80, s13, s9, $0xb8;
	[tilespmem:$0x1FA00] =	vst v63  }
0x155: {  	_ = 	snop  }
0x156: {  	[tilespmem:s20], [sflag:$0x3] =	stream.indirect.gather [hbm4b:s0+s9], $0x80, s15, s9, $0xb8;
	[tilespmem:$0x1FA00] =	vst v63  }
0x157: {  	_ = 	snop  }
0x158: {  	[tilespmem:s21], [sflag:$0x3] =	stream.indirect.gather [hbm4b:s0+s9], $0x80, s17, s9, $0xb8;
	[tilespmem:$0x1FA00] =	vst v63  }
0x159: {  	_ =	swait.ge [sflag:s22], $0x3800  }
0x15a: {  	[sflag:s22] =	ssyncset.done $0x0  }
0x15b: {  	[sflag:s22] =	ssyncadd.s32 $0xFFFFC800  }
0x15c: {  	_ =	swait.ge [sflag:s22], $0x3800  }
0x15d: {  	[sflag:s22] =	ssyncset.done $0x0  }
0x15e: {  	[sflag:s22] =	ssyncadd.s32 $0xFFFFC800  }
0x15f: {  	_ =	swait.ge [sflag:s22], $0x3800  }
0x160: {  	[sflag:s22] =	ssyncset.done $0x0  }
0x161: {  	[sflag:s22] =	ssyncadd.s32 $0xFFFFC800  }
0x162: {  	[spmem:s3] =	stream.indirect.scatter.add.f32 [tilespmem:s10], [sflag:$0x4], $0x80, s29, s9, $0xb8;
	[tilespmem:$0x1FA00] =	vst v63  }
0x163: {  	_ = 	snop  }
0x164: {  	[spmem:s3] =	stream.indirect.scatter.add.f32 [tilespmem:s11], [sflag:$0x4], $0x80, s31, s9, $0xb8;
	[tilespmem:$0x1FA00] =	vst v63  }
0x165: {  	_ = 	snop  }
0x166: {  	[spmem:s3] =	stream.indirect.scatter.add.f32 [tilespmem:s12], [sflag:$0x4], $0x80, s2, s9, $0xb8;
	[tilespmem:$0x1FA00] =	vst v63  }
0x167: {  	_ =	swait.ge [sflag:s23], $0x3800  }
0x168: {  	[sflag:s23] =	ssyncset.done $0x0  }
0x169: {  	[sflag:s23] =	ssyncadd.s32 $0xFFFFC800  }
0x16a: {  	_ =	swait.ge [sflag:s23], $0x3800  }
0x16b: {  	[sflag:s23] =	ssyncset.done $0x0  }
0x16c: {  	[sflag:s23] =	ssyncadd.s32 $0xFFFFC800  }
0x16d: {  	_ =	swait.ge [sflag:s23], $0x3800  }
0x16e: {  	[sflag:s23] =	ssyncset.done $0x0  }
0x16f: {  	[sflag:s23] =	ssyncadd.s32 $0xFFFFC800  }
0x170: {  	_ =	swait.ge [sflag:s28], $0x3800  }
0x171: {  	[sflag:s28] =	ssyncset.done $0x0  }
0x172: {  	[sflag:s28] =	ssyncadd.s32 $0xFFFFC800  }
0x173: {  	_ =	swait.ge [sflag:s28], $0x3800  }
0x174: {  	[sflag:s28] =	ssyncset.done $0x0  }
0x175: {  	[sflag:s28] =	ssyncadd.s32 $0xFFFFC800  }
0x176: {  	_ =	swait.ge [sflag:s28], $0x3800  }
0x177: {  	[sflag:s28] =	ssyncset.done $0x0  }
0x178: {  	[sflag:s28] =	ssyncadd.s32 $0xFFFFC800  }
0x179: {  	[spmem:s3] =	stream.indirect.scatter.add.f32 [tilespmem:s19], [sflag:$0x4], $0x80, s14, s9, $0xb8;
	[tilespmem:$0x1FA00] =	vst v63  }
0x17a: {  	_ = 	snop  }
0x17b: {  	[spmem:s3] =	stream.indirect.scatter.add.f32 [tilespmem:s20], [sflag:$0x4], $0x80, s16, s9, $0xb8;
	[tilespmem:$0x1FA00] =	vst v63  }
0x17c: {  	_ = 	snop  }
0x17d: {  	[spmem:s3] =	stream.indirect.scatter.add.f32 [tilespmem:s21], [sflag:$0x4], $0x80, s18, s9, $0xb8;
	[tilespmem:$0x1FA00] =	vst v63  }
0x17e: {  	_ =	swait.ge [sflag:s28], $0x3800  }
0x17f: {  	[sflag:s28] =	ssyncset.done $0x0  }
.Ltmp4:
0x180: {  	[sflag:s28] =	ssyncadd.s32 $0xFFFFC800;
	(pc) =	sbr.rel @p1 .LBB2_9-.Ltmp4, $4  }
0x181: {  	_ =	swait.ge [sflag:s28], $0x3800  }
0x182: {  	s25 =	sadd.s32 $0x540, s25;
	[sflag:s28] =	ssyncset.done $0x0  }
0x183: {  	s6 =	sadd.s32 $0xFFFFFD60, s25;
	[sflag:s28] =	ssyncadd.s32 $0xFFFFC800  }
0x184: {  	s24 =	sshrl.u32 s6, $0x3;
	_ =	swait.ge [sflag:s28], $0x3800  }
0x185: {  	s26 =	sld [smem:$0x7ED]  }
.LBB2_11:
0x186: {  	[sflag:s28] =	ssyncset.done @p0 $0x0  }
0x187: {  	s6 =	sadd.s32 s5, s24;
	s7 =	sadd.s32 $0xFFFFFDD0, s25;
	[sflag:s28] =	ssyncadd.s32 @p0 $0xFFFFC800  }
0x188: {  	[tilespmem:s4], [sflag:$0x1] =	stream.linear.gather [hbm4b:s6+s4], $0x70, $0x38;
	[tilespmem:$0x1FA00] =	vst v63  }
0x189: {  	s6 =	sshrl.u32 s7, $0x3  }
0x18a: {  	s24 =	sadd.s32 $0xFFFFFE40, s25;
	s6 =	sadd.s32 s5, s6  }
0x18b: {  	[tilespmem:s29], [sflag:$0x1] =	stream.linear.gather [hbm4b:s6+s4], $0x70, $0x38;
	[tilespmem:$0x1FA00] =	vst v63  }
0x18c: {  	s6 =	sshrl.u32 s24, $0x3  }
0x18d: {  	s7 =	sadd.s32 $0xFFFFFEB0, s25;
	s6 =	sadd.s32 s5, s6  }
0x18e: {  	[tilespmem:s30], [sflag:$0x1] =	stream.linear.gather [hbm4b:s6+s4], $0x70, $0x38;
	[tilespmem:$0x1FA00] =	vst v63  }
0x18f: {  	s6 =	sshrl.u32 s7, $0x3  }
0x190: {  	s24 =	sadd.s32 $0xFFFFFF20, s25;
	s6 =	sadd.s32 s5, s6  }
0x191: {  	[tilespmem:s31], [sflag:$0x1] =	stream.linear.gather [hbm4b:s6+s4], $0x70, $0x38;
	[tilespmem:$0x1FA00] =	vst v63  }
0x192: {  	s6 =	sshrl.u32 s24, $0x3  }
0x193: {  	s7 =	sadd.s32 $0xFFFFFF90, s25;
	s6 =	sadd.s32 s5, s6  }
0x194: {  	[tilespmem:s1], [sflag:$0x1] =	stream.linear.gather [hbm4b:s6+s4], $0x70, $0x38;
	[tilespmem:$0x1FA00] =	vst v63  }
0x195: {  	s6 =	sshrl.u32 s7, $0x3  }
0x196: {  	s6 =	sadd.s32 s5, s6  }
0x197: {  	[tilespmem:s2], [sflag:$0x1] =	stream.linear.gather [hbm4b:s6+s4], $0x70, $0x38;
	[tilespmem:$0x1FA00] =	vst v63  }
0x198: {  	_ =	swait.ge [sflag:s8], $0x70  }
0x199: {  	[sflag:s8] =	ssyncset.done $0x0  }
0x19a: {  	[sflag:s8] =	ssyncadd.s32 $0xFFFFFF90  }
0x19b: {  	_ =	swait.ge [sflag:s8], $0x70  }
0x19c: {  	[sflag:s8] =	ssyncset.done $0x0  }
0x19d: {  	[sflag:s8] =	ssyncadd.s32 $0xFFFFFF90  }
0x19e: {  	_ =	swait.ge [sflag:s8], $0x70  }
0x19f: {  	[sflag:s8] =	ssyncset.done $0x0  }
0x1a0: {  	[sflag:s8] =	ssyncadd.s32 $0xFFFFFF90  }
0x1a1: {  	_ =	swait.ge [sflag:s8], $0x70  }
0x1a2: {  	[sflag:s8] =	ssyncset.done $0x0  }
0x1a3: {  	[sflag:s8] =	ssyncadd.s32 $0xFFFFFF90  }
0x1a4: {  	_ =	swait.ge [sflag:s8], $0x70  }
0x1a5: {  	[sflag:s8] =	ssyncset.done $0x0  }
0x1a6: {  	[sflag:s8] =	ssyncadd.s32 $0xFFFFFF90  }
0x1a7: {  	_ =	swait.ge [sflag:s8], $0x70  }
0x1a8: {  	[sflag:s8] =	ssyncset.done $0x0  }
0x1a9: {  	[sflag:s8] =	ssyncadd.s32 $0xFFFFFF90  }
0x1aa: {  	[tilespmem:s10], [sflag:$0x2] =	stream.indirect.gather [hbm4b:s0+s9], $0x80, s4, s9, $0xb8;
	[tilespmem:$0x1FA00] =	vst v63  }
0x1ab: {  	_ = 	snop  }
0x1ac: {  	[tilespmem:s11], [sflag:$0x2] =	stream.indirect.gather [hbm4b:s0+s9], $0x80, s30, s9, $0xb8;
	[tilespmem:$0x1FA00] =	vst v63  }
0x1ad: {  	s24 =	sshrl.u32 s25, $0x3  }
0x1ae: {  	[tilespmem:s12], [sflag:$0x2] =	stream.indirect.gather [hbm4b:s0+s9], $0x80, s1, s9, $0xb8;
	[tilespmem:$0x1FA00] =	vst v63  }
0x1af: {  	s7 =	sadd.s32 $0x70, s25;
	s6 =	sadd.s32 s5, s24  }
0x1b0: {  	[tilespmem:s13], [sflag:$0x1] =	stream.linear.gather [hbm4b:s6+s4], $0x70, $0x38;
	[tilespmem:$0x1FA00] =	vst v63  }
0x1b1: {  	s6 =	sshrl.u32 s7, $0x3  }
0x1b2: {  	s24 =	sadd.s32 $0xE0, s25;
	s6 =	sadd.s32 s5, s6  }
0x1b3: {  	[tilespmem:s14], [sflag:$0x1] =	stream.linear.gather [hbm4b:s6+s4], $0x70, $0x38;
	[tilespmem:$0x1FA00] =	vst v63  }
0x1b4: {  	s6 =	sshrl.u32 s24, $0x3  }
0x1b5: {  	s7 =	sadd.s32 $0x150, s25;
	s6 =	sadd.s32 s5, s6  }
0x1b6: {  	[tilespmem:s15], [sflag:$0x1] =	stream.linear.gather [hbm4b:s6+s4], $0x70, $0x38;
	[tilespmem:$0x1FA00] =	vst v63  }
0x1b7: {  	s6 =	sshrl.u32 s7, $0x3  }
0x1b8: {  	s24 =	sadd.s32 $0x1C0, s25;
	s6 =	sadd.s32 s5, s6  }
0x1b9: {  	[tilespmem:s16], [sflag:$0x1] =	stream.linear.gather [hbm4b:s6+s4], $0x70, $0x38;
	[tilespmem:$0x1FA00] =	vst v63  }
0x1ba: {  	s7 =	sadd.s32 $0x230, s25;
	s6 =	sshrl.u32 s24, $0x3  }
0x1bb: {  	s7 =	sshrl.u32 s7, $0x3;
	s6 =	sadd.s32 s5, s6  }
0x1bc: {  	[tilespmem:s17], [sflag:$0x1] =	stream.linear.gather [hbm4b:s6+s4], $0x70, $0x38;
	[tilespmem:$0x1FA00] =	vst v63  }
0x1bd: {  	s25 =	sadd.s32 s5, s7  }
0x1be: {  	[tilespmem:s18], [sflag:$0x1] =	stream.linear.gather [hbm4b:s25+s4], $0x70, $0x38;
	[tilespmem:$0x1FA00] =	vst v63  }
0x1bf: {  	_ =	swait.ge [sflag:s8], $0x70  }
0x1c0: {  	[sflag:s8] =	ssyncset.done $0x0  }
0x1c1: {  	[sflag:s8] =	ssyncadd.s32 $0xFFFFFF90  }
0x1c2: {  	_ =	swait.ge [sflag:s8], $0x70  }
0x1c3: {  	[sflag:s8] =	ssyncset.done $0x0  }
0x1c4: {  	[sflag:s8] =	ssyncadd.s32 $0xFFFFFF90  }
0x1c5: {  	_ =	swait.ge [sflag:s8], $0x70  }
0x1c6: {  	[sflag:s8] =	ssyncset.done $0x0  }
0x1c7: {  	[sflag:s8] =	ssyncadd.s32 $0xFFFFFF90  }
0x1c8: {  	_ =	swait.ge [sflag:s8], $0x70  }
0x1c9: {  	[sflag:s8] =	ssyncset.done $0x0  }
0x1ca: {  	[sflag:s8] =	ssyncadd.s32 $0xFFFFFF90  }
0x1cb: {  	_ =	swait.ge [sflag:s8], $0x70  }
0x1cc: {  	[sflag:s8] =	ssyncset.done $0x0  }
0x1cd: {  	[sflag:s8] =	ssyncadd.s32 $0xFFFFFF90  }
0x1ce: {  	_ =	swait.ge [sflag:s8], $0x70  }
0x1cf: {  	[sflag:s8] =	ssyncset.done $0x0  }
0x1d0: {  	[sflag:s8] =	ssyncadd.s32 $0xFFFFFF90  }
0x1d1: {  	[tilespmem:s19], [sflag:$0x3] =	stream.indirect.gather [hbm4b:s0+s9], $0x80, s13, s9, $0xb8;
	[tilespmem:$0x1FA00] =	vst v63  }
0x1d2: {  	_ = 	snop  }
0x1d3: {  	[tilespmem:s20], [sflag:$0x3] =	stream.indirect.gather [hbm4b:s0+s9], $0x80, s15, s9, $0xb8;
	[tilespmem:$0x1FA00] =	vst v63  }
0x1d4: {  	_ = 	snop  }
0x1d5: {  	[tilespmem:s21], [sflag:$0x3] =	stream.indirect.gather [hbm4b:s0+s9], $0x80, s17, s9, $0xb8;
	[tilespmem:$0x1FA00] =	vst v63  }
0x1d6: {  	_ =	swait.ge [sflag:s22], $0x3800  }
0x1d7: {  	[sflag:s22] =	ssyncset.done $0x0  }
0x1d8: {  	[sflag:s22] =	ssyncadd.s32 $0xFFFFC800  }
0x1d9: {  	_ =	swait.ge [sflag:s22], $0x3800  }
0x1da: {  	[sflag:s22] =	ssyncset.done $0x0  }
0x1db: {  	[sflag:s22] =	ssyncadd.s32 $0xFFFFC800  }
0x1dc: {  	_ =	swait.ge [sflag:s22], $0x3800  }
0x1dd: {  	[sflag:s22] =	ssyncset.done $0x0  }
0x1de: {  	[sflag:s22] =	ssyncadd.s32 $0xFFFFC800  }
0x1df: {  	[spmem:s3] =	stream.indirect.scatter.add.f32 [tilespmem:s10], [sflag:$0x4], $0x80, s29, s9, $0xb8;
	[tilespmem:$0x1FA00] =	vst v63  }
0x1e0: {  	_ = 	snop  }
0x1e1: {  	[spmem:s3] =	stream.indirect.scatter.add.f32 [tilespmem:s11], [sflag:$0x4], $0x80, s31, s9, $0xb8;
	[tilespmem:$0x1FA00] =	vst v63  }
0x1e2: {  	_ = 	snop  }
0x1e3: {  	[spmem:s3] =	stream.indirect.scatter.add.f32 [tilespmem:s12], [sflag:$0x4], $0x80, s2, s9, $0xb8;
	[tilespmem:$0x1FA00] =	vst v63  }
0x1e4: {  	_ =	swait.ge [sflag:s23], $0x3800  }
0x1e5: {  	[sflag:s23] =	ssyncset.done $0x0  }
0x1e6: {  	[sflag:s23] =	ssyncadd.s32 $0xFFFFC800  }
0x1e7: {  	_ =	swait.ge [sflag:s23], $0x3800  }
0x1e8: {  	[sflag:s23] =	ssyncset.done $0x0  }
0x1e9: {  	[sflag:s23] =	ssyncadd.s32 $0xFFFFC800  }
0x1ea: {  	_ =	swait.ge [sflag:s23], $0x3800  }
0x1eb: {  	[sflag:s23] =	ssyncset.done $0x0  }
0x1ec: {  	[sflag:s23] =	ssyncadd.s32 $0xFFFFC800  }
0x1ed: {  	_ =	swait.ge [sflag:s28], $0x3800  }
0x1ee: {  	[sflag:s28] =	ssyncset.done $0x0  }
0x1ef: {  	[sflag:s28] =	ssyncadd.s32 $0xFFFFC800  }
0x1f0: {  	_ =	swait.ge [sflag:s28], $0x3800  }
0x1f1: {  	[sflag:s28] =	ssyncset.done $0x0  }
0x1f2: {  	[sflag:s28] =	ssyncadd.s32 $0xFFFFC800  }
0x1f3: {  	_ =	swait.ge [sflag:s28], $0x3800  }
0x1f4: {  	[sflag:s28] =	ssyncset.done $0x0  }
0x1f5: {  	[sflag:s28] =	ssyncadd.s32 $0xFFFFC800  }
0x1f6: {  	[spmem:s3] =	stream.indirect.scatter.add.f32 [tilespmem:s19], [sflag:$0x4], $0x80, s14, s9, $0xb8;
	[tilespmem:$0x1FA00] =	vst v63  }
0x1f7: {  	_ = 	snop  }
0x1f8: {  	[spmem:s3] =	stream.indirect.scatter.add.f32 [tilespmem:s20], [sflag:$0x4], $0x80, s16, s9, $0xb8;
	[tilespmem:$0x1FA00] =	vst v63  }
0x1f9: {  	_ = 	snop  }
0x1fa: {  	[spmem:s3] =	stream.indirect.scatter.add.f32 [tilespmem:s21], [sflag:$0x4], $0x80, s18, s9, $0xb8;
	[tilespmem:$0x1FA00] =	vst v63  }
0x1fb: {  	_ =	swait.ge [sflag:s28], $0x3800  }
0x1fc: {  	[sflag:s28] =	ssyncset.done $0x0  }
0x1fd: {  	[sflag:s28] =	ssyncadd.s32 $0xFFFFC800  }
0x1fe: {  	_ =	swait.ge [sflag:s28], $0x3800  }
0x1ff: {  	[sflag:s28] =	ssyncset.done $0x0  }
0x200: {  	[sflag:s28] =	ssyncadd.s32 $0xFFFFC800  }
0x201: {  	_ =	swait.ge [sflag:s28], $0x3800  }
0x202: {  	[sflag:s28] =	ssyncset.done $0x0  }
0x203: {  	s7 =	stileid.u32;
	[sflag:s28] =	ssyncadd.s32 $0xFFFFC800  }
0x204: {  	s6 =	sshll.u32 s7, $0x6;
	[bflag:$0x0] =	sbarrier.arrive $0xFFFF  }
0x205: {  	s6 =	sor.u32 $0x1C05, s6;
	s24 =	rddreg [dreg:$0x5]  }
0x206: {  	s25 =	rddreg [dreg:$0x6];
	s7 =	sshrl.u32 s24, $0x3;
	s24 =	simm.s32 $0x5  }
0x207: {  	[hbm:s25], [sflag:s6] =	dma.local [spmem:s7], $0x1400  }
0x208: {  	_ =	swait.ge [sflag:s24], $0x1400  }
0x209: {  	s26 =	sadd.s32 $0x1, s26;
	s25 =	rddreg [dreg:$0x7]  }
0x20a: {  	p0 =	sne.s32 s26, s25  }
.Ltmp5:
0x20b: {  	_ = 	snop;
	(pc) =	sbr.rel @p0 .LBB2_1-.Ltmp5, $4  }
.Ltmp6:
0x20c: {  	_ = 	snop;
	(pc) =	sbr.rel @!p0 .LBB2_12-.Ltmp6, $4  }
0x20d: {  	_ = 	snop  }
0x20e: {  	[sflag:s24] =	ssyncset.done $0x0  }
0x20f: {  	[sflag:s24] =	ssyncadd.s32 $0xFFFFEC00  }
0x210: {  	_ = 	snop  }
.LBB2_6:
.Ltmp7:
0x211: {  	(pc) =	sbr.rel .LBB2_11-.Ltmp7, $2  }
0x212: {  	_ =	sdelay $0x2  }
0x213: {  	s26 =	sld [smem:$0x7ED]  }
.LBB2_8:
.Ltmp8:
0x214: {  	(pc) =	sbr.rel .LBB2_11-.Ltmp8, $2  }
0x215: {  	_ =	sdelay $0x2  }
0x216: {  	s26 =	sld [smem:$0x7ED]  }
.LBB2_12:
0x217: {  	_ =	sfence.sel $0x180000  }
0x218: {  	[bflag:$0x0] =	sbarrier.arrive $0xFFFF  }
0x219: {  	_ =	strace $0x9000004A  }
0x21a: {  	s0 =	stileid.u32;
	[bflag:$0x2] =	sbarrier.arrive $0xFFFF  }
0x21b: {  	p0 =	sne.s32 s0, $0x0;
	s0 =	rddreg [dreg:$0x3]  }
0x21c: {  	s0 =	sadd.s32 @!p0 $0x100000, s0  }
0x21d: {  	[sflag:s0] =	ssyncadd.tile.s32 @!p0 $0x1;
	_ =	shalt  }
.Lfunc_end2:
_tile_overlayer_lowered:
.L_overlay_start_2:
0x21e: {  	(tag) =	ssettag $0x2  }
0x21f: {  	s0 =	rddreg [dreg:$0x0];
	s2 =	stileid.u32  }
0x220: {  	s1 =	rddreg [dreg:$0x1];
	p0 =	sne.s32 s2, $0x0  }
0x221: {  	s3 =	rddreg [dreg:$0x2];
	[bflag:$0x3] =	sbarrier.arrive $0xFFFF;
	s2 =	simm.s32 @!p0 $0x1C05  }
0x222: {  	[timem:s3], [sflag:s2] =	dma.local @!p0 [hbm:s0], s1  }
0x223: {  	s0 =	simm.s32 @!p0 $0x5  }
0x224: {  	_ =	swait.ge @!p0 [sflag:s0], s1  }
0x225: {  	s1 =	ssub.s32 @!p0 $0x0, s1;
	[sflag:s0] =	ssyncset.done @!p0 $0x0  }
0x226: {  	[sflag:s0] =	ssyncadd.s32 @!p0 s1  }
0x227: {  	[bflag:$0x3] =	sbarrier.arrive $0xFFFF  }
0x228: {  	_ =	shalt  }

// kernel: kernel.13.cloned.1.call-start
scs
__scs_entry_jumppad:
0x0: {  	(pc) =	sbr.rel $0x88, $3  }
0x1: {  	(tag) =	ssettag $0x0;
	lr =	simm.s32 $0x1  }
0x2: {  	[smem:$0x3F98] =	sst lr;
	_ =	strace $0xD0000000  }
0x3: {  	_ = 	snop  }
0x4: {  	_ = 	snop  }
0x5: {  	_ = 	snop  }
0x6: {  	_ = 	snop  }
0x7: {  	_ = 	snop  }
__scs_overlays_trampoline_lowered:
0x8: {  	[smem:$0x3FA7] =	sst s0  }
0x9: {  	[smem:$0x3FA8] =	sst s1  }
0xa: {  	[smem:$0x3FA9] =	sst s2  }
0xb: {  	[smem:$0x3FAA] =	sst s3  }
0xc: {  	[smem:$0x3FAB] =	sst s4  }
0xd: {  	[smem:$0x3FAC] =	sst s5  }
0xe: {  	[smem:$0x3FAD] =	sst s6  }
0xf: {  	[smem:$0x3FAE] =	sst s7  }
0x10: {  	[smem:$0x3FAF] =	sst s8  }
0x11: {  	[smem:$0x3FB0] =	sst s9;
	s0 =	simm.s32 @!p0 $0x0  }
0x12: {  	s1 =	sld [smem:$0x3F96];
	s0 =	simm.s32 @p0 $0x1  }
0x13: {  	[smem:$0x3FB1] =	sst s0;
	s0 =	simm.s32 @!p1 $0x0  }
0x14: {  	s2 =	sld [smem:$0x3F95];
	s0 =	simm.s32 @p1 $0x1  }
0x15: {  	[smem:$0x3FB2] =	sst s0;
	s0 =	simm.s32 @!p2 $0x0  }
0x16: {  	s3 =	sld [smem:$0x3FDB];
	s0 =	simm.s32 @p2 $0x1  }
0x17: {  	s4 =	simm.s32 $0x1BF5;
	[smem:$0x3FB4] =	sst s0  }
0x18: {  	s0 =	sld [smem:$0x3F97];
	_ =	swait.ge [sflag:s4], $0x0  }
0x19: {  	s7 =	sld [smem:$0x3F98]  }
0x1a: {  	s8 =	sadd.s32 $0xFFFFE003, lr  }
0x1b: {  	s9 =	sadd.s32 $0xFFFFFEF7, lr;
	s5 =	simm.s32 $0xFFFFFFFF;
	p2 =	slt.u32 s8, $0xFFFFF086  }
0x1c: {  	p1 =	slt.u32 s9, $0xF7A;
	s5 =	simm.s32 @!p2 $0x0  }
0x1d: {  	s5 =	simm.s32 @p1 $0x1;
	p0 =	seq.s32 s7, s2  }
0x1e: {  	s7 =	smul.u32 @!p0 $0xF7A, s2;
	p2 =	seq.s32 @!p0 s5, $0x0  }
0x1f: {  	s9 =	smul.u32 $0xF7A, s1;
	s8 =	simm.s32 @!p0 $0x1BF5;
	p2 =	por !p2, p0  }
0x20: {  	[sflag:s8] =	ssyncset.s32 @!p0 $0xFFFFF086;
	s6 =	sadd.s32 @!p0 s3, s7;
	s7 =	simm.s32 @!p0 $0x108  }
0x21: {  	s3 =	sadd.s32 s3, s9;
	s6 =	sadd.s32 @!p0 $0x88, s6;
	s7 =	simm.s32 @p2 $0x1082  }
0x22: {  	[simem:s7], [sflag:s8] =	dma.local @!p0 [hbm:s6], $0xF7A  }
0x23: {  	s9 =	sor.u32 $0xD0000000, s2;
	s6 =	simm.s32 $0x108;
	_ =	swait.ge @!p0 [sflag:s8], $0x0  }
0x24: {  	s3 =	sadd.s32 $0x88, s3;
	s6 =	simm.s32 @!p1 $0x1082;
	[sflag:s4] =	ssyncset.s32 $0xFFFFF086  }
0x25: {  	[simem:s6], [sflag:s4] =	dma.local [hbm:s3], $0xF7A  }
0x26: {  	[smem:$0x3F98] =	sst s1;
	(tag) =	ssettag s2;
	_ =	strace s9  }
0x27: {  	s1 =	sld [smem:$0x3FA8]  }
0x28: {  	s2 =	sld [smem:$0x3FA9]  }
0x29: {  	s4 =	sld [smem:$0x3FAB]  }
0x2a: {  	p0 =	seq.s32 s5, $0x0;
	s5 =	sld [smem:$0x3FAC]  }
0x2b: {  	s6 =	sld [smem:$0x3FAD]  }
0x2c: {  	s7 =	sld [smem:$0x3FAE]  }
0x2d: {  	s3 =	simm.s32 $0x108;
	s8 =	sld [smem:$0x3FAF]  }
0x2e: {  	s3 =	simm.s32 @!p0 $0x1082;
	s9 =	sld [smem:$0x3FB0]  }
0x2f: {  	lr =	sadd.s32 s0, s3;
	s0 =	sld [smem:$0x3FA7]  }
0x30: {  	s3 =	sld [smem:$0x3FAA]  }
0x31: {  	[smem:$0x3FB3] =	sst s10  }
0x32: {  	s10 =	sld [smem:$0x3FB1];
	_ =	sdelay $0x3  }
0x33: {  	p0 =	seq.s32 s10, $0x1;
	s10 =	sld [smem:$0x3FB3];
	_ =	sdelay $0x3  }
0x34: {  	[smem:$0x3FB3] =	sst s10  }
0x35: {  	s10 =	sld [smem:$0x3FB2];
	_ =	sdelay $0x3  }
0x36: {  	p1 =	seq.s32 s10, $0x1;
	s10 =	sld [smem:$0x3FB3];
	_ =	sdelay $0x3  }
0x37: {  	[smem:$0x3FB3] =	sst s10  }
0x38: {  	s10 =	sld [smem:$0x3FB4]  }
0x39: {  	_ = 	snop;
	(pc) =	sbr.ind lr, $3  }
0x3a: {  	_ = 	snop  }
0x3b: {  	_ = 	snop  }
0x3c: {  	p2 =	seq.s32 s10, $0x1;
	s10 =	sld [smem:$0x3FB3]  }
0x3d: {  	_ =	shalt  }
0x3e: {  	_ =	shalt  }
0x3f: {  	_ =	shalt  }
0x40: {  	_ =	shalt  }
0x41: {  	_ =	shalt  }
0x42: {  	_ =	shalt  }
0x43: {  	_ =	shalt  }
0x44: {  	_ =	shalt  }
0x45: {  	_ =	shalt  }
0x46: {  	_ =	shalt  }
0x47: {  	_ =	shalt  }
0x48: {  	_ =	shalt  }
0x49: {  	_ =	shalt  }
0x4a: {  	_ =	shalt  }
0x4b: {  	_ =	shalt  }
0x4c: {  	_ =	shalt  }
0x4d: {  	_ =	shalt  }
0x4e: {  	_ =	shalt  }
0x4f: {  	_ =	shalt  }
0x50: {  	_ =	shalt  }
0x51: {  	_ =	shalt  }
0x52: {  	_ =	shalt  }
0x53: {  	_ =	shalt  }
0x54: {  	_ =	shalt  }
0x55: {  	_ =	shalt  }
0x56: {  	_ =	shalt  }
0x57: {  	_ =	shalt  }
0x58: {  	_ =	shalt  }
0x59: {  	_ =	shalt  }
0x5a: {  	_ =	shalt  }
0x5b: {  	_ =	shalt  }
0x5c: {  	_ =	shalt  }
0x5d: {  	_ =	shalt  }
0x5e: {  	_ =	shalt  }
0x5f: {  	_ =	shalt  }
0x60: {  	_ =	shalt  }
0x61: {  	_ =	shalt  }
0x62: {  	_ =	shalt  }
0x63: {  	_ =	shalt  }
0x64: {  	_ =	shalt  }
0x65: {  	_ =	shalt  }
0x66: {  	_ =	shalt  }
0x67: {  	_ =	shalt  }
0x68: {  	_ =	shalt  }
0x69: {  	_ =	shalt  }
0x6a: {  	_ =	shalt  }
0x6b: {  	_ =	shalt  }
0x6c: {  	_ =	shalt  }
0x6d: {  	_ =	shalt  }
0x6e: {  	_ =	shalt  }
0x6f: {  	_ =	shalt  }
0x70: {  	_ =	shalt  }
0x71: {  	_ =	shalt  }
0x72: {  	_ =	shalt  }
0x73: {  	_ =	shalt  }
0x74: {  	_ =	shalt  }
0x75: {  	_ =	shalt  }
0x76: {  	_ =	shalt  }
0x77: {  	_ =	shalt  }
0x78: {  	_ =	shalt  }
0x79: {  	_ =	shalt  }
0x7a: {  	_ =	shalt  }
0x7b: {  	_ =	shalt  }
0x7c: {  	_ =	shalt  }
0x7d: {  	_ =	shalt  }
0x7e: {  	_ =	shalt  }
0x7f: {  	_ =	shalt  }
0x80: {  	_ =	shalt  }
0x81: {  	_ =	shalt  }
0x82: {  	_ =	shalt  }
0x83: {  	_ =	shalt  }
0x84: {  	_ =	shalt  }
0x85: {  	_ =	shalt  }
0x86: {  	_ =	shalt  }
0x87: {  	_ =	shalt  }
.Lfunc_end0:
.L_simem_size_0:
called_computation.2_lowered:
.L_overlay_start_0:
0x88: {  	s2 =	sld [smem:$0x3FD9]  }
0x89: {  	s3 =	sld [smem:$0x3FFE];
	_ =	sdelay $0x1  }
0x8a: {  	s1 =	srdreg.scid  }
0x8b: {  	s0 =	sand.u32 $0x1, s1  }
0x8c: {  	s16 =	sshll.u32 s0, $0xA;
	s2 =	sadd.s32 s3, s2  }
0x8d: {  	s2 =	sadd.s32 s2, s16  }
0x8e: {  	[smem:$0x3FBF] =	sst s2  }
0x8f: {  	_ = 	snop  }
0x90: {  	(tm) =	ssettm $0x1  }
0x91: {  	s17 =	sld [smem:$0x3FFB];
	_ =	sdelay $0x3  }
0x92: {  	_ =	strace s17  }
0x93: {  	s2 =	sld [smem:$0x3FFC];
	_ =	sdelay $0x3  }
0x94: {  	_ =	strace s2  }
0x95: {  	s2 =	sld [smem:$0x3FFD];
	_ =	sdelay $0x3  }
0x96: {  	_ =	strace s2  }
0x97: {  	_ =	strace $0x8FFFFFFF  }
0x98: {  	s18 =	sld [smem:$0x3FDB];
	_ =	sdelay $0x1  }
0x99: {  	s19 =	simm.s32 $_scs_section_size  }
0x9a: {  	s4 =	simm.s32 $_size__tile_overlayer_lowered;
	s5 =	simm.s32 $_tile_overlayer_lowered  }
0x9b: {  	s22 =	simm.s32 $0x1BFF;
	s21 =	sshll.u32 s5, $0x1;
	s2 =	sadd.s32 s19, s18  }
0x9c: {  	s6 =	simm.s32 $0x0;
	s20 =	sshll.u32 s4, $0x1;
	s4 =	sadd.s32 s21, s2  }
0x9d: {  	[timem:s6], [sflag:s22] =	dma.local [hbm:s4], s20  }
0x9e: {  	_ =	swait.ge [sflag:s22], s20  }
0x9f: {  	s3 =	ssub.s32 $0x0, s20;
	[sflag:s22] =	ssyncset.done $0x0  }
0xa0: {  	[sflag:s22] =	ssyncadd.s32 s3;
	_ =	sdelay $0x1  }
0xa1: {  	s23 =	simm.s32 $0x1B8B  }
0xa2: {  	_ =	swait.ge [sflag:s23], $0x1  }
0xa3: {  	[sflag:s23] =	ssyncset.done $0x0  }
0xa4: {  	s25 =	simm.s32 $0x1B8E;
	s24 =	sld [smem:$0x3FFE];
	[sflag:s23] =	ssyncadd.s32 $0xFFFFFFFF  }
0xa5: {  	s26 =	simm.s32 $execute0_lowered;
	[smem:$0x3FD2] =	sst s25  }
0xa6: {  	s4 =	sshll.u32 s26, $0x1;
	_ =	strace $0x8000004C;
	[dreg:$0x1] =	wrdreg $0xFFFFFFFF  }
0xa7: {  	s28 =	simm.s32 $_size_execute0_lowered;
	s2 =	sadd.s32 s2, s4;
	[dreg:$0x0] =	wrdreg $0x0  }
0xa8: {  	s4 =	sshll.u32 s28, $0x1;
	[dreg:$0x2] =	wrdreg s2  }
0xa9: {  	[dreg:$0x3] =	wrdreg s4  }
0xaa: {  	[dreg:$0x4] =	wrdreg $0xC0  }
0xab: {  	_ =	task [dreg:s6], $0x5FFFF  }
0xac: {  	[dreg:$0x1] =	wrdreg $0xFFFFFFFF  }
0xad: {  	[dreg:$0x0] =	wrdreg $0x60  }
0xae: {  	[dreg:$0x2] =	wrdreg s24  }
0xaf: {  	[dreg:$0x3] =	wrdreg $0x15A000  }
0xb0: {  	[dreg:$0x4] =	wrdreg $0x9  }
0xb1: {  	_ =	task.clear_ibuf [dreg:s6], $0x5FFFF;
	_ =	strace $0x9000004C  }
0xb2: {  	s29 =	simm.s32 $0x9;
	_ =	strace $0x8000004E  }
0xb3: {  	_ =	swait.ge [sflag:s29], $0x1  }
0xb4: {  	[sflag:s29] =	ssyncadd.s32 $0xFFFFFFFF  }
0xb5: {  	_ =	strace $0x9000004E  }
0xb6: {  	_ =	sfence  }
0xb7: {  	s30 =	sld [smem:$0x0];
	_ =	sdelay $0x2  }
0xb8: {  	s31 =	sshll.u32 s1, $0xD;
	s1 =	sshrl.u32 s1, $0x2  }
0xb9: {  	s3 =	sand.u32 $0x4000, s31;
	s1 =	sadd.s32 s1, s30  }
0xba: {  	s0 =	sor.u32 s3, s0;
	s1 =	sshll.u32 s1, $0x11  }
0xbb: {  	s0 =	sor.u32 s1, s0  }
0xbc: {  	s0 =	sadd.s32 $0x8F2B, s0  }
0xbd: {  	[sflag:s0] =	ssyncadd.remote.s32 $0x1  }
0xbe: {  	_ =	sfence.sel $0xFFFF  }
0xbf: {  	[dreg:$0x0] =	wrdreg $0xFFFFFFFF;
	(pc) =	sbr.abs _section_cstart, $3  }
0xc0: {  	[dreg:$0x1] =	wrdreg $0xFFFFFFFF  }
0xc1: {  	_ =	task.clear_ibuf [dreg:s6], $0x2FFFF;
	_ =	strace $0x9FFFFFFF  }
0xc2: {  	(tm) =	ssettm $0x7FFFFFFF  }
0xc3: {  	_ =	shalt  }
tec
execute0_lowered:
.L_overlay_start_1:
0x0: {  	(tag) =	ssettag $0x1  }
0x1: {  	s0 =	rddreg [dreg:$0x0]  }
0x2: {  	s1 =	rddreg [dreg:$0x1];
	s2 =	simm.s32 $0x0;
	s3 =	srdreg.scid  }
0x3: {  	s9 =	stileid.u32;
	[smem:$0x7FF] =	sst s2  }
0x4: {  	s3 =	sand.u32 $0x1, s3;
	s4 =	sadd.s32 $0x1C00, s0;
	s7 =	sshll.u32 s9, $0xB  }
0x5: {  	s5 =	sadd.s32 $0x84600, s0;
	s25 =	sshll.u32 s9, $0xE;
	s0 =	sadd.s32 s7, s0  }
0x6: {  	s10 =	sadd.s32 s25, s1;
	p0 =	seq.s32 s3, $0x0;
	s7 =	simm.s32 $0x9  }
0x7: {  	_ =	strace $0x8000004D;
	s7 =	simm.s32 @!p0 $0x6;
	[dreg:$0x3] =	wrdreg s10  }
0x8: {  	s11 =	sadd.s32 $0x400, s10;
	[dreg:$0x4] =	wrdreg s7  }
0x9: {  	s12 =	sadd.s32 $0x800, s10;
	[dreg:$0x7] =	wrdreg s11  }
0xa: {  	s28 =	simm.s32 $0x4;
	s13 =	sadd.s32 $0xC00, s10;
	[dreg:$0x8] =	wrdreg s12  }
0xb: {  	s29 =	simm.s32 $0x300;
	s14 =	sadd.s32 $0x1000, s10;
	[dreg:$0x9] =	wrdreg s13  }
0xc: {  	s30 =	simm.s32 $0x80;
	s15 =	sadd.s32 $0x1400, s10;
	[dreg:$0xa] =	wrdreg s14  }
0xd: {  	s31 =	simm.s32 $0x380;
	s16 =	sadd.s32 $0x1800, s10;
	[dreg:$0xb] =	wrdreg s15  }
0xe: {  	s6 =	ssub.s32 $0x2, s3;
	s17 =	sadd.s32 $0x1C00, s10;
	[dreg:$0xc] =	wrdreg s16  }
0xf: {  	s26 =	sshll.u32 s3, $0xF;
	s18 =	sadd.s32 $0x2000, s10;
	[dreg:$0xd] =	wrdreg s17  }
0x10: {  	s3 =	smul.u32 $0x2F400, s3;
	s19 =	sadd.s32 $0x2400, s10;
	[dreg:$0xe] =	wrdreg s18  }
0x11: {  	s8 =	sshrl.u32 s6, $0x1;
	s20 =	sadd.s32 $0x2800, s10;
	[dreg:$0xf] =	wrdreg s19  }
0x12: {  	s0 =	sadd.s32 s26, s0;
	s21 =	sadd.s32 $0x2C00, s10;
	[dreg:$0x10] =	wrdreg s20  }
0x13: {  	s22 =	sadd.s32 $0x3000, s10;
	s23 =	sadd.s32 $0x3400, s10;
	[dreg:$0x11] =	wrdreg s21  }
0x14: {  	s24 =	sadd.s32 $0x3800, s10;
	s26 =	sadd.s32 $0x3C00, s10;
	[dreg:$0x12] =	wrdreg s22  }
0x15: {  	s10 =	simm.s32 $0x600;
	s6 =	ssub.s32 s6, s8;
	[dreg:$0x13] =	wrdreg s23  }
0x16: {  	s7 =	simm.s32 $0x2F40;
	s0 =	sadd.s32 $0x15C00, s0;
	[dreg:$0x14] =	wrdreg s24  }
0x17: {  	[dreg:$0x15] =	wrdreg s26;
	s8 =	simm.s32 $0x1;
	s11 =	simm.s32 $0x3E00  }
0x18: {  	s12 =	simm.s32 $0x7600;
	s13 =	simm.s32 $0x180;
	s14 =	simm.s32 $0x480  }
0x19: {  	s15 =	simm.s32 $0x200;
	s16 =	simm.s32 $0x500;
	s17 =	simm.s32 $0x280  }
0x1a: {  	s18 =	simm.s32 $0x580;
	s19 =	simm.s32 $0xAE00;
	s7 =	simm.s32 @!p0 $0x1F80  }
0x1b: {  	s20 =	simm.s32 $0xE600;
	s21 =	simm.s32 $0x11E00;
	s7 =	smul.u32 s7, s9  }
0x1c: {  	s22 =	simm.s32 $0x2;
	s23 =	simm.s32 $0x3;
	s26 =	simm.s32 $0x0  }
0x1d: {  	[dreg:$0x5] =	wrdreg s0;
	s9 =	smax.u32 s6, $0x1;
	s25 =	sadd.s32 s3, s7  }
0x1e: {  	s0 =	simm.s32 $0x100;
	[dreg:$0x6] =	wrdreg s9;
	s7 =	sadd.s32 $0x2A0, s25  }
0x1f: {  	v0 =	vimm.f32 $0.0e+00;
	s9 =	simm.s32 $0x70;
	s3 =	simm.s32 $0x400;
	[dreg:$0x16] =	wrdreg s7  }
.LBB2_1:
0x20: {  	s6 =	sand.u32 $0xE00, s2  }
0x21: {  	[dreg:$0x17] =	wrdreg s26;
	s24 =	sand.u32 $0x70, s2;
	s25 =	sshrl.u32 s6, $0x2  }
0x22: {  	s6 =	simm.s32 $0x40;
	s25 =	sor.u32 s24, s25;
	s24 =	simm.s32 $0x0  }
.LBB2_2:
0x23: {  	p0 =	sne.s32 s6, $0xFC0  }
0x24: {  	[tilespmem:s25+$0x15600] =	vst v0;
	s24 =	sadd.s32 $0x10, s24;
	s25 =	smov.u32 s6;
	s6 =	sadd.s32 $0x40, s6  }
.Ltmp0:
0x25: {  	(pc) =	sbr.rel @p0 .LBB2_2-.Ltmp0, $4  }
0x26: {  	_ = 	snop  }
0x27: {  	s25 =	sand.u32 $0xE00, s25  }
0x28: {  	s26 =	sand.u32 $0x70, s24;
	s25 =	sshrl.u32 s25, $0x2  }
0x29: {  	s25 =	sor.u32 s26, s25  }
0x2a: {  	[tilespmem:s25+$0x15600] =	vst v0;
	s6 =	rddreg [dreg:$0x3];
	s24 =	simm.s32 $0x15600  }
0x2b: {  	[spmem:s6] =	stream.linear.scatter [tilespmem:s24], [sflag:$0x4], $0x400, $0x38;
	[tilespmem:$0x19A00] =	vst v63  }
0x2c: {  	s26 =	rddreg [dreg:$0x7]  }
0x2d: {  	[spmem:s26] =	stream.linear.scatter [tilespmem:s24], [sflag:$0x4], $0x400, $0x38;
	[tilespmem:$0x19A00] =	vst v63  }
0x2e: {  	s25 =	rddreg [dreg:$0x8]  }
0x2f: {  	[spmem:s25] =	stream.linear.scatter [tilespmem:s24], [sflag:$0x4], $0x400, $0x38;
	[tilespmem:$0x19A00] =	vst v63  }
0x30: {  	s26 =	rddreg [dreg:$0x9]  }
0x31: {  	[spmem:s26] =	stream.linear.scatter [tilespmem:s24], [sflag:$0x4], $0x400, $0x38;
	[tilespmem:$0x19A00] =	vst v63  }
0x32: {  	s25 =	rddreg [dreg:$0xa]  }
0x33: {  	[spmem:s25] =	stream.linear.scatter [tilespmem:s24], [sflag:$0x4], $0x400, $0x38;
	[tilespmem:$0x19A00] =	vst v63  }
0x34: {  	s26 =	rddreg [dreg:$0xb]  }
0x35: {  	[spmem:s26] =	stream.linear.scatter [tilespmem:s24], [sflag:$0x4], $0x400, $0x38;
	[tilespmem:$0x19A00] =	vst v63  }
0x36: {  	s25 =	rddreg [dreg:$0xc]  }
0x37: {  	[spmem:s25] =	stream.linear.scatter [tilespmem:s24], [sflag:$0x4], $0x400, $0x38;
	[tilespmem:$0x19A00] =	vst v63  }
0x38: {  	s26 =	rddreg [dreg:$0xd]  }
0x39: {  	[spmem:s26] =	stream.linear.scatter [tilespmem:s24], [sflag:$0x4], $0x400, $0x38;
	[tilespmem:$0x19A00] =	vst v63  }
0x3a: {  	s25 =	rddreg [dreg:$0xe]  }
0x3b: {  	[spmem:s25] =	stream.linear.scatter [tilespmem:s24], [sflag:$0x4], $0x400, $0x38;
	[tilespmem:$0x19A00] =	vst v63  }
0x3c: {  	s26 =	rddreg [dreg:$0xf]  }
0x3d: {  	[spmem:s26] =	stream.linear.scatter [tilespmem:s24], [sflag:$0x4], $0x400, $0x38;
	[tilespmem:$0x19A00] =	vst v63  }
0x3e: {  	s25 =	rddreg [dreg:$0x10]  }
0x3f: {  	[spmem:s25] =	stream.linear.scatter [tilespmem:s24], [sflag:$0x4], $0x400, $0x38;
	[tilespmem:$0x19A00] =	vst v63  }
0x40: {  	s26 =	rddreg [dreg:$0x11]  }
0x41: {  	[spmem:s26] =	stream.linear.scatter [tilespmem:s24], [sflag:$0x4], $0x400, $0x38;
	[tilespmem:$0x19A00] =	vst v63  }
0x42: {  	s25 =	rddreg [dreg:$0x12]  }
0x43: {  	[spmem:s25] =	stream.linear.scatter [tilespmem:s24], [sflag:$0x4], $0x400, $0x38;
	[tilespmem:$0x19A00] =	vst v63  }
0x44: {  	s26 =	rddreg [dreg:$0x13]  }
0x45: {  	[spmem:s26] =	stream.linear.scatter [tilespmem:s24], [sflag:$0x4], $0x400, $0x38;
	[tilespmem:$0x19A00] =	vst v63  }
0x46: {  	s25 =	rddreg [dreg:$0x14]  }
0x47: {  	[spmem:s25] =	stream.linear.scatter [tilespmem:s24], [sflag:$0x4], $0x400, $0x38;
	[tilespmem:$0x19A00] =	vst v63  }
0x48: {  	s26 =	rddreg [dreg:$0x15]  }
0x49: {  	[spmem:s26] =	stream.linear.scatter [tilespmem:s24], [sflag:$0x4], $0x400, $0x38;
	[tilespmem:$0x19A00] =	vst v63  }
0x4a: {  	_ =	swait.ge [sflag:s28], $0x400  }
0x4b: {  	[sflag:s28] =	ssyncset.done $0x0  }
0x4c: {  	[sflag:s28] =	ssyncadd.s32 $0xFFFFFC00  }
0x4d: {  	_ =	swait.ge [sflag:s28], $0x400  }
0x4e: {  	[sflag:s28] =	ssyncset.done $0x0  }
0x4f: {  	[sflag:s28] =	ssyncadd.s32 $0xFFFFFC00  }
0x50: {  	_ =	swait.ge [sflag:s28], $0x400  }
0x51: {  	[sflag:s28] =	ssyncset.done $0x0  }
0x52: {  	[sflag:s28] =	ssyncadd.s32 $0xFFFFFC00  }
0x53: {  	_ =	swait.ge [sflag:s28], $0x400  }
0x54: {  	[sflag:s28] =	ssyncset.done $0x0  }
0x55: {  	[sflag:s28] =	ssyncadd.s32 $0xFFFFFC00  }
0x56: {  	_ =	swait.ge [sflag:s28], $0x400  }
0x57: {  	[sflag:s28] =	ssyncset.done $0x0  }
0x58: {  	[sflag:s28] =	ssyncadd.s32 $0xFFFFFC00  }
0x59: {  	_ =	swait.ge [sflag:s28], $0x400  }
0x5a: {  	[sflag:s28] =	ssyncset.done $0x0  }
0x5b: {  	[sflag:s28] =	ssyncadd.s32 $0xFFFFFC00  }
0x5c: {  	_ =	swait.ge [sflag:s28], $0x400  }
0x5d: {  	[sflag:s28] =	ssyncset.done $0x0  }
0x5e: {  	[sflag:s28] =	ssyncadd.s32 $0xFFFFFC00  }
0x5f: {  	_ =	swait.ge [sflag:s28], $0x400  }
0x60: {  	[sflag:s28] =	ssyncset.done $0x0  }
0x61: {  	[sflag:s28] =	ssyncadd.s32 $0xFFFFFC00  }
0x62: {  	_ =	swait.ge [sflag:s28], $0x400  }
0x63: {  	[sflag:s28] =	ssyncset.done $0x0  }
0x64: {  	[sflag:s28] =	ssyncadd.s32 $0xFFFFFC00  }
0x65: {  	_ =	swait.ge [sflag:s28], $0x400  }
0x66: {  	[sflag:s28] =	ssyncset.done $0x0  }
0x67: {  	[sflag:s28] =	ssyncadd.s32 $0xFFFFFC00  }
0x68: {  	_ =	swait.ge [sflag:s28], $0x400  }
0x69: {  	[sflag:s28] =	ssyncset.done $0x0  }
0x6a: {  	[sflag:s28] =	ssyncadd.s32 $0xFFFFFC00  }
0x6b: {  	_ =	swait.ge [sflag:s28], $0x400  }
0x6c: {  	[sflag:s28] =	ssyncset.done $0x0  }
0x6d: {  	[sflag:s28] =	ssyncadd.s32 $0xFFFFFC00  }
0x6e: {  	_ =	swait.ge [sflag:s28], $0x400  }
0x6f: {  	[sflag:s28] =	ssyncset.done $0x0  }
0x70: {  	[sflag:s28] =	ssyncadd.s32 $0xFFFFFC00  }
0x71: {  	_ =	swait.ge [sflag:s28], $0x400  }
0x72: {  	[sflag:s28] =	ssyncset.done $0x0  }
0x73: {  	[sflag:s28] =	ssyncadd.s32 $0xFFFFFC00  }
0x74: {  	_ =	swait.ge [sflag:s28], $0x400  }
0x75: {  	[sflag:s28] =	ssyncset.done $0x0  }
0x76: {  	[sflag:s28] =	ssyncadd.s32 $0xFFFFFC00  }
0x77: {  	_ =	swait.ge [sflag:s28], $0x400  }
0x78: {  	[sflag:s28] =	ssyncset.done $0x0  }
0x79: {  	[sflag:s28] =	ssyncadd.s32 $0xFFFFFC00  }
0x7a: {  	[bflag:$0x0] =	sbarrier.arrive $0xFFFF  }
0x7b: {  	s25 =	rddreg [dreg:$0x4]  }
0x7c: {  	p1 =	sne.s32 s25, $0x1  }
.Ltmp1:
0x7d: {  	_ = 	snop;
	(pc) =	sbr.rel @!p1 .LBB2_4-.Ltmp1, $3  }
0x7e: {  	_ =	sdelay $0x1  }
0x7f: {  	s26 =	sadd.s32 $0xFFFFFD60, s7  }
0x80: {  	p0 =	por $0x0, $0x0;
	s24 =	sshrl.u32 s26, $0x3;
	s6 =	sadd.s32 $0xFFFFFFFF, s25  }
0x81: {  	s25 =	sadd.s32 $0xFFFFFDD0, s7  }
0x82: {  	s24 =	sadd.s32 s5, s24;
	s26 =	sadd.s32 $0xFFFFFE40, s7;
	s25 =	sshrl.u32 s25, $0x3  }
0x83: {  	[tilespmem:s2], [sflag:$0x1] =	stream.linear.gather [hbm4b:s24+s2], $0x70, $0x38;
	[tilespmem:$0x19A00] =	vst v63  }
0x84: {  	s24 =	sshrl.u32 s26, $0x3;
	s26 =	sadd.s32 $0xFFFFFEB0, s7;
	s25 =	sadd.s32 s5, s25  }
0x85: {  	[tilespmem:s29], [sflag:$0x1] =	stream.linear.gather [hbm4b:s25+s2], $0x70, $0x38;
	[tilespmem:$0x19A00] =	vst v63  }
0x86: {  	s24 =	sadd.s32 s5, s24;
	s25 =	sshrl.u32 s26, $0x3;
	s26 =	sadd.s32 $0xFFFFFF20, s7  }
0x87: {  	[tilespmem:s30], [sflag:$0x1] =	stream.linear.gather [hbm4b:s24+s2], $0x70, $0x38;
	[tilespmem:$0x19A00] =	vst v63  }
0x88: {  	s25 =	sadd.s32 s5, s25;
	s24 =	sshrl.u32 s26, $0x3;
	s26 =	sadd.s32 $0xFFFFFF90, s7  }
0x89: {  	[tilespmem:s31], [sflag:$0x1] =	stream.linear.gather [hbm4b:s25+s2], $0x70, $0x38;
	[tilespmem:$0x19A00] =	vst v63  }
0x8a: {  	s24 =	sadd.s32 s5, s24;
	s25 =	sshrl.u32 s26, $0x3  }
0x8b: {  	[tilespmem:s0], [sflag:$0x1] =	stream.linear.gather [hbm4b:s24+s2], $0x70, $0x38;
	[tilespmem:$0x19A00] =	vst v63  }
0x8c: {  	s26 =	sadd.s32 s5, s25  }
0x8d: {  	[tilespmem:s3], [sflag:$0x1] =	stream.linear.gather [hbm4b:s26+s2], $0x70, $0x38;
	[tilespmem:$0x19A00] =	vst v63  }
0x8e: {  	_ =	swait.ge [sflag:s8], $0x70  }
0x8f: {  	[sflag:s8] =	ssyncset.done $0x0  }
0x90: {  	[sflag:s8] =	ssyncadd.s32 $0xFFFFFF90  }
0x91: {  	_ =	swait.ge [sflag:s8], $0x70  }
0x92: {  	[sflag:s8] =	ssyncset.done $0x0  }
0x93: {  	[sflag:s8] =	ssyncadd.s32 $0xFFFFFF90  }
0x94: {  	_ =	swait.ge [sflag:s8], $0x70  }
0x95: {  	[sflag:s8] =	ssyncset.done $0x0  }
0x96: {  	[sflag:s8] =	ssyncadd.s32 $0xFFFFFF90  }
0x97: {  	_ =	swait.ge [sflag:s8], $0x70  }
0x98: {  	[sflag:s8] =	ssyncset.done $0x0  }
0x99: {  	[sflag:s8] =	ssyncadd.s32 $0xFFFFFF90  }
0x9a: {  	_ =	swait.ge [sflag:s8], $0x70  }
0x9b: {  	[sflag:s8] =	ssyncset.done $0x0  }
0x9c: {  	[sflag:s8] =	ssyncadd.s32 $0xFFFFFF90  }
0x9d: {  	_ =	swait.ge [sflag:s8], $0x70  }
0x9e: {  	[sflag:s8] =	ssyncset.done $0x0  }
0x9f: {  	[sflag:s8] =	ssyncadd.s32 $0xFFFFFF90  }
0xa0: {  	[tilespmem:s10], [sflag:$0x2] =	stream.indirect.gather [hbm4b:s4+s9], $0x80, s2, s9, $0xb8;
	[tilespmem:$0x19A00] =	vst v63  }
0xa1: {  	_ = 	snop  }
0xa2: {  	[tilespmem:s11], [sflag:$0x2] =	stream.indirect.gather [hbm4b:s4+s9], $0x80, s30, s9, $0xb8;
	[tilespmem:$0x19A00] =	vst v63  }
0xa3: {  	s25 =	sshrl.u32 s7, $0x3;
	s26 =	sadd.s32 $0x70, s7  }
0xa4: {  	[tilespmem:s12], [sflag:$0x2] =	stream.indirect.gather [hbm4b:s4+s9], $0x80, s0, s9, $0xb8;
	[tilespmem:$0x19A00] =	vst v63  }
0xa5: {  	s24 =	sadd.s32 s5, s25;
	s25 =	sshrl.u32 s26, $0x3;
	s26 =	sadd.s32 $0xE0, s7  }
0xa6: {  	[tilespmem:s13], [sflag:$0x1] =	stream.linear.gather [hbm4b:s24+s2], $0x70, $0x38;
	[tilespmem:$0x19A00] =	vst v63  }
0xa7: {  	s25 =	sadd.s32 s5, s25;
	s24 =	sshrl.u32 s26, $0x3;
	s26 =	sadd.s32 $0x150, s7  }
0xa8: {  	[tilespmem:s14], [sflag:$0x1] =	stream.linear.gather [hbm4b:s25+s2], $0x70, $0x38;
	[tilespmem:$0x19A00] =	vst v63  }
0xa9: {  	s24 =	sadd.s32 s5, s24;
	s25 =	sshrl.u32 s26, $0x3;
	s26 =	sadd.s32 $0x1C0, s7  }
0xaa: {  	[tilespmem:s15], [sflag:$0x1] =	stream.linear.gather [hbm4b:s24+s2], $0x70, $0x38;
	[tilespmem:$0x19A00] =	vst v63  }
0xab: {  	s25 =	sadd.s32 s5, s25;
	s24 =	sshrl.u32 s26, $0x3;
	s26 =	sadd.s32 $0x230, s7  }
0xac: {  	[tilespmem:s16], [sflag:$0x1] =	stream.linear.gather [hbm4b:s25+s2], $0x70, $0x38;
	[tilespmem:$0x19A00] =	vst v63  }
0xad: {  	s24 =	sadd.s32 s5, s24;
	s25 =	sshrl.u32 s26, $0x3  }
0xae: {  	[tilespmem:s17], [sflag:$0x1] =	stream.linear.gather [hbm4b:s24+s2], $0x70, $0x38;
	[tilespmem:$0x19A00] =	vst v63  }
0xaf: {  	s25 =	sadd.s32 s5, s25  }
0xb0: {  	[tilespmem:s18], [sflag:$0x1] =	stream.linear.gather [hbm4b:s25+s2], $0x70, $0x38;
	[tilespmem:$0x19A00] =	vst v63  }
0xb1: {  	_ =	swait.ge [sflag:s8], $0x70  }
0xb2: {  	[sflag:s8] =	ssyncset.done $0x0  }
0xb3: {  	[sflag:s8] =	ssyncadd.s32 $0xFFFFFF90  }
0xb4: {  	_ =	swait.ge [sflag:s8], $0x70  }
0xb5: {  	[sflag:s8] =	ssyncset.done $0x0  }
0xb6: {  	[sflag:s8] =	ssyncadd.s32 $0xFFFFFF90  }
0xb7: {  	_ =	swait.ge [sflag:s8], $0x70  }
0xb8: {  	[sflag:s8] =	ssyncset.done $0x0  }
0xb9: {  	[sflag:s8] =	ssyncadd.s32 $0xFFFFFF90  }
0xba: {  	_ =	swait.ge [sflag:s8], $0x70  }
0xbb: {  	[sflag:s8] =	ssyncset.done $0x0  }
0xbc: {  	[sflag:s8] =	ssyncadd.s32 $0xFFFFFF90  }
0xbd: {  	_ =	swait.ge [sflag:s8], $0x70  }
0xbe: {  	[sflag:s8] =	ssyncset.done $0x0  }
0xbf: {  	[sflag:s8] =	ssyncadd.s32 $0xFFFFFF90  }
0xc0: {  	_ =	swait.ge [sflag:s8], $0x70  }
0xc1: {  	[sflag:s8] =	ssyncset.done $0x0  }
0xc2: {  	[sflag:s8] =	ssyncadd.s32 $0xFFFFFF90  }
0xc3: {  	[tilespmem:s19], [sflag:$0x3] =	stream.indirect.gather [hbm4b:s4+s9], $0x80, s13, s9, $0xb8;
	[tilespmem:$0x19A00] =	vst v63  }
0xc4: {  	_ = 	snop  }
0xc5: {  	[tilespmem:s20], [sflag:$0x3] =	stream.indirect.gather [hbm4b:s4+s9], $0x80, s15, s9, $0xb8;
	[tilespmem:$0x19A00] =	vst v63  }
0xc6: {  	_ = 	snop  }
0xc7: {  	[tilespmem:s21], [sflag:$0x3] =	stream.indirect.gather [hbm4b:s4+s9], $0x80, s17, s9, $0xb8;
	[tilespmem:$0x19A00] =	vst v63  }
0xc8: {  	_ =	swait.ge [sflag:s22], $0x3800  }
0xc9: {  	[sflag:s22] =	ssyncset.done $0x0  }
0xca: {  	[sflag:s22] =	ssyncadd.s32 $0xFFFFC800  }
0xcb: {  	_ =	swait.ge [sflag:s22], $0x3800  }
0xcc: {  	[sflag:s22] =	ssyncset.done $0x0  }
0xcd: {  	[sflag:s22] =	ssyncadd.s32 $0xFFFFC800  }
0xce: {  	_ =	swait.ge [sflag:s22], $0x3800  }
0xcf: {  	[sflag:s22] =	ssyncset.done $0x0  }
0xd0: {  	[sflag:s22] =	ssyncadd.s32 $0xFFFFC800  }
0xd1: {  	[spmem:s1] =	stream.indirect.scatter.add.f32 [tilespmem:s10], [sflag:$0x4], $0x80, s29, s9, $0xb8;
	[tilespmem:$0x19A00] =	vst v63  }
0xd2: {  	_ = 	snop  }
0xd3: {  	[spmem:s1] =	stream.indirect.scatter.add.f32 [tilespmem:s11], [sflag:$0x4], $0x80, s31, s9, $0xb8;
	[tilespmem:$0x19A00] =	vst v63  }
0xd4: {  	_ = 	snop  }
0xd5: {  	[spmem:s1] =	stream.indirect.scatter.add.f32 [tilespmem:s12], [sflag:$0x4], $0x80, s3, s9, $0xb8;
	[tilespmem:$0x19A00] =	vst v63  }
0xd6: {  	_ =	swait.ge [sflag:s23], $0x3800  }
0xd7: {  	[sflag:s23] =	ssyncset.done $0x0  }
0xd8: {  	[sflag:s23] =	ssyncadd.s32 $0xFFFFC800  }
0xd9: {  	_ =	swait.ge [sflag:s23], $0x3800  }
0xda: {  	[sflag:s23] =	ssyncset.done $0x0  }
0xdb: {  	[sflag:s23] =	ssyncadd.s32 $0xFFFFC800  }
0xdc: {  	_ =	swait.ge [sflag:s23], $0x3800  }
0xdd: {  	[sflag:s23] =	ssyncset.done $0x0  }
0xde: {  	[sflag:s23] =	ssyncadd.s32 $0xFFFFC800  }
0xdf: {  	_ =	swait.ge [sflag:s28], $0x3800  }
0xe0: {  	[sflag:s28] =	ssyncset.done $0x0  }
0xe1: {  	[sflag:s28] =	ssyncadd.s32 $0xFFFFC800  }
0xe2: {  	_ =	swait.ge [sflag:s28], $0x3800  }
0xe3: {  	[sflag:s28] =	ssyncset.done $0x0  }
0xe4: {  	[sflag:s28] =	ssyncadd.s32 $0xFFFFC800  }
0xe5: {  	_ =	swait.ge [sflag:s28], $0x3800  }
0xe6: {  	[sflag:s28] =	ssyncset.done $0x0  }
0xe7: {  	[sflag:s28] =	ssyncadd.s32 $0xFFFFC800  }
0xe8: {  	[spmem:s1] =	stream.indirect.scatter.add.f32 [tilespmem:s19], [sflag:$0x4], $0x80, s14, s9, $0xb8;
	[tilespmem:$0x19A00] =	vst v63  }
0xe9: {  	_ = 	snop  }
0xea: {  	[spmem:s1] =	stream.indirect.scatter.add.f32 [tilespmem:s20], [sflag:$0x4], $0x80, s16, s9, $0xb8;
	[tilespmem:$0x19A00] =	vst v63  }
0xeb: {  	_ = 	snop  }
0xec: {  	[spmem:s1] =	stream.indirect.scatter.add.f32 [tilespmem:s21], [sflag:$0x4], $0x80, s18, s9, $0xb8;
	[tilespmem:$0x19A00] =	vst v63  }
0xed: {  	_ =	swait.ge [sflag:s28], $0x3800  }
0xee: {  	p1 =	sne.s32 s6, $0x1;
	[sflag:s28] =	ssyncset.done $0x0  }
.Ltmp2:
0xef: {  	[sflag:s28] =	ssyncadd.s32 $0xFFFFC800;
	(pc) =	sbr.rel @!p1 .LBB2_6-.Ltmp2, $4  }
0xf0: {  	_ =	swait.ge [sflag:s28], $0x3800  }
0xf1: {  	s25 =	sadd.s32 $0x540, s7;
	[sflag:s28] =	ssyncset.done $0x0  }
0xf2: {  	s6 =	sadd.s32 $0xFFFFFFFF, s6;
	s26 =	sadd.s32 $0xFFFFFD60, s25;
	[sflag:s28] =	ssyncadd.s32 $0xFFFFC800  }
0xf3: {  	p0 =	por $0x1, $0x1;
	s24 =	sshrl.u32 s26, $0x3;
	_ =	swait.ge [sflag:s28], $0x3800  }
.LBB2_7:
0xf4: {  	s24 =	sadd.s32 s5, s24;
	s26 =	sadd.s32 $0xFFFFFDD0, s25;
	[sflag:s28] =	ssyncset.done $0x0  }
0xf5: {  	s7 =	sadd.s32 $0xFFFFFE40, s25;
	s26 =	sshrl.u32 s26, $0x3;
	[sflag:s28] =	ssyncadd.s32 $0xFFFFC800  }
0xf6: {  	[tilespmem:s2], [sflag:$0x1] =	stream.linear.gather [hbm4b:s24+s2], $0x70, $0x38;
	[tilespmem:$0x19A00] =	vst v63  }
0xf7: {  	s7 =	sshrl.u32 s7, $0x3;
	s24 =	sadd.s32 s5, s26;
	s26 =	sadd.s32 $0xFFFFFEB0, s25  }
0xf8: {  	[tilespmem:s29], [sflag:$0x1] =	stream.linear.gather [hbm4b:s24+s2], $0x70, $0x38;
	[tilespmem:$0x19A00] =	vst v63  }
0xf9: {  	s7 =	sadd.s32 s5, s7;
	s24 =	sshrl.u32 s26, $0x3;
	s26 =	sadd.s32 $0xFFFFFF20, s25  }
0xfa: {  	[tilespmem:s30], [sflag:$0x1] =	stream.linear.gather [hbm4b:s7+s2], $0x70, $0x38;
	[tilespmem:$0x19A00] =	vst v63  }
0xfb: {  	s7 =	sadd.s32 s5, s24;
	s24 =	sshrl.u32 s26, $0x3;
	s26 =	sadd.s32 $0xFFFFFF90, s25  }
0xfc: {  	[tilespmem:s31], [sflag:$0x1] =	stream.linear.gather [hbm4b:s7+s2], $0x70, $0x38;
	[tilespmem:$0x19A00] =	vst v63  }
0xfd: {  	p1 =	sne.s32 s6, $0x1;
	s7 =	sadd.s32 s5, s24;
	s24 =	sshrl.u32 s26, $0x3  }
0xfe: {  	[tilespmem:s0], [sflag:$0x1] =	stream.linear.gather [hbm4b:s7+s2], $0x70, $0x38;
	[tilespmem:$0x19A00] =	vst v63  }
0xff: {  	s6 =	sadd.s32 $0xFFFFFFFF, s6;
	s7 =	sadd.s32 s5, s24  }
0x100: {  	[tilespmem:s3], [sflag:$0x1] =	stream.linear.gather [hbm4b:s7+s2], $0x70, $0x38;
	[tilespmem:$0x19A00] =	vst v63  }
0x101: {  	_ =	swait.ge [sflag:s8], $0x70  }
0x102: {  	[sflag:s8] =	ssyncset.done $0x0  }
0x103: {  	[sflag:s8] =	ssyncadd.s32 $0xFFFFFF90  }
0x104: {  	_ =	swait.ge [sflag:s8], $0x70  }
0x105: {  	[sflag:s8] =	ssyncset.done $0x0  }
0x106: {  	[sflag:s8] =	ssyncadd.s32 $0xFFFFFF90  }
0x107: {  	_ =	swait.ge [sflag:s8], $0x70  }
0x108: {  	[sflag:s8] =	ssyncset.done $0x0  }
0x109: {  	[sflag:s8] =	ssyncadd.s32 $0xFFFFFF90  }
0x10a: {  	_ =	swait.ge [sflag:s8], $0x70  }
0x10b: {  	[sflag:s8] =	ssyncset.done $0x0  }
0x10c: {  	[sflag:s8] =	ssyncadd.s32 $0xFFFFFF90  }
0x10d: {  	_ =	swait.ge [sflag:s8], $0x70  }
0x10e: {  	[sflag:s8] =	ssyncset.done $0x0  }
0x10f: {  	[sflag:s8] =	ssyncadd.s32 $0xFFFFFF90  }
0x110: {  	_ =	swait.ge [sflag:s8], $0x70  }
0x111: {  	[sflag:s8] =	ssyncset.done $0x0  }
0x112: {  	[sflag:s8] =	ssyncadd.s32 $0xFFFFFF90  }
0x113: {  	[tilespmem:s10], [sflag:$0x2] =	stream.indirect.gather [hbm4b:s4+s9], $0x80, s2, s9, $0xb8;
	[tilespmem:$0x19A00] =	vst v63  }
0x114: {  	_ = 	snop  }
0x115: {  	[tilespmem:s11], [sflag:$0x2] =	stream.indirect.gather [hbm4b:s4+s9], $0x80, s30, s9, $0xb8;
	[tilespmem:$0x19A00] =	vst v63  }
0x116: {  	s24 =	sadd.s32 $0x70, s25;
	s7 =	sshrl.u32 s25, $0x3  }
0x117: {  	[tilespmem:s12], [sflag:$0x2] =	stream.indirect.gather [hbm4b:s4+s9], $0x80, s0, s9, $0xb8;
	[tilespmem:$0x19A00] =	vst v63  }
0x118: {  	s26 =	sadd.s32 $0xE0, s25;
	s24 =	sshrl.u32 s24, $0x3;
	s7 =	sadd.s32 s5, s7  }
0x119: {  	[tilespmem:s13], [sflag:$0x1] =	stream.linear.gather [hbm4b:s7+s2], $0x70, $0x38;
	[tilespmem:$0x19A00] =	vst v63  }
0x11a: {  	s7 =	sadd.s32 s5, s24;
	s24 =	sshrl.u32 s26, $0x3;
	s26 =	sadd.s32 $0x150, s25  }
0x11b: {  	[tilespmem:s14], [sflag:$0x1] =	stream.linear.gather [hbm4b:s7+s2], $0x70, $0x38;
	[tilespmem:$0x19A00] =	vst v63  }
0x11c: {  	s7 =	sadd.s32 s5, s24;
	s24 =	sshrl.u32 s26, $0x3;
	s26 =	sadd.s32 $0x1C0, s25  }
0x11d: {  	[tilespmem:s15], [sflag:$0x1] =	stream.linear.gather [hbm4b:s7+s2], $0x70, $0x38;
	[tilespmem:$0x19A00] =	vst v63  }
0x11e: {  	s7 =	sadd.s32 s5, s24;
	s24 =	sshrl.u32 s26, $0x3;
	s26 =	sadd.s32 $0x230, s25  }
0x11f: {  	[tilespmem:s16], [sflag:$0x1] =	stream.linear.gather [hbm4b:s7+s2], $0x70, $0x38;
	[tilespmem:$0x19A00] =	vst v63  }
0x120: {  	s7 =	sadd.s32 s5, s24;
	s24 =	sshrl.u32 s26, $0x3  }
0x121: {  	[tilespmem:s17], [sflag:$0x1] =	stream.linear.gather [hbm4b:s7+s2], $0x70, $0x38;
	[tilespmem:$0x19A00] =	vst v63  }
0x122: {  	s7 =	sadd.s32 s5, s24  }
0x123: {  	[tilespmem:s18], [sflag:$0x1] =	stream.linear.gather [hbm4b:s7+s2], $0x70, $0x38;
	[tilespmem:$0x19A00] =	vst v63  }
0x124: {  	_ =	swait.ge [sflag:s8], $0x70  }
0x125: {  	[sflag:s8] =	ssyncset.done $0x0  }
0x126: {  	[sflag:s8] =	ssyncadd.s32 $0xFFFFFF90  }
0x127: {  	_ =	swait.ge [sflag:s8], $0x70  }
0x128: {  	[sflag:s8] =	ssyncset.done $0x0  }
0x129: {  	[sflag:s8] =	ssyncadd.s32 $0xFFFFFF90  }
0x12a: {  	_ =	swait.ge [sflag:s8], $0x70  }
0x12b: {  	[sflag:s8] =	ssyncset.done $0x0  }
0x12c: {  	[sflag:s8] =	ssyncadd.s32 $0xFFFFFF90  }
0x12d: {  	_ =	swait.ge [sflag:s8], $0x70  }
0x12e: {  	[sflag:s8] =	ssyncset.done $0x0  }
0x12f: {  	[sflag:s8] =	ssyncadd.s32 $0xFFFFFF90  }
0x130: {  	_ =	swait.ge [sflag:s8], $0x70  }
0x131: {  	[sflag:s8] =	ssyncset.done $0x0  }
0x132: {  	[sflag:s8] =	ssyncadd.s32 $0xFFFFFF90  }
0x133: {  	_ =	swait.ge [sflag:s8], $0x70  }
0x134: {  	[sflag:s8] =	ssyncset.done $0x0  }
0x135: {  	[sflag:s8] =	ssyncadd.s32 $0xFFFFFF90  }
0x136: {  	[tilespmem:s19], [sflag:$0x3] =	stream.indirect.gather [hbm4b:s4+s9], $0x80, s13, s9, $0xb8;
	[tilespmem:$0x19A00] =	vst v63  }
0x137: {  	_ = 	snop  }
0x138: {  	[tilespmem:s20], [sflag:$0x3] =	stream.indirect.gather [hbm4b:s4+s9], $0x80, s15, s9, $0xb8;
	[tilespmem:$0x19A00] =	vst v63  }
0x139: {  	_ = 	snop  }
0x13a: {  	[tilespmem:s21], [sflag:$0x3] =	stream.indirect.gather [hbm4b:s4+s9], $0x80, s17, s9, $0xb8;
	[tilespmem:$0x19A00] =	vst v63  }
0x13b: {  	_ =	swait.ge [sflag:s22], $0x3800  }
0x13c: {  	[sflag:s22] =	ssyncset.done $0x0  }
0x13d: {  	[sflag:s22] =	ssyncadd.s32 $0xFFFFC800  }
0x13e: {  	_ =	swait.ge [sflag:s22], $0x3800  }
0x13f: {  	[sflag:s22] =	ssyncset.done $0x0  }
0x140: {  	[sflag:s22] =	ssyncadd.s32 $0xFFFFC800  }
0x141: {  	_ =	swait.ge [sflag:s22], $0x3800  }
0x142: {  	[sflag:s22] =	ssyncset.done $0x0  }
0x143: {  	[sflag:s22] =	ssyncadd.s32 $0xFFFFC800  }
0x144: {  	[spmem:s1] =	stream.indirect.scatter.add.f32 [tilespmem:s10], [sflag:$0x4], $0x80, s29, s9, $0xb8;
	[tilespmem:$0x19A00] =	vst v63  }
0x145: {  	_ = 	snop  }
0x146: {  	[spmem:s1] =	stream.indirect.scatter.add.f32 [tilespmem:s11], [sflag:$0x4], $0x80, s31, s9, $0xb8;
	[tilespmem:$0x19A00] =	vst v63  }
0x147: {  	_ = 	snop  }
0x148: {  	[spmem:s1] =	stream.indirect.scatter.add.f32 [tilespmem:s12], [sflag:$0x4], $0x80, s3, s9, $0xb8;
	[tilespmem:$0x19A00] =	vst v63  }
0x149: {  	_ =	swait.ge [sflag:s23], $0x3800  }
0x14a: {  	[sflag:s23] =	ssyncset.done $0x0  }
0x14b: {  	[sflag:s23] =	ssyncadd.s32 $0xFFFFC800  }
0x14c: {  	_ =	swait.ge [sflag:s23], $0x3800  }
0x14d: {  	[sflag:s23] =	ssyncset.done $0x0  }
0x14e: {  	[sflag:s23] =	ssyncadd.s32 $0xFFFFC800  }
0x14f: {  	_ =	swait.ge [sflag:s23], $0x3800  }
0x150: {  	[sflag:s23] =	ssyncset.done $0x0  }
0x151: {  	[sflag:s23] =	ssyncadd.s32 $0xFFFFC800  }
0x152: {  	_ =	swait.ge [sflag:s28], $0x3800  }
0x153: {  	[sflag:s28] =	ssyncset.done $0x0  }
0x154: {  	[sflag:s28] =	ssyncadd.s32 $0xFFFFC800  }
0x155: {  	_ =	swait.ge [sflag:s28], $0x3800  }
0x156: {  	[sflag:s28] =	ssyncset.done $0x0  }
0x157: {  	[sflag:s28] =	ssyncadd.s32 $0xFFFFC800  }
0x158: {  	_ =	swait.ge [sflag:s28], $0x3800  }
0x159: {  	[sflag:s28] =	ssyncset.done $0x0  }
0x15a: {  	[sflag:s28] =	ssyncadd.s32 $0xFFFFC800  }
0x15b: {  	[spmem:s1] =	stream.indirect.scatter.add.f32 [tilespmem:s19], [sflag:$0x4], $0x80, s14, s9, $0xb8;
	[tilespmem:$0x19A00] =	vst v63  }
0x15c: {  	_ = 	snop  }
0x15d: {  	[spmem:s1] =	stream.indirect.scatter.add.f32 [tilespmem:s20], [sflag:$0x4], $0x80, s16, s9, $0xb8;
	[tilespmem:$0x19A00] =	vst v63  }
0x15e: {  	_ = 	snop  }
0x15f: {  	[spmem:s1] =	stream.indirect.scatter.add.f32 [tilespmem:s21], [sflag:$0x4], $0x80, s18, s9, $0xb8;
	[tilespmem:$0x19A00] =	vst v63  }
0x160: {  	_ =	swait.ge [sflag:s28], $0x3800  }
0x161: {  	[sflag:s28] =	ssyncset.done $0x0  }
.Ltmp3:
0x162: {  	[sflag:s28] =	ssyncadd.s32 $0xFFFFC800;
	(pc) =	sbr.rel @p1 .LBB2_7-.Ltmp3, $4  }
0x163: {  	_ =	swait.ge [sflag:s28], $0x3800  }
0x164: {  	s25 =	sadd.s32 $0x540, s25;
	[sflag:s28] =	ssyncset.done $0x0  }
0x165: {  	s7 =	sadd.s32 $0xFFFFFD60, s25;
	[sflag:s28] =	ssyncadd.s32 $0xFFFFC800  }
0x166: {  	s24 =	sshrl.u32 s7, $0x3;
	_ =	swait.ge [sflag:s28], $0x3800  }
0x167: {  	s26 =	rddreg [dreg:$0x17]  }
.LBB2_9:
0x168: {  	[sflag:s28] =	ssyncset.done @p0 $0x0  }
0x169: {  	s6 =	sadd.s32 s5, s24;
	s7 =	sadd.s32 $0xFFFFFDD0, s25;
	[sflag:s28] =	ssyncadd.s32 @p0 $0xFFFFC800  }
0x16a: {  	[tilespmem:s2], [sflag:$0x1] =	stream.linear.gather [hbm4b:s6+s2], $0x70, $0x38;
	[tilespmem:$0x19A00] =	vst v63  }
0x16b: {  	s6 =	sshrl.u32 s7, $0x3  }
0x16c: {  	s24 =	sadd.s32 $0xFFFFFE40, s25;
	s6 =	sadd.s32 s5, s6  }
0x16d: {  	[tilespmem:s29], [sflag:$0x1] =	stream.linear.gather [hbm4b:s6+s2], $0x70, $0x38;
	[tilespmem:$0x19A00] =	vst v63  }
0x16e: {  	s6 =	sshrl.u32 s24, $0x3  }
0x16f: {  	s7 =	sadd.s32 $0xFFFFFEB0, s25;
	s6 =	sadd.s32 s5, s6  }
0x170: {  	[tilespmem:s30], [sflag:$0x1] =	stream.linear.gather [hbm4b:s6+s2], $0x70, $0x38;
	[tilespmem:$0x19A00] =	vst v63  }
0x171: {  	s6 =	sshrl.u32 s7, $0x3  }
0x172: {  	s24 =	sadd.s32 $0xFFFFFF20, s25;
	s6 =	sadd.s32 s5, s6  }
0x173: {  	[tilespmem:s31], [sflag:$0x1] =	stream.linear.gather [hbm4b:s6+s2], $0x70, $0x38;
	[tilespmem:$0x19A00] =	vst v63  }
0x174: {  	s6 =	sshrl.u32 s24, $0x3  }
0x175: {  	s7 =	sadd.s32 $0xFFFFFF90, s25;
	s6 =	sadd.s32 s5, s6  }
0x176: {  	[tilespmem:s0], [sflag:$0x1] =	stream.linear.gather [hbm4b:s6+s2], $0x70, $0x38;
	[tilespmem:$0x19A00] =	vst v63  }
0x177: {  	s6 =	sshrl.u32 s7, $0x3  }
0x178: {  	s6 =	sadd.s32 s5, s6  }
0x179: {  	[tilespmem:s3], [sflag:$0x1] =	stream.linear.gather [hbm4b:s6+s2], $0x70, $0x38;
	[tilespmem:$0x19A00] =	vst v63  }
0x17a: {  	_ =	swait.ge [sflag:s8], $0x70  }
0x17b: {  	[sflag:s8] =	ssyncset.done $0x0  }
0x17c: {  	[sflag:s8] =	ssyncadd.s32 $0xFFFFFF90  }
0x17d: {  	_ =	swait.ge [sflag:s8], $0x70  }
0x17e: {  	[sflag:s8] =	ssyncset.done $0x0  }
0x17f: {  	[sflag:s8] =	ssyncadd.s32 $0xFFFFFF90  }
0x180: {  	_ =	swait.ge [sflag:s8], $0x70  }
0x181: {  	[sflag:s8] =	ssyncset.done $0x0  }
0x182: {  	[sflag:s8] =	ssyncadd.s32 $0xFFFFFF90  }
0x183: {  	_ =	swait.ge [sflag:s8], $0x70  }
0x184: {  	[sflag:s8] =	ssyncset.done $0x0  }
0x185: {  	[sflag:s8] =	ssyncadd.s32 $0xFFFFFF90  }
0x186: {  	_ =	swait.ge [sflag:s8], $0x70  }
0x187: {  	[sflag:s8] =	ssyncset.done $0x0  }
0x188: {  	[sflag:s8] =	ssyncadd.s32 $0xFFFFFF90  }
0x189: {  	_ =	swait.ge [sflag:s8], $0x70  }
0x18a: {  	[sflag:s8] =	ssyncset.done $0x0  }
0x18b: {  	[sflag:s8] =	ssyncadd.s32 $0xFFFFFF90  }
0x18c: {  	[tilespmem:s10], [sflag:$0x2] =	stream.indirect.gather [hbm4b:s4+s9], $0x80, s2, s9, $0xb8;
	[tilespmem:$0x19A00] =	vst v63  }
0x18d: {  	_ = 	snop  }
0x18e: {  	[tilespmem:s11], [sflag:$0x2] =	stream.indirect.gather [hbm4b:s4+s9], $0x80, s30, s9, $0xb8;
	[tilespmem:$0x19A00] =	vst v63  }
0x18f: {  	s24 =	sshrl.u32 s25, $0x3  }
0x190: {  	[tilespmem:s12], [sflag:$0x2] =	stream.indirect.gather [hbm4b:s4+s9], $0x80, s0, s9, $0xb8;
	[tilespmem:$0x19A00] =	vst v63  }
0x191: {  	s7 =	sadd.s32 $0x70, s25;
	s6 =	sadd.s32 s5, s24  }
0x192: {  	[tilespmem:s13], [sflag:$0x1] =	stream.linear.gather [hbm4b:s6+s2], $0x70, $0x38;
	[tilespmem:$0x19A00] =	vst v63  }
0x193: {  	s6 =	sshrl.u32 s7, $0x3  }
0x194: {  	s24 =	sadd.s32 $0xE0, s25;
	s6 =	sadd.s32 s5, s6  }
0x195: {  	[tilespmem:s14], [sflag:$0x1] =	stream.linear.gather [hbm4b:s6+s2], $0x70, $0x38;
	[tilespmem:$0x19A00] =	vst v63  }
0x196: {  	s6 =	sshrl.u32 s24, $0x3  }
0x197: {  	s7 =	sadd.s32 $0x150, s25;
	s6 =	sadd.s32 s5, s6  }
0x198: {  	[tilespmem:s15], [sflag:$0x1] =	stream.linear.gather [hbm4b:s6+s2], $0x70, $0x38;
	[tilespmem:$0x19A00] =	vst v63  }
0x199: {  	s6 =	sshrl.u32 s7, $0x3  }
0x19a: {  	s24 =	sadd.s32 $0x1C0, s25;
	s6 =	sadd.s32 s5, s6  }
0x19b: {  	[tilespmem:s16], [sflag:$0x1] =	stream.linear.gather [hbm4b:s6+s2], $0x70, $0x38;
	[tilespmem:$0x19A00] =	vst v63  }
0x19c: {  	s7 =	sadd.s32 $0x230, s25;
	s6 =	sshrl.u32 s24, $0x3  }
0x19d: {  	s7 =	sshrl.u32 s7, $0x3;
	s6 =	sadd.s32 s5, s6  }
0x19e: {  	[tilespmem:s17], [sflag:$0x1] =	stream.linear.gather [hbm4b:s6+s2], $0x70, $0x38;
	[tilespmem:$0x19A00] =	vst v63  }
0x19f: {  	s25 =	sadd.s32 s5, s7  }
0x1a0: {  	[tilespmem:s18], [sflag:$0x1] =	stream.linear.gather [hbm4b:s25+s2], $0x70, $0x38;
	[tilespmem:$0x19A00] =	vst v63  }
0x1a1: {  	_ =	swait.ge [sflag:s8], $0x70  }
0x1a2: {  	[sflag:s8] =	ssyncset.done $0x0  }
0x1a3: {  	[sflag:s8] =	ssyncadd.s32 $0xFFFFFF90  }
0x1a4: {  	_ =	swait.ge [sflag:s8], $0x70  }
0x1a5: {  	[sflag:s8] =	ssyncset.done $0x0  }
0x1a6: {  	[sflag:s8] =	ssyncadd.s32 $0xFFFFFF90  }
0x1a7: {  	_ =	swait.ge [sflag:s8], $0x70  }
0x1a8: {  	[sflag:s8] =	ssyncset.done $0x0  }
0x1a9: {  	[sflag:s8] =	ssyncadd.s32 $0xFFFFFF90  }
0x1aa: {  	_ =	swait.ge [sflag:s8], $0x70  }
0x1ab: {  	[sflag:s8] =	ssyncset.done $0x0  }
0x1ac: {  	[sflag:s8] =	ssyncadd.s32 $0xFFFFFF90  }
0x1ad: {  	_ =	swait.ge [sflag:s8], $0x70  }
0x1ae: {  	[sflag:s8] =	ssyncset.done $0x0  }
0x1af: {  	[sflag:s8] =	ssyncadd.s32 $0xFFFFFF90  }
0x1b0: {  	_ =	swait.ge [sflag:s8], $0x70  }
0x1b1: {  	[sflag:s8] =	ssyncset.done $0x0  }
0x1b2: {  	[sflag:s8] =	ssyncadd.s32 $0xFFFFFF90  }
0x1b3: {  	[tilespmem:s19], [sflag:$0x3] =	stream.indirect.gather [hbm4b:s4+s9], $0x80, s13, s9, $0xb8;
	[tilespmem:$0x19A00] =	vst v63  }
0x1b4: {  	_ = 	snop  }
0x1b5: {  	[tilespmem:s20], [sflag:$0x3] =	stream.indirect.gather [hbm4b:s4+s9], $0x80, s15, s9, $0xb8;
	[tilespmem:$0x19A00] =	vst v63  }
0x1b6: {  	_ = 	snop  }
0x1b7: {  	[tilespmem:s21], [sflag:$0x3] =	stream.indirect.gather [hbm4b:s4+s9], $0x80, s17, s9, $0xb8;
	[tilespmem:$0x19A00] =	vst v63  }
0x1b8: {  	_ =	swait.ge [sflag:s22], $0x3800  }
0x1b9: {  	[sflag:s22] =	ssyncset.done $0x0  }
0x1ba: {  	[sflag:s22] =	ssyncadd.s32 $0xFFFFC800  }
0x1bb: {  	_ =	swait.ge [sflag:s22], $0x3800  }
0x1bc: {  	[sflag:s22] =	ssyncset.done $0x0  }
0x1bd: {  	[sflag:s22] =	ssyncadd.s32 $0xFFFFC800  }
0x1be: {  	_ =	swait.ge [sflag:s22], $0x3800  }
0x1bf: {  	[sflag:s22] =	ssyncset.done $0x0  }
0x1c0: {  	[sflag:s22] =	ssyncadd.s32 $0xFFFFC800  }
0x1c1: {  	[spmem:s1] =	stream.indirect.scatter.add.f32 [tilespmem:s10], [sflag:$0x4], $0x80, s29, s9, $0xb8;
	[tilespmem:$0x19A00] =	vst v63  }
0x1c2: {  	_ = 	snop  }
0x1c3: {  	[spmem:s1] =	stream.indirect.scatter.add.f32 [tilespmem:s11], [sflag:$0x4], $0x80, s31, s9, $0xb8;
	[tilespmem:$0x19A00] =	vst v63  }
0x1c4: {  	_ = 	snop  }
0x1c5: {  	[spmem:s1] =	stream.indirect.scatter.add.f32 [tilespmem:s12], [sflag:$0x4], $0x80, s3, s9, $0xb8;
	[tilespmem:$0x19A00] =	vst v63  }
0x1c6: {  	_ =	swait.ge [sflag:s23], $0x3800  }
0x1c7: {  	[sflag:s23] =	ssyncset.done $0x0  }
0x1c8: {  	[sflag:s23] =	ssyncadd.s32 $0xFFFFC800  }
0x1c9: {  	_ =	swait.ge [sflag:s23], $0x3800  }
0x1ca: {  	[sflag:s23] =	ssyncset.done $0x0  }
0x1cb: {  	[sflag:s23] =	ssyncadd.s32 $0xFFFFC800  }
0x1cc: {  	_ =	swait.ge [sflag:s23], $0x3800  }
0x1cd: {  	[sflag:s23] =	ssyncset.done $0x0  }
0x1ce: {  	[sflag:s23] =	ssyncadd.s32 $0xFFFFC800  }
0x1cf: {  	_ =	swait.ge [sflag:s28], $0x3800  }
0x1d0: {  	[sflag:s28] =	ssyncset.done $0x0  }
0x1d1: {  	[sflag:s28] =	ssyncadd.s32 $0xFFFFC800  }
0x1d2: {  	_ =	swait.ge [sflag:s28], $0x3800  }
0x1d3: {  	[sflag:s28] =	ssyncset.done $0x0  }
0x1d4: {  	[sflag:s28] =	ssyncadd.s32 $0xFFFFC800  }
0x1d5: {  	_ =	swait.ge [sflag:s28], $0x3800  }
0x1d6: {  	[sflag:s28] =	ssyncset.done $0x0  }
0x1d7: {  	[sflag:s28] =	ssyncadd.s32 $0xFFFFC800  }
0x1d8: {  	[spmem:s1] =	stream.indirect.scatter.add.f32 [tilespmem:s19], [sflag:$0x4], $0x80, s14, s9, $0xb8;
	[tilespmem:$0x19A00] =	vst v63  }
0x1d9: {  	_ = 	snop  }
0x1da: {  	[spmem:s1] =	stream.indirect.scatter.add.f32 [tilespmem:s20], [sflag:$0x4], $0x80, s16, s9, $0xb8;
	[tilespmem:$0x19A00] =	vst v63  }
0x1db: {  	_ = 	snop  }
0x1dc: {  	[spmem:s1] =	stream.indirect.scatter.add.f32 [tilespmem:s21], [sflag:$0x4], $0x80, s18, s9, $0xb8;
	[tilespmem:$0x19A00] =	vst v63  }
0x1dd: {  	_ =	swait.ge [sflag:s28], $0x3800  }
0x1de: {  	[sflag:s28] =	ssyncset.done $0x0  }
0x1df: {  	[sflag:s28] =	ssyncadd.s32 $0xFFFFC800  }
0x1e0: {  	_ =	swait.ge [sflag:s28], $0x3800  }
0x1e1: {  	[sflag:s28] =	ssyncset.done $0x0  }
0x1e2: {  	[sflag:s28] =	ssyncadd.s32 $0xFFFFC800  }
0x1e3: {  	_ =	swait.ge [sflag:s28], $0x3800  }
0x1e4: {  	[sflag:s28] =	ssyncset.done $0x0  }
0x1e5: {  	s7 =	stileid.u32;
	[sflag:s28] =	ssyncadd.s32 $0xFFFFC800  }
0x1e6: {  	s6 =	sshll.u32 s7, $0x6;
	[bflag:$0x0] =	sbarrier.arrive $0xFFFF  }
0x1e7: {  	s6 =	sor.u32 $0x1C05, s6;
	s24 =	rddreg [dreg:$0x3]  }
0x1e8: {  	s25 =	rddreg [dreg:$0x5];
	s7 =	sshrl.u32 s24, $0x3;
	s24 =	simm.s32 $0x5  }
0x1e9: {  	[hbm:s25], [sflag:s6] =	dma.local [spmem:s7], $0x800  }
0x1ea: {  	_ =	swait.ge [sflag:s24], $0x800  }
0x1eb: {  	s26 =	sadd.s32 $0x1, s26;
	s25 =	rddreg [dreg:$0x6]  }
0x1ec: {  	p0 =	sne.s32 s26, s25  }
.Ltmp4:
0x1ed: {  	_ = 	snop;
	(pc) =	sbr.rel @p0 .LBB2_1-.Ltmp4, $4  }
.Ltmp5:
0x1ee: {  	_ = 	snop;
	(pc) =	sbr.rel @!p0 .LBB2_10-.Ltmp5, $4  }
0x1ef: {  	_ = 	snop  }
0x1f0: {  	[sflag:s24] =	ssyncset.done $0x0  }
0x1f1: {  	s7 =	rddreg [dreg:$0x16];
	[sflag:s24] =	ssyncadd.s32 $0xFFFFF800  }
0x1f2: {  	_ = 	snop  }
.LBB2_4:
.Ltmp6:
0x1f3: {  	(pc) =	sbr.rel .LBB2_9-.Ltmp6, $2  }
0x1f4: {  	_ =	sdelay $0x2  }
0x1f5: {  	s25 =	smov.u32 s7;
	s26 =	rddreg [dreg:$0x17]  }
.LBB2_6:
.Ltmp7:
0x1f6: {  	(pc) =	sbr.rel .LBB2_9-.Ltmp7, $2  }
0x1f7: {  	_ =	sdelay $0x2  }
0x1f8: {  	s26 =	rddreg [dreg:$0x17]  }
.LBB2_10:
0x1f9: {  	_ =	sfence.sel $0x180000  }
0x1fa: {  	[bflag:$0x0] =	sbarrier.arrive $0xFFFF  }
0x1fb: {  	_ =	strace $0x9000004D  }
0x1fc: {  	s0 =	stileid.u32;
	[bflag:$0x2] =	sbarrier.arrive $0xFFFF  }
0x1fd: {  	p0 =	sne.s32 s0, $0x0;
	s0 =	rddreg [dreg:$0x2]  }
0x1fe: {  	s0 =	sadd.s32 @!p0 $0x100000, s0  }
0x1ff: {  	[sflag:s0] =	ssyncadd.tile.s32 @!p0 $0x1;
	_ =	shalt  }
.Lfunc_end2:
_tile_overlayer_lowered:
.L_overlay_start_2:
0x200: {  	(tag) =	ssettag $0x2  }
0x201: {  	s0 =	rddreg [dreg:$0x0];
	s2 =	stileid.u32  }
0x202: {  	s1 =	rddreg [dreg:$0x1];
	p0 =	sne.s32 s2, $0x0  }
0x203: {  	s3 =	rddreg [dreg:$0x2];
	[bflag:$0x3] =	sbarrier.arrive $0xFFFF;
	s2 =	simm.s32 @!p0 $0x1C05  }
0x204: {  	[timem:s3], [sflag:s2] =	dma.local @!p0 [hbm:s0], s1  }
0x205: {  	s0 =	simm.s32 @!p0 $0x5  }
0x206: {  	_ =	swait.ge @!p0 [sflag:s0], s1  }
0x207: {  	s1 =	ssub.s32 @!p0 $0x0, s1;
	[sflag:s0] =	ssyncset.done @!p0 $0x0  }
0x208: {  	[sflag:s0] =	ssyncadd.s32 @!p0 s1  }
0x209: {  	[bflag:$0x3] =	sbarrier.arrive $0xFFFF  }
0x20a: {  	_ =	shalt  }

// kernel: kernel.7.cloned.1.call-start
scs
__scs_entry_jumppad:
0x0: {  	(pc) =	sbr.rel $0x88, $3  }
0x1: {  	(tag) =	ssettag $0x0;
	lr =	simm.s32 $0x1  }
0x2: {  	[smem:$0x3F98] =	sst lr;
	_ =	strace $0xD0000000  }
0x3: {  	_ = 	snop  }
0x4: {  	_ = 	snop  }
0x5: {  	_ = 	snop  }
0x6: {  	_ = 	snop  }
0x7: {  	_ = 	snop  }
__scs_overlays_trampoline_lowered:
0x8: {  	[smem:$0x3FA7] =	sst s0  }
0x9: {  	[smem:$0x3FA8] =	sst s1  }
0xa: {  	[smem:$0x3FA9] =	sst s2  }
0xb: {  	[smem:$0x3FAA] =	sst s3  }
0xc: {  	[smem:$0x3FAB] =	sst s4  }
0xd: {  	[smem:$0x3FAC] =	sst s5  }
0xe: {  	[smem:$0x3FAD] =	sst s6  }
0xf: {  	[smem:$0x3FAE] =	sst s7  }
0x10: {  	[smem:$0x3FAF] =	sst s8  }
0x11: {  	[smem:$0x3FB0] =	sst s9;
	s0 =	simm.s32 @!p0 $0x0  }
0x12: {  	s1 =	sld [smem:$0x3F96];
	s0 =	simm.s32 @p0 $0x1  }
0x13: {  	[smem:$0x3FB1] =	sst s0;
	s0 =	simm.s32 @!p1 $0x0  }
0x14: {  	s2 =	sld [smem:$0x3F95];
	s0 =	simm.s32 @p1 $0x1  }
0x15: {  	[smem:$0x3FB2] =	sst s0;
	s0 =	simm.s32 @!p2 $0x0  }
0x16: {  	s3 =	sld [smem:$0x3FDB];
	s0 =	simm.s32 @p2 $0x1  }
0x17: {  	s4 =	simm.s32 $0x1BF5;
	[smem:$0x3FB4] =	sst s0  }
0x18: {  	s0 =	sld [smem:$0x3F97];
	_ =	swait.ge [sflag:s4], $0x0  }
0x19: {  	s7 =	sld [smem:$0x3F98]  }
0x1a: {  	s8 =	sadd.s32 $0xFFFFE003, lr  }
0x1b: {  	s9 =	sadd.s32 $0xFFFFFEF7, lr;
	s5 =	simm.s32 $0xFFFFFFFF;
	p2 =	slt.u32 s8, $0xFFFFF086  }
0x1c: {  	p1 =	slt.u32 s9, $0xF7A;
	s5 =	simm.s32 @!p2 $0x0  }
0x1d: {  	s5 =	simm.s32 @p1 $0x1;
	p0 =	seq.s32 s7, s2  }
0x1e: {  	s7 =	smul.u32 @!p0 $0xF7A, s2;
	p2 =	seq.s32 @!p0 s5, $0x0  }
0x1f: {  	s9 =	smul.u32 $0xF7A, s1;
	s8 =	simm.s32 @!p0 $0x1BF5;
	p2 =	por !p2, p0  }
0x20: {  	[sflag:s8] =	ssyncset.s32 @!p0 $0xFFFFF086;
	s6 =	sadd.s32 @!p0 s3, s7;
	s7 =	simm.s32 @!p0 $0x108  }
0x21: {  	s3 =	sadd.s32 s3, s9;
	s6 =	sadd.s32 @!p0 $0x88, s6;
	s7 =	simm.s32 @p2 $0x1082  }
0x22: {  	[simem:s7], [sflag:s8] =	dma.local @!p0 [hbm:s6], $0xF7A  }
0x23: {  	s9 =	sor.u32 $0xD0000000, s2;
	s6 =	simm.s32 $0x108;
	_ =	swait.ge @!p0 [sflag:s8], $0x0  }
0x24: {  	s3 =	sadd.s32 $0x88, s3;
	s6 =	simm.s32 @!p1 $0x1082;
	[sflag:s4] =	ssyncset.s32 $0xFFFFF086  }
0x25: {  	[simem:s6], [sflag:s4] =	dma.local [hbm:s3], $0xF7A  }
0x26: {  	[smem:$0x3F98] =	sst s1;
	(tag) =	ssettag s2;
	_ =	strace s9  }
0x27: {  	s1 =	sld [smem:$0x3FA8]  }
0x28: {  	s2 =	sld [smem:$0x3FA9]  }
0x29: {  	s4 =	sld [smem:$0x3FAB]  }
0x2a: {  	p0 =	seq.s32 s5, $0x0;
	s5 =	sld [smem:$0x3FAC]  }
0x2b: {  	s6 =	sld [smem:$0x3FAD]  }
0x2c: {  	s7 =	sld [smem:$0x3FAE]  }
0x2d: {  	s3 =	simm.s32 $0x108;
	s8 =	sld [smem:$0x3FAF]  }
0x2e: {  	s3 =	simm.s32 @!p0 $0x1082;
	s9 =	sld [smem:$0x3FB0]  }
0x2f: {  	lr =	sadd.s32 s0, s3;
	s0 =	sld [smem:$0x3FA7]  }
0x30: {  	s3 =	sld [smem:$0x3FAA]  }
0x31: {  	[smem:$0x3FB3] =	sst s10  }
0x32: {  	s10 =	sld [smem:$0x3FB1];
	_ =	sdelay $0x3  }
0x33: {  	p0 =	seq.s32 s10, $0x1;
	s10 =	sld [smem:$0x3FB3];
	_ =	sdelay $0x3  }
0x34: {  	[smem:$0x3FB3] =	sst s10  }
0x35: {  	s10 =	sld [smem:$0x3FB2];
	_ =	sdelay $0x3  }
0x36: {  	p1 =	seq.s32 s10, $0x1;
	s10 =	sld [smem:$0x3FB3];
	_ =	sdelay $0x3  }
0x37: {  	[smem:$0x3FB3] =	sst s10  }
0x38: {  	s10 =	sld [smem:$0x3FB4]  }
0x39: {  	_ = 	snop;
	(pc) =	sbr.ind lr, $3  }
0x3a: {  	_ = 	snop  }
0x3b: {  	_ = 	snop  }
0x3c: {  	p2 =	seq.s32 s10, $0x1;
	s10 =	sld [smem:$0x3FB3]  }
0x3d: {  	_ =	shalt  }
0x3e: {  	_ =	shalt  }
0x3f: {  	_ =	shalt  }
0x40: {  	_ =	shalt  }
0x41: {  	_ =	shalt  }
0x42: {  	_ =	shalt  }
0x43: {  	_ =	shalt  }
0x44: {  	_ =	shalt  }
0x45: {  	_ =	shalt  }
0x46: {  	_ =	shalt  }
0x47: {  	_ =	shalt  }
0x48: {  	_ =	shalt  }
0x49: {  	_ =	shalt  }
0x4a: {  	_ =	shalt  }
0x4b: {  	_ =	shalt  }
0x4c: {  	_ =	shalt  }
0x4d: {  	_ =	shalt  }
0x4e: {  	_ =	shalt  }
0x4f: {  	_ =	shalt  }
0x50: {  	_ =	shalt  }
0x51: {  	_ =	shalt  }
0x52: {  	_ =	shalt  }
0x53: {  	_ =	shalt  }
0x54: {  	_ =	shalt  }
0x55: {  	_ =	shalt  }
0x56: {  	_ =	shalt  }
0x57: {  	_ =	shalt  }
0x58: {  	_ =	shalt  }
0x59: {  	_ =	shalt  }
0x5a: {  	_ =	shalt  }
0x5b: {  	_ =	shalt  }
0x5c: {  	_ =	shalt  }
0x5d: {  	_ =	shalt  }
0x5e: {  	_ =	shalt  }
0x5f: {  	_ =	shalt  }
0x60: {  	_ =	shalt  }
0x61: {  	_ =	shalt  }
0x62: {  	_ =	shalt  }
0x63: {  	_ =	shalt  }
0x64: {  	_ =	shalt  }
0x65: {  	_ =	shalt  }
0x66: {  	_ =	shalt  }
0x67: {  	_ =	shalt  }
0x68: {  	_ =	shalt  }
0x69: {  	_ =	shalt  }
0x6a: {  	_ =	shalt  }
0x6b: {  	_ =	shalt  }
0x6c: {  	_ =	shalt  }
0x6d: {  	_ =	shalt  }
0x6e: {  	_ =	shalt  }
0x6f: {  	_ =	shalt  }
0x70: {  	_ =	shalt  }
0x71: {  	_ =	shalt  }
0x72: {  	_ =	shalt  }
0x73: {  	_ =	shalt  }
0x74: {  	_ =	shalt  }
0x75: {  	_ =	shalt  }
0x76: {  	_ =	shalt  }
0x77: {  	_ =	shalt  }
0x78: {  	_ =	shalt  }
0x79: {  	_ =	shalt  }
0x7a: {  	_ =	shalt  }
0x7b: {  	_ =	shalt  }
0x7c: {  	_ =	shalt  }
0x7d: {  	_ =	shalt  }
0x7e: {  	_ =	shalt  }
0x7f: {  	_ =	shalt  }
0x80: {  	_ =	shalt  }
0x81: {  	_ =	shalt  }
0x82: {  	_ =	shalt  }
0x83: {  	_ =	shalt  }
0x84: {  	_ =	shalt  }
0x85: {  	_ =	shalt  }
0x86: {  	_ =	shalt  }
0x87: {  	_ =	shalt  }
.Lfunc_end0:
.L_simem_size_0:
called_computation_lowered:
.L_overlay_start_0:
0x88: {  	s2 =	sld [smem:$0x3FD9]  }
0x89: {  	s3 =	sld [smem:$0x3FFE];
	_ =	sdelay $0x1  }
0x8a: {  	s1 =	srdreg.scid  }
0x8b: {  	s0 =	sand.u32 $0x1, s1  }
0x8c: {  	s16 =	sshll.u32 s0, $0xA;
	s2 =	sadd.s32 s3, s2  }
0x8d: {  	s2 =	sadd.s32 s2, s16  }
0x8e: {  	[smem:$0x3FBF] =	sst s2  }
0x8f: {  	_ = 	snop  }
0x90: {  	(tm) =	ssettm $0x1  }
0x91: {  	s17 =	sld [smem:$0x3FFB];
	_ =	sdelay $0x3  }
0x92: {  	_ =	strace s17  }
0x93: {  	s2 =	sld [smem:$0x3FFC];
	_ =	sdelay $0x3  }
0x94: {  	_ =	strace s2  }
0x95: {  	s2 =	sld [smem:$0x3FFD];
	_ =	sdelay $0x3  }
0x96: {  	_ =	strace s2  }
0x97: {  	_ =	strace $0x8FFFFFFF  }
0x98: {  	s18 =	sld [smem:$0x3FDB];
	_ =	sdelay $0x1  }
0x99: {  	s19 =	simm.s32 $_scs_section_size  }
0x9a: {  	s4 =	simm.s32 $_size__tile_overlayer_lowered;
	s5 =	simm.s32 $_tile_overlayer_lowered  }
0x9b: {  	s22 =	simm.s32 $0x1BFF;
	s21 =	sshll.u32 s5, $0x1;
	s2 =	sadd.s32 s19, s18  }
0x9c: {  	s6 =	simm.s32 $0x0;
	s20 =	sshll.u32 s4, $0x1;
	s4 =	sadd.s32 s21, s2  }
0x9d: {  	[timem:s6], [sflag:s22] =	dma.local [hbm:s4], s20  }
0x9e: {  	_ =	swait.ge [sflag:s22], s20  }
0x9f: {  	s3 =	ssub.s32 $0x0, s20;
	[sflag:s22] =	ssyncset.done $0x0  }
0xa0: {  	[sflag:s22] =	ssyncadd.s32 s3;
	_ =	sdelay $0x1  }
0xa1: {  	s23 =	simm.s32 $0x1B8B  }
0xa2: {  	_ =	swait.ge [sflag:s23], $0x1  }
0xa3: {  	[sflag:s23] =	ssyncset.done $0x0  }
0xa4: {  	s25 =	simm.s32 $0x1B8E;
	s24 =	sld [smem:$0x3FFE];
	[sflag:s23] =	ssyncadd.s32 $0xFFFFFFFF  }
0xa5: {  	s26 =	simm.s32 $execute0_lowered;
	[smem:$0x3FD2] =	sst s25  }
0xa6: {  	s4 =	sshll.u32 s26, $0x1;
	_ =	strace $0x80000046;
	[dreg:$0x1] =	wrdreg $0xFFFFFFFF  }
0xa7: {  	s28 =	simm.s32 $_size_execute0_lowered;
	s2 =	sadd.s32 s2, s4;
	[dreg:$0x0] =	wrdreg $0x0  }
0xa8: {  	s4 =	sshll.u32 s28, $0x1;
	[dreg:$0x2] =	wrdreg s2  }
0xa9: {  	[dreg:$0x3] =	wrdreg s4  }
0xaa: {  	[dreg:$0x4] =	wrdreg $0xC0  }
0xab: {  	_ =	task [dreg:s6], $0x5FFFF  }
0xac: {  	[dreg:$0x1] =	wrdreg $0xFFFFFFFF  }
0xad: {  	[dreg:$0x0] =	wrdreg $0x60  }
0xae: {  	[dreg:$0x2] =	wrdreg s24  }
0xaf: {  	[dreg:$0x3] =	wrdreg $0x40800  }
0xb0: {  	[dreg:$0x4] =	wrdreg $0x4A800  }
0xb1: {  	[dreg:$0x5] =	wrdreg $0x9  }
0xb2: {  	_ =	task.clear_ibuf [dreg:s6], $0x6FFFF;
	_ =	strace $0x90000046  }
0xb3: {  	s29 =	simm.s32 $0x9;
	_ =	strace $0x80000048  }
0xb4: {  	_ =	swait.ge [sflag:s29], $0x1  }
0xb5: {  	[sflag:s29] =	ssyncadd.s32 $0xFFFFFFFF  }
0xb6: {  	_ =	strace $0x90000048  }
0xb7: {  	_ =	sfence  }
0xb8: {  	s30 =	sld [smem:$0x0];
	_ =	sdelay $0x2  }
0xb9: {  	s31 =	sshll.u32 s1, $0xD;
	s1 =	sshrl.u32 s1, $0x2  }
0xba: {  	s3 =	sand.u32 $0x4000, s31;
	s1 =	sadd.s32 s1, s30  }
0xbb: {  	s0 =	sor.u32 s3, s0;
	s1 =	sshll.u32 s1, $0x11  }
0xbc: {  	s0 =	sor.u32 s1, s0  }
0xbd: {  	s0 =	sadd.s32 $0x8F2B, s0  }
0xbe: {  	[sflag:s0] =	ssyncadd.remote.s32 $0x1  }
0xbf: {  	_ =	sfence.sel $0xFFFF  }
0xc0: {  	[dreg:$0x0] =	wrdreg $0xFFFFFFFF;
	(pc) =	sbr.abs _section_cstart, $3  }
0xc1: {  	[dreg:$0x1] =	wrdreg $0xFFFFFFFF  }
0xc2: {  	_ =	task.clear_ibuf [dreg:s6], $0x2FFFF;
	_ =	strace $0x9FFFFFFF  }
0xc3: {  	(tm) =	ssettm $0x7FFFFFFF  }
tec
execute0_lowered:
.L_overlay_start_1:
0x0: {  	(tag) =	ssettag $0x1  }
0x1: {  	s1 =	rddreg [dreg:$0x0]  }
0x2: {  	s2 =	rddreg [dreg:$0x1];
	s13 =	stileid.u32  }
0x3: {  	s0 =	srdreg.scid;
	s6 =	smul.u32 $0xA000, s13  }
0x4: {  	s3 =	rddreg [dreg:$0x2];
	s9 =	smul.u32 $0x28000, s13  }
0x5: {  	s4 =	simm.s32 $0x0;
	s5 =	sand.u32 $0x1, s0;
	s10 =	smul.u32 $0x4EC0, s13  }
0x6: {  	s8 =	sshll.u32 s13, $0xB;
	s18 =	sshll.u32 s13, $0xE;
	s13 =	smul.u32 $0x2760, s13  }
0x7: {  	[smem:$0x7FF] =	sst s4;
	s7 =	sadd.s32 $0x1C00, s1;
	s0 =	smul.u32 $0xA0000, s5  }
0x8: {  	_ =	strace $0x80000047;
	s17 =	ssub.s32 $0x2, s5;
	s12 =	smul.u32 $0x2760, s5  }
0x9: {  	s19 =	sshll.u32 s5, $0xF;
	s5 =	smul.u32 $0x13B0, s5;
	s11 =	sshrl.u32 s17, $0x1  }
0xa: {  	s9 =	sshrl.u32 s9, $0x2;
	s6 =	sadd.s32 s6, s0;
	s0 =	sadd.s32 $0xBA00, s1  }
0xb: {  	s15 =	sadd.s32 s9, s2;
	s10 =	sadd.s32 s12, s10;
	s5 =	sadd.s32 s5, s13  }
0xc: {  	s6 =	sshrl.u32 s6, $0x3;
	s20 =	sadd.s32 $0x380, s10;
	s23 =	sadd.s32 $0x400, s15  }
0xd: {  	s24 =	sadd.s32 $0x310, s10;
	s26 =	sadd.s32 $0x2A0, s10;
	s31 =	sadd.s32 $0x230, s10  }
0xe: {  	s12 =	sadd.s32 $0x1C0, s10;
	s14 =	sadd.s32 $0x150, s10;
	s6 =	sadd.s32 s6, s1  }
0xf: {  	s1 =	sadd.s32 s8, s1;
	s8 =	ssub.s32 s17, s11;
	s11 =	sadd.s32 s18, s3  }
0x10: {  	s22 =	sshrl.u32 s20, $0x3;
	[dreg:$0x10] =	wrdreg s23;
	s25 =	sshrl.u32 s24, $0x3  }
0x11: {  	s9 =	sshrl.u32 s31, $0x3;
	s20 =	sadd.s32 $0xE0, s10;
	s23 =	sadd.s32 $0x310, s5  }
0x12: {  	s6 =	sadd.s32 $0x10A00, s6;
	s1 =	sadd.s32 s19, s1;
	s21 =	smax.u32 s8, $0x1  }
0x13: {  	s19 =	sshrl.u32 s14, $0x3;
	s8 =	sadd.s32 $0x1C0, s5;
	[dreg:$0xd] =	wrdreg s6  }
0x14: {  	s14 =	sadd.s32 $0xE0, s5;
	s1 =	sadd.s32 $0x38A00, s1;
	[dreg:$0xf] =	wrdreg s21  }
0x15: {  	s6 =	sshrl.u32 s26, $0x3;
	s26 =	sshrl.u32 s10, $0x3;
	[dreg:$0xe] =	wrdreg s1  }
0x16: {  	s1 =	sadd.s32 s22, s7;
	s16 =	sadd.s32 s6, s7;
	s22 =	sadd.s32 $0x70, s10  }
0x17: {  	s10 =	sshrl.u32 s8, $0x3;
	s8 =	sadd.s32 $0x1000, s15;
	[dreg:$0x4] =	wrdreg s1  }
0x18: {  	s6 =	sadd.s32 $0x380, s5;
	s1 =	sadd.s32 s25, s7;
	[dreg:$0x17] =	wrdreg s8  }
0x19: {  	s6 =	sshrl.u32 s6, $0x3;
	s8 =	sadd.s32 $0x3C00, s15;
	[dreg:$0x5] =	wrdreg s1  }
0x1a: {  	s25 =	sshrl.u32 s23, $0x3;
	s24 =	sadd.s32 s6, s0;
	[smem:$0x7D6] =	sst s8  }
0x1b: {  	s21 =	sshrl.u32 s20, $0x3;
	s31 =	sadd.s32 s25, s0;
	[dreg:$0x6] =	wrdreg s24  }
0x1c: {  	s1 =	sshrl.u32 s12, $0x3;
	s12 =	sadd.s32 s10, s0;
	[dreg:$0x7] =	wrdreg s31  }
0x1d: {  	s20 =	sadd.s32 s21, s7;
	s10 =	sadd.s32 $0x1800, s15;
	[dreg:$0x8] =	wrdreg s12  }
0x1e: {  	s25 =	sshrl.u32 s14, $0x3;
	s14 =	sadd.s32 $0x2000, s15;
	[dreg:$0x19] =	wrdreg s10  }
0x1f: {  	s23 =	sadd.s32 $0x70, s5;
	s8 =	sadd.s32 $0x6800, s15;
	[dreg:$0x1b] =	wrdreg s14  }
0x20: {  	s6 =	sadd.s32 $0x2A0, s5;
	s12 =	sadd.s32 $0x1C00, s15;
	[smem:$0x7E1] =	sst s8  }
0x21: {  	s31 =	sadd.s32 s25, s0;
	s25 =	sadd.s32 $0x2400, s15;
	[dreg:$0x1a] =	wrdreg s12  }
0x22: {  	s18 =	sadd.s32 s1, s7;
	s10 =	sadd.s32 $0x4400, s15;
	[dreg:$0x1c] =	wrdreg s25  }
0x23: {  	s1 =	sshrl.u32 s22, $0x3;
	s14 =	sadd.s32 $0x4C00, s15;
	[smem:$0x7D8] =	sst s10  }
0x24: {  	s22 =	sadd.s32 s26, s7;
	s8 =	sadd.s32 $0x9400, s15;
	[smem:$0x7DA] =	sst s14  }
0x25: {  	s26 =	sshrl.u32 s23, $0x3;
	s21 =	sadd.s32 s1, s7;
	[smem:$0x7EC] =	sst s8  }
0x26: {  	s1 =	sshrl.u32 s6, $0x3;
	s6 =	sadd.s32 $0x800, s15;
	[dreg:$0x14] =	wrdreg s31  }
0x27: {  	s23 =	sadd.s32 s26, s0;
	s26 =	sadd.s32 $0x2800, s15;
	[dreg:$0x15] =	wrdreg s6  }
0x28: {  	s12 =	sadd.s32 $0x4800, s15;
	[dreg:$0x1d] =	wrdreg s26  }
0x29: {  	s25 =	sadd.s32 $0x5000, s15;
	[smem:$0x7D9] =	sst s12  }
0x2a: {  	s10 =	sadd.s32 $0x7000, s15;
	[smem:$0x7DB] =	sst s25  }
0x2b: {  	s14 =	sadd.s32 $0x7800, s15;
	[smem:$0x7E3] =	sst s10  }
0x2c: {  	s8 =	sadd.s32 $0x2400, s11;
	[smem:$0x7E5] =	sst s14  }
0x2d: {  	s17 =	sadd.s32 s9, s7;
	s19 =	sadd.s32 s19, s7;
	[smem:$0x7F7] =	sst s8  }
0x2e: {  	s7 =	sadd.s32 $0x230, s5;
	s1 =	sadd.s32 s1, s0;
	[dreg:$0x9] =	wrdreg s23  }
0x2f: {  	s9 =	sshrl.u32 s7, $0x3;
	s7 =	sadd.s32 $0xC00, s15;
	[dreg:$0x11] =	wrdreg s1  }
0x30: {  	s6 =	sadd.s32 $0x3400, s15;
	[dreg:$0x16] =	wrdreg s7  }
0x31: {  	s26 =	sadd.s32 $0x5400, s15;
	[smem:$0x7D4] =	sst s6  }
0x32: {  	s12 =	sadd.s32 $0x7400, s15;
	[smem:$0x7DC] =	sst s26  }
0x33: {  	s25 =	sadd.s32 $0x7C00, s15;
	[smem:$0x7E4] =	sst s12  }
0x34: {  	s10 =	sadd.s32 $0x9C00, s15;
	[smem:$0x7E6] =	sst s25  }
0x35: {  	s14 =	smov.u32 s15;
	[smem:$0x7EE] =	sst s10  }
0x36: {  	s1 =	sadd.s32 s9, s0;
	[dreg:$0xb] =	wrdreg s14  }
0x37: {  	s9 =	sadd.s32 $0x1400, s15;
	[dreg:$0x12] =	wrdreg s1  }
0x38: {  	s7 =	sadd.s32 $0x3800, s15;
	[dreg:$0x18] =	wrdreg s9  }
0x39: {  	s6 =	sadd.s32 $0x6000, s15;
	[smem:$0x7D5] =	sst s7  }
0x3a: {  	s26 =	sadd.s32 $0x8000, s15;
	[smem:$0x7DF] =	sst s6  }
0x3b: {  	s13 =	sadd.s32 $0x150, s5;
	s12 =	sadd.s32 $0x400, s11;
	[smem:$0x7E7] =	sst s26  }
0x3c: {  	s5 =	sshrl.u32 s5, $0x3;
	s25 =	sadd.s32 $0xC00, s11;
	[smem:$0x7EF] =	sst s12  }
0x3d: {  	s10 =	sadd.s32 $0x2C00, s11;
	s1 =	sshrl.u32 s13, $0x3;
	[smem:$0x7F1] =	sst s25  }
0x3e: {  	s13 =	sadd.s32 s5, s0;
	s5 =	sadd.s32 $0x3000, s15;
	[smem:$0x7F9] =	sst s10  }
0x3f: {  	s9 =	sadd.s32 $0x4000, s15;
	[dreg:$0x1f] =	wrdreg s5  }
0x40: {  	s7 =	sadd.s32 $0x6400, s15;
	[smem:$0x7D7] =	sst s9  }
0x41: {  	s6 =	sadd.s32 $0x8C00, s15;
	[smem:$0x7E0] =	sst s7  }
0x42: {  	s26 =	sadd.s32 $0x1000, s11;
	[smem:$0x7EA] =	sst s6  }
0x43: {  	s12 =	sadd.s32 $0x3000, s11;
	[smem:$0x7F2] =	sst s26  }
0x44: {  	s25 =	sadd.s32 $0x3800, s11;
	[smem:$0x7FA] =	sst s12  }
0x45: {  	[smem:$0x7FC] =	sst s25  }
0x46: {  	s24 =	sadd.s32 s1, s0;
	s1 =	sadd.s32 $0x2C00, s15;
	[dreg:$0xa] =	wrdreg s13  }
0x47: {  	s5 =	sadd.s32 $0x5C00, s15;
	[dreg:$0x1e] =	wrdreg s1  }
0x48: {  	s9 =	sadd.s32 $0x6C00, s15;
	[smem:$0x7DE] =	sst s5  }
0x49: {  	s7 =	sadd.s32 $0x9000, s15;
	[smem:$0x7E2] =	sst s9  }
0x4a: {  	s6 =	sadd.s32 $0x1C00, s11;
	[smem:$0x7EB] =	sst s7  }
0x4b: {  	s26 =	sadd.s32 $0x3C00, s11;
	[smem:$0x7F5] =	sst s6  }
0x4c: {  	[smem:$0x7FD] =	sst s26  }
0x4d: {  	s1 =	sadd.s32 $0x5800, s15;
	[dreg:$0x13] =	wrdreg s24  }
0x4e: {  	s28 =	simm.s32 $0x400;
	s5 =	sadd.s32 $0x8800, s15;
	[smem:$0x7DD] =	sst s1  }
0x4f: {  	s29 =	simm.s32 $0x1;
	s9 =	sadd.s32 $0x9800, s15;
	[smem:$0x7E9] =	sst s5  }
0x50: {  	s30 =	simm.s32 $0x70;
	s7 =	sadd.s32 $0x2000, s11;
	[smem:$0x7ED] =	sst s9  }
0x51: {  	s8 =	simm.s32 $0x180;
	s1 =	sadd.s32 $0x8400, s15;
	[smem:$0x7F6] =	sst s7  }
0x52: {  	s10 =	simm.s32 $0x280;
	s15 =	sadd.s32 $0x800, s11;
	[smem:$0x7E8] =	sst s1  }
0x53: {  	s0 =	simm.s32 $0x2;
	s5 =	sadd.s32 $0x1800, s11;
	[smem:$0x7F0] =	sst s15  }
0x54: {  	s25 =	simm.s32 $0x300;
	s9 =	sadd.s32 $0x2800, s11;
	[smem:$0x7F4] =	sst s5  }
0x55: {  	s26 =	simm.s32 $0x380;
	s1 =	sadd.s32 $0x1400, s11;
	[smem:$0x7F8] =	sst s9  }
0x56: {  	s6 =	simm.s32 $0x480;
	s15 =	sadd.s32 $0x3400, s11;
	[smem:$0x7F3] =	sst s1  }
0x57: {  	s7 =	simm.s32 $0x100;
	[smem:$0x7FB] =	sst s15;
	s15 =	smov.u32 s11  }
0x58: {  	v0 =	vimm.f32 $1.000000000e+00;
	v1 =	vimm.f32 $0.0e+00;
	s9 =	simm.s32 $0x200;
	s11 =	simm.s32 $0x0;
	[dreg:$0xc] =	wrdreg s15  }
.LBB2_1:
0x59: {  	[smem:$0x7D3] =	sst s11;
	s5 =	simm.s32 $0x0;
	s11 =	simm.s32 $0x0  }
.LBB2_2:
0x5a: {  	p0 =	sne.s32 s11, $0xDF00  }
.Ltmp0:
0x5b: {  	_ = 	snop;
	(pc) =	sbr.rel @p0 .LBB2_2-.Ltmp0, $4  }
0x5c: {  	s12 =	sand.u32 $0xFE00, s11  }
0x5d: {  	s13 =	sand.u32 $0x8, s5;
	s12 =	sshrl.u32 s12, $0x2  }
0x5e: {  	s12 =	sor.u32 s13, s12  }
0x5f: {  	s5 =	sadd.s32 $0x8, s5;
	s11 =	sadd.s32 $0x100, s11;
	[tilespmem:s12+$0x480] =	vst.msk $0xff, v0  }
0x60: {  	s5 =	simm.s32 $0x0  }
0x61: {  	s11 =	sand.u32 $0xE00, s5  }
0x62: {  	s12 =	sand.u32 $0x8, s5;
	s13 =	sshrl.u32 s11, $0x2  }
0x63: {  	s24 =	simm.s32 $0x80;
	s11 =	simm.s32 $0x100;
	s12 =	sor.u32 s12, s13  }
.LBB2_4:
0x64: {  	p0 =	sne.s32 s11, $0xF00  }
0x65: {  	[tilespmem:s12+$0x3C80] =	vst.msk $0xff, v1;
	s5 =	sadd.s32 $0x8, s5;
	s12 =	smov.u32 s11;
	s11 =	sadd.s32 $0x100, s11  }
.Ltmp1:
0x66: {  	(pc) =	sbr.rel @p0 .LBB2_4-.Ltmp1, $4  }
0x67: {  	_ = 	snop  }
0x68: {  	s12 =	sand.u32 $0xE00, s12  }
0x69: {  	s13 =	sand.u32 $0x8, s5;
	s12 =	sshrl.u32 s12, $0x2  }
0x6a: {  	s12 =	sor.u32 s13, s12  }
0x6b: {  	[tilespmem:s12+$0x3C80] =	vst.msk $0xff, v1;
	s11 =	simm.s32 $0x3C80;
	s5 =	rddreg [dreg:$0x10]  }
0x6c: {  	[spmem:s14] =	stream.linear.scatter [tilespmem:s11], [sflag:$0x2], $0x400, $0x38;
	[tilespmem:$0x4E80] =	vst v63  }
0x6d: {  	s23 =	rddreg [dreg:$0x16]  }
0x6e: {  	[spmem:s5] =	stream.linear.scatter [tilespmem:s11], [sflag:$0x2], $0x400, $0x38;
	[tilespmem:$0x4E80] =	vst v63  }
0x6f: {  	s14 =	rddreg [dreg:$0x15]  }
0x70: {  	[spmem:s14] =	stream.linear.scatter [tilespmem:s11], [sflag:$0x2], $0x400, $0x38;
	[tilespmem:$0x4E80] =	vst v63  }
0x71: {  	s31 =	rddreg [dreg:$0x17]  }
0x72: {  	[spmem:s23] =	stream.linear.scatter [tilespmem:s11], [sflag:$0x2], $0x400, $0x38;
	[tilespmem:$0x4E80] =	vst v63  }
0x73: {  	s1 =	rddreg [dreg:$0x18]  }
0x74: {  	[spmem:s31] =	stream.linear.scatter [tilespmem:s11], [sflag:$0x2], $0x400, $0x38;
	[tilespmem:$0x4E80] =	vst v63  }
0x75: {  	s12 =	rddreg [dreg:$0x19]  }
0x76: {  	[spmem:s1] =	stream.linear.scatter [tilespmem:s11], [sflag:$0x2], $0x400, $0x38;
	[tilespmem:$0x4E80] =	vst v63  }
0x77: {  	s13 =	rddreg [dreg:$0x1a]  }
0x78: {  	[spmem:s12] =	stream.linear.scatter [tilespmem:s11], [sflag:$0x2], $0x400, $0x38;
	[tilespmem:$0x4E80] =	vst v63  }
0x79: {  	s14 =	rddreg [dreg:$0x1b]  }
0x7a: {  	[spmem:s13] =	stream.linear.scatter [tilespmem:s11], [sflag:$0x2], $0x400, $0x38;
	[tilespmem:$0x4E80] =	vst v63  }
0x7b: {  	s23 =	rddreg [dreg:$0x1c]  }
0x7c: {  	[spmem:s14] =	stream.linear.scatter [tilespmem:s11], [sflag:$0x2], $0x400, $0x38;
	[tilespmem:$0x4E80] =	vst v63  }
0x7d: {  	s31 =	rddreg [dreg:$0x1d]  }
0x7e: {  	[spmem:s23] =	stream.linear.scatter [tilespmem:s11], [sflag:$0x2], $0x400, $0x38;
	[tilespmem:$0x4E80] =	vst v63  }
0x7f: {  	s1 =	rddreg [dreg:$0x1e]  }
0x80: {  	[spmem:s31] =	stream.linear.scatter [tilespmem:s11], [sflag:$0x2], $0x400, $0x38;
	[tilespmem:$0x4E80] =	vst v63  }
0x81: {  	s12 =	rddreg [dreg:$0x1f]  }
0x82: {  	[spmem:s1] =	stream.linear.scatter [tilespmem:s11], [sflag:$0x2], $0x400, $0x38;
	[tilespmem:$0x4E80] =	vst v63  }
0x83: {  	s13 =	sld [smem:$0x7D4]  }
0x84: {  	[spmem:s12] =	stream.linear.scatter [tilespmem:s11], [sflag:$0x2], $0x400, $0x38;
	[tilespmem:$0x4E80] =	vst v63  }
0x85: {  	s14 =	sld [smem:$0x7D5]  }
0x86: {  	[spmem:s13] =	stream.linear.scatter [tilespmem:s11], [sflag:$0x2], $0x400, $0x38;
	[tilespmem:$0x4E80] =	vst v63  }
0x87: {  	s23 =	sld [smem:$0x7D6]  }
0x88: {  	[spmem:s14] =	stream.linear.scatter [tilespmem:s11], [sflag:$0x2], $0x400, $0x38;
	[tilespmem:$0x4E80] =	vst v63  }
0x89: {  	s31 =	sld [smem:$0x7D7]  }
0x8a: {  	[spmem:s23] =	stream.linear.scatter [tilespmem:s11], [sflag:$0x2], $0x400, $0x38;
	[tilespmem:$0x4E80] =	vst v63  }
0x8b: {  	s1 =	sld [smem:$0x7D8]  }
0x8c: {  	[spmem:s31] =	stream.linear.scatter [tilespmem:s11], [sflag:$0x2], $0x400, $0x38;
	[tilespmem:$0x4E80] =	vst v63  }
0x8d: {  	s12 =	sld [smem:$0x7D9]  }
0x8e: {  	[spmem:s1] =	stream.linear.scatter [tilespmem:s11], [sflag:$0x2], $0x400, $0x38;
	[tilespmem:$0x4E80] =	vst v63  }
0x8f: {  	s13 =	sld [smem:$0x7DA]  }
0x90: {  	[spmem:s12] =	stream.linear.scatter [tilespmem:s11], [sflag:$0x2], $0x400, $0x38;
	[tilespmem:$0x4E80] =	vst v63  }
0x91: {  	s14 =	sld [smem:$0x7DB]  }
0x92: {  	[spmem:s13] =	stream.linear.scatter [tilespmem:s11], [sflag:$0x2], $0x400, $0x38;
	[tilespmem:$0x4E80] =	vst v63  }
0x93: {  	s23 =	sld [smem:$0x7DC]  }
0x94: {  	[spmem:s14] =	stream.linear.scatter [tilespmem:s11], [sflag:$0x2], $0x400, $0x38;
	[tilespmem:$0x4E80] =	vst v63  }
0x95: {  	s31 =	sld [smem:$0x7DD]  }
0x96: {  	[spmem:s23] =	stream.linear.scatter [tilespmem:s11], [sflag:$0x2], $0x400, $0x38;
	[tilespmem:$0x4E80] =	vst v63  }
0x97: {  	s1 =	sld [smem:$0x7DE]  }
0x98: {  	[spmem:s31] =	stream.linear.scatter [tilespmem:s11], [sflag:$0x2], $0x400, $0x38;
	[tilespmem:$0x4E80] =	vst v63  }
0x99: {  	s12 =	sld [smem:$0x7DF]  }
0x9a: {  	[spmem:s1] =	stream.linear.scatter [tilespmem:s11], [sflag:$0x2], $0x400, $0x38;
	[tilespmem:$0x4E80] =	vst v63  }
0x9b: {  	s13 =	sld [smem:$0x7E0]  }
0x9c: {  	[spmem:s12] =	stream.linear.scatter [tilespmem:s11], [sflag:$0x2], $0x400, $0x38;
	[tilespmem:$0x4E80] =	vst v63  }
0x9d: {  	s14 =	sld [smem:$0x7E1]  }
0x9e: {  	[spmem:s13] =	stream.linear.scatter [tilespmem:s11], [sflag:$0x2], $0x400, $0x38;
	[tilespmem:$0x4E80] =	vst v63  }
0x9f: {  	s23 =	sld [smem:$0x7E2]  }
0xa0: {  	[spmem:s14] =	stream.linear.scatter [tilespmem:s11], [sflag:$0x2], $0x400, $0x38;
	[tilespmem:$0x4E80] =	vst v63  }
0xa1: {  	s31 =	sld [smem:$0x7E3]  }
0xa2: {  	[spmem:s23] =	stream.linear.scatter [tilespmem:s11], [sflag:$0x2], $0x400, $0x38;
	[tilespmem:$0x4E80] =	vst v63  }
0xa3: {  	s1 =	sld [smem:$0x7E4]  }
0xa4: {  	[spmem:s31] =	stream.linear.scatter [tilespmem:s11], [sflag:$0x2], $0x400, $0x38;
	[tilespmem:$0x4E80] =	vst v63  }
0xa5: {  	s12 =	sld [smem:$0x7E5]  }
0xa6: {  	[spmem:s1] =	stream.linear.scatter [tilespmem:s11], [sflag:$0x2], $0x400, $0x38;
	[tilespmem:$0x4E80] =	vst v63  }
0xa7: {  	s13 =	sld [smem:$0x7E6]  }
0xa8: {  	[spmem:s12] =	stream.linear.scatter [tilespmem:s11], [sflag:$0x2], $0x400, $0x38;
	[tilespmem:$0x4E80] =	vst v63  }
0xa9: {  	s14 =	sld [smem:$0x7E7]  }
0xaa: {  	[spmem:s13] =	stream.linear.scatter [tilespmem:s11], [sflag:$0x2], $0x400, $0x38;
	[tilespmem:$0x4E80] =	vst v63  }
0xab: {  	s23 =	sld [smem:$0x7E8]  }
0xac: {  	[spmem:s14] =	stream.linear.scatter [tilespmem:s11], [sflag:$0x2], $0x400, $0x38;
	[tilespmem:$0x4E80] =	vst v63  }
0xad: {  	s31 =	sld [smem:$0x7E9]  }
0xae: {  	[spmem:s23] =	stream.linear.scatter [tilespmem:s11], [sflag:$0x2], $0x400, $0x38;
	[tilespmem:$0x4E80] =	vst v63  }
0xaf: {  	s1 =	sld [smem:$0x7EA]  }
0xb0: {  	[spmem:s31] =	stream.linear.scatter [tilespmem:s11], [sflag:$0x2], $0x400, $0x38;
	[tilespmem:$0x4E80] =	vst v63  }
0xb1: {  	s12 =	sld [smem:$0x7EB]  }
0xb2: {  	[spmem:s1] =	stream.linear.scatter [tilespmem:s11], [sflag:$0x2], $0x400, $0x38;
	[tilespmem:$0x4E80] =	vst v63  }
0xb3: {  	s13 =	sld [smem:$0x7EC]  }
0xb4: {  	[spmem:s12] =	stream.linear.scatter [tilespmem:s11], [sflag:$0x2], $0x400, $0x38;
	[tilespmem:$0x4E80] =	vst v63  }
0xb5: {  	s14 =	sld [smem:$0x7ED]  }
0xb6: {  	[spmem:s13] =	stream.linear.scatter [tilespmem:s11], [sflag:$0x2], $0x400, $0x38;
	[tilespmem:$0x4E80] =	vst v63  }
0xb7: {  	s23 =	sld [smem:$0x7EE]  }
0xb8: {  	[spmem:s14] =	stream.linear.scatter [tilespmem:s11], [sflag:$0x2], $0x400, $0x38;
	[tilespmem:$0x4E80] =	vst v63  }
0xb9: {  	_ = 	snop  }
0xba: {  	[spmem:s23] =	stream.linear.scatter [tilespmem:s11], [sflag:$0x2], $0x400, $0x38;
	[tilespmem:$0x4E80] =	vst v63  }
0xbb: {  	s31 =	sld [smem:$0x7EF]  }
0xbc: {  	[spmem:s15] =	stream.linear.scatter [tilespmem:s11], [sflag:$0x2], $0x400, $0x38;
	[tilespmem:$0x4E80] =	vst v63  }
0xbd: {  	s1 =	sld [smem:$0x7F0]  }
0xbe: {  	[spmem:s31] =	stream.linear.scatter [tilespmem:s11], [sflag:$0x2], $0x400, $0x38;
	[tilespmem:$0x4E80] =	vst v63  }
0xbf: {  	s12 =	sld [smem:$0x7F1]  }
0xc0: {  	[spmem:s1] =	stream.linear.scatter [tilespmem:s11], [sflag:$0x2], $0x400, $0x38;
	[tilespmem:$0x4E80] =	vst v63  }
0xc1: {  	s13 =	sld [smem:$0x7F2]  }
0xc2: {  	[spmem:s12] =	stream.linear.scatter [tilespmem:s11], [sflag:$0x2], $0x400, $0x38;
	[tilespmem:$0x4E80] =	vst v63  }
0xc3: {  	s14 =	sld [smem:$0x7F3]  }
0xc4: {  	[spmem:s13] =	stream.linear.scatter [tilespmem:s11], [sflag:$0x2], $0x400, $0x38;
	[tilespmem:$0x4E80] =	vst v63  }
0xc5: {  	s15 =	sld [smem:$0x7F4]  }
0xc6: {  	[spmem:s14] =	stream.linear.scatter [tilespmem:s11], [sflag:$0x2], $0x400, $0x38;
	[tilespmem:$0x4E80] =	vst v63  }
0xc7: {  	s23 =	sld [smem:$0x7F5]  }
0xc8: {  	[spmem:s15] =	stream.linear.scatter [tilespmem:s11], [sflag:$0x2], $0x400, $0x38;
	[tilespmem:$0x4E80] =	vst v63  }
0xc9: {  	s31 =	sld [smem:$0x7F6]  }
0xca: {  	[spmem:s23] =	stream.linear.scatter [tilespmem:s11], [sflag:$0x2], $0x400, $0x38;
	[tilespmem:$0x4E80] =	vst v63  }
0xcb: {  	s1 =	sld [smem:$0x7F7]  }
0xcc: {  	[spmem:s31] =	stream.linear.scatter [tilespmem:s11], [sflag:$0x2], $0x400, $0x38;
	[tilespmem:$0x4E80] =	vst v63  }
0xcd: {  	s12 =	sld [smem:$0x7F8]  }
0xce: {  	[spmem:s1] =	stream.linear.scatter [tilespmem:s11], [sflag:$0x2], $0x400, $0x38;
	[tilespmem:$0x4E80] =	vst v63  }
0xcf: {  	s13 =	sld [smem:$0x7F9]  }
0xd0: {  	[spmem:s12] =	stream.linear.scatter [tilespmem:s11], [sflag:$0x2], $0x400, $0x38;
	[tilespmem:$0x4E80] =	vst v63  }
0xd1: {  	s14 =	sld [smem:$0x7FA]  }
0xd2: {  	[spmem:s13] =	stream.linear.scatter [tilespmem:s11], [sflag:$0x2], $0x400, $0x38;
	[tilespmem:$0x4E80] =	vst v63  }
0xd3: {  	s15 =	sld [smem:$0x7FB]  }
0xd4: {  	[spmem:s14] =	stream.linear.scatter [tilespmem:s11], [sflag:$0x2], $0x400, $0x38;
	[tilespmem:$0x4E80] =	vst v63  }
0xd5: {  	s23 =	sld [smem:$0x7FC]  }
0xd6: {  	[spmem:s15] =	stream.linear.scatter [tilespmem:s11], [sflag:$0x2], $0x400, $0x38;
	[tilespmem:$0x4E80] =	vst v63  }
0xd7: {  	s31 =	sld [smem:$0x7FD]  }
0xd8: {  	[spmem:s23] =	stream.linear.scatter [tilespmem:s11], [sflag:$0x2], $0x400, $0x38;
	[tilespmem:$0x4E80] =	vst v63  }
0xd9: {  	_ = 	snop  }
0xda: {  	[spmem:s31] =	stream.linear.scatter [tilespmem:s11], [sflag:$0x2], $0x400, $0x38;
	[tilespmem:$0x4E80] =	vst v63  }
0xdb: {  	_ =	swait.ge [sflag:s0], $0x400  }
0xdc: {  	s5 =	simm.s32 $0x37;
	[sflag:s0] =	ssyncset.done $0x0  }
.LBB2_6:
0xdd: {  	p0 =	sne.s32 s5, $0x1;
	s5 =	sadd.s32 $0xFFFFFFFF, s5;
	[sflag:s0] =	ssyncadd.s32 $0xFFFFFC00  }
.Ltmp2:
0xde: {  	(pc) =	sbr.rel @p0 .LBB2_6-.Ltmp2, $3  }
0xdf: {  	_ =	sdelay $0x1  }
0xe0: {  	_ =	swait.ge [sflag:s0], $0x400  }
0xe1: {  	[sflag:s0] =	ssyncset.done $0x0  }
0xe2: {  	[sflag:s0] =	ssyncadd.s32 $0xFFFFFC00  }
0xe3: {  	s31 =	simm.s32 $0x0;
	s5 =	sadd.s32 $0x0, s22;
	[bflag:$0x0] =	sbarrier.arrive $0xFFFF  }
0xe4: {  	[tilespmem:s31], [sflag:$0x1] =	stream.linear.gather [hbm4b:s5+s31], $0x70, $0x38;
	[tilespmem:$0x4E80] =	vst v63  }
0xe5: {  	s23 =	sadd.s32 $0x0, s21  }
0xe6: {  	[tilespmem:s24], [sflag:$0x1] =	stream.linear.gather [hbm4b:s23+s31], $0x70, $0x38;
	[tilespmem:$0x4E80] =	vst v63  }
0xe7: {  	s1 =	sadd.s32 $0x0, s20  }
0xe8: {  	[tilespmem:s7], [sflag:$0x1] =	stream.linear.gather [hbm4b:s1+s31], $0x70, $0x38;
	[tilespmem:$0x4E80] =	vst v63  }
0xe9: {  	s11 =	sadd.s32 $0x0, s19  }
0xea: {  	[tilespmem:s8], [sflag:$0x1] =	stream.linear.gather [hbm4b:s11+s31], $0x70, $0x38;
	[tilespmem:$0x4E80] =	vst v63  }
0xeb: {  	s12 =	sadd.s32 $0x0, s18  }
0xec: {  	[tilespmem:s9], [sflag:$0x1] =	stream.linear.gather [hbm4b:s12+s31], $0x70, $0x38;
	[tilespmem:$0x4E80] =	vst v63  }
0xed: {  	s13 =	sadd.s32 $0x0, s17  }
0xee: {  	[tilespmem:s10], [sflag:$0x1] =	stream.linear.gather [hbm4b:s13+s31], $0x70, $0x38;
	[tilespmem:$0x4E80] =	vst v63  }
0xef: {  	s14 =	sadd.s32 $0x0, s16;
	s11 =	rddreg [dreg:$0x5]  }
0xf0: {  	[tilespmem:s25], [sflag:$0x1] =	stream.linear.gather [hbm4b:s14+s31], $0x70, $0x38;
	[tilespmem:$0x4E80] =	vst v63  }
0xf1: {  	s15 =	sadd.s32 $0x0, s11;
	s12 =	rddreg [dreg:$0x4]  }
0xf2: {  	[tilespmem:s26], [sflag:$0x1] =	stream.linear.gather [hbm4b:s15+s31], $0x70, $0x38;
	[tilespmem:$0x4E80] =	vst v63  }
0xf3: {  	s23 =	sadd.s32 $0x0, s12  }
0xf4: {  	[tilespmem:s28], [sflag:$0x1] =	stream.linear.gather [hbm4b:s23+s31], $0x70, $0x38;
	[tilespmem:$0x4E80] =	vst v63  }
0xf5: {  	_ =	swait.ge [sflag:s29], $0x70  }
0xf6: {  	[sflag:s29] =	ssyncset.done $0x0  }
0xf7: {  	[sflag:s29] =	ssyncadd.s32 $0xFFFFFF90  }
0xf8: {  	_ =	swait.ge [sflag:s29], $0x70  }
0xf9: {  	[sflag:s29] =	ssyncset.done $0x0  }
0xfa: {  	[sflag:s29] =	ssyncadd.s32 $0xFFFFFF90  }
0xfb: {  	_ =	swait.ge [sflag:s29], $0x70  }
0xfc: {  	[sflag:s29] =	ssyncset.done $0x0  }
0xfd: {  	[sflag:s29] =	ssyncadd.s32 $0xFFFFFF90  }
0xfe: {  	_ =	swait.ge [sflag:s29], $0x70  }
0xff: {  	[sflag:s29] =	ssyncset.done $0x0  }
0x100: {  	[sflag:s29] =	ssyncadd.s32 $0xFFFFFF90  }
0x101: {  	_ =	swait.ge [sflag:s29], $0x70  }
0x102: {  	[sflag:s29] =	ssyncset.done $0x0  }
0x103: {  	[sflag:s29] =	ssyncadd.s32 $0xFFFFFF90  }
0x104: {  	_ =	swait.ge [sflag:s29], $0x70  }
0x105: {  	[sflag:s29] =	ssyncset.done $0x0  }
0x106: {  	[sflag:s29] =	ssyncadd.s32 $0xFFFFFF90  }
0x107: {  	_ =	swait.ge [sflag:s29], $0x70  }
0x108: {  	[sflag:s29] =	ssyncset.done $0x0  }
0x109: {  	[sflag:s29] =	ssyncadd.s32 $0xFFFFFF90  }
0x10a: {  	_ =	swait.ge [sflag:s29], $0x70  }
0x10b: {  	[sflag:s29] =	ssyncset.done $0x0  }
0x10c: {  	[sflag:s29] =	ssyncadd.s32 $0xFFFFFF90  }
0x10d: {  	_ =	swait.ge [sflag:s29], $0x70  }
0x10e: {  	[sflag:s29] =	ssyncset.done $0x0  }
0x10f: {  	[sflag:s29] =	ssyncadd.s32 $0xFFFFFF90  }
0x110: {  	[spmem:s2] =	stream.indirect.scatter.add.f32 [tilespmem:s6], [sflag:$0x2], $0x8, s31, s30, $0xb8;
	[tilespmem:$0x4E80] =	vst v63  }
0x111: {  	_ = 	snop  }
0x112: {  	[spmem:s2] =	stream.indirect.scatter.add.f32 [tilespmem:s6], [sflag:$0x2], $0x8, s24, s30, $0xb8;
	[tilespmem:$0x4E80] =	vst v63  }
0x113: {  	_ = 	snop  }
0x114: {  	[spmem:s2] =	stream.indirect.scatter.add.f32 [tilespmem:s6], [sflag:$0x2], $0x8, s7, s30, $0xb8;
	[tilespmem:$0x4E80] =	vst v63  }
0x115: {  	_ = 	snop  }
0x116: {  	[spmem:s2] =	stream.indirect.scatter.add.f32 [tilespmem:s6], [sflag:$0x2], $0x8, s8, s30, $0xb8;
	[tilespmem:$0x4E80] =	vst v63  }
0x117: {  	_ = 	snop  }
0x118: {  	[spmem:s2] =	stream.indirect.scatter.add.f32 [tilespmem:s6], [sflag:$0x2], $0x8, s9, s30, $0xb8;
	[tilespmem:$0x4E80] =	vst v63  }
0x119: {  	_ = 	snop  }
0x11a: {  	[spmem:s2] =	stream.indirect.scatter.add.f32 [tilespmem:s6], [sflag:$0x2], $0x8, s10, s30, $0xb8;
	[tilespmem:$0x4E80] =	vst v63  }
0x11b: {  	_ = 	snop  }
0x11c: {  	[spmem:s2] =	stream.indirect.scatter.add.f32 [tilespmem:s6], [sflag:$0x2], $0x8, s25, s30, $0xb8;
	[tilespmem:$0x4E80] =	vst v63  }
0x11d: {  	_ = 	snop  }
0x11e: {  	[spmem:s2] =	stream.indirect.scatter.add.f32 [tilespmem:s6], [sflag:$0x2], $0x8, s26, s30, $0xb8;
	[tilespmem:$0x4E80] =	vst v63  }
0x11f: {  	_ = 	snop  }
0x120: {  	[spmem:s2] =	stream.indirect.scatter.add.f32 [tilespmem:s6], [sflag:$0x2], $0x8, s28, s30, $0xb8;
	[tilespmem:$0x4E80] =	vst v63  }
0x121: {  	_ =	swait.ge [sflag:s0], $0x380  }
0x122: {  	[sflag:s0] =	ssyncset.done $0x0  }
0x123: {  	[sflag:s0] =	ssyncadd.s32 $0xFFFFFC80  }
0x124: {  	_ =	swait.ge [sflag:s0], $0x380  }
0x125: {  	[sflag:s0] =	ssyncset.done $0x0  }
0x126: {  	[sflag:s0] =	ssyncadd.s32 $0xFFFFFC80  }
0x127: {  	_ =	swait.ge [sflag:s0], $0x380  }
0x128: {  	[sflag:s0] =	ssyncset.done $0x0  }
0x129: {  	[sflag:s0] =	ssyncadd.s32 $0xFFFFFC80  }
0x12a: {  	_ =	swait.ge [sflag:s0], $0x380  }
0x12b: {  	[sflag:s0] =	ssyncset.done $0x0  }
0x12c: {  	[sflag:s0] =	ssyncadd.s32 $0xFFFFFC80  }
0x12d: {  	_ =	swait.ge [sflag:s0], $0x380  }
0x12e: {  	[sflag:s0] =	ssyncset.done $0x0  }
0x12f: {  	[sflag:s0] =	ssyncadd.s32 $0xFFFFFC80  }
0x130: {  	_ =	swait.ge [sflag:s0], $0x380  }
0x131: {  	[sflag:s0] =	ssyncset.done $0x0  }
0x132: {  	[sflag:s0] =	ssyncadd.s32 $0xFFFFFC80  }
0x133: {  	_ =	swait.ge [sflag:s0], $0x380  }
0x134: {  	[sflag:s0] =	ssyncset.done $0x0  }
0x135: {  	[sflag:s0] =	ssyncadd.s32 $0xFFFFFC80  }
0x136: {  	_ =	swait.ge [sflag:s0], $0x380  }
0x137: {  	[sflag:s0] =	ssyncset.done $0x0  }
0x138: {  	[sflag:s0] =	ssyncadd.s32 $0xFFFFFC80  }
0x139: {  	s5 =	simm.s32 $0x7E;
	_ =	swait.ge [sflag:s0], $0x380  }
0x13a: {  	s11 =	simm.s32 $0x7E;
	s12 =	simm.s32 $0xFC;
	[sflag:s0] =	ssyncset.done $0x0  }
.LBB2_8:
0x13b: {  	s14 =	sadd.s32 s11, s22;
	[sflag:s0] =	ssyncadd.s32 $0xFFFFFC80  }
0x13c: {  	[tilespmem:s31], [sflag:$0x1] =	stream.linear.gather [hbm4b:s14+s31], $0x70, $0x38;
	[tilespmem:$0x4E80] =	vst v63  }
0x13d: {  	s14 =	sadd.s32 s11, s21  }
0x13e: {  	[tilespmem:s24], [sflag:$0x1] =	stream.linear.gather [hbm4b:s14+s31], $0x70, $0x38;
	[tilespmem:$0x4E80] =	vst v63  }
0x13f: {  	s23 =	sadd.s32 s11, s20  }
0x140: {  	[tilespmem:s7], [sflag:$0x1] =	stream.linear.gather [hbm4b:s23+s31], $0x70, $0x38;
	[tilespmem:$0x4E80] =	vst v63  }
0x141: {  	s1 =	sadd.s32 s11, s19  }
0x142: {  	[tilespmem:s8], [sflag:$0x1] =	stream.linear.gather [hbm4b:s1+s31], $0x70, $0x38;
	[tilespmem:$0x4E80] =	vst v63  }
0x143: {  	s14 =	sadd.s32 s11, s18  }
0x144: {  	[tilespmem:s9], [sflag:$0x1] =	stream.linear.gather [hbm4b:s14+s31], $0x70, $0x38;
	[tilespmem:$0x4E80] =	vst v63  }
0x145: {  	s23 =	sadd.s32 s11, s17;
	s1 =	sadd.s32 s11, s16;
	s14 =	rddreg [dreg:$0x5]  }
0x146: {  	[tilespmem:s10], [sflag:$0x1] =	stream.linear.gather [hbm4b:s23+s31], $0x70, $0x38;
	[tilespmem:$0x4E80] =	vst v63  }
0x147: {  	s23 =	smov.u32 s22;
	s22 =	smov.u32 s21;
	s21 =	smov.u32 s20  }
0x148: {  	s20 =	smov.u32 s19;
	s19 =	smov.u32 s18;
	s18 =	smov.u32 s17  }
0x149: {  	[tilespmem:s25], [sflag:$0x1] =	stream.linear.gather [hbm4b:s1+s31], $0x70, $0x38;
	[tilespmem:$0x4E80] =	vst v63  }
0x14a: {  	s17 =	smov.u32 s16;
	s16 =	rddreg [dreg:$0x4];
	s1 =	sadd.s32 s11, s14  }
0x14b: {  	[tilespmem:s26], [sflag:$0x1] =	stream.linear.gather [hbm4b:s1+s31], $0x70, $0x38;
	[tilespmem:$0x4E80] =	vst v63  }
0x14c: {  	s14 =	sadd.s32 s11, s16  }
0x14d: {  	[tilespmem:s28], [sflag:$0x1] =	stream.linear.gather [hbm4b:s14+s31], $0x70, $0x38;
	[tilespmem:$0x4E80] =	vst v63  }
0x14e: {  	_ =	swait.ge [sflag:s29], $0x70  }
0x14f: {  	[sflag:s29] =	ssyncset.done $0x0  }
0x150: {  	[sflag:s29] =	ssyncadd.s32 $0xFFFFFF90  }
0x151: {  	_ =	swait.ge [sflag:s29], $0x70  }
0x152: {  	[sflag:s29] =	ssyncset.done $0x0  }
0x153: {  	[sflag:s29] =	ssyncadd.s32 $0xFFFFFF90  }
0x154: {  	_ =	swait.ge [sflag:s29], $0x70  }
0x155: {  	[sflag:s29] =	ssyncset.done $0x0  }
0x156: {  	[sflag:s29] =	ssyncadd.s32 $0xFFFFFF90  }
0x157: {  	_ =	swait.ge [sflag:s29], $0x70  }
0x158: {  	[sflag:s29] =	ssyncset.done $0x0  }
0x159: {  	[sflag:s29] =	ssyncadd.s32 $0xFFFFFF90  }
0x15a: {  	_ =	swait.ge [sflag:s29], $0x70  }
0x15b: {  	[sflag:s29] =	ssyncset.done $0x0  }
0x15c: {  	[sflag:s29] =	ssyncadd.s32 $0xFFFFFF90  }
0x15d: {  	_ =	swait.ge [sflag:s29], $0x70  }
0x15e: {  	[sflag:s29] =	ssyncset.done $0x0  }
0x15f: {  	[sflag:s29] =	ssyncadd.s32 $0xFFFFFF90  }
0x160: {  	_ =	swait.ge [sflag:s29], $0x70  }
0x161: {  	[sflag:s29] =	ssyncset.done $0x0  }
0x162: {  	[sflag:s29] =	ssyncadd.s32 $0xFFFFFF90  }
0x163: {  	_ =	swait.ge [sflag:s29], $0x70  }
0x164: {  	[sflag:s29] =	ssyncset.done $0x0  }
0x165: {  	[sflag:s29] =	ssyncadd.s32 $0xFFFFFF90  }
0x166: {  	_ =	swait.ge [sflag:s29], $0x70  }
0x167: {  	[sflag:s29] =	ssyncset.done $0x0  }
0x168: {  	[sflag:s29] =	ssyncadd.s32 $0xFFFFFF90  }
0x169: {  	[spmem:s2] =	stream.indirect.scatter.add.f32 [tilespmem:s6], [sflag:$0x2], $0x8, s31, s30, $0xb8;
	[tilespmem:$0x4E80] =	vst v63  }
0x16a: {  	_ = 	snop  }
0x16b: {  	[spmem:s2] =	stream.indirect.scatter.add.f32 [tilespmem:s6], [sflag:$0x2], $0x8, s24, s30, $0xb8;
	[tilespmem:$0x4E80] =	vst v63  }
0x16c: {  	_ = 	snop  }
0x16d: {  	[spmem:s2] =	stream.indirect.scatter.add.f32 [tilespmem:s6], [sflag:$0x2], $0x8, s7, s30, $0xb8;
	[tilespmem:$0x4E80] =	vst v63  }
0x16e: {  	_ = 	snop  }
0x16f: {  	[spmem:s2] =	stream.indirect.scatter.add.f32 [tilespmem:s6], [sflag:$0x2], $0x8, s8, s30, $0xb8;
	[tilespmem:$0x4E80] =	vst v63  }
0x170: {  	_ = 	snop  }
0x171: {  	[spmem:s2] =	stream.indirect.scatter.add.f32 [tilespmem:s6], [sflag:$0x2], $0x8, s9, s30, $0xb8;
	[tilespmem:$0x4E80] =	vst v63  }
0x172: {  	_ = 	snop  }
0x173: {  	[spmem:s2] =	stream.indirect.scatter.add.f32 [tilespmem:s6], [sflag:$0x2], $0x8, s10, s30, $0xb8;
	[tilespmem:$0x4E80] =	vst v63  }
0x174: {  	_ = 	snop  }
0x175: {  	[spmem:s2] =	stream.indirect.scatter.add.f32 [tilespmem:s6], [sflag:$0x2], $0x8, s25, s30, $0xb8;
	[tilespmem:$0x4E80] =	vst v63  }
0x176: {  	_ = 	snop  }
0x177: {  	[spmem:s2] =	stream.indirect.scatter.add.f32 [tilespmem:s6], [sflag:$0x2], $0x8, s26, s30, $0xb8;
	[tilespmem:$0x4E80] =	vst v63  }
0x178: {  	_ = 	snop  }
0x179: {  	[spmem:s2] =	stream.indirect.scatter.add.f32 [tilespmem:s6], [sflag:$0x2], $0x8, s28, s30, $0xb8;
	[tilespmem:$0x4E80] =	vst v63  }
0x17a: {  	_ =	swait.ge [sflag:s0], $0x380  }
0x17b: {  	[sflag:s0] =	ssyncset.done $0x0  }
0x17c: {  	[sflag:s0] =	ssyncadd.s32 $0xFFFFFC80  }
0x17d: {  	_ =	swait.ge [sflag:s0], $0x380  }
0x17e: {  	[sflag:s0] =	ssyncset.done $0x0  }
0x17f: {  	[sflag:s0] =	ssyncadd.s32 $0xFFFFFC80  }
0x180: {  	_ =	swait.ge [sflag:s0], $0x380  }
0x181: {  	[sflag:s0] =	ssyncset.done $0x0  }
0x182: {  	[sflag:s0] =	ssyncadd.s32 $0xFFFFFC80  }
0x183: {  	_ =	swait.ge [sflag:s0], $0x380  }
0x184: {  	[sflag:s0] =	ssyncset.done $0x0  }
0x185: {  	[sflag:s0] =	ssyncadd.s32 $0xFFFFFC80  }
0x186: {  	_ =	swait.ge [sflag:s0], $0x380  }
0x187: {  	[sflag:s0] =	ssyncset.done $0x0  }
0x188: {  	[sflag:s0] =	ssyncadd.s32 $0xFFFFFC80  }
0x189: {  	_ =	swait.ge [sflag:s0], $0x380  }
0x18a: {  	[sflag:s0] =	ssyncset.done $0x0  }
0x18b: {  	[sflag:s0] =	ssyncadd.s32 $0xFFFFFC80  }
0x18c: {  	_ =	swait.ge [sflag:s0], $0x380  }
0x18d: {  	s15 =	smov.u32 s12;
	[sflag:s0] =	ssyncset.done $0x0  }
0x18e: {  	s13 =	sadd.s32 $0x7E, s12;
	p0 =	sne.s32 s12, $0x46E;
	[sflag:s0] =	ssyncadd.s32 $0xFFFFFC80  }
.Ltmp3:
0x18f: {  	s12 =	smov.u32 s13;
	_ =	swait.ge [sflag:s0], $0x380;
	(pc) =	sbr.rel @p0 .LBB2_8-.Ltmp3, $4  }
0x190: {  	s16 =	smov.u32 s17;
	s17 =	smov.u32 s18;
	[sflag:s0] =	ssyncset.done $0x0  }
0x191: {  	s18 =	smov.u32 s19;
	s19 =	smov.u32 s20;
	[sflag:s0] =	ssyncadd.s32 $0xFFFFFC80  }
0x192: {  	s20 =	smov.u32 s21;
	s21 =	smov.u32 s22;
	_ =	swait.ge [sflag:s0], $0x380  }
0x193: {  	s22 =	smov.u32 s23;
	s11 =	smov.u32 s15;
	[sflag:s0] =	ssyncset.done $0x0  }
0x194: {  	s12 =	sadd.s32 s11, s22;
	[sflag:s0] =	ssyncadd.s32 $0xFFFFFC80  }
0x195: {  	[tilespmem:s31], [sflag:$0x1] =	stream.linear.gather [hbm4b:s12+s31], $0x70, $0x38;
	[tilespmem:$0x4E80] =	vst v63  }
0x196: {  	s23 =	sadd.s32 s11, s21  }
0x197: {  	[tilespmem:s24], [sflag:$0x1] =	stream.linear.gather [hbm4b:s23+s31], $0x70, $0x38;
	[tilespmem:$0x4E80] =	vst v63  }
0x198: {  	s1 =	sadd.s32 s11, s20  }
0x199: {  	[tilespmem:s7], [sflag:$0x1] =	stream.linear.gather [hbm4b:s1+s31], $0x70, $0x38;
	[tilespmem:$0x4E80] =	vst v63  }
0x19a: {  	s13 =	sadd.s32 s11, s19  }
0x19b: {  	[tilespmem:s8], [sflag:$0x1] =	stream.linear.gather [hbm4b:s13+s31], $0x70, $0x38;
	[tilespmem:$0x4E80] =	vst v63  }
0x19c: {  	s14 =	sadd.s32 s11, s18  }
0x19d: {  	[tilespmem:s9], [sflag:$0x1] =	stream.linear.gather [hbm4b:s14+s31], $0x70, $0x38;
	[tilespmem:$0x4E80] =	vst v63  }
0x19e: {  	s15 =	sadd.s32 s11, s17  }
0x19f: {  	[tilespmem:s10], [sflag:$0x1] =	stream.linear.gather [hbm4b:s15+s31], $0x70, $0x38;
	[tilespmem:$0x4E80] =	vst v63  }
0x1a0: {  	s23 =	rddreg [dreg:$0x5];
	s13 =	sadd.s32 s11, s16  }
0x1a1: {  	[tilespmem:s25], [sflag:$0x1] =	stream.linear.gather [hbm4b:s13+s31], $0x70, $0x38;
	[tilespmem:$0x4E80] =	vst v63  }
0x1a2: {  	s12 =	sadd.s32 s11, s23;
	s1 =	rddreg [dreg:$0x4]  }
0x1a3: {  	[tilespmem:s26], [sflag:$0x1] =	stream.linear.gather [hbm4b:s12+s31], $0x70, $0x38;
	[tilespmem:$0x4E80] =	vst v63  }
0x1a4: {  	s13 =	sadd.s32 s11, s1  }
0x1a5: {  	[tilespmem:s28], [sflag:$0x1] =	stream.linear.gather [hbm4b:s13+s31], $0x70, $0x38;
	[tilespmem:$0x4E80] =	vst v63  }
0x1a6: {  	_ =	swait.ge [sflag:s29], $0x70  }
0x1a7: {  	[sflag:s29] =	ssyncset.done $0x0  }
0x1a8: {  	[sflag:s29] =	ssyncadd.s32 $0xFFFFFF90  }
0x1a9: {  	_ =	swait.ge [sflag:s29], $0x70  }
0x1aa: {  	[sflag:s29] =	ssyncset.done $0x0  }
0x1ab: {  	[sflag:s29] =	ssyncadd.s32 $0xFFFFFF90  }
0x1ac: {  	_ =	swait.ge [sflag:s29], $0x70  }
0x1ad: {  	[sflag:s29] =	ssyncset.done $0x0  }
0x1ae: {  	[sflag:s29] =	ssyncadd.s32 $0xFFFFFF90  }
0x1af: {  	_ =	swait.ge [sflag:s29], $0x70  }
0x1b0: {  	[sflag:s29] =	ssyncset.done $0x0  }
0x1b1: {  	[sflag:s29] =	ssyncadd.s32 $0xFFFFFF90  }
0x1b2: {  	_ =	swait.ge [sflag:s29], $0x70  }
0x1b3: {  	[sflag:s29] =	ssyncset.done $0x0  }
0x1b4: {  	[sflag:s29] =	ssyncadd.s32 $0xFFFFFF90  }
0x1b5: {  	_ =	swait.ge [sflag:s29], $0x70  }
0x1b6: {  	[sflag:s29] =	ssyncset.done $0x0  }
0x1b7: {  	[sflag:s29] =	ssyncadd.s32 $0xFFFFFF90  }
0x1b8: {  	_ =	swait.ge [sflag:s29], $0x70  }
0x1b9: {  	[sflag:s29] =	ssyncset.done $0x0  }
0x1ba: {  	[sflag:s29] =	ssyncadd.s32 $0xFFFFFF90  }
0x1bb: {  	_ =	swait.ge [sflag:s29], $0x70  }
0x1bc: {  	[sflag:s29] =	ssyncset.done $0x0  }
0x1bd: {  	[sflag:s29] =	ssyncadd.s32 $0xFFFFFF90  }
0x1be: {  	_ =	swait.ge [sflag:s29], $0x70  }
0x1bf: {  	[sflag:s29] =	ssyncset.done $0x0  }
0x1c0: {  	[sflag:s29] =	ssyncadd.s32 $0xFFFFFF90  }
0x1c1: {  	[spmem:s2] =	stream.indirect.scatter.add.f32 [tilespmem:s6], [sflag:$0x2], $0x8, s31, s30, $0xb8;
	[tilespmem:$0x4E80] =	vst v63  }
0x1c2: {  	_ = 	snop  }
0x1c3: {  	[spmem:s2] =	stream.indirect.scatter.add.f32 [tilespmem:s6], [sflag:$0x2], $0x8, s24, s30, $0xb8;
	[tilespmem:$0x4E80] =	vst v63  }
0x1c4: {  	_ = 	snop  }
0x1c5: {  	[spmem:s2] =	stream.indirect.scatter.add.f32 [tilespmem:s6], [sflag:$0x2], $0x8, s7, s30, $0xb8;
	[tilespmem:$0x4E80] =	vst v63  }
0x1c6: {  	_ = 	snop  }
0x1c7: {  	[spmem:s2] =	stream.indirect.scatter.add.f32 [tilespmem:s6], [sflag:$0x2], $0x8, s8, s30, $0xb8;
	[tilespmem:$0x4E80] =	vst v63  }
0x1c8: {  	_ = 	snop  }
0x1c9: {  	[spmem:s2] =	stream.indirect.scatter.add.f32 [tilespmem:s6], [sflag:$0x2], $0x8, s9, s30, $0xb8;
	[tilespmem:$0x4E80] =	vst v63  }
0x1ca: {  	_ = 	snop  }
0x1cb: {  	[spmem:s2] =	stream.indirect.scatter.add.f32 [tilespmem:s6], [sflag:$0x2], $0x8, s10, s30, $0xb8;
	[tilespmem:$0x4E80] =	vst v63  }
0x1cc: {  	_ = 	snop  }
0x1cd: {  	[spmem:s2] =	stream.indirect.scatter.add.f32 [tilespmem:s6], [sflag:$0x2], $0x8, s25, s30, $0xb8;
	[tilespmem:$0x4E80] =	vst v63  }
0x1ce: {  	_ = 	snop  }
0x1cf: {  	[spmem:s2] =	stream.indirect.scatter.add.f32 [tilespmem:s6], [sflag:$0x2], $0x8, s26, s30, $0xb8;
	[tilespmem:$0x4E80] =	vst v63  }
0x1d0: {  	_ = 	snop  }
0x1d1: {  	[spmem:s2] =	stream.indirect.scatter.add.f32 [tilespmem:s6], [sflag:$0x2], $0x8, s28, s30, $0xb8;
	[tilespmem:$0x4E80] =	vst v63  }
0x1d2: {  	_ =	swait.ge [sflag:s0], $0x380  }
0x1d3: {  	[sflag:s0] =	ssyncset.done $0x0  }
0x1d4: {  	[sflag:s0] =	ssyncadd.s32 $0xFFFFFC80  }
0x1d5: {  	_ =	swait.ge [sflag:s0], $0x380  }
0x1d6: {  	[sflag:s0] =	ssyncset.done $0x0  }
0x1d7: {  	[sflag:s0] =	ssyncadd.s32 $0xFFFFFC80  }
0x1d8: {  	_ =	swait.ge [sflag:s0], $0x380  }
0x1d9: {  	[sflag:s0] =	ssyncset.done $0x0  }
0x1da: {  	[sflag:s0] =	ssyncadd.s32 $0xFFFFFC80  }
0x1db: {  	_ =	swait.ge [sflag:s0], $0x380  }
0x1dc: {  	[sflag:s0] =	ssyncset.done $0x0  }
0x1dd: {  	[sflag:s0] =	ssyncadd.s32 $0xFFFFFC80  }
0x1de: {  	_ =	swait.ge [sflag:s0], $0x380  }
0x1df: {  	[sflag:s0] =	ssyncset.done $0x0  }
0x1e0: {  	[sflag:s0] =	ssyncadd.s32 $0xFFFFFC80  }
0x1e1: {  	_ =	swait.ge [sflag:s0], $0x380  }
0x1e2: {  	[sflag:s0] =	ssyncset.done $0x0  }
0x1e3: {  	[sflag:s0] =	ssyncadd.s32 $0xFFFFFC80  }
0x1e4: {  	_ =	swait.ge [sflag:s0], $0x380  }
0x1e5: {  	[sflag:s0] =	ssyncset.done $0x0  }
0x1e6: {  	[sflag:s0] =	ssyncadd.s32 $0xFFFFFC80  }
0x1e7: {  	_ =	swait.ge [sflag:s0], $0x380  }
0x1e8: {  	[sflag:s0] =	ssyncset.done $0x0  }
0x1e9: {  	[sflag:s0] =	ssyncadd.s32 $0xFFFFFC80  }
0x1ea: {  	_ =	swait.ge [sflag:s0], $0x380  }
0x1eb: {  	[sflag:s0] =	ssyncset.done $0x0;
	s1 =	rddreg [dreg:$0xa]  }
0x1ec: {  	s15 =	rddreg [dreg:$0x9];
	[sflag:s0] =	ssyncadd.s32 $0xFFFFFC80;
	s14 =	sadd.s32 $0x0, s1  }
0x1ed: {  	[tilespmem:s4], [sflag:$0x1] =	stream.linear.gather [hbm4b:s14+s4], $0x70, $0x38;
	[tilespmem:$0x4E80] =	vst v63  }
0x1ee: {  	s25 =	rddreg [dreg:$0x14];
	s23 =	sadd.s32 $0x0, s15  }
0x1ef: {  	[tilespmem:s24], [sflag:$0x1] =	stream.linear.gather [hbm4b:s23+s4], $0x70, $0x38;
	[tilespmem:$0x4E80] =	vst v63  }
0x1f0: {  	s28 =	rddreg [dreg:$0x13];
	s26 =	sadd.s32 $0x0, s25  }
0x1f1: {  	[tilespmem:s7], [sflag:$0x1] =	stream.linear.gather [hbm4b:s26+s4], $0x70, $0x38;
	[tilespmem:$0x4E80] =	vst v63  }
0x1f2: {  	s11 =	sadd.s32 $0x0, s28;
	s15 =	rddreg [dreg:$0x8];
	s26 =	simm.s32 $0x180  }
0x1f3: {  	[tilespmem:s26], [sflag:$0x1] =	stream.linear.gather [hbm4b:s11+s4], $0x70, $0x38;
	[tilespmem:$0x4E80] =	vst v63  }
0x1f4: {  	s9 =	simm.s32 $0x200;
	s31 =	rddreg [dreg:$0x12];
	s12 =	sadd.s32 $0x0, s15  }
0x1f5: {  	[tilespmem:s9], [sflag:$0x1] =	stream.linear.gather [hbm4b:s12+s4], $0x70, $0x38;
	[tilespmem:$0x4E80] =	vst v63  }
0x1f6: {  	s10 =	simm.s32 $0x280;
	s24 =	sadd.s32 $0x0, s31  }
0x1f7: {  	[tilespmem:s10], [sflag:$0x1] =	stream.linear.gather [hbm4b:s24+s4], $0x70, $0x38;
	[tilespmem:$0x4E80] =	vst v63  }
0x1f8: {  	s8 =	smov.u32 s25;
	s25 =	simm.s32 $0x300;
	s24 =	rddreg [dreg:$0x11]  }
0x1f9: {  	s23 =	smov.u32 s28;
	s11 =	rddreg [dreg:$0x7];
	s28 =	sadd.s32 $0x0, s24  }
0x1fa: {  	[tilespmem:s25], [sflag:$0x1] =	stream.linear.gather [hbm4b:s28+s4], $0x70, $0x38;
	[tilespmem:$0x4E80] =	vst v63  }
0x1fb: {  	s14 =	simm.s32 $0x380;
	s11 =	sadd.s32 $0x0, s11;
	s28 =	rddreg [dreg:$0x6]  }
0x1fc: {  	[tilespmem:s14], [sflag:$0x1] =	stream.linear.gather [hbm4b:s11+s4], $0x70, $0x38;
	[tilespmem:$0x4E80] =	vst v63  }
0x1fd: {  	s13 =	simm.s32 $0x400;
	s28 =	sadd.s32 $0x0, s28  }
0x1fe: {  	[tilespmem:s13], [sflag:$0x1] =	stream.linear.gather [hbm4b:s28+s4], $0x70, $0x38;
	[tilespmem:$0x4E80] =	vst v63  }
0x1ff: {  	_ =	swait.ge [sflag:s29], $0x70  }
0x200: {  	[sflag:s29] =	ssyncset.done $0x0  }
0x201: {  	[sflag:s29] =	ssyncadd.s32 $0xFFFFFF90  }
0x202: {  	_ =	swait.ge [sflag:s29], $0x70  }
0x203: {  	[sflag:s29] =	ssyncset.done $0x0  }
0x204: {  	[sflag:s29] =	ssyncadd.s32 $0xFFFFFF90  }
0x205: {  	_ =	swait.ge [sflag:s29], $0x70  }
0x206: {  	[sflag:s29] =	ssyncset.done $0x0  }
0x207: {  	[sflag:s29] =	ssyncadd.s32 $0xFFFFFF90  }
0x208: {  	_ =	swait.ge [sflag:s29], $0x70  }
0x209: {  	[sflag:s29] =	ssyncset.done $0x0  }
0x20a: {  	[sflag:s29] =	ssyncadd.s32 $0xFFFFFF90  }
0x20b: {  	_ =	swait.ge [sflag:s29], $0x70  }
0x20c: {  	[sflag:s29] =	ssyncset.done $0x0  }
0x20d: {  	[sflag:s29] =	ssyncadd.s32 $0xFFFFFF90  }
0x20e: {  	_ =	swait.ge [sflag:s29], $0x70  }
0x20f: {  	[sflag:s29] =	ssyncset.done $0x0  }
0x210: {  	[sflag:s29] =	ssyncadd.s32 $0xFFFFFF90  }
0x211: {  	_ =	swait.ge [sflag:s29], $0x70  }
0x212: {  	[sflag:s29] =	ssyncset.done $0x0  }
0x213: {  	[sflag:s29] =	ssyncadd.s32 $0xFFFFFF90  }
0x214: {  	_ =	swait.ge [sflag:s29], $0x70  }
0x215: {  	[sflag:s29] =	ssyncset.done $0x0  }
0x216: {  	[sflag:s29] =	ssyncadd.s32 $0xFFFFFF90  }
0x217: {  	_ =	swait.ge [sflag:s29], $0x70  }
0x218: {  	[sflag:s29] =	ssyncset.done $0x0  }
0x219: {  	[sflag:s29] =	ssyncadd.s32 $0xFFFFFF90  }
0x21a: {  	[spmem:s3] =	stream.indirect.scatter.add.f32 [tilespmem:s6], [sflag:$0x2], $0x8, s4, s30, $0xb8;
	[tilespmem:$0x4E80] =	vst v63  }
0x21b: {  	s1 =	simm.s32 $0x80  }
0x21c: {  	[spmem:s3] =	stream.indirect.scatter.add.f32 [tilespmem:s6], [sflag:$0x2], $0x8, s1, s30, $0xb8;
	[tilespmem:$0x4E80] =	vst v63  }
0x21d: {  	s7 =	simm.s32 $0x100  }
0x21e: {  	[spmem:s3] =	stream.indirect.scatter.add.f32 [tilespmem:s6], [sflag:$0x2], $0x8, s7, s30, $0xb8;
	[tilespmem:$0x4E80] =	vst v63  }
0x21f: {  	_ = 	snop  }
0x220: {  	[spmem:s3] =	stream.indirect.scatter.add.f32 [tilespmem:s6], [sflag:$0x2], $0x8, s26, s30, $0xb8;
	[tilespmem:$0x4E80] =	vst v63  }
0x221: {  	_ = 	snop  }
0x222: {  	[spmem:s3] =	stream.indirect.scatter.add.f32 [tilespmem:s6], [sflag:$0x2], $0x8, s9, s30, $0xb8;
	[tilespmem:$0x4E80] =	vst v63  }
0x223: {  	_ = 	snop  }
0x224: {  	[spmem:s3] =	stream.indirect.scatter.add.f32 [tilespmem:s6], [sflag:$0x2], $0x8, s10, s30, $0xb8;
	[tilespmem:$0x4E80] =	vst v63  }
0x225: {  	_ = 	snop  }
0x226: {  	[spmem:s3] =	stream.indirect.scatter.add.f32 [tilespmem:s6], [sflag:$0x2], $0x8, s25, s30, $0xb8;
	[tilespmem:$0x4E80] =	vst v63  }
0x227: {  	_ = 	snop  }
0x228: {  	[spmem:s3] =	stream.indirect.scatter.add.f32 [tilespmem:s6], [sflag:$0x2], $0x8, s14, s30, $0xb8;
	[tilespmem:$0x4E80] =	vst v63  }
0x229: {  	_ = 	snop  }
0x22a: {  	[spmem:s3] =	stream.indirect.scatter.add.f32 [tilespmem:s6], [sflag:$0x2], $0x8, s13, s30, $0xb8;
	[tilespmem:$0x4E80] =	vst v63  }
0x22b: {  	_ =	swait.ge [sflag:s0], $0x380  }
0x22c: {  	[sflag:s0] =	ssyncset.done $0x0  }
0x22d: {  	[sflag:s0] =	ssyncadd.s32 $0xFFFFFC80  }
0x22e: {  	_ =	swait.ge [sflag:s0], $0x380  }
0x22f: {  	[sflag:s0] =	ssyncset.done $0x0  }
0x230: {  	[sflag:s0] =	ssyncadd.s32 $0xFFFFFC80  }
0x231: {  	_ =	swait.ge [sflag:s0], $0x380  }
0x232: {  	[sflag:s0] =	ssyncset.done $0x0  }
0x233: {  	[sflag:s0] =	ssyncadd.s32 $0xFFFFFC80  }
0x234: {  	_ =	swait.ge [sflag:s0], $0x380  }
0x235: {  	[sflag:s0] =	ssyncset.done $0x0  }
0x236: {  	[sflag:s0] =	ssyncadd.s32 $0xFFFFFC80  }
0x237: {  	_ =	swait.ge [sflag:s0], $0x380  }
0x238: {  	[sflag:s0] =	ssyncset.done $0x0  }
0x239: {  	[sflag:s0] =	ssyncadd.s32 $0xFFFFFC80  }
0x23a: {  	_ =	swait.ge [sflag:s0], $0x380  }
0x23b: {  	[sflag:s0] =	ssyncset.done $0x0  }
0x23c: {  	[sflag:s0] =	ssyncadd.s32 $0xFFFFFC80  }
0x23d: {  	_ =	swait.ge [sflag:s0], $0x380  }
0x23e: {  	[sflag:s0] =	ssyncset.done $0x0  }
0x23f: {  	[sflag:s0] =	ssyncadd.s32 $0xFFFFFC80  }
0x240: {  	_ =	swait.ge [sflag:s0], $0x380  }
0x241: {  	[sflag:s0] =	ssyncset.done $0x0  }
0x242: {  	[sflag:s0] =	ssyncadd.s32 $0xFFFFFC80  }
0x243: {  	_ =	swait.ge [sflag:s0], $0x380  }
0x244: {  	s12 =	simm.s32 $0xFC;
	[sflag:s0] =	ssyncset.done $0x0  }
.LBB2_10:
0x245: {  	s11 =	rddreg [dreg:$0xa]  }
0x246: {  	[sflag:s0] =	ssyncadd.s32 $0xFFFFFC80;
	s1 =	rddreg [dreg:$0x9];
	s13 =	sadd.s32 s5, s11  }
0x247: {  	[tilespmem:s4], [sflag:$0x1] =	stream.linear.gather [hbm4b:s13+s4], $0x70, $0x38;
	[tilespmem:$0x4E80] =	vst v63  }
0x248: {  	s14 =	smov.u32 s12;
	s9 =	sadd.s32 s5, s1;
	s1 =	simm.s32 $0x80  }
0x249: {  	[tilespmem:s1], [sflag:$0x1] =	stream.linear.gather [hbm4b:s9+s4], $0x70, $0x38;
	[tilespmem:$0x4E80] =	vst v63  }
0x24a: {  	p0 =	sne.s32 s12, $0x1F8;
	s10 =	sadd.s32 s5, s8;
	s7 =	simm.s32 $0x100  }
0x24b: {  	[tilespmem:s7], [sflag:$0x1] =	stream.linear.gather [hbm4b:s10+s4], $0x70, $0x38;
	[tilespmem:$0x4E80] =	vst v63  }
0x24c: {  	s28 =	simm.s32 $0x180;
	s15 =	sadd.s32 s5, s15;
	s13 =	sadd.s32 s5, s23  }
0x24d: {  	[tilespmem:s28], [sflag:$0x1] =	stream.linear.gather [hbm4b:s13+s4], $0x70, $0x38;
	[tilespmem:$0x4E80] =	vst v63  }
0x24e: {  	s25 =	sadd.s32 s5, s31;
	s26 =	sadd.s32 s5, s24;
	s9 =	simm.s32 $0x200  }
0x24f: {  	[tilespmem:s9], [sflag:$0x1] =	stream.linear.gather [hbm4b:s15+s4], $0x70, $0x38;
	[tilespmem:$0x4E80] =	vst v63  }
0x250: {  	s11 =	sadd.s32 $0x7E, s12;
	s10 =	simm.s32 $0x280;
	s13 =	rddreg [dreg:$0x7]  }
0x251: {  	[tilespmem:s10], [sflag:$0x1] =	stream.linear.gather [hbm4b:s25+s4], $0x70, $0x38;
	[tilespmem:$0x4E80] =	vst v63  }
0x252: {  	s12 =	sadd.s32 s5, s13;
	s13 =	rddreg [dreg:$0xa];
	s25 =	simm.s32 $0x300  }
0x253: {  	[tilespmem:s25], [sflag:$0x1] =	stream.linear.gather [hbm4b:s26+s4], $0x70, $0x38;
	[tilespmem:$0x4E80] =	vst v63  }
0x254: {  	s15 =	rddreg [dreg:$0x6];
	s26 =	simm.s32 $0x380  }
0x255: {  	[tilespmem:s26], [sflag:$0x1] =	stream.linear.gather [hbm4b:s12+s4], $0x70, $0x38;
	[tilespmem:$0x4E80] =	vst v63  }
0x256: {  	s12 =	sadd.s32 s5, s15;
	s5 =	smov.u32 s14;
	s14 =	simm.s32 $0x400  }
0x257: {  	[tilespmem:s14], [sflag:$0x1] =	stream.linear.gather [hbm4b:s12+s4], $0x70, $0x38;
	[tilespmem:$0x4E80] =	vst v63  }
0x258: {  	s15 =	rddreg [dreg:$0x8];
	_ =	swait.ge [sflag:s29], $0x70  }
0x259: {  	[sflag:s29] =	ssyncset.done $0x0  }
0x25a: {  	[sflag:s29] =	ssyncadd.s32 $0xFFFFFF90  }
0x25b: {  	_ =	swait.ge [sflag:s29], $0x70  }
0x25c: {  	[sflag:s29] =	ssyncset.done $0x0  }
0x25d: {  	[sflag:s29] =	ssyncadd.s32 $0xFFFFFF90  }
0x25e: {  	_ =	swait.ge [sflag:s29], $0x70  }
0x25f: {  	[sflag:s29] =	ssyncset.done $0x0  }
0x260: {  	[sflag:s29] =	ssyncadd.s32 $0xFFFFFF90  }
0x261: {  	_ =	swait.ge [sflag:s29], $0x70  }
0x262: {  	[sflag:s29] =	ssyncset.done $0x0  }
0x263: {  	[sflag:s29] =	ssyncadd.s32 $0xFFFFFF90  }
0x264: {  	_ =	swait.ge [sflag:s29], $0x70  }
0x265: {  	[sflag:s29] =	ssyncset.done $0x0  }
0x266: {  	[sflag:s29] =	ssyncadd.s32 $0xFFFFFF90  }
0x267: {  	_ =	swait.ge [sflag:s29], $0x70  }
0x268: {  	[sflag:s29] =	ssyncset.done $0x0  }
0x269: {  	[sflag:s29] =	ssyncadd.s32 $0xFFFFFF90  }
0x26a: {  	_ =	swait.ge [sflag:s29], $0x70  }
0x26b: {  	[sflag:s29] =	ssyncset.done $0x0  }
0x26c: {  	[sflag:s29] =	ssyncadd.s32 $0xFFFFFF90  }
0x26d: {  	_ =	swait.ge [sflag:s29], $0x70  }
0x26e: {  	[sflag:s29] =	ssyncset.done $0x0  }
0x26f: {  	[sflag:s29] =	ssyncadd.s32 $0xFFFFFF90  }
0x270: {  	_ =	swait.ge [sflag:s29], $0x70  }
0x271: {  	[sflag:s29] =	ssyncset.done $0x0  }
0x272: {  	[sflag:s29] =	ssyncadd.s32 $0xFFFFFF90  }
0x273: {  	[spmem:s3] =	stream.indirect.scatter.add.f32 [tilespmem:s6], [sflag:$0x2], $0x8, s4, s30, $0xb8;
	[tilespmem:$0x4E80] =	vst v63  }
0x274: {  	_ = 	snop  }
0x275: {  	[spmem:s3] =	stream.indirect.scatter.add.f32 [tilespmem:s6], [sflag:$0x2], $0x8, s1, s30, $0xb8;
	[tilespmem:$0x4E80] =	vst v63  }
0x276: {  	_ = 	snop  }
0x277: {  	[spmem:s3] =	stream.indirect.scatter.add.f32 [tilespmem:s6], [sflag:$0x2], $0x8, s7, s30, $0xb8;
	[tilespmem:$0x4E80] =	vst v63  }
0x278: {  	_ = 	snop  }
0x279: {  	[spmem:s3] =	stream.indirect.scatter.add.f32 [tilespmem:s6], [sflag:$0x2], $0x8, s28, s30, $0xb8;
	[tilespmem:$0x4E80] =	vst v63  }
0x27a: {  	_ = 	snop  }
0x27b: {  	[spmem:s3] =	stream.indirect.scatter.add.f32 [tilespmem:s6], [sflag:$0x2], $0x8, s9, s30, $0xb8;
	[tilespmem:$0x4E80] =	vst v63  }
0x27c: {  	_ = 	snop  }
0x27d: {  	[spmem:s3] =	stream.indirect.scatter.add.f32 [tilespmem:s6], [sflag:$0x2], $0x8, s10, s30, $0xb8;
	[tilespmem:$0x4E80] =	vst v63  }
0x27e: {  	_ = 	snop  }
0x27f: {  	[spmem:s3] =	stream.indirect.scatter.add.f32 [tilespmem:s6], [sflag:$0x2], $0x8, s25, s30, $0xb8;
	[tilespmem:$0x4E80] =	vst v63  }
0x280: {  	_ = 	snop  }
0x281: {  	[spmem:s3] =	stream.indirect.scatter.add.f32 [tilespmem:s6], [sflag:$0x2], $0x8, s26, s30, $0xb8;
	[tilespmem:$0x4E80] =	vst v63  }
0x282: {  	_ = 	snop  }
0x283: {  	[spmem:s3] =	stream.indirect.scatter.add.f32 [tilespmem:s6], [sflag:$0x2], $0x8, s14, s30, $0xb8;
	[tilespmem:$0x4E80] =	vst v63  }
0x284: {  	_ =	swait.ge [sflag:s0], $0x380  }
0x285: {  	[sflag:s0] =	ssyncset.done $0x0  }
0x286: {  	[sflag:s0] =	ssyncadd.s32 $0xFFFFFC80  }
0x287: {  	_ =	swait.ge [sflag:s0], $0x380  }
0x288: {  	[sflag:s0] =	ssyncset.done $0x0  }
0x289: {  	[sflag:s0] =	ssyncadd.s32 $0xFFFFFC80  }
0x28a: {  	_ =	swait.ge [sflag:s0], $0x380  }
0x28b: {  	[sflag:s0] =	ssyncset.done $0x0  }
0x28c: {  	[sflag:s0] =	ssyncadd.s32 $0xFFFFFC80  }
0x28d: {  	_ =	swait.ge [sflag:s0], $0x380  }
0x28e: {  	[sflag:s0] =	ssyncset.done $0x0  }
0x28f: {  	[sflag:s0] =	ssyncadd.s32 $0xFFFFFC80  }
0x290: {  	_ =	swait.ge [sflag:s0], $0x380  }
0x291: {  	[sflag:s0] =	ssyncset.done $0x0  }
0x292: {  	[sflag:s0] =	ssyncadd.s32 $0xFFFFFC80  }
0x293: {  	_ =	swait.ge [sflag:s0], $0x380  }
0x294: {  	[sflag:s0] =	ssyncset.done $0x0  }
0x295: {  	[sflag:s0] =	ssyncadd.s32 $0xFFFFFC80  }
0x296: {  	_ =	swait.ge [sflag:s0], $0x380  }
0x297: {  	[sflag:s0] =	ssyncset.done $0x0  }
0x298: {  	[sflag:s0] =	ssyncadd.s32 $0xFFFFFC80  }
.Ltmp4:
0x299: {  	_ =	swait.ge [sflag:s0], $0x380;
	(pc) =	sbr.rel @p0 .LBB2_10-.Ltmp4, $4  }
0x29a: {  	[sflag:s0] =	ssyncset.done $0x0  }
0x29b: {  	[sflag:s0] =	ssyncadd.s32 $0xFFFFFC80  }
0x29c: {  	_ =	swait.ge [sflag:s0], $0x380  }
0x29d: {  	s12 =	smov.u32 s11;
	[sflag:s0] =	ssyncset.done $0x0  }
0x29e: {  	s11 =	sadd.s32 s5, s13;
	[sflag:s0] =	ssyncadd.s32 $0xFFFFFC80;
	s1 =	rddreg [dreg:$0x9]  }
0x29f: {  	[tilespmem:s4], [sflag:$0x1] =	stream.linear.gather [hbm4b:s11+s4], $0x70, $0x38;
	[tilespmem:$0x4E80] =	vst v63  }
0x2a0: {  	s26 =	simm.s32 $0x80;
	s12 =	sadd.s32 s5, s1  }
0x2a1: {  	[tilespmem:s26], [sflag:$0x1] =	stream.linear.gather [hbm4b:s12+s4], $0x70, $0x38;
	[tilespmem:$0x4E80] =	vst v63  }
0x2a2: {  	s13 =	sadd.s32 s5, s8;
	s7 =	simm.s32 $0x100  }
0x2a3: {  	[tilespmem:s7], [sflag:$0x1] =	stream.linear.gather [hbm4b:s13+s4], $0x70, $0x38;
	[tilespmem:$0x4E80] =	vst v63  }
0x2a4: {  	s14 =	sadd.s32 s5, s23;
	s25 =	simm.s32 $0x180  }
0x2a5: {  	[tilespmem:s25], [sflag:$0x1] =	stream.linear.gather [hbm4b:s14+s4], $0x70, $0x38;
	[tilespmem:$0x4E80] =	vst v63  }
0x2a6: {  	s23 =	sadd.s32 s5, s15;
	s9 =	simm.s32 $0x200  }
0x2a7: {  	[tilespmem:s9], [sflag:$0x1] =	stream.linear.gather [hbm4b:s23+s4], $0x70, $0x38;
	[tilespmem:$0x4E80] =	vst v63  }
0x2a8: {  	s10 =	simm.s32 $0x280;
	s1 =	sadd.s32 s5, s31  }
0x2a9: {  	[tilespmem:s10], [sflag:$0x1] =	stream.linear.gather [hbm4b:s1+s4], $0x70, $0x38;
	[tilespmem:$0x4E80] =	vst v63  }
0x2aa: {  	s8 =	rddreg [dreg:$0x7];
	s12 =	sadd.s32 s5, s24;
	s13 =	simm.s32 $0x300  }
0x2ab: {  	[tilespmem:s13], [sflag:$0x1] =	stream.linear.gather [hbm4b:s12+s4], $0x70, $0x38;
	[tilespmem:$0x4E80] =	vst v63  }
0x2ac: {  	s11 =	sadd.s32 s5, s8;
	s14 =	rddreg [dreg:$0x6];
	s23 =	simm.s32 $0x380  }
0x2ad: {  	[tilespmem:s23], [sflag:$0x1] =	stream.linear.gather [hbm4b:s11+s4], $0x70, $0x38;
	[tilespmem:$0x4E80] =	vst v63  }
0x2ae: {  	s31 =	simm.s32 $0x400;
	s24 =	sadd.s32 s5, s14  }
0x2af: {  	[tilespmem:s31], [sflag:$0x1] =	stream.linear.gather [hbm4b:s24+s4], $0x70, $0x38;
	[tilespmem:$0x4E80] =	vst v63  }
0x2b0: {  	_ =	swait.ge [sflag:s29], $0x70  }
0x2b1: {  	[sflag:s29] =	ssyncset.done $0x0  }
0x2b2: {  	[sflag:s29] =	ssyncadd.s32 $0xFFFFFF90  }
0x2b3: {  	_ =	swait.ge [sflag:s29], $0x70  }
0x2b4: {  	[sflag:s29] =	ssyncset.done $0x0  }
0x2b5: {  	[sflag:s29] =	ssyncadd.s32 $0xFFFFFF90  }
0x2b6: {  	_ =	swait.ge [sflag:s29], $0x70  }
0x2b7: {  	[sflag:s29] =	ssyncset.done $0x0  }
0x2b8: {  	[sflag:s29] =	ssyncadd.s32 $0xFFFFFF90  }
0x2b9: {  	_ =	swait.ge [sflag:s29], $0x70  }
0x2ba: {  	[sflag:s29] =	ssyncset.done $0x0  }
0x2bb: {  	[sflag:s29] =	ssyncadd.s32 $0xFFFFFF90  }
0x2bc: {  	_ =	swait.ge [sflag:s29], $0x70  }
0x2bd: {  	[sflag:s29] =	ssyncset.done $0x0  }
0x2be: {  	[sflag:s29] =	ssyncadd.s32 $0xFFFFFF90  }
0x2bf: {  	_ =	swait.ge [sflag:s29], $0x70  }
0x2c0: {  	[sflag:s29] =	ssyncset.done $0x0  }
0x2c1: {  	[sflag:s29] =	ssyncadd.s32 $0xFFFFFF90  }
0x2c2: {  	_ =	swait.ge [sflag:s29], $0x70  }
0x2c3: {  	[sflag:s29] =	ssyncset.done $0x0  }
0x2c4: {  	[sflag:s29] =	ssyncadd.s32 $0xFFFFFF90  }
0x2c5: {  	_ =	swait.ge [sflag:s29], $0x70  }
0x2c6: {  	[sflag:s29] =	ssyncset.done $0x0  }
0x2c7: {  	[sflag:s29] =	ssyncadd.s32 $0xFFFFFF90  }
0x2c8: {  	_ =	swait.ge [sflag:s29], $0x70  }
0x2c9: {  	[sflag:s29] =	ssyncset.done $0x0  }
0x2ca: {  	[sflag:s29] =	ssyncadd.s32 $0xFFFFFF90  }
0x2cb: {  	[spmem:s3] =	stream.indirect.scatter.add.f32 [tilespmem:s6], [sflag:$0x2], $0x8, s4, s30, $0xb8;
	[tilespmem:$0x4E80] =	vst v63  }
0x2cc: {  	_ = 	snop  }
0x2cd: {  	[spmem:s3] =	stream.indirect.scatter.add.f32 [tilespmem:s6], [sflag:$0x2], $0x8, s26, s30, $0xb8;
	[tilespmem:$0x4E80] =	vst v63  }
0x2ce: {  	_ = 	snop  }
0x2cf: {  	[spmem:s3] =	stream.indirect.scatter.add.f32 [tilespmem:s6], [sflag:$0x2], $0x8, s7, s30, $0xb8;
	[tilespmem:$0x4E80] =	vst v63  }
0x2d0: {  	_ = 	snop  }
0x2d1: {  	[spmem:s3] =	stream.indirect.scatter.add.f32 [tilespmem:s6], [sflag:$0x2], $0x8, s25, s30, $0xb8;
	[tilespmem:$0x4E80] =	vst v63  }
0x2d2: {  	_ = 	snop  }
0x2d3: {  	[spmem:s3] =	stream.indirect.scatter.add.f32 [tilespmem:s6], [sflag:$0x2], $0x8, s9, s30, $0xb8;
	[tilespmem:$0x4E80] =	vst v63  }
0x2d4: {  	_ = 	snop  }
0x2d5: {  	[spmem:s3] =	stream.indirect.scatter.add.f32 [tilespmem:s6], [sflag:$0x2], $0x8, s10, s30, $0xb8;
	[tilespmem:$0x4E80] =	vst v63  }
0x2d6: {  	_ = 	snop  }
0x2d7: {  	[spmem:s3] =	stream.indirect.scatter.add.f32 [tilespmem:s6], [sflag:$0x2], $0x8, s13, s30, $0xb8;
	[tilespmem:$0x4E80] =	vst v63  }
0x2d8: {  	_ = 	snop  }
0x2d9: {  	[spmem:s3] =	stream.indirect.scatter.add.f32 [tilespmem:s6], [sflag:$0x2], $0x8, s23, s30, $0xb8;
	[tilespmem:$0x4E80] =	vst v63  }
0x2da: {  	_ = 	snop  }
0x2db: {  	[spmem:s3] =	stream.indirect.scatter.add.f32 [tilespmem:s6], [sflag:$0x2], $0x8, s31, s30, $0xb8;
	[tilespmem:$0x4E80] =	vst v63  }
0x2dc: {  	_ =	swait.ge [sflag:s0], $0x380  }
0x2dd: {  	[sflag:s0] =	ssyncset.done $0x0  }
0x2de: {  	[sflag:s0] =	ssyncadd.s32 $0xFFFFFC80  }
0x2df: {  	_ =	swait.ge [sflag:s0], $0x380  }
0x2e0: {  	[sflag:s0] =	ssyncset.done $0x0  }
0x2e1: {  	[sflag:s0] =	ssyncadd.s32 $0xFFFFFC80  }
0x2e2: {  	_ =	swait.ge [sflag:s0], $0x380  }
0x2e3: {  	[sflag:s0] =	ssyncset.done $0x0  }
0x2e4: {  	[sflag:s0] =	ssyncadd.s32 $0xFFFFFC80  }
0x2e5: {  	_ =	swait.ge [sflag:s0], $0x380  }
0x2e6: {  	[sflag:s0] =	ssyncset.done $0x0  }
0x2e7: {  	[sflag:s0] =	ssyncadd.s32 $0xFFFFFC80  }
0x2e8: {  	_ =	swait.ge [sflag:s0], $0x380  }
0x2e9: {  	[sflag:s0] =	ssyncset.done $0x0  }
0x2ea: {  	[sflag:s0] =	ssyncadd.s32 $0xFFFFFC80  }
0x2eb: {  	_ =	swait.ge [sflag:s0], $0x380  }
0x2ec: {  	[sflag:s0] =	ssyncset.done $0x0  }
0x2ed: {  	[sflag:s0] =	ssyncadd.s32 $0xFFFFFC80  }
0x2ee: {  	_ =	swait.ge [sflag:s0], $0x380  }
0x2ef: {  	[sflag:s0] =	ssyncset.done $0x0  }
0x2f0: {  	[sflag:s0] =	ssyncadd.s32 $0xFFFFFC80  }
0x2f1: {  	_ =	swait.ge [sflag:s0], $0x380  }
0x2f2: {  	[sflag:s0] =	ssyncset.done $0x0  }
0x2f3: {  	[sflag:s0] =	ssyncadd.s32 $0xFFFFFC80  }
0x2f4: {  	_ =	swait.ge [sflag:s0], $0x380  }
0x2f5: {  	[sflag:s0] =	ssyncset.done $0x0  }
0x2f6: {  	s7 =	stileid.u32;
	[sflag:s0] =	ssyncadd.s32 $0xFFFFFC80  }
0x2f7: {  	s5 =	sshll.u32 s7, $0x6;
	[bflag:$0x0] =	sbarrier.arrive $0xFFFF  }
0x2f8: {  	s5 =	sor.u32 $0x1C03, s5;
	s8 =	rddreg [dreg:$0xb]  }
0x2f9: {  	s13 =	simm.s32 $0x3;
	s10 =	rddreg [dreg:$0xd];
	s9 =	sshrl.u32 s8, $0x3  }
0x2fa: {  	[hbm:s10], [sflag:s5] =	dma.local [spmem:s9], $0x1400  }
0x2fb: {  	_ =	swait.ge [sflag:s13], $0x1400  }
0x2fc: {  	[sflag:s13] =	ssyncset.done $0x0;
	s23 =	rddreg [dreg:$0xc]  }
0x2fd: {  	s25 =	rddreg [dreg:$0xe];
	[sflag:s13] =	ssyncadd.s32 $0xFFFFEC00;
	s24 =	sshrl.u32 s23, $0x3  }
0x2fe: {  	[hbm:s25], [sflag:s5] =	dma.local [spmem:s24], $0x800  }
0x2ff: {  	_ =	swait.ge [sflag:s13], $0x800  }
0x300: {  	s26 =	sld [smem:$0x7D3];
	_ =	sdelay $0x2  }
0x301: {  	s31 =	rddreg [dreg:$0xf];
	s11 =	sadd.s32 $0x1, s26  }
0x302: {  	p0 =	sne.s32 s11, s31  }
.Ltmp5:
0x303: {  	_ = 	snop;
	(pc) =	sbr.rel @p0 .LBB2_1-.Ltmp5, $4  }
0x304: {  	s28 =	simm.s32 $0x400;
	s7 =	simm.s32 $0x100  }
0x305: {  	s14 =	smov.u32 s8;
	s8 =	simm.s32 $0x180;
	s9 =	simm.s32 $0x200  }
0x306: {  	s10 =	simm.s32 $0x280;
	s15 =	smov.u32 s23;
	[sflag:s13] =	ssyncset.done $0x0  }
0x307: {  	s25 =	simm.s32 $0x300;
	[sflag:s13] =	ssyncadd.s32 $0xFFFFF800;
	s26 =	simm.s32 $0x380  }
0x308: {  	_ =	sfence.sel $0x180000  }
0x309: {  	[bflag:$0x0] =	sbarrier.arrive $0xFFFF  }
0x30a: {  	_ =	strace $0x90000047  }
0x30b: {  	s0 =	stileid.u32;
	[bflag:$0x2] =	sbarrier.arrive $0xFFFF  }
0x30c: {  	p0 =	sne.s32 s0, $0x0;
	s0 =	rddreg [dreg:$0x3]  }
0x30d: {  	s0 =	sadd.s32 @!p0 $0x100000, s0  }
0x30e: {  	[sflag:s0] =	ssyncadd.tile.s32 @!p0 $0x1;
	_ =	shalt  }
.Lfunc_end2:
_tile_overlayer_lowered:
.L_overlay_start_2:
0x30f: {  	(tag) =	ssettag $0x2  }
0x310: {  	s0 =	rddreg [dreg:$0x0];
	s2 =	stileid.u32  }
0x311: {  	s1 =	rddreg [dreg:$0x1];
	p0 =	sne.s32 s2, $0x0  }
0x312: {  	s3 =	rddreg [dreg:$0x2];
	[bflag:$0x3] =	sbarrier.arrive $0xFFFF;
	s2 =	simm.s32 @!p0 $0x1C03  }
0x313: {  	[timem:s3], [sflag:s2] =	dma.local @!p0 [hbm:s0], s1  }
0x314: {  	s0 =	simm.s32 @!p0 $0x3  }
0x315: {  	_ =	swait.ge @!p0 [sflag:s0], s1  }
0x316: {  	s1 =	ssub.s32 @!p0 $0x0, s1;
	[sflag:s0] =	ssyncset.done @!p0 $0x0  }
0x317: {  	[sflag:s0] =	ssyncadd.s32 @!p0 s1  }
0x318: {  	[bflag:$0x3] =	sbarrier.arrive $0xFFFF  }
0x319: {  	_ =	shalt  }

</sc_bundles>
